<compile_context>
chip_gen: v7x
topology: tpu7x:2x2x1
jax: 0.10.2.dev20260603
libtpu: 0.0.44.dev20260713+nightly
codegen_flags: <defaults>
</compile_context>

<pallas_src>
import functools

import jax
import jax.numpy as jnp
from jax import lax
from jax.experimental import pallas as pl
from jax.experimental.pallas import tpu as pltpu
from jax.experimental.pallas import tpu_sc as plsc

N_NODES = 10000
N_EDGES = 320000
D_FEAT = 128
NUM_REL = 16
CLAMP_MIN = 1e-05
CLAMP_MAX = 0.99999

N_PAD = 10112
NW = 32
EPW = N_EDGES // NW
NSLAB = 5
SLAB = EPW // NSLAB
GSLAB = SLAB // 16
B_OFF = NUM_REL * N_PAD


def _node_logits(x, w_cat):

    def body(x_ref, w_ref, c_ref):
        c_ref[:, 0:N_NODES] = lax.dot_general(
            w_ref[...], x_ref[...],
            dimension_numbers=(((0,), (1,)), ((), ())),
            preferred_element_type=jnp.float32)

    return pl.pallas_call(
        body,
        out_shape=jax.ShapeDtypeStruct((2 * NUM_REL, N_PAD), jnp.float32),
    )(x, w_cat)


def _edge_probs(c_flat, src, dst, et):
    mesh = plsc.VectorSubcoreMesh(core_axis_name="c", subcore_axis_name="s")

    @functools.partial(
        pl.kernel,
        mesh=mesh,
        out_type=jax.ShapeDtypeStruct((N_EDGES,), jnp.float32),
        scratch_types=[
            pltpu.VMEM((EPW,), jnp.int32),
            pltpu.VMEM((EPW,), jnp.int32),
            pltpu.VMEM((EPW,), jnp.int32),
            pltpu.VMEM((EPW,), jnp.float32),
            pltpu.VMEM((EPW,), jnp.float32),
            pltpu.VMEM((EPW,), jnp.float32),
            pltpu.VMEM_SHARED((2 * NUM_REL * N_PAD,), jnp.float32),
            pltpu.SemaphoreType.DMA,
            pltpu.SemaphoreType.DMA,
            pltpu.SemaphoreType.DMA,
        ],
    )
    def k(c_hbm, src_hbm, dst_hbm, et_hbm, out_hbm,
          ia_v, ib_v, et_v, out_v, av_v, bv_v, c_sh, sem_a, sem_b, sem_c):
        sid = lax.axis_index("s")
        wid = sid * 2 + lax.axis_index("c")
        base = wid * EPW

        stage = pltpu.make_async_copy(c_hbm, c_sh, sem_c)

        @pl.when(sid == 0)
        def _start_stage():
            stage.start()

        pltpu.sync_copy(src_hbm.at[pl.ds(base, EPW)], ia_v)
        pltpu.sync_copy(dst_hbm.at[pl.ds(base, EPW)], ib_v)
        pltpu.sync_copy(et_hbm.at[pl.ds(base, EPW)], et_v)

        def mkidx(gi, carry):
            sl = pl.ds(gi * 16, 16)
            tn = et_v[sl] * N_PAD
            ia_v[sl] = tn + ia_v[sl]
            ib_v[sl] = tn + (ib_v[sl] + B_OFF)
            return carry

        def sig(gi, carry):
            sl = pl.ds(gi * 16, 16)
            z = av_v[sl] + bv_v[sl]
            p = 1.0 / (1.0 + jnp.exp(-z))
            p = jnp.minimum(jnp.maximum(p, CLAMP_MIN), CLAMP_MAX)
            out_v[sl] = p
            return carry

        lax.fori_loop(0, GSLAB, mkidx, 0, unroll=8)

        @pl.when(sid == 0)
        def _wait_stage():
            stage.wait()

        plsc.subcore_barrier()

        copies = []
        for s in range(NSLAB):
            if s > 0:
                g0 = s * GSLAB
                lax.fori_loop(g0, g0 + GSLAB, mkidx, 0, unroll=8)
            sl = pl.ds(s * SLAB, SLAB)
            copies.append((
                pltpu.async_copy(c_sh.at[ia_v.at[sl]], av_v.at[sl], sem_a),
                pltpu.async_copy(c_sh.at[ib_v.at[sl]], bv_v.at[sl], sem_b),
            ))
        for s in range(NSLAB):
            cp_a, cp_b = copies[s]
            cp_a.wait()
            cp_b.wait()
            g0 = s * GSLAB
            lax.fori_loop(g0, g0 + GSLAB, sig, 0, unroll=8)
            sl = pl.ds(s * SLAB, SLAB)
            pltpu.async_copy(out_v.at[sl],
                             out_hbm.at[pl.ds(base + s * SLAB, SLAB)],
                             sem_c)
        for s in range(NSLAB):
            pltpu.make_async_copy(
                out_v.at[pl.ds(s * SLAB, SLAB)],
                out_hbm.at[pl.ds(base + s * SLAB, SLAB)],
                sem_c).wait()

    return k(c_flat, src, dst, et)


def kernel(x, edge_index, edge_type, att_weight):
    w_cat = jnp.concatenate(
        [att_weight[:D_FEAT, :], att_weight[D_FEAT:, :]], axis=1)
    c = _node_logits(x, w_cat)
    src = edge_index[0].astype(jnp.int32)
    dst = edge_index[1].astype(jnp.int32)
    et = edge_type.astype(jnp.int32)
    return _edge_probs(c.reshape(-1), src, dst, et)

# --- scband reference (transcript-rebuilt; emitter-appended) ---
"""Pipeline reference for scband-relational-attention-prob-64991445123873 (READ-ONLY COPY).

The authoritative reference and input builder live on the scoring server;
editing this copy changes nothing except your own understanding.
"""

import jax, jax.numpy as jnp
import numpy as np

N_NODES = 10000
N_EDGES = 320000
D_FEAT = 128
NUM_REL = 16
CLAMP_MIN = 1e-05
CLAMP_MAX = 0.99999


def setup_inputs(seed: int = 0) -> dict:
    key = jax.random.key(seed)
    k_x, k_ei, k_et, k_w = jax.random.split(key, 4)
    x = jax.random.normal(k_x, (N_NODES, D_FEAT), dtype=jnp.float32)
    edge_index = jax.random.randint(k_ei, (2, N_EDGES), 0, N_NODES, dtype=jnp.int64)
    edge_type = jax.random.randint(k_et, (N_EDGES,), 0, NUM_REL, dtype=jnp.int64)
    # att_weight parameter: [input_size * 2, num_relations]
    att_weight = jax.random.normal(k_w, (D_FEAT * 2, NUM_REL), dtype=jnp.float32) * 0.05
    return {"x": x, "edge_index": edge_index, "edge_type": edge_type, "att_weight": att_weight}


def reference(x, edge_index, edge_type, att_weight):
    # Gather source and destination node features per edge
    src_feat = jnp.take(x, edge_index[0, :], axis=0)   # [E, d]
    dst_feat = jnp.take(x, edge_index[1, :], axis=0)   # [E, d]
    cat = jnp.concatenate((src_feat, dst_feat), axis=1)  # [E, 2d]
    att = jnp.matmul(cat, att_weight)                  # [E, num_relations]
    # Gather the logit corresponding to each edge's relation type
    sel = jnp.take_along_axis(att, edge_type.reshape(-1, 1), axis=1).squeeze(-1)  # [E]
    att_prob = jax.nn.sigmoid(sel)
    att_prob = jnp.clip(att_prob, CLAMP_MIN, CLAMP_MAX)
    return att_prob

if __name__ == "__main__":
    import jax
    _d = setup_inputs()
    print(jax.jit(kernel)(*tuple(_d.values())))

</pallas_src>

<mosaic_0001>
#map = affine_map<(d0, d1) -> (0)>
module attributes {stable_mosaic.version = 14 : i64} {
  func.func @k(%arg0: i32, %arg1: i32, %arg2: memref<323584xf32, #tpu.memory_space<hbm>>, %arg3: memref<320000xi32, #tpu.memory_space<hbm>>, %arg4: memref<320000xi32, #tpu.memory_space<hbm>>, %arg5: memref<320000xi32, #tpu.memory_space<hbm>>, %arg6: memref<320000xf32, #tpu.memory_space<hbm>>, %arg7: memref<10000xi32, #tpu.memory_space<vmem>>, %arg8: memref<10000xi32, #tpu.memory_space<vmem>>, %arg9: memref<10000xi32, #tpu.memory_space<vmem>>, %arg10: memref<10000xf32, #tpu.memory_space<vmem>>, %arg11: memref<10000xf32, #tpu.memory_space<vmem>>, %arg12: memref<10000xf32, #tpu.memory_space<vmem>>, %arg13: memref<323584xf32, #tpu.memory_space<vmem_shared>>, %arg14: memref<!tpu.dma_semaphore, #tpu.memory_space<semaphore_mem>>, %arg15: memref<!tpu.dma_semaphore, #tpu.memory_space<semaphore_mem>>, %arg16: memref<!tpu.dma_semaphore, #tpu.memory_space<semaphore_mem>>) attributes {dimension_semantics = [#tpu.dimension_semantics<core_parallel>, #tpu.dimension_semantics<subcore_parallel>], iteration_bounds = array<i64: 2, 16>, scalar_prefetch = 0 : i64, scratch_operands = 10 : i64, tpu.core_type = #tpu.core_type<sc_vector_subcore>, window_params = [{transform_indices = #map}, {transform_indices = #map}, {transform_indices = #map}, {transform_indices = #map}, {transform_indices = #map}]} {
    %mul3A = arith.constant 2 : i32
    %mul3A_0 = arith.muli %arg1, %mul3A : i32
    %add3A = arith.addi %mul3A_0, %arg0 : i32
    %mul3A_1 = arith.constant 10000 : i32
    %mul3A_2 = arith.muli %add3A, %mul3A_1 : i32
    %eq3A = arith.constant 0 : i32
    %eq3A_3 = arith.cmpi eq, %arg1, %eq3A : i32
    %convert_element_type3A = arith.extui %eq3A_3 : i1 to i32
    %cond3A = arith.constant 0 : i32
    %cond3A_4 = arith.cmpi ne, %convert_element_type3A, %cond3A : i32
    scf.if %cond3A_4 {
      tpu.enqueue_dma source(%arg2 : memref<323584xf32, #tpu.memory_space<hbm>>) target(%arg13 : memref<323584xf32, #tpu.memory_space<vmem_shared>>) target_semaphore(%arg16 : memref<!tpu.dma_semaphore, #tpu.memory_space<semaphore_mem>>)
    } else {
    }
    "tpu.region"() ({
      %run_scoped3A = tpu.sem_alloc : memref<!tpu.dma_semaphore, #tpu.memory_space<semaphore_mem>>
      %dma_start3A_1760 = tpu.memref_slice %arg3[%mul3A_2] : memref<320000xi32, #tpu.memory_space<hbm>> -> memref<10000xi32, #tpu.memory_space<hbm>>
      %dma_start3A_1761 = tpu.memref_slice %arg3[%mul3A_2] : memref<320000xi32, #tpu.memory_space<hbm>> -> memref<10000xi32, #tpu.memory_space<hbm>>
      tpu.enqueue_dma source(%dma_start3A_1761 : memref<10000xi32, #tpu.memory_space<hbm>>) target(%arg7 : memref<10000xi32, #tpu.memory_space<vmem>>) target_semaphore(%run_scoped3A : memref<!tpu.dma_semaphore, #tpu.memory_space<semaphore_mem>>)
      %dma_wait3A_1762 = tpu.memref_slice %arg3[%mul3A_2] : memref<320000xi32, #tpu.memory_space<hbm>> -> memref<10000xi32, #tpu.memory_space<hbm>>
      %dma_wait3A_1763 = tpu.memref_slice %arg3[%mul3A_2] : memref<320000xi32, #tpu.memory_space<hbm>> -> memref<10000xi32, #tpu.memory_space<hbm>>
      tpu.wait_dma2 semaphore(%run_scoped3A : memref<!tpu.dma_semaphore, #tpu.memory_space<semaphore_mem>>) src(%dma_wait3A_1763 : memref<10000xi32, #tpu.memory_space<hbm>>) dst(%arg7 : memref<10000xi32, #tpu.memory_space<vmem>>)
      tpu.yield
    }) : () -> ()
    "tpu.region"() ({
      %run_scoped3A = tpu.sem_alloc : memref<!tpu.dma_semaphore, #tpu.memory_space<semaphore_mem>>
      %dma_start3A_1760 = tpu.memref_slice %arg4[%mul3A_2] : memref<320000xi32, #tpu.memory_space<hbm>> -> memref<10000xi32, #tpu.memory_space<hbm>>
      %dma_start3A_1761 = tpu.memref_slice %arg4[%mul3A_2] : memref<320000xi32, #tpu.memory_space<hbm>> -> memref<10000xi32, #tpu.memory_space<hbm>>
      tpu.enqueue_dma source(%dma_start3A_1761 : memref<10000xi32, #tpu.memory_space<hbm>>) target(%arg8 : memref<10000xi32, #tpu.memory_space<vmem>>) target_semaphore(%run_scoped3A : memref<!tpu.dma_semaphore, #tpu.memory_space<semaphore_mem>>)
      %dma_wait3A_1762 = tpu.memref_slice %arg4[%mul3A_2] : memref<320000xi32, #tpu.memory_space<hbm>> -> memref<10000xi32, #tpu.memory_space<hbm>>
      %dma_wait3A_1763 = tpu.memref_slice %arg4[%mul3A_2] : memref<320000xi32, #tpu.memory_space<hbm>> -> memref<10000xi32, #tpu.memory_space<hbm>>
      tpu.wait_dma2 semaphore(%run_scoped3A : memref<!tpu.dma_semaphore, #tpu.memory_space<semaphore_mem>>) src(%dma_wait3A_1763 : memref<10000xi32, #tpu.memory_space<hbm>>) dst(%arg8 : memref<10000xi32, #tpu.memory_space<vmem>>)
      tpu.yield
    }) : () -> ()
    "tpu.region"() ({
      %run_scoped3A = tpu.sem_alloc : memref<!tpu.dma_semaphore, #tpu.memory_space<semaphore_mem>>
      %dma_start3A_1760 = tpu.memref_slice %arg5[%mul3A_2] : memref<320000xi32, #tpu.memory_space<hbm>> -> memref<10000xi32, #tpu.memory_space<hbm>>
      %dma_start3A_1761 = tpu.memref_slice %arg5[%mul3A_2] : memref<320000xi32, #tpu.memory_space<hbm>> -> memref<10000xi32, #tpu.memory_space<hbm>>
      tpu.enqueue_dma source(%dma_start3A_1761 : memref<10000xi32, #tpu.memory_space<hbm>>) target(%arg9 : memref<10000xi32, #tpu.memory_space<vmem>>) target_semaphore(%run_scoped3A : memref<!tpu.dma_semaphore, #tpu.memory_space<semaphore_mem>>)
      %dma_wait3A_1762 = tpu.memref_slice %arg5[%mul3A_2] : memref<320000xi32, #tpu.memory_space<hbm>> -> memref<10000xi32, #tpu.memory_space<hbm>>
      %dma_wait3A_1763 = tpu.memref_slice %arg5[%mul3A_2] : memref<320000xi32, #tpu.memory_space<hbm>> -> memref<10000xi32, #tpu.memory_space<hbm>>
      tpu.wait_dma2 semaphore(%run_scoped3A : memref<!tpu.dma_semaphore, #tpu.memory_space<semaphore_mem>>) src(%dma_wait3A_1763 : memref<10000xi32, #tpu.memory_space<hbm>>) dst(%arg9 : memref<10000xi32, #tpu.memory_space<vmem>>)
      tpu.yield
    }) : () -> ()
    %scan3A = arith.constant 0 : i32
    %scan3A_5 = arith.constant 0 : i32
    %scan3A_6 = arith.constant 120 : i32
    %scan3A_7 = arith.addi %scan3A_5, %scan3A_6 : i32
    %scan3A_8 = arith.constant 8 : i32
    scf.for %scan3A_1760 = %scan3A_5 to %scan3A_7 step %scan3A_8  : i32 {
      %mul3A_1761 = arith.constant 16 : i32
      %mul3A_1762 = arith.muli %scan3A_1760, %mul3A_1761 : i32
      %get3A_1763 = arith.index_cast %mul3A_1762 : i32 to index
      %get3A_1764 = tpu.vector_load %arg9[%get3A_1763] {strides = array<i32>} : memref<10000xi32, #tpu.memory_space<vmem>>, vector<16xi32>,
      %get3A_1765 = vector.shape_cast %get3A_1764 : vector<16xi32> to vector<16xi32>
      %mul3A_1766 = arith.constant 10112 : i32
      %mul3A_1767 = vector.broadcast %mul3A_1766 : i32 to vector<16xi32>
      %mul3A_1768 = arith.muli %get3A_1765, %mul3A_1767 : vector<16xi32>
      %get3A_1769 = arith.index_cast %mul3A_1762 : i32 to index
      %get3A_1770 = tpu.vector_load %arg7[%get3A_1769] {strides = array<i32>} : memref<10000xi32, #tpu.memory_space<vmem>>, vector<16xi32>,
      %get3A_1771 = vector.shape_cast %get3A_1770 : vector<16xi32> to vector<16xi32>
      %add3A_1772 = arith.addi %mul3A_1768, %get3A_1771 : vector<16xi32>
      %swap3A_1773 = arith.index_cast %mul3A_1762 : i32 to index
      %swap3A_1774 = tpu.vector_load %arg7[%swap3A_1773] {strides = array<i32>} : memref<10000xi32, #tpu.memory_space<vmem>>, vector<16xi32>,
      %swap3A_1775 = vector.shape_cast %swap3A_1774 : vector<16xi32> to vector<16xi32>
      %swap3A_1776 = vector.shape_cast %add3A_1772 : vector<16xi32> to vector<16xi32>
      tpu.vector_store %arg7[%swap3A_1773], %swap3A_1776 {strides = array<i32>} : memref<10000xi32, #tpu.memory_space<vmem>>, vector<16xi32>,
      %get3A_1777 = arith.index_cast %mul3A_1762 : i32 to index
      %get3A_1778 = tpu.vector_load %arg8[%get3A_1777] {strides = array<i32>} : memref<10000xi32, #tpu.memory_space<vmem>>, vector<16xi32>,
      %get3A_1779 = vector.shape_cast %get3A_1778 : vector<16xi32> to vector<16xi32>
      %add3A_1780 = arith.constant 161792 : i32
      %add3A_1781 = vector.broadcast %add3A_1780 : i32 to vector<16xi32>
      %add3A_1782 = arith.addi %get3A_1779, %add3A_1781 : vector<16xi32>
      %add3A_1783 = arith.addi %mul3A_1768, %add3A_1782 : vector<16xi32>
      %swap3A_1784 = arith.index_cast %mul3A_1762 : i32 to index
      %swap3A_1785 = tpu.vector_load %arg8[%swap3A_1784] {strides = array<i32>} : memref<10000xi32, #tpu.memory_space<vmem>>, vector<16xi32>,
      %swap3A_1786 = vector.shape_cast %swap3A_1785 : vector<16xi32> to vector<16xi32>
      %swap3A_1787 = vector.shape_cast %add3A_1783 : vector<16xi32> to vector<16xi32>
      tpu.vector_store %arg8[%swap3A_1784], %swap3A_1787 {strides = array<i32>} : memref<10000xi32, #tpu.memory_space<vmem>>, vector<16xi32>,
      %scan3A_1788 = arith.constant 1 : i32
      %scan3A_1789 = arith.addi %scan3A_1760, %scan3A_1788 : i32
      %mul3A_1790 = arith.constant 16 : i32
      %mul3A_1791 = arith.muli %scan3A_1789, %mul3A_1790 : i32
      %get3A_1792 = arith.index_cast %mul3A_1791 : i32 to index
      %get3A_1793 = tpu.vector_load %arg9[%get3A_1792] {strides = array<i32>} : memref<10000xi32, #tpu.memory_space<vmem>>, vector<16xi32>,
      %get3A_1794 = vector.shape_cast %get3A_1793 : vector<16xi32> to vector<16xi32>
      %mul3A_1795 = arith.constant 10112 : i32
      %mul3A_1796 = vector.broadcast %mul3A_1795 : i32 to vector<16xi32>
      %mul3A_1797 = arith.muli %get3A_1794, %mul3A_1796 : vector<16xi32>
      %get3A_1798 = arith.index_cast %mul3A_1791 : i32 to index
      %get3A_1799 = tpu.vector_load %arg7[%get3A_1798] {strides = array<i32>} : memref<10000xi32, #tpu.memory_space<vmem>>, vector<16xi32>,
      %get3A_1800 = vector.shape_cast %get3A_1799 : vector<16xi32> to vector<16xi32>
      %add3A_1801 = arith.addi %mul3A_1797, %get3A_1800 : vector<16xi32>
      %swap3A_1802 = arith.index_cast %mul3A_1791 : i32 to index
      %swap3A_1803 = tpu.vector_load %arg7[%swap3A_1802] {strides = array<i32>} : memref<10000xi32, #tpu.memory_space<vmem>>, vector<16xi32>,
      %swap3A_1804 = vector.shape_cast %swap3A_1803 : vector<16xi32> to vector<16xi32>
      %swap3A_1805 = vector.shape_cast %add3A_1801 : vector<16xi32> to vector<16xi32>
      tpu.vector_store %arg7[%swap3A_1802], %swap3A_1805 {strides = array<i32>} : memref<10000xi32, #tpu.memory_space<vmem>>, vector<16xi32>,
      %get3A_1806 = arith.index_cast %mul3A_1791 : i32 to index
      %get3A_1807 = tpu.vector_load %arg8[%get3A_1806] {strides = array<i32>} : memref<10000xi32, #tpu.memory_space<vmem>>, vector<16xi32>,
      %get3A_1808 = vector.shape_cast %get3A_1807 : vector<16xi32> to vector<16xi32>
      %add3A_1809 = arith.constant 161792 : i32
      %add3A_1810 = vector.broadcast %add3A_1809 : i32 to vector<16xi32>
      %add3A_1811 = arith.addi %get3A_1808, %add3A_1810 : vector<16xi32>
      %add3A_1812 = arith.addi %mul3A_1797, %add3A_1811 : vector<16xi32>
      %swap3A_1813 = arith.index_cast %mul3A_1791 : i32 to index
      %swap3A_1814 = tpu.vector_load %arg8[%swap3A_1813] {strides = array<i32>} : memref<10000xi32, #tpu.memory_space<vmem>>, vector<16xi32>,
      %swap3A_1815 = vector.shape_cast %swap3A_1814 : vector<16xi32> to vector<16xi32>
      %swap3A_1816 = vector.shape_cast %add3A_1812 : vector<16xi32> to vector<16xi32>
      tpu.vector_store %arg8[%swap3A_1813], %swap3A_1816 {strides = array<i32>} : memref<10000xi32, #tpu.memory_space<vmem>>, vector<16xi32>,
      %scan3A_1817 = arith.constant 2 : i32
      %scan3A_1818 = arith.addi %scan3A_1760, %scan3A_1817 : i32
      %mul3A_1819 = arith.constant 16 : i32
      %mul3A_1820 = arith.muli %scan3A_1818, %mul3A_1819 : i32
      %get3A_1821 = arith.index_cast %mul3A_1820 : i32 to index
      %get3A_1822 = tpu.vector_load %arg9[%get3A_1821] {strides = array<i32>} : memref<10000xi32, #tpu.memory_space<vmem>>, vector<16xi32>,
      %get3A_1823 = vector.shape_cast %get3A_1822 : vector<16xi32> to vector<16xi32>
      %mul3A_1824 = arith.constant 10112 : i32
      %mul3A_1825 = vector.broadcast %mul3A_1824 : i32 to vector<16xi32>
      %mul3A_1826 = arith.muli %get3A_1823, %mul3A_1825 : vector<16xi32>
      %get3A_1827 = arith.index_cast %mul3A_1820 : i32 to index
      %get3A_1828 = tpu.vector_load %arg7[%get3A_1827] {strides = array<i32>} : memref<10000xi32, #tpu.memory_space<vmem>>, vector<16xi32>,
      %get3A_1829 = vector.shape_cast %get3A_1828 : vector<16xi32> to vector<16xi32>
      %add3A_1830 = arith.addi %mul3A_1826, %get3A_1829 : vector<16xi32>
      %swap3A_1831 = arith.index_cast %mul3A_1820 : i32 to index
      %swap3A_1832 = tpu.vector_load %arg7[%swap3A_1831] {strides = array<i32>} : memref<10000xi32, #tpu.memory_space<vmem>>, vector<16xi32>,
      %swap3A_1833 = vector.shape_cast %swap3A_1832 : vector<16xi32> to vector<16xi32>
      %swap3A_1834 = vector.shape_cast %add3A_1830 : vector<16xi32> to vector<16xi32>
      tpu.vector_store %arg7[%swap3A_1831], %swap3A_1834 {strides = array<i32>} : memref<10000xi32, #tpu.memory_space<vmem>>, vector<16xi32>,
      %get3A_1835 = arith.index_cast %mul3A_1820 : i32 to index
      %get3A_1836 = tpu.vector_load %arg8[%get3A_1835] {strides = array<i32>} : memref<10000xi32, #tpu.memory_space<vmem>>, vector<16xi32>,
      %get3A_1837 = vector.shape_cast %get3A_1836 : vector<16xi32> to vector<16xi32>
      %add3A_1838 = arith.constant 161792 : i32
      %add3A_1839 = vector.broadcast %add3A_1838 : i32 to vector<16xi32>
      %add3A_1840 = arith.addi %get3A_1837, %add3A_1839 : vector<16xi32>
      %add3A_1841 = arith.addi %mul3A_1826, %add3A_1840 : vector<16xi32>
      %swap3A_1842 = arith.index_cast %mul3A_1820 : i32 to index
      %swap3A_1843 = tpu.vector_load %arg8[%swap3A_1842] {strides = array<i32>} : memref<10000xi32, #tpu.memory_space<vmem>>, vector<16xi32>,
      %swap3A_1844 = vector.shape_cast %swap3A_1843 : vector<16xi32> to vector<16xi32>
      %swap3A_1845 = vector.shape_cast %add3A_1841 : vector<16xi32> to vector<16xi32>
      tpu.vector_store %arg8[%swap3A_1842], %swap3A_1845 {strides = array<i32>} : memref<10000xi32, #tpu.memory_space<vmem>>, vector<16xi32>,
      %scan3A_1846 = arith.constant 3 : i32
      %scan3A_1847 = arith.addi %scan3A_1760, %scan3A_1846 : i32
      %mul3A_1848 = arith.constant 16 : i32
      %mul3A_1849 = arith.muli %scan3A_1847, %mul3A_1848 : i32
      %get3A_1850 = arith.index_cast %mul3A_1849 : i32 to index
      %get3A_1851 = tpu.vector_load %arg9[%get3A_1850] {strides = array<i32>} : memref<10000xi32, #tpu.memory_space<vmem>>, vector<16xi32>,
      %get3A_1852 = vector.shape_cast %get3A_1851 : vector<16xi32> to vector<16xi32>
      %mul3A_1853 = arith.constant 10112 : i32
      %mul3A_1854 = vector.broadcast %mul3A_1853 : i32 to vector<16xi32>
      %mul3A_1855 = arith.muli %get3A_1852, %mul3A_1854 : vector<16xi32>
      %get3A_1856 = arith.index_cast %mul3A_1849 : i32 to index
      %get3A_1857 = tpu.vector_load %arg7[%get3A_1856] {strides = array<i32>} : memref<10000xi32, #tpu.memory_space<vmem>>, vector<16xi32>,
      %get3A_1858 = vector.shape_cast %get3A_1857 : vector<16xi32> to vector<16xi32>
      %add3A_1859 = arith.addi %mul3A_1855, %get3A_1858 : vector<16xi32>
      %swap3A_1860 = arith.index_cast %mul3A_1849 : i32 to index
      %swap3A_1861 = tpu.vector_load %arg7[%swap3A_1860] {strides = array<i32>} : memref<10000xi32, #tpu.memory_space<vmem>>, vector<16xi32>,
      %swap3A_1862 = vector.shape_cast %swap3A_1861 : vector<16xi32> to vector<16xi32>
      %swap3A_1863 = vector.shape_cast %add3A_1859 : vector<16xi32> to vector<16xi32>
      tpu.vector_store %arg7[%swap3A_1860], %swap3A_1863 {strides = array<i32>} : memref<10000xi32, #tpu.memory_space<vmem>>, vector<16xi32>,
      %get3A_1864 = arith.index_cast %mul3A_1849 : i32 to index
      %get3A_1865 = tpu.vector_load %arg8[%get3A_1864] {strides = array<i32>} : memref<10000xi32, #tpu.memory_space<vmem>>, vector<16xi32>,
      %get3A_1866 = vector.shape_cast %get3A_1865 : vector<16xi32> to vector<16xi32>
      %add3A_1867 = arith.constant 161792 : i32
      %add3A_1868 = vector.broadcast %add3A_1867 : i32 to vector<16xi32>
      %add3A_1869 = arith.addi %get3A_1866, %add3A_1868 : vector<16xi32>
      %add3A_1870 = arith.addi %mul3A_1855, %add3A_1869 : vector<16xi32>
      %swap3A_1871 = arith.index_cast %mul3A_1849 : i32 to index
      %swap3A_1872 = tpu.vector_load %arg8[%swap3A_1871] {strides = array<i32>} : memref<10000xi32, #tpu.memory_space<vmem>>, vector<16xi32>,
      %swap3A_1873 = vector.shape_cast %swap3A_1872 : vector<16xi32> to vector<16xi32>
      %swap3A_1874 = vector.shape_cast %add3A_1870 : vector<16xi32> to vector<16xi32>
      tpu.vector_store %arg8[%swap3A_1871], %swap3A_1874 {strides = array<i32>} : memref<10000xi32, #tpu.memory_space<vmem>>, vector<16xi32>,
      %scan3A_1875 = arith.constant 4 : i32
      %scan3A_1876 = arith.addi %scan3A_1760, %scan3A_1875 : i32
      %mul3A_1877 = arith.constant 16 : i32
      %mul3A_1878 = arith.muli %scan3A_1876, %mul3A_1877 : i32
      %get3A_1879 = arith.index_cast %mul3A_1878 : i32 to index
      %get3A_1880 = tpu.vector_load %arg9[%get3A_1879] {strides = array<i32>} : memref<10000xi32, #tpu.memory_space<vmem>>, vector<16xi32>,
      %get3A_1881 = vector.shape_cast %get3A_1880 : vector<16xi32> to vector<16xi32>
      %mul3A_1882 = arith.constant 10112 : i32
      %mul3A_1883 = vector.broadcast %mul3A_1882 : i32 to vector<16xi32>
      %mul3A_1884 = arith.muli %get3A_1881, %mul3A_1883 : vector<16xi32>
      %get3A_1885 = arith.index_cast %mul3A_1878 : i32 to index
      %get3A_1886 = tpu.vector_load %arg7[%get3A_1885] {strides = array<i32>} : memref<10000xi32, #tpu.memory_space<vmem>>, vector<16xi32>,
      %get3A_1887 = vector.shape_cast %get3A_1886 : vector<16xi32> to vector<16xi32>
      %add3A_1888 = arith.addi %mul3A_1884, %get3A_1887 : vector<16xi32>
      %swap3A_1889 = arith.index_cast %mul3A_1878 : i32 to index
      %swap3A_1890 = tpu.vector_load %arg7[%swap3A_1889] {strides = array<i32>} : memref<10000xi32, #tpu.memory_space<vmem>>, vector<16xi32>,
      %swap3A_1891 = vector.shape_cast %swap3A_1890 : vector<16xi32> to vector<16xi32>
      %swap3A_1892 = vector.shape_cast %add3A_1888 : vector<16xi32> to vector<16xi32>
      tpu.vector_store %arg7[%swap3A_1889], %swap3A_1892 {strides = array<i32>} : memref<10000xi32, #tpu.memory_space<vmem>>, vector<16xi32>,
      %get3A_1893 = arith.index_cast %mul3A_1878 : i32 to index
      %get3A_1894 = tpu.vector_load %arg8[%get3A_1893] {strides = array<i32>} : memref<10000xi32, #tpu.memory_space<vmem>>, vector<16xi32>,
      %get3A_1895 = vector.shape_cast %get3A_1894 : vector<16xi32> to vector<16xi32>
      %add3A_1896 = arith.constant 161792 : i32
      %add3A_1897 = vector.broadcast %add3A_1896 : i32 to vector<16xi32>
      %add3A_1898 = arith.addi %get3A_1895, %add3A_1897 : vector<16xi32>
      %add3A_1899 = arith.addi %mul3A_1884, %add3A_1898 : vector<16xi32>
      %swap3A_1900 = arith.index_cast %mul3A_1878 : i32 to index
      %swap3A_1901 = tpu.vector_load %arg8[%swap3A_1900] {strides = array<i32>} : memref<10000xi32, #tpu.memory_space<vmem>>, vector<16xi32>,
      %swap3A_1902 = vector.shape_cast %swap3A_1901 : vector<16xi32> to vector<16xi32>
      %swap3A_1903 = vector.shape_cast %add3A_1899 : vector<16xi32> to vector<16xi32>
      tpu.vector_store %arg8[%swap3A_1900], %swap3A_1903 {strides = array<i32>} : memref<10000xi32, #tpu.memory_space<vmem>>, vector<16xi32>,
      %scan3A_1904 = arith.constant 5 : i32
      %scan3A_1905 = arith.addi %scan3A_1760, %scan3A_1904 : i32
      %mul3A_1906 = arith.constant 16 : i32
      %mul3A_1907 = arith.muli %scan3A_1905, %mul3A_1906 : i32
      %get3A_1908 = arith.index_cast %mul3A_1907 : i32 to index
      %get3A_1909 = tpu.vector_load %arg9[%get3A_1908] {strides = array<i32>} : memref<10000xi32, #tpu.memory_space<vmem>>, vector<16xi32>,
      %get3A_1910 = vector.shape_cast %get3A_1909 : vector<16xi32> to vector<16xi32>
      %mul3A_1911 = arith.constant 10112 : i32
      %mul3A_1912 = vector.broadcast %mul3A_1911 : i32 to vector<16xi32>
      %mul3A_1913 = arith.muli %get3A_1910, %mul3A_1912 : vector<16xi32>
      %get3A_1914 = arith.index_cast %mul3A_1907 : i32 to index
      %get3A_1915 = tpu.vector_load %arg7[%get3A_1914] {strides = array<i32>} : memref<10000xi32, #tpu.memory_space<vmem>>, vector<16xi32>,
      %get3A_1916 = vector.shape_cast %get3A_1915 : vector<16xi32> to vector<16xi32>
      %add3A_1917 = arith.addi %mul3A_1913, %get3A_1916 : vector<16xi32>
      %swap3A_1918 = arith.index_cast %mul3A_1907 : i32 to index
      %swap3A_1919 = tpu.vector_load %arg7[%swap3A_1918] {strides = array<i32>} : memref<10000xi32, #tpu.memory_space<vmem>>, vector<16xi32>,
      %swap3A_1920 = vector.shape_cast %swap3A_1919 : vector<16xi32> to vector<16xi32>
      %swap3A_1921 = vector.shape_cast %add3A_1917 : vector<16xi32> to vector<16xi32>
      tpu.vector_store %arg7[%swap3A_1918], %swap3A_1921 {strides = array<i32>} : memref<10000xi32, #tpu.memory_space<vmem>>, vector<16xi32>,
      %get3A_1922 = arith.index_cast %mul3A_1907 : i32 to index
      %get3A_1923 = tpu.vector_load %arg8[%get3A_1922] {strides = array<i32>} : memref<10000xi32, #tpu.memory_space<vmem>>, vector<16xi32>,
      %get3A_1924 = vector.shape_cast %get3A_1923 : vector<16xi32> to vector<16xi32>
      %add3A_1925 = arith.constant 161792 : i32
      %add3A_1926 = vector.broadcast %add3A_1925 : i32 to vector<16xi32>
      %add3A_1927 = arith.addi %get3A_1924, %add3A_1926 : vector<16xi32>
      %add3A_1928 = arith.addi %mul3A_1913, %add3A_1927 : vector<16xi32>
      %swap3A_1929 = arith.index_cast %mul3A_1907 : i32 to index
      %swap3A_1930 = tpu.vector_load %arg8[%swap3A_1929] {strides = array<i32>} : memref<10000xi32, #tpu.memory_space<vmem>>, vector<16xi32>,
      %swap3A_1931 = vector.shape_cast %swap3A_1930 : vector<16xi32> to vector<16xi32>
      %swap3A_1932 = vector.shape_cast %add3A_1928 : vector<16xi32> to vector<16xi32>
      tpu.vector_store %arg8[%swap3A_1929], %swap3A_1932 {strides = array<i32>} : memref<10000xi32, #tpu.memory_space<vmem>>, vector<16xi32>,
      %scan3A_1933 = arith.constant 6 : i32
      %scan3A_1934 = arith.addi %scan3A_1760, %scan3A_1933 : i32
      %mul3A_1935 = arith.constant 16 : i32
      %mul3A_1936 = arith.muli %scan3A_1934, %mul3A_1935 : i32
      %get3A_1937 = arith.index_cast %mul3A_1936 : i32 to index
      %get3A_1938 = tpu.vector_load %arg9[%get3A_1937] {strides = array<i32>} : memref<10000xi32, #tpu.memory_space<vmem>>, vector<16xi32>,
      %get3A_1939 = vector.shape_cast %get3A_1938 : vector<16xi32> to vector<16xi32>
      %mul3A_1940 = arith.constant 10112 : i32
      %mul3A_1941 = vector.broadcast %mul3A_1940 : i32 to vector<16xi32>
      %mul3A_1942 = arith.muli %get3A_1939, %mul3A_1941 : vector<16xi32>
      %get3A_1943 = arith.index_cast %mul3A_1936 : i32 to index
      %get3A_1944 = tpu.vector_load %arg7[%get3A_1943] {strides = array<i32>} : memref<10000xi32, #tpu.memory_space<vmem>>, vector<16xi32>,
      %get3A_1945 = vector.shape_cast %get3A_1944 : vector<16xi32> to vector<16xi32>
      %add3A_1946 = arith.addi %mul3A_1942, %get3A_1945 : vector<16xi32>
      %swap3A_1947 = arith.index_cast %mul3A_1936 : i32 to index
      %swap3A_1948 = tpu.vector_load %arg7[%swap3A_1947] {strides = array<i32>} : memref<10000xi32, #tpu.memory_space<vmem>>, vector<16xi32>,
      %swap3A_1949 = vector.shape_cast %swap3A_1948 : vector<16xi32> to vector<16xi32>
      %swap3A_1950 = vector.shape_cast %add3A_1946 : vector<16xi32> to vector<16xi32>
      tpu.vector_store %arg7[%swap3A_1947], %swap3A_1950 {strides = array<i32>} : memref<10000xi32, #tpu.memory_space<vmem>>, vector<16xi32>,
      %get3A_1951 = arith.index_cast %mul3A_1936 : i32 to index
      %get3A_1952 = tpu.vector_load %arg8[%get3A_1951] {strides = array<i32>} : memref<10000xi32, #tpu.memory_space<vmem>>, vector<16xi32>,
      %get3A_1953 = vector.shape_cast %get3A_1952 : vector<16xi32> to vector<16xi32>
      %add3A_1954 = arith.constant 161792 : i32
      %add3A_1955 = vector.broadcast %add3A_1954 : i32 to vector<16xi32>
      %add3A_1956 = arith.addi %get3A_1953, %add3A_1955 : vector<16xi32>
      %add3A_1957 = arith.addi %mul3A_1942, %add3A_1956 : vector<16xi32>
      %swap3A_1958 = arith.index_cast %mul3A_1936 : i32 to index
      %swap3A_1959 = tpu.vector_load %arg8[%swap3A_1958] {strides = array<i32>} : memref<10000xi32, #tpu.memory_space<vmem>>, vector<16xi32>,
      %swap3A_1960 = vector.shape_cast %swap3A_1959 : vector<16xi32> to vector<16xi32>
      %swap3A_1961 = vector.shape_cast %add3A_1957 : vector<16xi32> to vector<16xi32>
      tpu.vector_store %arg8[%swap3A_1958], %swap3A_1961 {strides = array<i32>} : memref<10000xi32, #tpu.memory_space<vmem>>, vector<16xi32>,
      %scan3A_1962 = arith.constant 7 : i32
      %scan3A_1963 = arith.addi %scan3A_1760, %scan3A_1962 : i32
      %mul3A_1964 = arith.constant 16 : i32
      %mul3A_1965 = arith.muli %scan3A_1963, %mul3A_1964 : i32
      %get3A_1966 = arith.index_cast %mul3A_1965 : i32 to index
      %get3A_1967 = tpu.vector_load %arg9[%get3A_1966] {strides = array<i32>} : memref<10000xi32, #tpu.memory_space<vmem>>, vector<16xi32>,
      %get3A_1968 = vector.shape_cast %get3A_1967 : vector<16xi32> to vector<16xi32>
      %mul3A_1969 = arith.constant 10112 : i32
      %mul3A_1970 = vector.broadcast %mul3A_1969 : i32 to vector<16xi32>
      %mul3A_1971 = arith.muli %get3A_1968, %mul3A_1970 : vector<16xi32>
      %get3A_1972 = arith.index_cast %mul3A_1965 : i32 to index
      %get3A_1973 = tpu.vector_load %arg7[%get3A_1972] {strides = array<i32>} : memref<10000xi32, #tpu.memory_space<vmem>>, vector<16xi32>,
      %get3A_1974 = vector.shape_cast %get3A_1973 : vector<16xi32> to vector<16xi32>
      %add3A_1975 = arith.addi %mul3A_1971, %get3A_1974 : vector<16xi32>
      %swap3A_1976 = arith.index_cast %mul3A_1965 : i32 to index
      %swap3A_1977 = tpu.vector_load %arg7[%swap3A_1976] {strides = array<i32>} : memref<10000xi32, #tpu.memory_space<vmem>>, vector<16xi32>,
      %swap3A_1978 = vector.shape_cast %swap3A_1977 : vector<16xi32> to vector<16xi32>
      %swap3A_1979 = vector.shape_cast %add3A_1975 : vector<16xi32> to vector<16xi32>
      tpu.vector_store %arg7[%swap3A_1976], %swap3A_1979 {strides = array<i32>} : memref<10000xi32, #tpu.memory_space<vmem>>, vector<16xi32>,
      %get3A_1980 = arith.index_cast %mul3A_1965 : i32 to index
      %get3A_1981 = tpu.vector_load %arg8[%get3A_1980] {strides = array<i32>} : memref<10000xi32, #tpu.memory_space<vmem>>, vector<16xi32>,
      %get3A_1982 = vector.shape_cast %get3A_1981 : vector<16xi32> to vector<16xi32>
      %add3A_1983 = arith.constant 161792 : i32
      %add3A_1984 = vector.broadcast %add3A_1983 : i32 to vector<16xi32>
      %add3A_1985 = arith.addi %get3A_1982, %add3A_1984 : vector<16xi32>
      %add3A_1986 = arith.addi %mul3A_1971, %add3A_1985 : vector<16xi32>
      %swap3A_1987 = arith.index_cast %mul3A_1965 : i32 to index
      %swap3A_1988 = tpu.vector_load %arg8[%swap3A_1987] {strides = array<i32>} : memref<10000xi32, #tpu.memory_space<vmem>>, vector<16xi32>,
      %swap3A_1989 = vector.shape_cast %swap3A_1988 : vector<16xi32> to vector<16xi32>
      %swap3A_1990 = vector.shape_cast %add3A_1986 : vector<16xi32> to vector<16xi32>
      tpu.vector_store %arg8[%swap3A_1987], %swap3A_1990 {strides = array<i32>} : memref<10000xi32, #tpu.memory_space<vmem>>, vector<16xi32>,
    }
    %scan3A_9 = arith.constant 120 : i32
    %scan3A_10 = arith.addi %scan3A_5, %scan3A_9 : i32
    %mul3A_11 = arith.constant 16 : i32
    %mul3A_12 = arith.muli %scan3A_10, %mul3A_11 : i32
    %get3A = arith.index_cast %mul3A_12 : i32 to index
    %get3A_13 = tpu.vector_load %arg9[%get3A] {strides = array<i32>} : memref<10000xi32, #tpu.memory_space<vmem>>, vector<16xi32>,
    %get3A_14 = vector.shape_cast %get3A_13 : vector<16xi32> to vector<16xi32>
    %mul3A_15 = arith.constant 10112 : i32
    %mul3A_16 = vector.broadcast %mul3A_15 : i32 to vector<16xi32>
    %mul3A_17 = arith.muli %get3A_14, %mul3A_16 : vector<16xi32>
    %get3A_18 = arith.index_cast %mul3A_12 : i32 to index
    %get3A_19 = tpu.vector_load %arg7[%get3A_18] {strides = array<i32>} : memref<10000xi32, #tpu.memory_space<vmem>>, vector<16xi32>,
    %get3A_20 = vector.shape_cast %get3A_19 : vector<16xi32> to vector<16xi32>
    %add3A_21 = arith.addi %mul3A_17, %get3A_20 : vector<16xi32>
    %swap3A = arith.index_cast %mul3A_12 : i32 to index
    %swap3A_22 = tpu.vector_load %arg7[%swap3A] {strides = array<i32>} : memref<10000xi32, #tpu.memory_space<vmem>>, vector<16xi32>,
    %swap3A_23 = vector.shape_cast %swap3A_22 : vector<16xi32> to vector<16xi32>
    %swap3A_24 = vector.shape_cast %add3A_21 : vector<16xi32> to vector<16xi32>
    tpu.vector_store %arg7[%swap3A], %swap3A_24 {strides = array<i32>} : memref<10000xi32, #tpu.memory_space<vmem>>, vector<16xi32>,
    %get3A_25 = arith.index_cast %mul3A_12 : i32 to index
    %get3A_26 = tpu.vector_load %arg8[%get3A_25] {strides = array<i32>} : memref<10000xi32, #tpu.memory_space<vmem>>, vector<16xi32>,
    %get3A_27 = vector.shape_cast %get3A_26 : vector<16xi32> to vector<16xi32>
    %add3A_28 = arith.constant 161792 : i32
    %add3A_29 = vector.broadcast %add3A_28 : i32 to vector<16xi32>
    %add3A_30 = arith.addi %get3A_27, %add3A_29 : vector<16xi32>
    %add3A_31 = arith.addi %mul3A_17, %add3A_30 : vector<16xi32>
    %swap3A_32 = arith.index_cast %mul3A_12 : i32 to index
    %swap3A_33 = tpu.vector_load %arg8[%swap3A_32] {strides = array<i32>} : memref<10000xi32, #tpu.memory_space<vmem>>, vector<16xi32>,
    %swap3A_34 = vector.shape_cast %swap3A_33 : vector<16xi32> to vector<16xi32>
    %swap3A_35 = vector.shape_cast %add3A_31 : vector<16xi32> to vector<16xi32>
    tpu.vector_store %arg8[%swap3A_32], %swap3A_35 {strides = array<i32>} : memref<10000xi32, #tpu.memory_space<vmem>>, vector<16xi32>,
    %scan3A_36 = arith.constant 121 : i32
    %scan3A_37 = arith.addi %scan3A_5, %scan3A_36 : i32
    %mul3A_38 = arith.constant 16 : i32
    %mul3A_39 = arith.muli %scan3A_37, %mul3A_38 : i32
    %get3A_40 = arith.index_cast %mul3A_39 : i32 to index
    %get3A_41 = tpu.vector_load %arg9[%get3A_40] {strides = array<i32>} : memref<10000xi32, #tpu.memory_space<vmem>>, vector<16xi32>,
    %get3A_42 = vector.shape_cast %get3A_41 : vector<16xi32> to vector<16xi32>
    %mul3A_43 = arith.constant 10112 : i32
    %mul3A_44 = vector.broadcast %mul3A_43 : i32 to vector<16xi32>
    %mul3A_45 = arith.muli %get3A_42, %mul3A_44 : vector<16xi32>
    %get3A_46 = arith.index_cast %mul3A_39 : i32 to index
    %get3A_47 = tpu.vector_load %arg7[%get3A_46] {strides = array<i32>} : memref<10000xi32, #tpu.memory_space<vmem>>, vector<16xi32>,
    %get3A_48 = vector.shape_cast %get3A_47 : vector<16xi32> to vector<16xi32>
    %add3A_49 = arith.addi %mul3A_45, %get3A_48 : vector<16xi32>
    %swap3A_50 = arith.index_cast %mul3A_39 : i32 to index
    %swap3A_51 = tpu.vector_load %arg7[%swap3A_50] {strides = array<i32>} : memref<10000xi32, #tpu.memory_space<vmem>>, vector<16xi32>,
    %swap3A_52 = vector.shape_cast %swap3A_51 : vector<16xi32> to vector<16xi32>
    %swap3A_53 = vector.shape_cast %add3A_49 : vector<16xi32> to vector<16xi32>
    tpu.vector_store %arg7[%swap3A_50], %swap3A_53 {strides = array<i32>} : memref<10000xi32, #tpu.memory_space<vmem>>, vector<16xi32>,
    %get3A_54 = arith.index_cast %mul3A_39 : i32 to index
    %get3A_55 = tpu.vector_load %arg8[%get3A_54] {strides = array<i32>} : memref<10000xi32, #tpu.memory_space<vmem>>, vector<16xi32>,
    %get3A_56 = vector.shape_cast %get3A_55 : vector<16xi32> to vector<16xi32>
    %add3A_57 = arith.constant 161792 : i32
    %add3A_58 = vector.broadcast %add3A_57 : i32 to vector<16xi32>
    %add3A_59 = arith.addi %get3A_56, %add3A_58 : vector<16xi32>
    %add3A_60 = arith.addi %mul3A_45, %add3A_59 : vector<16xi32>
    %swap3A_61 = arith.index_cast %mul3A_39 : i32 to index
    %swap3A_62 = tpu.vector_load %arg8[%swap3A_61] {strides = array<i32>} : memref<10000xi32, #tpu.memory_space<vmem>>, vector<16xi32>,
    %swap3A_63 = vector.shape_cast %swap3A_62 : vector<16xi32> to vector<16xi32>
    %swap3A_64 = vector.shape_cast %add3A_60 : vector<16xi32> to vector<16xi32>
    tpu.vector_store %arg8[%swap3A_61], %swap3A_64 {strides = array<i32>} : memref<10000xi32, #tpu.memory_space<vmem>>, vector<16xi32>,
    %scan3A_65 = arith.constant 122 : i32
    %scan3A_66 = arith.addi %scan3A_5, %scan3A_65 : i32
    %mul3A_67 = arith.constant 16 : i32
    %mul3A_68 = arith.muli %scan3A_66, %mul3A_67 : i32
    %get3A_69 = arith.index_cast %mul3A_68 : i32 to index
    %get3A_70 = tpu.vector_load %arg9[%get3A_69] {strides = array<i32>} : memref<10000xi32, #tpu.memory_space<vmem>>, vector<16xi32>,
    %get3A_71 = vector.shape_cast %get3A_70 : vector<16xi32> to vector<16xi32>
    %mul3A_72 = arith.constant 10112 : i32
    %mul3A_73 = vector.broadcast %mul3A_72 : i32 to vector<16xi32>
    %mul3A_74 = arith.muli %get3A_71, %mul3A_73 : vector<16xi32>
    %get3A_75 = arith.index_cast %mul3A_68 : i32 to index
    %get3A_76 = tpu.vector_load %arg7[%get3A_75] {strides = array<i32>} : memref<10000xi32, #tpu.memory_space<vmem>>, vector<16xi32>,
    %get3A_77 = vector.shape_cast %get3A_76 : vector<16xi32> to vector<16xi32>
    %add3A_78 = arith.addi %mul3A_74, %get3A_77 : vector<16xi32>
    %swap3A_79 = arith.index_cast %mul3A_68 : i32 to index
    %swap3A_80 = tpu.vector_load %arg7[%swap3A_79] {strides = array<i32>} : memref<10000xi32, #tpu.memory_space<vmem>>, vector<16xi32>,
    %swap3A_81 = vector.shape_cast %swap3A_80 : vector<16xi32> to vector<16xi32>
    %swap3A_82 = vector.shape_cast %add3A_78 : vector<16xi32> to vector<16xi32>
    tpu.vector_store %arg7[%swap3A_79], %swap3A_82 {strides = array<i32>} : memref<10000xi32, #tpu.memory_space<vmem>>, vector<16xi32>,
    %get3A_83 = arith.index_cast %mul3A_68 : i32 to index
    %get3A_84 = tpu.vector_load %arg8[%get3A_83] {strides = array<i32>} : memref<10000xi32, #tpu.memory_space<vmem>>, vector<16xi32>,
    %get3A_85 = vector.shape_cast %get3A_84 : vector<16xi32> to vector<16xi32>
    %add3A_86 = arith.constant 161792 : i32
    %add3A_87 = vector.broadcast %add3A_86 : i32 to vector<16xi32>
    %add3A_88 = arith.addi %get3A_85, %add3A_87 : vector<16xi32>
    %add3A_89 = arith.addi %mul3A_74, %add3A_88 : vector<16xi32>
    %swap3A_90 = arith.index_cast %mul3A_68 : i32 to index
    %swap3A_91 = tpu.vector_load %arg8[%swap3A_90] {strides = array<i32>} : memref<10000xi32, #tpu.memory_space<vmem>>, vector<16xi32>,
    %swap3A_92 = vector.shape_cast %swap3A_91 : vector<16xi32> to vector<16xi32>
    %swap3A_93 = vector.shape_cast %add3A_89 : vector<16xi32> to vector<16xi32>
    tpu.vector_store %arg8[%swap3A_90], %swap3A_93 {strides = array<i32>} : memref<10000xi32, #tpu.memory_space<vmem>>, vector<16xi32>,
    %scan3A_94 = arith.constant 123 : i32
    %scan3A_95 = arith.addi %scan3A_5, %scan3A_94 : i32
    %mul3A_96 = arith.constant 16 : i32
    %mul3A_97 = arith.muli %scan3A_95, %mul3A_96 : i32
    %get3A_98 = arith.index_cast %mul3A_97 : i32 to index
    %get3A_99 = tpu.vector_load %arg9[%get3A_98] {strides = array<i32>} : memref<10000xi32, #tpu.memory_space<vmem>>, vector<16xi32>,
    %get3A_100 = vector.shape_cast %get3A_99 : vector<16xi32> to vector<16xi32>
    %mul3A_101 = arith.constant 10112 : i32
    %mul3A_102 = vector.broadcast %mul3A_101 : i32 to vector<16xi32>
    %mul3A_103 = arith.muli %get3A_100, %mul3A_102 : vector<16xi32>
    %get3A_104 = arith.index_cast %mul3A_97 : i32 to index
    %get3A_105 = tpu.vector_load %arg7[%get3A_104] {strides = array<i32>} : memref<10000xi32, #tpu.memory_space<vmem>>, vector<16xi32>,
    %get3A_106 = vector.shape_cast %get3A_105 : vector<16xi32> to vector<16xi32>
    %add3A_107 = arith.addi %mul3A_103, %get3A_106 : vector<16xi32>
    %swap3A_108 = arith.index_cast %mul3A_97 : i32 to index
    %swap3A_109 = tpu.vector_load %arg7[%swap3A_108] {strides = array<i32>} : memref<10000xi32, #tpu.memory_space<vmem>>, vector<16xi32>,
    %swap3A_110 = vector.shape_cast %swap3A_109 : vector<16xi32> to vector<16xi32>
    %swap3A_111 = vector.shape_cast %add3A_107 : vector<16xi32> to vector<16xi32>
    tpu.vector_store %arg7[%swap3A_108], %swap3A_111 {strides = array<i32>} : memref<10000xi32, #tpu.memory_space<vmem>>, vector<16xi32>,
    %get3A_112 = arith.index_cast %mul3A_97 : i32 to index
    %get3A_113 = tpu.vector_load %arg8[%get3A_112] {strides = array<i32>} : memref<10000xi32, #tpu.memory_space<vmem>>, vector<16xi32>,
    %get3A_114 = vector.shape_cast %get3A_113 : vector<16xi32> to vector<16xi32>
    %add3A_115 = arith.constant 161792 : i32
    %add3A_116 = vector.broadcast %add3A_115 : i32 to vector<16xi32>
    %add3A_117 = arith.addi %get3A_114, %add3A_116 : vector<16xi32>
    %add3A_118 = arith.addi %mul3A_103, %add3A_117 : vector<16xi32>
    %swap3A_119 = arith.index_cast %mul3A_97 : i32 to index
    %swap3A_120 = tpu.vector_load %arg8[%swap3A_119] {strides = array<i32>} : memref<10000xi32, #tpu.memory_space<vmem>>, vector<16xi32>,
    %swap3A_121 = vector.shape_cast %swap3A_120 : vector<16xi32> to vector<16xi32>
    %swap3A_122 = vector.shape_cast %add3A_118 : vector<16xi32> to vector<16xi32>
    tpu.vector_store %arg8[%swap3A_119], %swap3A_122 {strides = array<i32>} : memref<10000xi32, #tpu.memory_space<vmem>>, vector<16xi32>,
    %scan3A_123 = arith.constant 124 : i32
    %scan3A_124 = arith.addi %scan3A_5, %scan3A_123 : i32
    %mul3A_125 = arith.constant 16 : i32
    %mul3A_126 = arith.muli %scan3A_124, %mul3A_125 : i32
    %get3A_127 = arith.index_cast %mul3A_126 : i32 to index
    %get3A_128 = tpu.vector_load %arg9[%get3A_127] {strides = array<i32>} : memref<10000xi32, #tpu.memory_space<vmem>>, vector<16xi32>,
    %get3A_129 = vector.shape_cast %get3A_128 : vector<16xi32> to vector<16xi32>
    %mul3A_130 = arith.constant 10112 : i32
    %mul3A_131 = vector.broadcast %mul3A_130 : i32 to vector<16xi32>
    %mul3A_132 = arith.muli %get3A_129, %mul3A_131 : vector<16xi32>
    %get3A_133 = arith.index_cast %mul3A_126 : i32 to index
    %get3A_134 = tpu.vector_load %arg7[%get3A_133] {strides = array<i32>} : memref<10000xi32, #tpu.memory_space<vmem>>, vector<16xi32>,
    %get3A_135 = vector.shape_cast %get3A_134 : vector<16xi32> to vector<16xi32>
    %add3A_136 = arith.addi %mul3A_132, %get3A_135 : vector<16xi32>
    %swap3A_137 = arith.index_cast %mul3A_126 : i32 to index
    %swap3A_138 = tpu.vector_load %arg7[%swap3A_137] {strides = array<i32>} : memref<10000xi32, #tpu.memory_space<vmem>>, vector<16xi32>,
    %swap3A_139 = vector.shape_cast %swap3A_138 : vector<16xi32> to vector<16xi32>
    %swap3A_140 = vector.shape_cast %add3A_136 : vector<16xi32> to vector<16xi32>
    tpu.vector_store %arg7[%swap3A_137], %swap3A_140 {strides = array<i32>} : memref<10000xi32, #tpu.memory_space<vmem>>, vector<16xi32>,
    %get3A_141 = arith.index_cast %mul3A_126 : i32 to index
    %get3A_142 = tpu.vector_load %arg8[%get3A_141] {strides = array<i32>} : memref<10000xi32, #tpu.memory_space<vmem>>, vector<16xi32>,
    %get3A_143 = vector.shape_cast %get3A_142 : vector<16xi32> to vector<16xi32>
    %add3A_144 = arith.constant 161792 : i32
    %add3A_145 = vector.broadcast %add3A_144 : i32 to vector<16xi32>
    %add3A_146 = arith.addi %get3A_143, %add3A_145 : vector<16xi32>
    %add3A_147 = arith.addi %mul3A_132, %add3A_146 : vector<16xi32>
    %swap3A_148 = arith.index_cast %mul3A_126 : i32 to index
    %swap3A_149 = tpu.vector_load %arg8[%swap3A_148] {strides = array<i32>} : memref<10000xi32, #tpu.memory_space<vmem>>, vector<16xi32>,
    %swap3A_150 = vector.shape_cast %swap3A_149 : vector<16xi32> to vector<16xi32>
    %swap3A_151 = vector.shape_cast %add3A_147 : vector<16xi32> to vector<16xi32>
    tpu.vector_store %arg8[%swap3A_148], %swap3A_151 {strides = array<i32>} : memref<10000xi32, #tpu.memory_space<vmem>>, vector<16xi32>,
    %scan3A_152 = arith.constant 125 : i32
    %eq3A_153 = arith.constant 0 : i32
    %eq3A_154 = arith.cmpi eq, %arg1, %eq3A_153 : i32
    %convert_element_type3A_155 = arith.extui %eq3A_154 : i1 to i32
    %cond3A_156 = arith.constant 0 : i32
    %cond3A_157 = arith.cmpi ne, %convert_element_type3A_155, %cond3A_156 : i32
    scf.if %cond3A_157 {
      tpu.wait_dma2 semaphore(%arg16 : memref<!tpu.dma_semaphore, #tpu.memory_space<semaphore_mem>>) src(%arg2 : memref<323584xf32, #tpu.memory_space<hbm>>) dst(%arg13 : memref<323584xf32, #tpu.memory_space<vmem_shared>>)
    } else {
    }
    %barrier3A = arith.constant 0 : index
    tpu.barrier barrier_id(%barrier3A)
    %dma_start3A = arith.constant 0 : i32
    %dma_start3A_158 = tpu.memref_slice %arg11[%dma_start3A] : memref<10000xf32, #tpu.memory_space<vmem>> -> memref<2000xf32, #tpu.memory_space<vmem>>
    %dma_start3A_159 = arith.constant 0 : i32
    %dma_start3A_160 = tpu.memref_slice %arg7[%dma_start3A_159] : memref<10000xi32, #tpu.memory_space<vmem>> -> memref<2000xi32, #tpu.memory_space<vmem>>
    %dma_start3A_161 = arith.constant 0 : i32
    %dma_start3A_162 = tpu.memref_slice %arg13[%dma_start3A_161] : memref<323584xf32, #tpu.memory_space<vmem_shared>> -> memref<323584xf32, #tpu.memory_space<vmem_shared>>
    tpu.enqueue_indirect_dma source(%dma_start3A_162 : memref<323584xf32, #tpu.memory_space<vmem_shared>>) target(%dma_start3A_158 : memref<2000xf32, #tpu.memory_space<vmem>>) offsets(%dma_start3A_160 : memref<2000xi32, #tpu.memory_space<vmem>>) semaphore(%arg14 : memref<!tpu.dma_semaphore, #tpu.memory_space<semaphore_mem>>)
    %dma_start3A_163 = arith.constant 0 : i32
    %dma_start3A_164 = tpu.memref_slice %arg12[%dma_start3A_163] : memref<10000xf32, #tpu.memory_space<vmem>> -> memref<2000xf32, #tpu.memory_space<vmem>>
    %dma_start3A_165 = arith.constant 0 : i32
    %dma_start3A_166 = tpu.memref_slice %arg8[%dma_start3A_165] : memref<10000xi32, #tpu.memory_space<vmem>> -> memref<2000xi32, #tpu.memory_space<vmem>>
    %dma_start3A_167 = arith.constant 0 : i32
    %dma_start3A_168 = tpu.memref_slice %arg13[%dma_start3A_167] : memref<323584xf32, #tpu.memory_space<vmem_shared>> -> memref<323584xf32, #tpu.memory_space<vmem_shared>>
    tpu.enqueue_indirect_dma source(%dma_start3A_168 : memref<323584xf32, #tpu.memory_space<vmem_shared>>) target(%dma_start3A_164 : memref<2000xf32, #tpu.memory_space<vmem>>) offsets(%dma_start3A_166 : memref<2000xi32, #tpu.memory_space<vmem>>) semaphore(%arg15 : memref<!tpu.dma_semaphore, #tpu.memory_space<semaphore_mem>>)
    %scan3A_169 = arith.constant 0 : i32
    %scan3A_170 = arith.constant 125 : i32
    %scan3A_171 = arith.constant 120 : i32
    %scan3A_172 = arith.addi %scan3A_170, %scan3A_171 : i32
    %scan3A_173 = arith.constant 8 : i32
    scf.for %scan3A_1760 = %scan3A_170 to %scan3A_172 step %scan3A_173  : i32 {
      %mul3A_1761 = arith.constant 16 : i32
      %mul3A_1762 = arith.muli %scan3A_1760, %mul3A_1761 : i32
      %get3A_1763 = arith.index_cast %mul3A_1762 : i32 to index
      %get3A_1764 = tpu.vector_load %arg9[%get3A_1763] {strides = array<i32>} : memref<10000xi32, #tpu.memory_space<vmem>>, vector<16xi32>,
      %get3A_1765 = vector.shape_cast %get3A_1764 : vector<16xi32> to vector<16xi32>
      %mul3A_1766 = arith.constant 10112 : i32
      %mul3A_1767 = vector.broadcast %mul3A_1766 : i32 to vector<16xi32>
      %mul3A_1768 = arith.muli %get3A_1765, %mul3A_1767 : vector<16xi32>
      %get3A_1769 = arith.index_cast %mul3A_1762 : i32 to index
      %get3A_1770 = tpu.vector_load %arg7[%get3A_1769] {strides = array<i32>} : memref<10000xi32, #tpu.memory_space<vmem>>, vector<16xi32>,
      %get3A_1771 = vector.shape_cast %get3A_1770 : vector<16xi32> to vector<16xi32>
      %add3A_1772 = arith.addi %mul3A_1768, %get3A_1771 : vector<16xi32>
      %swap3A_1773 = arith.index_cast %mul3A_1762 : i32 to index
      %swap3A_1774 = tpu.vector_load %arg7[%swap3A_1773] {strides = array<i32>} : memref<10000xi32, #tpu.memory_space<vmem>>, vector<16xi32>,
      %swap3A_1775 = vector.shape_cast %swap3A_1774 : vector<16xi32> to vector<16xi32>
      %swap3A_1776 = vector.shape_cast %add3A_1772 : vector<16xi32> to vector<16xi32>
      tpu.vector_store %arg7[%swap3A_1773], %swap3A_1776 {strides = array<i32>} : memref<10000xi32, #tpu.memory_space<vmem>>, vector<16xi32>,
      %get3A_1777 = arith.index_cast %mul3A_1762 : i32 to index
      %get3A_1778 = tpu.vector_load %arg8[%get3A_1777] {strides = array<i32>} : memref<10000xi32, #tpu.memory_space<vmem>>, vector<16xi32>,
      %get3A_1779 = vector.shape_cast %get3A_1778 : vector<16xi32> to vector<16xi32>
      %add3A_1780 = arith.constant 161792 : i32
      %add3A_1781 = vector.broadcast %add3A_1780 : i32 to vector<16xi32>
      %add3A_1782 = arith.addi %get3A_1779, %add3A_1781 : vector<16xi32>
      %add3A_1783 = arith.addi %mul3A_1768, %add3A_1782 : vector<16xi32>
      %swap3A_1784 = arith.index_cast %mul3A_1762 : i32 to index
      %swap3A_1785 = tpu.vector_load %arg8[%swap3A_1784] {strides = array<i32>} : memref<10000xi32, #tpu.memory_space<vmem>>, vector<16xi32>,
      %swap3A_1786 = vector.shape_cast %swap3A_1785 : vector<16xi32> to vector<16xi32>
      %swap3A_1787 = vector.shape_cast %add3A_1783 : vector<16xi32> to vector<16xi32>
      tpu.vector_store %arg8[%swap3A_1784], %swap3A_1787 {strides = array<i32>} : memref<10000xi32, #tpu.memory_space<vmem>>, vector<16xi32>,
      %scan3A_1788 = arith.constant 1 : i32
      %scan3A_1789 = arith.addi %scan3A_1760, %scan3A_1788 : i32
      %mul3A_1790 = arith.constant 16 : i32
      %mul3A_1791 = arith.muli %scan3A_1789, %mul3A_1790 : i32
      %get3A_1792 = arith.index_cast %mul3A_1791 : i32 to index
      %get3A_1793 = tpu.vector_load %arg9[%get3A_1792] {strides = array<i32>} : memref<10000xi32, #tpu.memory_space<vmem>>, vector<16xi32>,
      %get3A_1794 = vector.shape_cast %get3A_1793 : vector<16xi32> to vector<16xi32>
      %mul3A_1795 = arith.constant 10112 : i32
      %mul3A_1796 = vector.broadcast %mul3A_1795 : i32 to vector<16xi32>
      %mul3A_1797 = arith.muli %get3A_1794, %mul3A_1796 : vector<16xi32>
      %get3A_1798 = arith.index_cast %mul3A_1791 : i32 to index
      %get3A_1799 = tpu.vector_load %arg7[%get3A_1798] {strides = array<i32>} : memref<10000xi32, #tpu.memory_space<vmem>>, vector<16xi32>,
      %get3A_1800 = vector.shape_cast %get3A_1799 : vector<16xi32> to vector<16xi32>
      %add3A_1801 = arith.addi %mul3A_1797, %get3A_1800 : vector<16xi32>
      %swap3A_1802 = arith.index_cast %mul3A_1791 : i32 to index
      %swap3A_1803 = tpu.vector_load %arg7[%swap3A_1802] {strides = array<i32>} : memref<10000xi32, #tpu.memory_space<vmem>>, vector<16xi32>,
      %swap3A_1804 = vector.shape_cast %swap3A_1803 : vector<16xi32> to vector<16xi32>
      %swap3A_1805 = vector.shape_cast %add3A_1801 : vector<16xi32> to vector<16xi32>
      tpu.vector_store %arg7[%swap3A_1802], %swap3A_1805 {strides = array<i32>} : memref<10000xi32, #tpu.memory_space<vmem>>, vector<16xi32>,
      %get3A_1806 = arith.index_cast %mul3A_1791 : i32 to index
      %get3A_1807 = tpu.vector_load %arg8[%get3A_1806] {strides = array<i32>} : memref<10000xi32, #tpu.memory_space<vmem>>, vector<16xi32>,
      %get3A_1808 = vector.shape_cast %get3A_1807 : vector<16xi32> to vector<16xi32>
      %add3A_1809 = arith.constant 161792 : i32
      %add3A_1810 = vector.broadcast %add3A_1809 : i32 to vector<16xi32>
      %add3A_1811 = arith.addi %get3A_1808, %add3A_1810 : vector<16xi32>
      %add3A_1812 = arith.addi %mul3A_1797, %add3A_1811 : vector<16xi32>
      %swap3A_1813 = arith.index_cast %mul3A_1791 : i32 to index
      %swap3A_1814 = tpu.vector_load %arg8[%swap3A_1813] {strides = array<i32>} : memref<10000xi32, #tpu.memory_space<vmem>>, vector<16xi32>,
      %swap3A_1815 = vector.shape_cast %swap3A_1814 : vector<16xi32> to vector<16xi32>
      %swap3A_1816 = vector.shape_cast %add3A_1812 : vector<16xi32> to vector<16xi32>
      tpu.vector_store %arg8[%swap3A_1813], %swap3A_1816 {strides = array<i32>} : memref<10000xi32, #tpu.memory_space<vmem>>, vector<16xi32>,
      %scan3A_1817 = arith.constant 2 : i32
      %scan3A_1818 = arith.addi %scan3A_1760, %scan3A_1817 : i32
      %mul3A_1819 = arith.constant 16 : i32
      %mul3A_1820 = arith.muli %scan3A_1818, %mul3A_1819 : i32
      %get3A_1821 = arith.index_cast %mul3A_1820 : i32 to index
      %get3A_1822 = tpu.vector_load %arg9[%get3A_1821] {strides = array<i32>} : memref<10000xi32, #tpu.memory_space<vmem>>, vector<16xi32>,
      %get3A_1823 = vector.shape_cast %get3A_1822 : vector<16xi32> to vector<16xi32>
      %mul3A_1824 = arith.constant 10112 : i32
      %mul3A_1825 = vector.broadcast %mul3A_1824 : i32 to vector<16xi32>
      %mul3A_1826 = arith.muli %get3A_1823, %mul3A_1825 : vector<16xi32>
      %get3A_1827 = arith.index_cast %mul3A_1820 : i32 to index
      %get3A_1828 = tpu.vector_load %arg7[%get3A_1827] {strides = array<i32>} : memref<10000xi32, #tpu.memory_space<vmem>>, vector<16xi32>,
      %get3A_1829 = vector.shape_cast %get3A_1828 : vector<16xi32> to vector<16xi32>
      %add3A_1830 = arith.addi %mul3A_1826, %get3A_1829 : vector<16xi32>
      %swap3A_1831 = arith.index_cast %mul3A_1820 : i32 to index
      %swap3A_1832 = tpu.vector_load %arg7[%swap3A_1831] {strides = array<i32>} : memref<10000xi32, #tpu.memory_space<vmem>>, vector<16xi32>,
      %swap3A_1833 = vector.shape_cast %swap3A_1832 : vector<16xi32> to vector<16xi32>
      %swap3A_1834 = vector.shape_cast %add3A_1830 : vector<16xi32> to vector<16xi32>
      tpu.vector_store %arg7[%swap3A_1831], %swap3A_1834 {strides = array<i32>} : memref<10000xi32, #tpu.memory_space<vmem>>, vector<16xi32>,
      %get3A_1835 = arith.index_cast %mul3A_1820 : i32 to index
      %get3A_1836 = tpu.vector_load %arg8[%get3A_1835] {strides = array<i32>} : memref<10000xi32, #tpu.memory_space<vmem>>, vector<16xi32>,
      %get3A_1837 = vector.shape_cast %get3A_1836 : vector<16xi32> to vector<16xi32>
      %add3A_1838 = arith.constant 161792 : i32
      %add3A_1839 = vector.broadcast %add3A_1838 : i32 to vector<16xi32>
      %add3A_1840 = arith.addi %get3A_1837, %add3A_1839 : vector<16xi32>
      %add3A_1841 = arith.addi %mul3A_1826, %add3A_1840 : vector<16xi32>
      %swap3A_1842 = arith.index_cast %mul3A_1820 : i32 to index
      %swap3A_1843 = tpu.vector_load %arg8[%swap3A_1842] {strides = array<i32>} : memref<10000xi32, #tpu.memory_space<vmem>>, vector<16xi32>,
      %swap3A_1844 = vector.shape_cast %swap3A_1843 : vector<16xi32> to vector<16xi32>
      %swap3A_1845 = vector.shape_cast %add3A_1841 : vector<16xi32> to vector<16xi32>
      tpu.vector_store %arg8[%swap3A_1842], %swap3A_1845 {strides = array<i32>} : memref<10000xi32, #tpu.memory_space<vmem>>, vector<16xi32>,
      %scan3A_1846 = arith.constant 3 : i32
      %scan3A_1847 = arith.addi %scan3A_1760, %scan3A_1846 : i32
      %mul3A_1848 = arith.constant 16 : i32
      %mul3A_1849 = arith.muli %scan3A_1847, %mul3A_1848 : i32
      %get3A_1850 = arith.index_cast %mul3A_1849 : i32 to index
      %get3A_1851 = tpu.vector_load %arg9[%get3A_1850] {strides = array<i32>} : memref<10000xi32, #tpu.memory_space<vmem>>, vector<16xi32>,
      %get3A_1852 = vector.shape_cast %get3A_1851 : vector<16xi32> to vector<16xi32>
      %mul3A_1853 = arith.constant 10112 : i32
      %mul3A_1854 = vector.broadcast %mul3A_1853 : i32 to vector<16xi32>
      %mul3A_1855 = arith.muli %get3A_1852, %mul3A_1854 : vector<16xi32>
      %get3A_1856 = arith.index_cast %mul3A_1849 : i32 to index
      %get3A_1857 = tpu.vector_load %arg7[%get3A_1856] {strides = array<i32>} : memref<10000xi32, #tpu.memory_space<vmem>>, vector<16xi32>,
      %get3A_1858 = vector.shape_cast %get3A_1857 : vector<16xi32> to vector<16xi32>
      %add3A_1859 = arith.addi %mul3A_1855, %get3A_1858 : vector<16xi32>
      %swap3A_1860 = arith.index_cast %mul3A_1849 : i32 to index
      %swap3A_1861 = tpu.vector_load %arg7[%swap3A_1860] {strides = array<i32>} : memref<10000xi32, #tpu.memory_space<vmem>>, vector<16xi32>,
      %swap3A_1862 = vector.shape_cast %swap3A_1861 : vector<16xi32> to vector<16xi32>
      %swap3A_1863 = vector.shape_cast %add3A_1859 : vector<16xi32> to vector<16xi32>
      tpu.vector_store %arg7[%swap3A_1860], %swap3A_1863 {strides = array<i32>} : memref<10000xi32, #tpu.memory_space<vmem>>, vector<16xi32>,
      %get3A_1864 = arith.index_cast %mul3A_1849 : i32 to index
      %get3A_1865 = tpu.vector_load %arg8[%get3A_1864] {strides = array<i32>} : memref<10000xi32, #tpu.memory_space<vmem>>, vector<16xi32>,
      %get3A_1866 = vector.shape_cast %get3A_1865 : vector<16xi32> to vector<16xi32>
      %add3A_1867 = arith.constant 161792 : i32
      %add3A_1868 = vector.broadcast %add3A_1867 : i32 to vector<16xi32>
      %add3A_1869 = arith.addi %get3A_1866, %add3A_1868 : vector<16xi32>
      %add3A_1870 = arith.addi %mul3A_1855, %add3A_1869 : vector<16xi32>
      %swap3A_1871 = arith.index_cast %mul3A_1849 : i32 to index
      %swap3A_1872 = tpu.vector_load %arg8[%swap3A_1871] {strides = array<i32>} : memref<10000xi32, #tpu.memory_space<vmem>>, vector<16xi32>,
      %swap3A_1873 = vector.shape_cast %swap3A_1872 : vector<16xi32> to vector<16xi32>
      %swap3A_1874 = vector.shape_cast %add3A_1870 : vector<16xi32> to vector<16xi32>
      tpu.vector_store %arg8[%swap3A_1871], %swap3A_1874 {strides = array<i32>} : memref<10000xi32, #tpu.memory_space<vmem>>, vector<16xi32>,
      %scan3A_1875 = arith.constant 4 : i32
      %scan3A_1876 = arith.addi %scan3A_1760, %scan3A_1875 : i32
      %mul3A_1877 = arith.constant 16 : i32
      %mul3A_1878 = arith.muli %scan3A_1876, %mul3A_1877 : i32
      %get3A_1879 = arith.index_cast %mul3A_1878 : i32 to index
      %get3A_1880 = tpu.vector_load %arg9[%get3A_1879] {strides = array<i32>} : memref<10000xi32, #tpu.memory_space<vmem>>, vector<16xi32>,
      %get3A_1881 = vector.shape_cast %get3A_1880 : vector<16xi32> to vector<16xi32>
      %mul3A_1882 = arith.constant 10112 : i32
      %mul3A_1883 = vector.broadcast %mul3A_1882 : i32 to vector<16xi32>
      %mul3A_1884 = arith.muli %get3A_1881, %mul3A_1883 : vector<16xi32>
      %get3A_1885 = arith.index_cast %mul3A_1878 : i32 to index
      %get3A_1886 = tpu.vector_load %arg7[%get3A_1885] {strides = array<i32>} : memref<10000xi32, #tpu.memory_space<vmem>>, vector<16xi32>,
      %get3A_1887 = vector.shape_cast %get3A_1886 : vector<16xi32> to vector<16xi32>
      %add3A_1888 = arith.addi %mul3A_1884, %get3A_1887 : vector<16xi32>
      %swap3A_1889 = arith.index_cast %mul3A_1878 : i32 to index
      %swap3A_1890 = tpu.vector_load %arg7[%swap3A_1889] {strides = array<i32>} : memref<10000xi32, #tpu.memory_space<vmem>>, vector<16xi32>,
      %swap3A_1891 = vector.shape_cast %swap3A_1890 : vector<16xi32> to vector<16xi32>
      %swap3A_1892 = vector.shape_cast %add3A_1888 : vector<16xi32> to vector<16xi32>
      tpu.vector_store %arg7[%swap3A_1889], %swap3A_1892 {strides = array<i32>} : memref<10000xi32, #tpu.memory_space<vmem>>, vector<16xi32>,
      %get3A_1893 = arith.index_cast %mul3A_1878 : i32 to index
      %get3A_1894 = tpu.vector_load %arg8[%get3A_1893] {strides = array<i32>} : memref<10000xi32, #tpu.memory_space<vmem>>, vector<16xi32>,
      %get3A_1895 = vector.shape_cast %get3A_1894 : vector<16xi32> to vector<16xi32>
      %add3A_1896 = arith.constant 161792 : i32
      %add3A_1897 = vector.broadcast %add3A_1896 : i32 to vector<16xi32>
      %add3A_1898 = arith.addi %get3A_1895, %add3A_1897 : vector<16xi32>
      %add3A_1899 = arith.addi %mul3A_1884, %add3A_1898 : vector<16xi32>
      %swap3A_1900 = arith.index_cast %mul3A_1878 : i32 to index
      %swap3A_1901 = tpu.vector_load %arg8[%swap3A_1900] {strides = array<i32>} : memref<10000xi32, #tpu.memory_space<vmem>>, vector<16xi32>,
      %swap3A_1902 = vector.shape_cast %swap3A_1901 : vector<16xi32> to vector<16xi32>
      %swap3A_1903 = vector.shape_cast %add3A_1899 : vector<16xi32> to vector<16xi32>
      tpu.vector_store %arg8[%swap3A_1900], %swap3A_1903 {strides = array<i32>} : memref<10000xi32, #tpu.memory_space<vmem>>, vector<16xi32>,
      %scan3A_1904 = arith.constant 5 : i32
      %scan3A_1905 = arith.addi %scan3A_1760, %scan3A_1904 : i32
      %mul3A_1906 = arith.constant 16 : i32
      %mul3A_1907 = arith.muli %scan3A_1905, %mul3A_1906 : i32
      %get3A_1908 = arith.index_cast %mul3A_1907 : i32 to index
      %get3A_1909 = tpu.vector_load %arg9[%get3A_1908] {strides = array<i32>} : memref<10000xi32, #tpu.memory_space<vmem>>, vector<16xi32>,
      %get3A_1910 = vector.shape_cast %get3A_1909 : vector<16xi32> to vector<16xi32>
      %mul3A_1911 = arith.constant 10112 : i32
      %mul3A_1912 = vector.broadcast %mul3A_1911 : i32 to vector<16xi32>
      %mul3A_1913 = arith.muli %get3A_1910, %mul3A_1912 : vector<16xi32>
      %get3A_1914 = arith.index_cast %mul3A_1907 : i32 to index
      %get3A_1915 = tpu.vector_load %arg7[%get3A_1914] {strides = array<i32>} : memref<10000xi32, #tpu.memory_space<vmem>>, vector<16xi32>,
      %get3A_1916 = vector.shape_cast %get3A_1915 : vector<16xi32> to vector<16xi32>
      %add3A_1917 = arith.addi %mul3A_1913, %get3A_1916 : vector<16xi32>
      %swap3A_1918 = arith.index_cast %mul3A_1907 : i32 to index
      %swap3A_1919 = tpu.vector_load %arg7[%swap3A_1918] {strides = array<i32>} : memref<10000xi32, #tpu.memory_space<vmem>>, vector<16xi32>,
      %swap3A_1920 = vector.shape_cast %swap3A_1919 : vector<16xi32> to vector<16xi32>
      %swap3A_1921 = vector.shape_cast %add3A_1917 : vector<16xi32> to vector<16xi32>
      tpu.vector_store %arg7[%swap3A_1918], %swap3A_1921 {strides = array<i32>} : memref<10000xi32, #tpu.memory_space<vmem>>, vector<16xi32>,
      %get3A_1922 = arith.index_cast %mul3A_1907 : i32 to index
      %get3A_1923 = tpu.vector_load %arg8[%get3A_1922] {strides = array<i32>} : memref<10000xi32, #tpu.memory_space<vmem>>, vector<16xi32>,
      %get3A_1924 = vector.shape_cast %get3A_1923 : vector<16xi32> to vector<16xi32>
      %add3A_1925 = arith.constant 161792 : i32
      %add3A_1926 = vector.broadcast %add3A_1925 : i32 to vector<16xi32>
      %add3A_1927 = arith.addi %get3A_1924, %add3A_1926 : vector<16xi32>
      %add3A_1928 = arith.addi %mul3A_1913, %add3A_1927 : vector<16xi32>
      %swap3A_1929 = arith.index_cast %mul3A_1907 : i32 to index
      %swap3A_1930 = tpu.vector_load %arg8[%swap3A_1929] {strides = array<i32>} : memref<10000xi32, #tpu.memory_space<vmem>>, vector<16xi32>,
      %swap3A_1931 = vector.shape_cast %swap3A_1930 : vector<16xi32> to vector<16xi32>
      %swap3A_1932 = vector.shape_cast %add3A_1928 : vector<16xi32> to vector<16xi32>
      tpu.vector_store %arg8[%swap3A_1929], %swap3A_1932 {strides = array<i32>} : memref<10000xi32, #tpu.memory_space<vmem>>, vector<16xi32>,
      %scan3A_1933 = arith.constant 6 : i32
      %scan3A_1934 = arith.addi %scan3A_1760, %scan3A_1933 : i32
      %mul3A_1935 = arith.constant 16 : i32
      %mul3A_1936 = arith.muli %scan3A_1934, %mul3A_1935 : i32
      %get3A_1937 = arith.index_cast %mul3A_1936 : i32 to index
      %get3A_1938 = tpu.vector_load %arg9[%get3A_1937] {strides = array<i32>} : memref<10000xi32, #tpu.memory_space<vmem>>, vector<16xi32>,
      %get3A_1939 = vector.shape_cast %get3A_1938 : vector<16xi32> to vector<16xi32>
      %mul3A_1940 = arith.constant 10112 : i32
      %mul3A_1941 = vector.broadcast %mul3A_1940 : i32 to vector<16xi32>
      %mul3A_1942 = arith.muli %get3A_1939, %mul3A_1941 : vector<16xi32>
      %get3A_1943 = arith.index_cast %mul3A_1936 : i32 to index
      %get3A_1944 = tpu.vector_load %arg7[%get3A_1943] {strides = array<i32>} : memref<10000xi32, #tpu.memory_space<vmem>>, vector<16xi32>,
      %get3A_1945 = vector.shape_cast %get3A_1944 : vector<16xi32> to vector<16xi32>
      %add3A_1946 = arith.addi %mul3A_1942, %get3A_1945 : vector<16xi32>
      %swap3A_1947 = arith.index_cast %mul3A_1936 : i32 to index
      %swap3A_1948 = tpu.vector_load %arg7[%swap3A_1947] {strides = array<i32>} : memref<10000xi32, #tpu.memory_space<vmem>>, vector<16xi32>,
      %swap3A_1949 = vector.shape_cast %swap3A_1948 : vector<16xi32> to vector<16xi32>
      %swap3A_1950 = vector.shape_cast %add3A_1946 : vector<16xi32> to vector<16xi32>
      tpu.vector_store %arg7[%swap3A_1947], %swap3A_1950 {strides = array<i32>} : memref<10000xi32, #tpu.memory_space<vmem>>, vector<16xi32>,
      %get3A_1951 = arith.index_cast %mul3A_1936 : i32 to index
      %get3A_1952 = tpu.vector_load %arg8[%get3A_1951] {strides = array<i32>} : memref<10000xi32, #tpu.memory_space<vmem>>, vector<16xi32>,
      %get3A_1953 = vector.shape_cast %get3A_1952 : vector<16xi32> to vector<16xi32>
      %add3A_1954 = arith.constant 161792 : i32
      %add3A_1955 = vector.broadcast %add3A_1954 : i32 to vector<16xi32>
      %add3A_1956 = arith.addi %get3A_1953, %add3A_1955 : vector<16xi32>
      %add3A_1957 = arith.addi %mul3A_1942, %add3A_1956 : vector<16xi32>
      %swap3A_1958 = arith.index_cast %mul3A_1936 : i32 to index
      %swap3A_1959 = tpu.vector_load %arg8[%swap3A_1958] {strides = array<i32>} : memref<10000xi32, #tpu.memory_space<vmem>>, vector<16xi32>,
      %swap3A_1960 = vector.shape_cast %swap3A_1959 : vector<16xi32> to vector<16xi32>
      %swap3A_1961 = vector.shape_cast %add3A_1957 : vector<16xi32> to vector<16xi32>
      tpu.vector_store %arg8[%swap3A_1958], %swap3A_1961 {strides = array<i32>} : memref<10000xi32, #tpu.memory_space<vmem>>, vector<16xi32>,
      %scan3A_1962 = arith.constant 7 : i32
      %scan3A_1963 = arith.addi %scan3A_1760, %scan3A_1962 : i32
      %mul3A_1964 = arith.constant 16 : i32
      %mul3A_1965 = arith.muli %scan3A_1963, %mul3A_1964 : i32
      %get3A_1966 = arith.index_cast %mul3A_1965 : i32 to index
      %get3A_1967 = tpu.vector_load %arg9[%get3A_1966] {strides = array<i32>} : memref<10000xi32, #tpu.memory_space<vmem>>, vector<16xi32>,
      %get3A_1968 = vector.shape_cast %get3A_1967 : vector<16xi32> to vector<16xi32>
      %mul3A_1969 = arith.constant 10112 : i32
      %mul3A_1970 = vector.broadcast %mul3A_1969 : i32 to vector<16xi32>
      %mul3A_1971 = arith.muli %get3A_1968, %mul3A_1970 : vector<16xi32>
      %get3A_1972 = arith.index_cast %mul3A_1965 : i32 to index
      %get3A_1973 = tpu.vector_load %arg7[%get3A_1972] {strides = array<i32>} : memref<10000xi32, #tpu.memory_space<vmem>>, vector<16xi32>,
      %get3A_1974 = vector.shape_cast %get3A_1973 : vector<16xi32> to vector<16xi32>
      %add3A_1975 = arith.addi %mul3A_1971, %get3A_1974 : vector<16xi32>
      %swap3A_1976 = arith.index_cast %mul3A_1965 : i32 to index
      %swap3A_1977 = tpu.vector_load %arg7[%swap3A_1976] {strides = array<i32>} : memref<10000xi32, #tpu.memory_space<vmem>>, vector<16xi32>,
      %swap3A_1978 = vector.shape_cast %swap3A_1977 : vector<16xi32> to vector<16xi32>
      %swap3A_1979 = vector.shape_cast %add3A_1975 : vector<16xi32> to vector<16xi32>
      tpu.vector_store %arg7[%swap3A_1976], %swap3A_1979 {strides = array<i32>} : memref<10000xi32, #tpu.memory_space<vmem>>, vector<16xi32>,
      %get3A_1980 = arith.index_cast %mul3A_1965 : i32 to index
      %get3A_1981 = tpu.vector_load %arg8[%get3A_1980] {strides = array<i32>} : memref<10000xi32, #tpu.memory_space<vmem>>, vector<16xi32>,
      %get3A_1982 = vector.shape_cast %get3A_1981 : vector<16xi32> to vector<16xi32>
      %add3A_1983 = arith.constant 161792 : i32
      %add3A_1984 = vector.broadcast %add3A_1983 : i32 to vector<16xi32>
      %add3A_1985 = arith.addi %get3A_1982, %add3A_1984 : vector<16xi32>
      %add3A_1986 = arith.addi %mul3A_1971, %add3A_1985 : vector<16xi32>
      %swap3A_1987 = arith.index_cast %mul3A_1965 : i32 to index
      %swap3A_1988 = tpu.vector_load %arg8[%swap3A_1987] {strides = array<i32>} : memref<10000xi32, #tpu.memory_space<vmem>>, vector<16xi32>,
      %swap3A_1989 = vector.shape_cast %swap3A_1988 : vector<16xi32> to vector<16xi32>
      %swap3A_1990 = vector.shape_cast %add3A_1986 : vector<16xi32> to vector<16xi32>
      tpu.vector_store %arg8[%swap3A_1987], %swap3A_1990 {strides = array<i32>} : memref<10000xi32, #tpu.memory_space<vmem>>, vector<16xi32>,
    }
    %scan3A_174 = arith.constant 120 : i32
    %scan3A_175 = arith.addi %scan3A_170, %scan3A_174 : i32
    %mul3A_176 = arith.constant 16 : i32
    %mul3A_177 = arith.muli %scan3A_175, %mul3A_176 : i32
    %get3A_178 = arith.index_cast %mul3A_177 : i32 to index
    %get3A_179 = tpu.vector_load %arg9[%get3A_178] {strides = array<i32>} : memref<10000xi32, #tpu.memory_space<vmem>>, vector<16xi32>,
    %get3A_180 = vector.shape_cast %get3A_179 : vector<16xi32> to vector<16xi32>
    %mul3A_181 = arith.constant 10112 : i32
    %mul3A_182 = vector.broadcast %mul3A_181 : i32 to vector<16xi32>
    %mul3A_183 = arith.muli %get3A_180, %mul3A_182 : vector<16xi32>
    %get3A_184 = arith.index_cast %mul3A_177 : i32 to index
    %get3A_185 = tpu.vector_load %arg7[%get3A_184] {strides = array<i32>} : memref<10000xi32, #tpu.memory_space<vmem>>, vector<16xi32>,
    %get3A_186 = vector.shape_cast %get3A_185 : vector<16xi32> to vector<16xi32>
    %add3A_187 = arith.addi %mul3A_183, %get3A_186 : vector<16xi32>
    %swap3A_188 = arith.index_cast %mul3A_177 : i32 to index
    %swap3A_189 = tpu.vector_load %arg7[%swap3A_188] {strides = array<i32>} : memref<10000xi32, #tpu.memory_space<vmem>>, vector<16xi32>,
    %swap3A_190 = vector.shape_cast %swap3A_189 : vector<16xi32> to vector<16xi32>
    %swap3A_191 = vector.shape_cast %add3A_187 : vector<16xi32> to vector<16xi32>
    tpu.vector_store %arg7[%swap3A_188], %swap3A_191 {strides = array<i32>} : memref<10000xi32, #tpu.memory_space<vmem>>, vector<16xi32>,
    %get3A_192 = arith.index_cast %mul3A_177 : i32 to index
    %get3A_193 = tpu.vector_load %arg8[%get3A_192] {strides = array<i32>} : memref<10000xi32, #tpu.memory_space<vmem>>, vector<16xi32>,
    %get3A_194 = vector.shape_cast %get3A_193 : vector<16xi32> to vector<16xi32>
    %add3A_195 = arith.constant 161792 : i32
    %add3A_196 = vector.broadcast %add3A_195 : i32 to vector<16xi32>
    %add3A_197 = arith.addi %get3A_194, %add3A_196 : vector<16xi32>
    %add3A_198 = arith.addi %mul3A_183, %add3A_197 : vector<16xi32>
    %swap3A_199 = arith.index_cast %mul3A_177 : i32 to index
    %swap3A_200 = tpu.vector_load %arg8[%swap3A_199] {strides = array<i32>} : memref<10000xi32, #tpu.memory_space<vmem>>, vector<16xi32>,
    %swap3A_201 = vector.shape_cast %swap3A_200 : vector<16xi32> to vector<16xi32>
    %swap3A_202 = vector.shape_cast %add3A_198 : vector<16xi32> to vector<16xi32>
    tpu.vector_store %arg8[%swap3A_199], %swap3A_202 {strides = array<i32>} : memref<10000xi32, #tpu.memory_space<vmem>>, vector<16xi32>,
    %scan3A_203 = arith.constant 121 : i32
    %scan3A_204 = arith.addi %scan3A_170, %scan3A_203 : i32
    %mul3A_205 = arith.constant 16 : i32
    %mul3A_206 = arith.muli %scan3A_204, %mul3A_205 : i32
    %get3A_207 = arith.index_cast %mul3A_206 : i32 to index
    %get3A_208 = tpu.vector_load %arg9[%get3A_207] {strides = array<i32>} : memref<10000xi32, #tpu.memory_space<vmem>>, vector<16xi32>,
    %get3A_209 = vector.shape_cast %get3A_208 : vector<16xi32> to vector<16xi32>
    %mul3A_210 = arith.constant 10112 : i32
    %mul3A_211 = vector.broadcast %mul3A_210 : i32 to vector<16xi32>
    %mul3A_212 = arith.muli %get3A_209, %mul3A_211 : vector<16xi32>
    %get3A_213 = arith.index_cast %mul3A_206 : i32 to index
    %get3A_214 = tpu.vector_load %arg7[%get3A_213] {strides = array<i32>} : memref<10000xi32, #tpu.memory_space<vmem>>, vector<16xi32>,
    %get3A_215 = vector.shape_cast %get3A_214 : vector<16xi32> to vector<16xi32>
    %add3A_216 = arith.addi %mul3A_212, %get3A_215 : vector<16xi32>
    %swap3A_217 = arith.index_cast %mul3A_206 : i32 to index
    %swap3A_218 = tpu.vector_load %arg7[%swap3A_217] {strides = array<i32>} : memref<10000xi32, #tpu.memory_space<vmem>>, vector<16xi32>,
    %swap3A_219 = vector.shape_cast %swap3A_218 : vector<16xi32> to vector<16xi32>
    %swap3A_220 = vector.shape_cast %add3A_216 : vector<16xi32> to vector<16xi32>
    tpu.vector_store %arg7[%swap3A_217], %swap3A_220 {strides = array<i32>} : memref<10000xi32, #tpu.memory_space<vmem>>, vector<16xi32>,
    %get3A_221 = arith.index_cast %mul3A_206 : i32 to index
    %get3A_222 = tpu.vector_load %arg8[%get3A_221] {strides = array<i32>} : memref<10000xi32, #tpu.memory_space<vmem>>, vector<16xi32>,
    %get3A_223 = vector.shape_cast %get3A_222 : vector<16xi32> to vector<16xi32>
    %add3A_224 = arith.constant 161792 : i32
    %add3A_225 = vector.broadcast %add3A_224 : i32 to vector<16xi32>
    %add3A_226 = arith.addi %get3A_223, %add3A_225 : vector<16xi32>
    %add3A_227 = arith.addi %mul3A_212, %add3A_226 : vector<16xi32>
    %swap3A_228 = arith.index_cast %mul3A_206 : i32 to index
    %swap3A_229 = tpu.vector_load %arg8[%swap3A_228] {strides = array<i32>} : memref<10000xi32, #tpu.memory_space<vmem>>, vector<16xi32>,
    %swap3A_230 = vector.shape_cast %swap3A_229 : vector<16xi32> to vector<16xi32>
    %swap3A_231 = vector.shape_cast %add3A_227 : vector<16xi32> to vector<16xi32>
    tpu.vector_store %arg8[%swap3A_228], %swap3A_231 {strides = array<i32>} : memref<10000xi32, #tpu.memory_space<vmem>>, vector<16xi32>,
    %scan3A_232 = arith.constant 122 : i32
    %scan3A_233 = arith.addi %scan3A_170, %scan3A_232 : i32
    %mul3A_234 = arith.constant 16 : i32
    %mul3A_235 = arith.muli %scan3A_233, %mul3A_234 : i32
    %get3A_236 = arith.index_cast %mul3A_235 : i32 to index
    %get3A_237 = tpu.vector_load %arg9[%get3A_236] {strides = array<i32>} : memref<10000xi32, #tpu.memory_space<vmem>>, vector<16xi32>,
    %get3A_238 = vector.shape_cast %get3A_237 : vector<16xi32> to vector<16xi32>
    %mul3A_239 = arith.constant 10112 : i32
    %mul3A_240 = vector.broadcast %mul3A_239 : i32 to vector<16xi32>
    %mul3A_241 = arith.muli %get3A_238, %mul3A_240 : vector<16xi32>
    %get3A_242 = arith.index_cast %mul3A_235 : i32 to index
    %get3A_243 = tpu.vector_load %arg7[%get3A_242] {strides = array<i32>} : memref<10000xi32, #tpu.memory_space<vmem>>, vector<16xi32>,
    %get3A_244 = vector.shape_cast %get3A_243 : vector<16xi32> to vector<16xi32>
    %add3A_245 = arith.addi %mul3A_241, %get3A_244 : vector<16xi32>
    %swap3A_246 = arith.index_cast %mul3A_235 : i32 to index
    %swap3A_247 = tpu.vector_load %arg7[%swap3A_246] {strides = array<i32>} : memref<10000xi32, #tpu.memory_space<vmem>>, vector<16xi32>,
    %swap3A_248 = vector.shape_cast %swap3A_247 : vector<16xi32> to vector<16xi32>
    %swap3A_249 = vector.shape_cast %add3A_245 : vector<16xi32> to vector<16xi32>
    tpu.vector_store %arg7[%swap3A_246], %swap3A_249 {strides = array<i32>} : memref<10000xi32, #tpu.memory_space<vmem>>, vector<16xi32>,
    %get3A_250 = arith.index_cast %mul3A_235 : i32 to index
    %get3A_251 = tpu.vector_load %arg8[%get3A_250] {strides = array<i32>} : memref<10000xi32, #tpu.memory_space<vmem>>, vector<16xi32>,
    %get3A_252 = vector.shape_cast %get3A_251 : vector<16xi32> to vector<16xi32>
    %add3A_253 = arith.constant 161792 : i32
    %add3A_254 = vector.broadcast %add3A_253 : i32 to vector<16xi32>
    %add3A_255 = arith.addi %get3A_252, %add3A_254 : vector<16xi32>
    %add3A_256 = arith.addi %mul3A_241, %add3A_255 : vector<16xi32>
    %swap3A_257 = arith.index_cast %mul3A_235 : i32 to index
    %swap3A_258 = tpu.vector_load %arg8[%swap3A_257] {strides = array<i32>} : memref<10000xi32, #tpu.memory_space<vmem>>, vector<16xi32>,
    %swap3A_259 = vector.shape_cast %swap3A_258 : vector<16xi32> to vector<16xi32>
    %swap3A_260 = vector.shape_cast %add3A_256 : vector<16xi32> to vector<16xi32>
    tpu.vector_store %arg8[%swap3A_257], %swap3A_260 {strides = array<i32>} : memref<10000xi32, #tpu.memory_space<vmem>>, vector<16xi32>,
    %scan3A_261 = arith.constant 123 : i32
    %scan3A_262 = arith.addi %scan3A_170, %scan3A_261 : i32
    %mul3A_263 = arith.constant 16 : i32
    %mul3A_264 = arith.muli %scan3A_262, %mul3A_263 : i32
    %get3A_265 = arith.index_cast %mul3A_264 : i32 to index
    %get3A_266 = tpu.vector_load %arg9[%get3A_265] {strides = array<i32>} : memref<10000xi32, #tpu.memory_space<vmem>>, vector<16xi32>,
    %get3A_267 = vector.shape_cast %get3A_266 : vector<16xi32> to vector<16xi32>
    %mul3A_268 = arith.constant 10112 : i32
    %mul3A_269 = vector.broadcast %mul3A_268 : i32 to vector<16xi32>
    %mul3A_270 = arith.muli %get3A_267, %mul3A_269 : vector<16xi32>
    %get3A_271 = arith.index_cast %mul3A_264 : i32 to index
    %get3A_272 = tpu.vector_load %arg7[%get3A_271] {strides = array<i32>} : memref<10000xi32, #tpu.memory_space<vmem>>, vector<16xi32>,
    %get3A_273 = vector.shape_cast %get3A_272 : vector<16xi32> to vector<16xi32>
    %add3A_274 = arith.addi %mul3A_270, %get3A_273 : vector<16xi32>
    %swap3A_275 = arith.index_cast %mul3A_264 : i32 to index
    %swap3A_276 = tpu.vector_load %arg7[%swap3A_275] {strides = array<i32>} : memref<10000xi32, #tpu.memory_space<vmem>>, vector<16xi32>,
    %swap3A_277 = vector.shape_cast %swap3A_276 : vector<16xi32> to vector<16xi32>
    %swap3A_278 = vector.shape_cast %add3A_274 : vector<16xi32> to vector<16xi32>
    tpu.vector_store %arg7[%swap3A_275], %swap3A_278 {strides = array<i32>} : memref<10000xi32, #tpu.memory_space<vmem>>, vector<16xi32>,
    %get3A_279 = arith.index_cast %mul3A_264 : i32 to index
    %get3A_280 = tpu.vector_load %arg8[%get3A_279] {strides = array<i32>} : memref<10000xi32, #tpu.memory_space<vmem>>, vector<16xi32>,
    %get3A_281 = vector.shape_cast %get3A_280 : vector<16xi32> to vector<16xi32>
    %add3A_282 = arith.constant 161792 : i32
    %add3A_283 = vector.broadcast %add3A_282 : i32 to vector<16xi32>
    %add3A_284 = arith.addi %get3A_281, %add3A_283 : vector<16xi32>
    %add3A_285 = arith.addi %mul3A_270, %add3A_284 : vector<16xi32>
    %swap3A_286 = arith.index_cast %mul3A_264 : i32 to index
    %swap3A_287 = tpu.vector_load %arg8[%swap3A_286] {strides = array<i32>} : memref<10000xi32, #tpu.memory_space<vmem>>, vector<16xi32>,
    %swap3A_288 = vector.shape_cast %swap3A_287 : vector<16xi32> to vector<16xi32>
    %swap3A_289 = vector.shape_cast %add3A_285 : vector<16xi32> to vector<16xi32>
    tpu.vector_store %arg8[%swap3A_286], %swap3A_289 {strides = array<i32>} : memref<10000xi32, #tpu.memory_space<vmem>>, vector<16xi32>,
    %scan3A_290 = arith.constant 124 : i32
    %scan3A_291 = arith.addi %scan3A_170, %scan3A_290 : i32
    %mul3A_292 = arith.constant 16 : i32
    %mul3A_293 = arith.muli %scan3A_291, %mul3A_292 : i32
    %get3A_294 = arith.index_cast %mul3A_293 : i32 to index
    %get3A_295 = tpu.vector_load %arg9[%get3A_294] {strides = array<i32>} : memref<10000xi32, #tpu.memory_space<vmem>>, vector<16xi32>,
    %get3A_296 = vector.shape_cast %get3A_295 : vector<16xi32> to vector<16xi32>
    %mul3A_297 = arith.constant 10112 : i32
    %mul3A_298 = vector.broadcast %mul3A_297 : i32 to vector<16xi32>
    %mul3A_299 = arith.muli %get3A_296, %mul3A_298 : vector<16xi32>
    %get3A_300 = arith.index_cast %mul3A_293 : i32 to index
    %get3A_301 = tpu.vector_load %arg7[%get3A_300] {strides = array<i32>} : memref<10000xi32, #tpu.memory_space<vmem>>, vector<16xi32>,
    %get3A_302 = vector.shape_cast %get3A_301 : vector<16xi32> to vector<16xi32>
    %add3A_303 = arith.addi %mul3A_299, %get3A_302 : vector<16xi32>
    %swap3A_304 = arith.index_cast %mul3A_293 : i32 to index
    %swap3A_305 = tpu.vector_load %arg7[%swap3A_304] {strides = array<i32>} : memref<10000xi32, #tpu.memory_space<vmem>>, vector<16xi32>,
    %swap3A_306 = vector.shape_cast %swap3A_305 : vector<16xi32> to vector<16xi32>
    %swap3A_307 = vector.shape_cast %add3A_303 : vector<16xi32> to vector<16xi32>
    tpu.vector_store %arg7[%swap3A_304], %swap3A_307 {strides = array<i32>} : memref<10000xi32, #tpu.memory_space<vmem>>, vector<16xi32>,
    %get3A_308 = arith.index_cast %mul3A_293 : i32 to index
    %get3A_309 = tpu.vector_load %arg8[%get3A_308] {strides = array<i32>} : memref<10000xi32, #tpu.memory_space<vmem>>, vector<16xi32>,
    %get3A_310 = vector.shape_cast %get3A_309 : vector<16xi32> to vector<16xi32>
    %add3A_311 = arith.constant 161792 : i32
    %add3A_312 = vector.broadcast %add3A_311 : i32 to vector<16xi32>
    %add3A_313 = arith.addi %get3A_310, %add3A_312 : vector<16xi32>
    %add3A_314 = arith.addi %mul3A_299, %add3A_313 : vector<16xi32>
    %swap3A_315 = arith.index_cast %mul3A_293 : i32 to index
    %swap3A_316 = tpu.vector_load %arg8[%swap3A_315] {strides = array<i32>} : memref<10000xi32, #tpu.memory_space<vmem>>, vector<16xi32>,
    %swap3A_317 = vector.shape_cast %swap3A_316 : vector<16xi32> to vector<16xi32>
    %swap3A_318 = vector.shape_cast %add3A_314 : vector<16xi32> to vector<16xi32>
    tpu.vector_store %arg8[%swap3A_315], %swap3A_318 {strides = array<i32>} : memref<10000xi32, #tpu.memory_space<vmem>>, vector<16xi32>,
    %scan3A_319 = arith.constant 125 : i32
    %dma_start3A_320 = arith.constant 2000 : i32
    %dma_start3A_321 = tpu.memref_slice %arg11[%dma_start3A_320] : memref<10000xf32, #tpu.memory_space<vmem>> -> memref<2000xf32, #tpu.memory_space<vmem>>
    %dma_start3A_322 = arith.constant 2000 : i32
    %dma_start3A_323 = tpu.memref_slice %arg7[%dma_start3A_322] : memref<10000xi32, #tpu.memory_space<vmem>> -> memref<2000xi32, #tpu.memory_space<vmem>>
    %dma_start3A_324 = arith.constant 0 : i32
    %dma_start3A_325 = tpu.memref_slice %arg13[%dma_start3A_324] : memref<323584xf32, #tpu.memory_space<vmem_shared>> -> memref<323584xf32, #tpu.memory_space<vmem_shared>>
    tpu.enqueue_indirect_dma source(%dma_start3A_325 : memref<323584xf32, #tpu.memory_space<vmem_shared>>) target(%dma_start3A_321 : memref<2000xf32, #tpu.memory_space<vmem>>) offsets(%dma_start3A_323 : memref<2000xi32, #tpu.memory_space<vmem>>) semaphore(%arg14 : memref<!tpu.dma_semaphore, #tpu.memory_space<semaphore_mem>>)
    %dma_start3A_326 = arith.constant 2000 : i32
    %dma_start3A_327 = tpu.memref_slice %arg12[%dma_start3A_326] : memref<10000xf32, #tpu.memory_space<vmem>> -> memref<2000xf32, #tpu.memory_space<vmem>>
    %dma_start3A_328 = arith.constant 2000 : i32
    %dma_start3A_329 = tpu.memref_slice %arg8[%dma_start3A_328] : memref<10000xi32, #tpu.memory_space<vmem>> -> memref<2000xi32, #tpu.memory_space<vmem>>
    %dma_start3A_330 = arith.constant 0 : i32
    %dma_start3A_331 = tpu.memref_slice %arg13[%dma_start3A_330] : memref<323584xf32, #tpu.memory_space<vmem_shared>> -> memref<323584xf32, #tpu.memory_space<vmem_shared>>
    tpu.enqueue_indirect_dma source(%dma_start3A_331 : memref<323584xf32, #tpu.memory_space<vmem_shared>>) target(%dma_start3A_327 : memref<2000xf32, #tpu.memory_space<vmem>>) offsets(%dma_start3A_329 : memref<2000xi32, #tpu.memory_space<vmem>>) semaphore(%arg15 : memref<!tpu.dma_semaphore, #tpu.memory_space<semaphore_mem>>)
    %scan3A_332 = arith.constant 0 : i32
    %scan3A_333 = arith.constant 250 : i32
    %scan3A_334 = arith.constant 120 : i32
    %scan3A_335 = arith.addi %scan3A_333, %scan3A_334 : i32
    %scan3A_336 = arith.constant 8 : i32
    scf.for %scan3A_1760 = %scan3A_333 to %scan3A_335 step %scan3A_336  : i32 {
      %mul3A_1761 = arith.constant 16 : i32
      %mul3A_1762 = arith.muli %scan3A_1760, %mul3A_1761 : i32
      %get3A_1763 = arith.index_cast %mul3A_1762 : i32 to index
      %get3A_1764 = tpu.vector_load %arg9[%get3A_1763] {strides = array<i32>} : memref<10000xi32, #tpu.memory_space<vmem>>, vector<16xi32>,
      %get3A_1765 = vector.shape_cast %get3A_1764 : vector<16xi32> to vector<16xi32>
      %mul3A_1766 = arith.constant 10112 : i32
      %mul3A_1767 = vector.broadcast %mul3A_1766 : i32 to vector<16xi32>
      %mul3A_1768 = arith.muli %get3A_1765, %mul3A_1767 : vector<16xi32>
      %get3A_1769 = arith.index_cast %mul3A_1762 : i32 to index
      %get3A_1770 = tpu.vector_load %arg7[%get3A_1769] {strides = array<i32>} : memref<10000xi32, #tpu.memory_space<vmem>>, vector<16xi32>,
      %get3A_1771 = vector.shape_cast %get3A_1770 : vector<16xi32> to vector<16xi32>
      %add3A_1772 = arith.addi %mul3A_1768, %get3A_1771 : vector<16xi32>
      %swap3A_1773 = arith.index_cast %mul3A_1762 : i32 to index
      %swap3A_1774 = tpu.vector_load %arg7[%swap3A_1773] {strides = array<i32>} : memref<10000xi32, #tpu.memory_space<vmem>>, vector<16xi32>,
      %swap3A_1775 = vector.shape_cast %swap3A_1774 : vector<16xi32> to vector<16xi32>
      %swap3A_1776 = vector.shape_cast %add3A_1772 : vector<16xi32> to vector<16xi32>
      tpu.vector_store %arg7[%swap3A_1773], %swap3A_1776 {strides = array<i32>} : memref<10000xi32, #tpu.memory_space<vmem>>, vector<16xi32>,
      %get3A_1777 = arith.index_cast %mul3A_1762 : i32 to index
      %get3A_1778 = tpu.vector_load %arg8[%get3A_1777] {strides = array<i32>} : memref<10000xi32, #tpu.memory_space<vmem>>, vector<16xi32>,
      %get3A_1779 = vector.shape_cast %get3A_1778 : vector<16xi32> to vector<16xi32>
      %add3A_1780 = arith.constant 161792 : i32
      %add3A_1781 = vector.broadcast %add3A_1780 : i32 to vector<16xi32>
      %add3A_1782 = arith.addi %get3A_1779, %add3A_1781 : vector<16xi32>
      %add3A_1783 = arith.addi %mul3A_1768, %add3A_1782 : vector<16xi32>
      %swap3A_1784 = arith.index_cast %mul3A_1762 : i32 to index
      %swap3A_1785 = tpu.vector_load %arg8[%swap3A_1784] {strides = array<i32>} : memref<10000xi32, #tpu.memory_space<vmem>>, vector<16xi32>,
      %swap3A_1786 = vector.shape_cast %swap3A_1785 : vector<16xi32> to vector<16xi32>
      %swap3A_1787 = vector.shape_cast %add3A_1783 : vector<16xi32> to vector<16xi32>
      tpu.vector_store %arg8[%swap3A_1784], %swap3A_1787 {strides = array<i32>} : memref<10000xi32, #tpu.memory_space<vmem>>, vector<16xi32>,
      %scan3A_1788 = arith.constant 1 : i32
      %scan3A_1789 = arith.addi %scan3A_1760, %scan3A_1788 : i32
      %mul3A_1790 = arith.constant 16 : i32
      %mul3A_1791 = arith.muli %scan3A_1789, %mul3A_1790 : i32
      %get3A_1792 = arith.index_cast %mul3A_1791 : i32 to index
      %get3A_1793 = tpu.vector_load %arg9[%get3A_1792] {strides = array<i32>} : memref<10000xi32, #tpu.memory_space<vmem>>, vector<16xi32>,
      %get3A_1794 = vector.shape_cast %get3A_1793 : vector<16xi32> to vector<16xi32>
      %mul3A_1795 = arith.constant 10112 : i32
      %mul3A_1796 = vector.broadcast %mul3A_1795 : i32 to vector<16xi32>
      %mul3A_1797 = arith.muli %get3A_1794, %mul3A_1796 : vector<16xi32>
      %get3A_1798 = arith.index_cast %mul3A_1791 : i32 to index
      %get3A_1799 = tpu.vector_load %arg7[%get3A_1798] {strides = array<i32>} : memref<10000xi32, #tpu.memory_space<vmem>>, vector<16xi32>,
      %get3A_1800 = vector.shape_cast %get3A_1799 : vector<16xi32> to vector<16xi32>
      %add3A_1801 = arith.addi %mul3A_1797, %get3A_1800 : vector<16xi32>
      %swap3A_1802 = arith.index_cast %mul3A_1791 : i32 to index
      %swap3A_1803 = tpu.vector_load %arg7[%swap3A_1802] {strides = array<i32>} : memref<10000xi32, #tpu.memory_space<vmem>>, vector<16xi32>,
      %swap3A_1804 = vector.shape_cast %swap3A_1803 : vector<16xi32> to vector<16xi32>
      %swap3A_1805 = vector.shape_cast %add3A_1801 : vector<16xi32> to vector<16xi32>
      tpu.vector_store %arg7[%swap3A_1802], %swap3A_1805 {strides = array<i32>} : memref<10000xi32, #tpu.memory_space<vmem>>, vector<16xi32>,
      %get3A_1806 = arith.index_cast %mul3A_1791 : i32 to index
      %get3A_1807 = tpu.vector_load %arg8[%get3A_1806] {strides = array<i32>} : memref<10000xi32, #tpu.memory_space<vmem>>, vector<16xi32>,
      %get3A_1808 = vector.shape_cast %get3A_1807 : vector<16xi32> to vector<16xi32>
      %add3A_1809 = arith.constant 161792 : i32
      %add3A_1810 = vector.broadcast %add3A_1809 : i32 to vector<16xi32>
      %add3A_1811 = arith.addi %get3A_1808, %add3A_1810 : vector<16xi32>
      %add3A_1812 = arith.addi %mul3A_1797, %add3A_1811 : vector<16xi32>
      %swap3A_1813 = arith.index_cast %mul3A_1791 : i32 to index
      %swap3A_1814 = tpu.vector_load %arg8[%swap3A_1813] {strides = array<i32>} : memref<10000xi32, #tpu.memory_space<vmem>>, vector<16xi32>,
      %swap3A_1815 = vector.shape_cast %swap3A_1814 : vector<16xi32> to vector<16xi32>
      %swap3A_1816 = vector.shape_cast %add3A_1812 : vector<16xi32> to vector<16xi32>
      tpu.vector_store %arg8[%swap3A_1813], %swap3A_1816 {strides = array<i32>} : memref<10000xi32, #tpu.memory_space<vmem>>, vector<16xi32>,
      %scan3A_1817 = arith.constant 2 : i32
      %scan3A_1818 = arith.addi %scan3A_1760, %scan3A_1817 : i32
      %mul3A_1819 = arith.constant 16 : i32
      %mul3A_1820 = arith.muli %scan3A_1818, %mul3A_1819 : i32
      %get3A_1821 = arith.index_cast %mul3A_1820 : i32 to index
      %get3A_1822 = tpu.vector_load %arg9[%get3A_1821] {strides = array<i32>} : memref<10000xi32, #tpu.memory_space<vmem>>, vector<16xi32>,
      %get3A_1823 = vector.shape_cast %get3A_1822 : vector<16xi32> to vector<16xi32>
      %mul3A_1824 = arith.constant 10112 : i32
      %mul3A_1825 = vector.broadcast %mul3A_1824 : i32 to vector<16xi32>
      %mul3A_1826 = arith.muli %get3A_1823, %mul3A_1825 : vector<16xi32>
      %get3A_1827 = arith.index_cast %mul3A_1820 : i32 to index
      %get3A_1828 = tpu.vector_load %arg7[%get3A_1827] {strides = array<i32>} : memref<10000xi32, #tpu.memory_space<vmem>>, vector<16xi32>,
      %get3A_1829 = vector.shape_cast %get3A_1828 : vector<16xi32> to vector<16xi32>
      %add3A_1830 = arith.addi %mul3A_1826, %get3A_1829 : vector<16xi32>
      %swap3A_1831 = arith.index_cast %mul3A_1820 : i32 to index
      %swap3A_1832 = tpu.vector_load %arg7[%swap3A_1831] {strides = array<i32>} : memref<10000xi32, #tpu.memory_space<vmem>>, vector<16xi32>,
      %swap3A_1833 = vector.shape_cast %swap3A_1832 : vector<16xi32> to vector<16xi32>
      %swap3A_1834 = vector.shape_cast %add3A_1830 : vector<16xi32> to vector<16xi32>
      tpu.vector_store %arg7[%swap3A_1831], %swap3A_1834 {strides = array<i32>} : memref<10000xi32, #tpu.memory_space<vmem>>, vector<16xi32>,
      %get3A_1835 = arith.index_cast %mul3A_1820 : i32 to index
      %get3A_1836 = tpu.vector_load %arg8[%get3A_1835] {strides = array<i32>} : memref<10000xi32, #tpu.memory_space<vmem>>, vector<16xi32>,
      %get3A_1837 = vector.shape_cast %get3A_1836 : vector<16xi32> to vector<16xi32>
      %add3A_1838 = arith.constant 161792 : i32
      %add3A_1839 = vector.broadcast %add3A_1838 : i32 to vector<16xi32>
      %add3A_1840 = arith.addi %get3A_1837, %add3A_1839 : vector<16xi32>
      %add3A_1841 = arith.addi %mul3A_1826, %add3A_1840 : vector<16xi32>
      %swap3A_1842 = arith.index_cast %mul3A_1820 : i32 to index
      %swap3A_1843 = tpu.vector_load %arg8[%swap3A_1842] {strides = array<i32>} : memref<10000xi32, #tpu.memory_space<vmem>>, vector<16xi32>,
      %swap3A_1844 = vector.shape_cast %swap3A_1843 : vector<16xi32> to vector<16xi32>
      %swap3A_1845 = vector.shape_cast %add3A_1841 : vector<16xi32> to vector<16xi32>
      tpu.vector_store %arg8[%swap3A_1842], %swap3A_1845 {strides = array<i32>} : memref<10000xi32, #tpu.memory_space<vmem>>, vector<16xi32>,
      %scan3A_1846 = arith.constant 3 : i32
      %scan3A_1847 = arith.addi %scan3A_1760, %scan3A_1846 : i32
      %mul3A_1848 = arith.constant 16 : i32
      %mul3A_1849 = arith.muli %scan3A_1847, %mul3A_1848 : i32
      %get3A_1850 = arith.index_cast %mul3A_1849 : i32 to index
      %get3A_1851 = tpu.vector_load %arg9[%get3A_1850] {strides = array<i32>} : memref<10000xi32, #tpu.memory_space<vmem>>, vector<16xi32>,
      %get3A_1852 = vector.shape_cast %get3A_1851 : vector<16xi32> to vector<16xi32>
      %mul3A_1853 = arith.constant 10112 : i32
      %mul3A_1854 = vector.broadcast %mul3A_1853 : i32 to vector<16xi32>
      %mul3A_1855 = arith.muli %get3A_1852, %mul3A_1854 : vector<16xi32>
      %get3A_1856 = arith.index_cast %mul3A_1849 : i32 to index
      %get3A_1857 = tpu.vector_load %arg7[%get3A_1856] {strides = array<i32>} : memref<10000xi32, #tpu.memory_space<vmem>>, vector<16xi32>,
      %get3A_1858 = vector.shape_cast %get3A_1857 : vector<16xi32> to vector<16xi32>
      %add3A_1859 = arith.addi %mul3A_1855, %get3A_1858 : vector<16xi32>
      %swap3A_1860 = arith.index_cast %mul3A_1849 : i32 to index
      %swap3A_1861 = tpu.vector_load %arg7[%swap3A_1860] {strides = array<i32>} : memref<10000xi32, #tpu.memory_space<vmem>>, vector<16xi32>,
      %swap3A_1862 = vector.shape_cast %swap3A_1861 : vector<16xi32> to vector<16xi32>
      %swap3A_1863 = vector.shape_cast %add3A_1859 : vector<16xi32> to vector<16xi32>
      tpu.vector_store %arg7[%swap3A_1860], %swap3A_1863 {strides = array<i32>} : memref<10000xi32, #tpu.memory_space<vmem>>, vector<16xi32>,
      %get3A_1864 = arith.index_cast %mul3A_1849 : i32 to index
      %get3A_1865 = tpu.vector_load %arg8[%get3A_1864] {strides = array<i32>} : memref<10000xi32, #tpu.memory_space<vmem>>, vector<16xi32>,
      %get3A_1866 = vector.shape_cast %get3A_1865 : vector<16xi32> to vector<16xi32>
      %add3A_1867 = arith.constant 161792 : i32
      %add3A_1868 = vector.broadcast %add3A_1867 : i32 to vector<16xi32>
      %add3A_1869 = arith.addi %get3A_1866, %add3A_1868 : vector<16xi32>
      %add3A_1870 = arith.addi %mul3A_1855, %add3A_1869 : vector<16xi32>
      %swap3A_1871 = arith.index_cast %mul3A_1849 : i32 to index
      %swap3A_1872 = tpu.vector_load %arg8[%swap3A_1871] {strides = array<i32>} : memref<10000xi32, #tpu.memory_space<vmem>>, vector<16xi32>,
      %swap3A_1873 = vector.shape_cast %swap3A_1872 : vector<16xi32> to vector<16xi32>
      %swap3A_1874 = vector.shape_cast %add3A_1870 : vector<16xi32> to vector<16xi32>
      tpu.vector_store %arg8[%swap3A_1871], %swap3A_1874 {strides = array<i32>} : memref<10000xi32, #tpu.memory_space<vmem>>, vector<16xi32>,
      %scan3A_1875 = arith.constant 4 : i32
      %scan3A_1876 = arith.addi %scan3A_1760, %scan3A_1875 : i32
      %mul3A_1877 = arith.constant 16 : i32
      %mul3A_1878 = arith.muli %scan3A_1876, %mul3A_1877 : i32
      %get3A_1879 = arith.index_cast %mul3A_1878 : i32 to index
      %get3A_1880 = tpu.vector_load %arg9[%get3A_1879] {strides = array<i32>} : memref<10000xi32, #tpu.memory_space<vmem>>, vector<16xi32>,
      %get3A_1881 = vector.shape_cast %get3A_1880 : vector<16xi32> to vector<16xi32>
      %mul3A_1882 = arith.constant 10112 : i32
      %mul3A_1883 = vector.broadcast %mul3A_1882 : i32 to vector<16xi32>
      %mul3A_1884 = arith.muli %get3A_1881, %mul3A_1883 : vector<16xi32>
      %get3A_1885 = arith.index_cast %mul3A_1878 : i32 to index
      %get3A_1886 = tpu.vector_load %arg7[%get3A_1885] {strides = array<i32>} : memref<10000xi32, #tpu.memory_space<vmem>>, vector<16xi32>,
      %get3A_1887 = vector.shape_cast %get3A_1886 : vector<16xi32> to vector<16xi32>
      %add3A_1888 = arith.addi %mul3A_1884, %get3A_1887 : vector<16xi32>
      %swap3A_1889 = arith.index_cast %mul3A_1878 : i32 to index
      %swap3A_1890 = tpu.vector_load %arg7[%swap3A_1889] {strides = array<i32>} : memref<10000xi32, #tpu.memory_space<vmem>>, vector<16xi32>,
      %swap3A_1891 = vector.shape_cast %swap3A_1890 : vector<16xi32> to vector<16xi32>
      %swap3A_1892 = vector.shape_cast %add3A_1888 : vector<16xi32> to vector<16xi32>
      tpu.vector_store %arg7[%swap3A_1889], %swap3A_1892 {strides = array<i32>} : memref<10000xi32, #tpu.memory_space<vmem>>, vector<16xi32>,
      %get3A_1893 = arith.index_cast %mul3A_1878 : i32 to index
      %get3A_1894 = tpu.vector_load %arg8[%get3A_1893] {strides = array<i32>} : memref<10000xi32, #tpu.memory_space<vmem>>, vector<16xi32>,
      %get3A_1895 = vector.shape_cast %get3A_1894 : vector<16xi32> to vector<16xi32>
      %add3A_1896 = arith.constant 161792 : i32
      %add3A_1897 = vector.broadcast %add3A_1896 : i32 to vector<16xi32>
      %add3A_1898 = arith.addi %get3A_1895, %add3A_1897 : vector<16xi32>
      %add3A_1899 = arith.addi %mul3A_1884, %add3A_1898 : vector<16xi32>
      %swap3A_1900 = arith.index_cast %mul3A_1878 : i32 to index
      %swap3A_1901 = tpu.vector_load %arg8[%swap3A_1900] {strides = array<i32>} : memref<10000xi32, #tpu.memory_space<vmem>>, vector<16xi32>,
      %swap3A_1902 = vector.shape_cast %swap3A_1901 : vector<16xi32> to vector<16xi32>
      %swap3A_1903 = vector.shape_cast %add3A_1899 : vector<16xi32> to vector<16xi32>
      tpu.vector_store %arg8[%swap3A_1900], %swap3A_1903 {strides = array<i32>} : memref<10000xi32, #tpu.memory_space<vmem>>, vector<16xi32>,
      %scan3A_1904 = arith.constant 5 : i32
      %scan3A_1905 = arith.addi %scan3A_1760, %scan3A_1904 : i32
      %mul3A_1906 = arith.constant 16 : i32
      %mul3A_1907 = arith.muli %scan3A_1905, %mul3A_1906 : i32
      %get3A_1908 = arith.index_cast %mul3A_1907 : i32 to index
      %get3A_1909 = tpu.vector_load %arg9[%get3A_1908] {strides = array<i32>} : memref<10000xi32, #tpu.memory_space<vmem>>, vector<16xi32>,
      %get3A_1910 = vector.shape_cast %get3A_1909 : vector<16xi32> to vector<16xi32>
      %mul3A_1911 = arith.constant 10112 : i32
      %mul3A_1912 = vector.broadcast %mul3A_1911 : i32 to vector<16xi32>
      %mul3A_1913 = arith.muli %get3A_1910, %mul3A_1912 : vector<16xi32>
      %get3A_1914 = arith.index_cast %mul3A_1907 : i32 to index
      %get3A_1915 = tpu.vector_load %arg7[%get3A_1914] {strides = array<i32>} : memref<10000xi32, #tpu.memory_space<vmem>>, vector<16xi32>,
      %get3A_1916 = vector.shape_cast %get3A_1915 : vector<16xi32> to vector<16xi32>
      %add3A_1917 = arith.addi %mul3A_1913, %get3A_1916 : vector<16xi32>
      %swap3A_1918 = arith.index_cast %mul3A_1907 : i32 to index
      %swap3A_1919 = tpu.vector_load %arg7[%swap3A_1918] {strides = array<i32>} : memref<10000xi32, #tpu.memory_space<vmem>>, vector<16xi32>,
      %swap3A_1920 = vector.shape_cast %swap3A_1919 : vector<16xi32> to vector<16xi32>
      %swap3A_1921 = vector.shape_cast %add3A_1917 : vector<16xi32> to vector<16xi32>
      tpu.vector_store %arg7[%swap3A_1918], %swap3A_1921 {strides = array<i32>} : memref<10000xi32, #tpu.memory_space<vmem>>, vector<16xi32>,
      %get3A_1922 = arith.index_cast %mul3A_1907 : i32 to index
      %get3A_1923 = tpu.vector_load %arg8[%get3A_1922] {strides = array<i32>} : memref<10000xi32, #tpu.memory_space<vmem>>, vector<16xi32>,
      %get3A_1924 = vector.shape_cast %get3A_1923 : vector<16xi32> to vector<16xi32>
      %add3A_1925 = arith.constant 161792 : i32
      %add3A_1926 = vector.broadcast %add3A_1925 : i32 to vector<16xi32>
      %add3A_1927 = arith.addi %get3A_1924, %add3A_1926 : vector<16xi32>
      %add3A_1928 = arith.addi %mul3A_1913, %add3A_1927 : vector<16xi32>
      %swap3A_1929 = arith.index_cast %mul3A_1907 : i32 to index
      %swap3A_1930 = tpu.vector_load %arg8[%swap3A_1929] {strides = array<i32>} : memref<10000xi32, #tpu.memory_space<vmem>>, vector<16xi32>,
      %swap3A_1931 = vector.shape_cast %swap3A_1930 : vector<16xi32> to vector<16xi32>
      %swap3A_1932 = vector.shape_cast %add3A_1928 : vector<16xi32> to vector<16xi32>
      tpu.vector_store %arg8[%swap3A_1929], %swap3A_1932 {strides = array<i32>} : memref<10000xi32, #tpu.memory_space<vmem>>, vector<16xi32>,
      %scan3A_1933 = arith.constant 6 : i32
      %scan3A_1934 = arith.addi %scan3A_1760, %scan3A_1933 : i32
      %mul3A_1935 = arith.constant 16 : i32
      %mul3A_1936 = arith.muli %scan3A_1934, %mul3A_1935 : i32
      %get3A_1937 = arith.index_cast %mul3A_1936 : i32 to index
      %get3A_1938 = tpu.vector_load %arg9[%get3A_1937] {strides = array<i32>} : memref<10000xi32, #tpu.memory_space<vmem>>, vector<16xi32>,
      %get3A_1939 = vector.shape_cast %get3A_1938 : vector<16xi32> to vector<16xi32>
      %mul3A_1940 = arith.constant 10112 : i32
      %mul3A_1941 = vector.broadcast %mul3A_1940 : i32 to vector<16xi32>
      %mul3A_1942 = arith.muli %get3A_1939, %mul3A_1941 : vector<16xi32>
      %get3A_1943 = arith.index_cast %mul3A_1936 : i32 to index
      %get3A_1944 = tpu.vector_load %arg7[%get3A_1943] {strides = array<i32>} : memref<10000xi32, #tpu.memory_space<vmem>>, vector<16xi32>,
      %get3A_1945 = vector.shape_cast %get3A_1944 : vector<16xi32> to vector<16xi32>
      %add3A_1946 = arith.addi %mul3A_1942, %get3A_1945 : vector<16xi32>
      %swap3A_1947 = arith.index_cast %mul3A_1936 : i32 to index
      %swap3A_1948 = tpu.vector_load %arg7[%swap3A_1947] {strides = array<i32>} : memref<10000xi32, #tpu.memory_space<vmem>>, vector<16xi32>,
      %swap3A_1949 = vector.shape_cast %swap3A_1948 : vector<16xi32> to vector<16xi32>
      %swap3A_1950 = vector.shape_cast %add3A_1946 : vector<16xi32> to vector<16xi32>
      tpu.vector_store %arg7[%swap3A_1947], %swap3A_1950 {strides = array<i32>} : memref<10000xi32, #tpu.memory_space<vmem>>, vector<16xi32>,
      %get3A_1951 = arith.index_cast %mul3A_1936 : i32 to index
      %get3A_1952 = tpu.vector_load %arg8[%get3A_1951] {strides = array<i32>} : memref<10000xi32, #tpu.memory_space<vmem>>, vector<16xi32>,
      %get3A_1953 = vector.shape_cast %get3A_1952 : vector<16xi32> to vector<16xi32>
      %add3A_1954 = arith.constant 161792 : i32
      %add3A_1955 = vector.broadcast %add3A_1954 : i32 to vector<16xi32>
      %add3A_1956 = arith.addi %get3A_1953, %add3A_1955 : vector<16xi32>
      %add3A_1957 = arith.addi %mul3A_1942, %add3A_1956 : vector<16xi32>
      %swap3A_1958 = arith.index_cast %mul3A_1936 : i32 to index
      %swap3A_1959 = tpu.vector_load %arg8[%swap3A_1958] {strides = array<i32>} : memref<10000xi32, #tpu.memory_space<vmem>>, vector<16xi32>,
      %swap3A_1960 = vector.shape_cast %swap3A_1959 : vector<16xi32> to vector<16xi32>
      %swap3A_1961 = vector.shape_cast %add3A_1957 : vector<16xi32> to vector<16xi32>
      tpu.vector_store %arg8[%swap3A_1958], %swap3A_1961 {strides = array<i32>} : memref<10000xi32, #tpu.memory_space<vmem>>, vector<16xi32>,
      %scan3A_1962 = arith.constant 7 : i32
      %scan3A_1963 = arith.addi %scan3A_1760, %scan3A_1962 : i32
      %mul3A_1964 = arith.constant 16 : i32
      %mul3A_1965 = arith.muli %scan3A_1963, %mul3A_1964 : i32
      %get3A_1966 = arith.index_cast %mul3A_1965 : i32 to index
      %get3A_1967 = tpu.vector_load %arg9[%get3A_1966] {strides = array<i32>} : memref<10000xi32, #tpu.memory_space<vmem>>, vector<16xi32>,
      %get3A_1968 = vector.shape_cast %get3A_1967 : vector<16xi32> to vector<16xi32>
      %mul3A_1969 = arith.constant 10112 : i32
      %mul3A_1970 = vector.broadcast %mul3A_1969 : i32 to vector<16xi32>
      %mul3A_1971 = arith.muli %get3A_1968, %mul3A_1970 : vector<16xi32>
      %get3A_1972 = arith.index_cast %mul3A_1965 : i32 to index
      %get3A_1973 = tpu.vector_load %arg7[%get3A_1972] {strides = array<i32>} : memref<10000xi32, #tpu.memory_space<vmem>>, vector<16xi32>,
      %get3A_1974 = vector.shape_cast %get3A_1973 : vector<16xi32> to vector<16xi32>
      %add3A_1975 = arith.addi %mul3A_1971, %get3A_1974 : vector<16xi32>
      %swap3A_1976 = arith.index_cast %mul3A_1965 : i32 to index
      %swap3A_1977 = tpu.vector_load %arg7[%swap3A_1976] {strides = array<i32>} : memref<10000xi32, #tpu.memory_space<vmem>>, vector<16xi32>,
      %swap3A_1978 = vector.shape_cast %swap3A_1977 : vector<16xi32> to vector<16xi32>
      %swap3A_1979 = vector.shape_cast %add3A_1975 : vector<16xi32> to vector<16xi32>
      tpu.vector_store %arg7[%swap3A_1976], %swap3A_1979 {strides = array<i32>} : memref<10000xi32, #tpu.memory_space<vmem>>, vector<16xi32>,
      %get3A_1980 = arith.index_cast %mul3A_1965 : i32 to index
      %get3A_1981 = tpu.vector_load %arg8[%get3A_1980] {strides = array<i32>} : memref<10000xi32, #tpu.memory_space<vmem>>, vector<16xi32>,
      %get3A_1982 = vector.shape_cast %get3A_1981 : vector<16xi32> to vector<16xi32>
      %add3A_1983 = arith.constant 161792 : i32
      %add3A_1984 = vector.broadcast %add3A_1983 : i32 to vector<16xi32>
      %add3A_1985 = arith.addi %get3A_1982, %add3A_1984 : vector<16xi32>
      %add3A_1986 = arith.addi %mul3A_1971, %add3A_1985 : vector<16xi32>
      %swap3A_1987 = arith.index_cast %mul3A_1965 : i32 to index
      %swap3A_1988 = tpu.vector_load %arg8[%swap3A_1987] {strides = array<i32>} : memref<10000xi32, #tpu.memory_space<vmem>>, vector<16xi32>,
      %swap3A_1989 = vector.shape_cast %swap3A_1988 : vector<16xi32> to vector<16xi32>
      %swap3A_1990 = vector.shape_cast %add3A_1986 : vector<16xi32> to vector<16xi32>
      tpu.vector_store %arg8[%swap3A_1987], %swap3A_1990 {strides = array<i32>} : memref<10000xi32, #tpu.memory_space<vmem>>, vector<16xi32>,
    }
    %scan3A_337 = arith.constant 120 : i32
    %scan3A_338 = arith.addi %scan3A_333, %scan3A_337 : i32
    %mul3A_339 = arith.constant 16 : i32
    %mul3A_340 = arith.muli %scan3A_338, %mul3A_339 : i32
    %get3A_341 = arith.index_cast %mul3A_340 : i32 to index
    %get3A_342 = tpu.vector_load %arg9[%get3A_341] {strides = array<i32>} : memref<10000xi32, #tpu.memory_space<vmem>>, vector<16xi32>,
    %get3A_343 = vector.shape_cast %get3A_342 : vector<16xi32> to vector<16xi32>
    %mul3A_344 = arith.constant 10112 : i32
    %mul3A_345 = vector.broadcast %mul3A_344 : i32 to vector<16xi32>
    %mul3A_346 = arith.muli %get3A_343, %mul3A_345 : vector<16xi32>
    %get3A_347 = arith.index_cast %mul3A_340 : i32 to index
    %get3A_348 = tpu.vector_load %arg7[%get3A_347] {strides = array<i32>} : memref<10000xi32, #tpu.memory_space<vmem>>, vector<16xi32>,
    %get3A_349 = vector.shape_cast %get3A_348 : vector<16xi32> to vector<16xi32>
    %add3A_350 = arith.addi %mul3A_346, %get3A_349 : vector<16xi32>
    %swap3A_351 = arith.index_cast %mul3A_340 : i32 to index
    %swap3A_352 = tpu.vector_load %arg7[%swap3A_351] {strides = array<i32>} : memref<10000xi32, #tpu.memory_space<vmem>>, vector<16xi32>,
    %swap3A_353 = vector.shape_cast %swap3A_352 : vector<16xi32> to vector<16xi32>
    %swap3A_354 = vector.shape_cast %add3A_350 : vector<16xi32> to vector<16xi32>
    tpu.vector_store %arg7[%swap3A_351], %swap3A_354 {strides = array<i32>} : memref<10000xi32, #tpu.memory_space<vmem>>, vector<16xi32>,
    %get3A_355 = arith.index_cast %mul3A_340 : i32 to index
    %get3A_356 = tpu.vector_load %arg8[%get3A_355] {strides = array<i32>} : memref<10000xi32, #tpu.memory_space<vmem>>, vector<16xi32>,
    %get3A_357 = vector.shape_cast %get3A_356 : vector<16xi32> to vector<16xi32>
    %add3A_358 = arith.constant 161792 : i32
    %add3A_359 = vector.broadcast %add3A_358 : i32 to vector<16xi32>
    %add3A_360 = arith.addi %get3A_357, %add3A_359 : vector<16xi32>
    %add3A_361 = arith.addi %mul3A_346, %add3A_360 : vector<16xi32>
    %swap3A_362 = arith.index_cast %mul3A_340 : i32 to index
    %swap3A_363 = tpu.vector_load %arg8[%swap3A_362] {strides = array<i32>} : memref<10000xi32, #tpu.memory_space<vmem>>, vector<16xi32>,
    %swap3A_364 = vector.shape_cast %swap3A_363 : vector<16xi32> to vector<16xi32>
    %swap3A_365 = vector.shape_cast %add3A_361 : vector<16xi32> to vector<16xi32>
    tpu.vector_store %arg8[%swap3A_362], %swap3A_365 {strides = array<i32>} : memref<10000xi32, #tpu.memory_space<vmem>>, vector<16xi32>,
    %scan3A_366 = arith.constant 121 : i32
    %scan3A_367 = arith.addi %scan3A_333, %scan3A_366 : i32
    %mul3A_368 = arith.constant 16 : i32
    %mul3A_369 = arith.muli %scan3A_367, %mul3A_368 : i32
    %get3A_370 = arith.index_cast %mul3A_369 : i32 to index
    %get3A_371 = tpu.vector_load %arg9[%get3A_370] {strides = array<i32>} : memref<10000xi32, #tpu.memory_space<vmem>>, vector<16xi32>,
    %get3A_372 = vector.shape_cast %get3A_371 : vector<16xi32> to vector<16xi32>
    %mul3A_373 = arith.constant 10112 : i32
    %mul3A_374 = vector.broadcast %mul3A_373 : i32 to vector<16xi32>
    %mul3A_375 = arith.muli %get3A_372, %mul3A_374 : vector<16xi32>
    %get3A_376 = arith.index_cast %mul3A_369 : i32 to index
    %get3A_377 = tpu.vector_load %arg7[%get3A_376] {strides = array<i32>} : memref<10000xi32, #tpu.memory_space<vmem>>, vector<16xi32>,
    %get3A_378 = vector.shape_cast %get3A_377 : vector<16xi32> to vector<16xi32>
    %add3A_379 = arith.addi %mul3A_375, %get3A_378 : vector<16xi32>
    %swap3A_380 = arith.index_cast %mul3A_369 : i32 to index
    %swap3A_381 = tpu.vector_load %arg7[%swap3A_380] {strides = array<i32>} : memref<10000xi32, #tpu.memory_space<vmem>>, vector<16xi32>,
    %swap3A_382 = vector.shape_cast %swap3A_381 : vector<16xi32> to vector<16xi32>
    %swap3A_383 = vector.shape_cast %add3A_379 : vector<16xi32> to vector<16xi32>
    tpu.vector_store %arg7[%swap3A_380], %swap3A_383 {strides = array<i32>} : memref<10000xi32, #tpu.memory_space<vmem>>, vector<16xi32>,
    %get3A_384 = arith.index_cast %mul3A_369 : i32 to index
    %get3A_385 = tpu.vector_load %arg8[%get3A_384] {strides = array<i32>} : memref<10000xi32, #tpu.memory_space<vmem>>, vector<16xi32>,
    %get3A_386 = vector.shape_cast %get3A_385 : vector<16xi32> to vector<16xi32>
    %add3A_387 = arith.constant 161792 : i32
    %add3A_388 = vector.broadcast %add3A_387 : i32 to vector<16xi32>
    %add3A_389 = arith.addi %get3A_386, %add3A_388 : vector<16xi32>
    %add3A_390 = arith.addi %mul3A_375, %add3A_389 : vector<16xi32>
    %swap3A_391 = arith.index_cast %mul3A_369 : i32 to index
    %swap3A_392 = tpu.vector_load %arg8[%swap3A_391] {strides = array<i32>} : memref<10000xi32, #tpu.memory_space<vmem>>, vector<16xi32>,
    %swap3A_393 = vector.shape_cast %swap3A_392 : vector<16xi32> to vector<16xi32>
    %swap3A_394 = vector.shape_cast %add3A_390 : vector<16xi32> to vector<16xi32>
    tpu.vector_store %arg8[%swap3A_391], %swap3A_394 {strides = array<i32>} : memref<10000xi32, #tpu.memory_space<vmem>>, vector<16xi32>,
    %scan3A_395 = arith.constant 122 : i32
    %scan3A_396 = arith.addi %scan3A_333, %scan3A_395 : i32
    %mul3A_397 = arith.constant 16 : i32
    %mul3A_398 = arith.muli %scan3A_396, %mul3A_397 : i32
    %get3A_399 = arith.index_cast %mul3A_398 : i32 to index
    %get3A_400 = tpu.vector_load %arg9[%get3A_399] {strides = array<i32>} : memref<10000xi32, #tpu.memory_space<vmem>>, vector<16xi32>,
    %get3A_401 = vector.shape_cast %get3A_400 : vector<16xi32> to vector<16xi32>
    %mul3A_402 = arith.constant 10112 : i32
    %mul3A_403 = vector.broadcast %mul3A_402 : i32 to vector<16xi32>
    %mul3A_404 = arith.muli %get3A_401, %mul3A_403 : vector<16xi32>
    %get3A_405 = arith.index_cast %mul3A_398 : i32 to index
    %get3A_406 = tpu.vector_load %arg7[%get3A_405] {strides = array<i32>} : memref<10000xi32, #tpu.memory_space<vmem>>, vector<16xi32>,
    %get3A_407 = vector.shape_cast %get3A_406 : vector<16xi32> to vector<16xi32>
    %add3A_408 = arith.addi %mul3A_404, %get3A_407 : vector<16xi32>
    %swap3A_409 = arith.index_cast %mul3A_398 : i32 to index
    %swap3A_410 = tpu.vector_load %arg7[%swap3A_409] {strides = array<i32>} : memref<10000xi32, #tpu.memory_space<vmem>>, vector<16xi32>,
    %swap3A_411 = vector.shape_cast %swap3A_410 : vector<16xi32> to vector<16xi32>
    %swap3A_412 = vector.shape_cast %add3A_408 : vector<16xi32> to vector<16xi32>
    tpu.vector_store %arg7[%swap3A_409], %swap3A_412 {strides = array<i32>} : memref<10000xi32, #tpu.memory_space<vmem>>, vector<16xi32>,
    %get3A_413 = arith.index_cast %mul3A_398 : i32 to index
    %get3A_414 = tpu.vector_load %arg8[%get3A_413] {strides = array<i32>} : memref<10000xi32, #tpu.memory_space<vmem>>, vector<16xi32>,
    %get3A_415 = vector.shape_cast %get3A_414 : vector<16xi32> to vector<16xi32>
    %add3A_416 = arith.constant 161792 : i32
    %add3A_417 = vector.broadcast %add3A_416 : i32 to vector<16xi32>
    %add3A_418 = arith.addi %get3A_415, %add3A_417 : vector<16xi32>
    %add3A_419 = arith.addi %mul3A_404, %add3A_418 : vector<16xi32>
    %swap3A_420 = arith.index_cast %mul3A_398 : i32 to index
    %swap3A_421 = tpu.vector_load %arg8[%swap3A_420] {strides = array<i32>} : memref<10000xi32, #tpu.memory_space<vmem>>, vector<16xi32>,
    %swap3A_422 = vector.shape_cast %swap3A_421 : vector<16xi32> to vector<16xi32>
    %swap3A_423 = vector.shape_cast %add3A_419 : vector<16xi32> to vector<16xi32>
    tpu.vector_store %arg8[%swap3A_420], %swap3A_423 {strides = array<i32>} : memref<10000xi32, #tpu.memory_space<vmem>>, vector<16xi32>,
    %scan3A_424 = arith.constant 123 : i32
    %scan3A_425 = arith.addi %scan3A_333, %scan3A_424 : i32
    %mul3A_426 = arith.constant 16 : i32
    %mul3A_427 = arith.muli %scan3A_425, %mul3A_426 : i32
    %get3A_428 = arith.index_cast %mul3A_427 : i32 to index
    %get3A_429 = tpu.vector_load %arg9[%get3A_428] {strides = array<i32>} : memref<10000xi32, #tpu.memory_space<vmem>>, vector<16xi32>,
    %get3A_430 = vector.shape_cast %get3A_429 : vector<16xi32> to vector<16xi32>
    %mul3A_431 = arith.constant 10112 : i32
    %mul3A_432 = vector.broadcast %mul3A_431 : i32 to vector<16xi32>
    %mul3A_433 = arith.muli %get3A_430, %mul3A_432 : vector<16xi32>
    %get3A_434 = arith.index_cast %mul3A_427 : i32 to index
    %get3A_435 = tpu.vector_load %arg7[%get3A_434] {strides = array<i32>} : memref<10000xi32, #tpu.memory_space<vmem>>, vector<16xi32>,
    %get3A_436 = vector.shape_cast %get3A_435 : vector<16xi32> to vector<16xi32>
    %add3A_437 = arith.addi %mul3A_433, %get3A_436 : vector<16xi32>
    %swap3A_438 = arith.index_cast %mul3A_427 : i32 to index
    %swap3A_439 = tpu.vector_load %arg7[%swap3A_438] {strides = array<i32>} : memref<10000xi32, #tpu.memory_space<vmem>>, vector<16xi32>,
    %swap3A_440 = vector.shape_cast %swap3A_439 : vector<16xi32> to vector<16xi32>
    %swap3A_441 = vector.shape_cast %add3A_437 : vector<16xi32> to vector<16xi32>
    tpu.vector_store %arg7[%swap3A_438], %swap3A_441 {strides = array<i32>} : memref<10000xi32, #tpu.memory_space<vmem>>, vector<16xi32>,
    %get3A_442 = arith.index_cast %mul3A_427 : i32 to index
    %get3A_443 = tpu.vector_load %arg8[%get3A_442] {strides = array<i32>} : memref<10000xi32, #tpu.memory_space<vmem>>, vector<16xi32>,
    %get3A_444 = vector.shape_cast %get3A_443 : vector<16xi32> to vector<16xi32>
    %add3A_445 = arith.constant 161792 : i32
    %add3A_446 = vector.broadcast %add3A_445 : i32 to vector<16xi32>
    %add3A_447 = arith.addi %get3A_444, %add3A_446 : vector<16xi32>
    %add3A_448 = arith.addi %mul3A_433, %add3A_447 : vector<16xi32>
    %swap3A_449 = arith.index_cast %mul3A_427 : i32 to index
    %swap3A_450 = tpu.vector_load %arg8[%swap3A_449] {strides = array<i32>} : memref<10000xi32, #tpu.memory_space<vmem>>, vector<16xi32>,
    %swap3A_451 = vector.shape_cast %swap3A_450 : vector<16xi32> to vector<16xi32>
    %swap3A_452 = vector.shape_cast %add3A_448 : vector<16xi32> to vector<16xi32>
    tpu.vector_store %arg8[%swap3A_449], %swap3A_452 {strides = array<i32>} : memref<10000xi32, #tpu.memory_space<vmem>>, vector<16xi32>,
    %scan3A_453 = arith.constant 124 : i32
    %scan3A_454 = arith.addi %scan3A_333, %scan3A_453 : i32
    %mul3A_455 = arith.constant 16 : i32
    %mul3A_456 = arith.muli %scan3A_454, %mul3A_455 : i32
    %get3A_457 = arith.index_cast %mul3A_456 : i32 to index
    %get3A_458 = tpu.vector_load %arg9[%get3A_457] {strides = array<i32>} : memref<10000xi32, #tpu.memory_space<vmem>>, vector<16xi32>,
    %get3A_459 = vector.shape_cast %get3A_458 : vector<16xi32> to vector<16xi32>
    %mul3A_460 = arith.constant 10112 : i32
    %mul3A_461 = vector.broadcast %mul3A_460 : i32 to vector<16xi32>
    %mul3A_462 = arith.muli %get3A_459, %mul3A_461 : vector<16xi32>
    %get3A_463 = arith.index_cast %mul3A_456 : i32 to index
    %get3A_464 = tpu.vector_load %arg7[%get3A_463] {strides = array<i32>} : memref<10000xi32, #tpu.memory_space<vmem>>, vector<16xi32>,
    %get3A_465 = vector.shape_cast %get3A_464 : vector<16xi32> to vector<16xi32>
    %add3A_466 = arith.addi %mul3A_462, %get3A_465 : vector<16xi32>
    %swap3A_467 = arith.index_cast %mul3A_456 : i32 to index
    %swap3A_468 = tpu.vector_load %arg7[%swap3A_467] {strides = array<i32>} : memref<10000xi32, #tpu.memory_space<vmem>>, vector<16xi32>,
    %swap3A_469 = vector.shape_cast %swap3A_468 : vector<16xi32> to vector<16xi32>
    %swap3A_470 = vector.shape_cast %add3A_466 : vector<16xi32> to vector<16xi32>
    tpu.vector_store %arg7[%swap3A_467], %swap3A_470 {strides = array<i32>} : memref<10000xi32, #tpu.memory_space<vmem>>, vector<16xi32>,
    %get3A_471 = arith.index_cast %mul3A_456 : i32 to index
    %get3A_472 = tpu.vector_load %arg8[%get3A_471] {strides = array<i32>} : memref<10000xi32, #tpu.memory_space<vmem>>, vector<16xi32>,
    %get3A_473 = vector.shape_cast %get3A_472 : vector<16xi32> to vector<16xi32>
    %add3A_474 = arith.constant 161792 : i32
    %add3A_475 = vector.broadcast %add3A_474 : i32 to vector<16xi32>
    %add3A_476 = arith.addi %get3A_473, %add3A_475 : vector<16xi32>
    %add3A_477 = arith.addi %mul3A_462, %add3A_476 : vector<16xi32>
    %swap3A_478 = arith.index_cast %mul3A_456 : i32 to index
    %swap3A_479 = tpu.vector_load %arg8[%swap3A_478] {strides = array<i32>} : memref<10000xi32, #tpu.memory_space<vmem>>, vector<16xi32>,
    %swap3A_480 = vector.shape_cast %swap3A_479 : vector<16xi32> to vector<16xi32>
    %swap3A_481 = vector.shape_cast %add3A_477 : vector<16xi32> to vector<16xi32>
    tpu.vector_store %arg8[%swap3A_478], %swap3A_481 {strides = array<i32>} : memref<10000xi32, #tpu.memory_space<vmem>>, vector<16xi32>,
    %scan3A_482 = arith.constant 125 : i32
    %dma_start3A_483 = arith.constant 4000 : i32
    %dma_start3A_484 = tpu.memref_slice %arg11[%dma_start3A_483] : memref<10000xf32, #tpu.memory_space<vmem>> -> memref<2000xf32, #tpu.memory_space<vmem>>
    %dma_start3A_485 = arith.constant 4000 : i32
    %dma_start3A_486 = tpu.memref_slice %arg7[%dma_start3A_485] : memref<10000xi32, #tpu.memory_space<vmem>> -> memref<2000xi32, #tpu.memory_space<vmem>>
    %dma_start3A_487 = arith.constant 0 : i32
    %dma_start3A_488 = tpu.memref_slice %arg13[%dma_start3A_487] : memref<323584xf32, #tpu.memory_space<vmem_shared>> -> memref<323584xf32, #tpu.memory_space<vmem_shared>>
    tpu.enqueue_indirect_dma source(%dma_start3A_488 : memref<323584xf32, #tpu.memory_space<vmem_shared>>) target(%dma_start3A_484 : memref<2000xf32, #tpu.memory_space<vmem>>) offsets(%dma_start3A_486 : memref<2000xi32, #tpu.memory_space<vmem>>) semaphore(%arg14 : memref<!tpu.dma_semaphore, #tpu.memory_space<semaphore_mem>>)
    %dma_start3A_489 = arith.constant 4000 : i32
    %dma_start3A_490 = tpu.memref_slice %arg12[%dma_start3A_489] : memref<10000xf32, #tpu.memory_space<vmem>> -> memref<2000xf32, #tpu.memory_space<vmem>>
    %dma_start3A_491 = arith.constant 4000 : i32
    %dma_start3A_492 = tpu.memref_slice %arg8[%dma_start3A_491] : memref<10000xi32, #tpu.memory_space<vmem>> -> memref<2000xi32, #tpu.memory_space<vmem>>
    %dma_start3A_493 = arith.constant 0 : i32
    %dma_start3A_494 = tpu.memref_slice %arg13[%dma_start3A_493] : memref<323584xf32, #tpu.memory_space<vmem_shared>> -> memref<323584xf32, #tpu.memory_space<vmem_shared>>
    tpu.enqueue_indirect_dma source(%dma_start3A_494 : memref<323584xf32, #tpu.memory_space<vmem_shared>>) target(%dma_start3A_490 : memref<2000xf32, #tpu.memory_space<vmem>>) offsets(%dma_start3A_492 : memref<2000xi32, #tpu.memory_space<vmem>>) semaphore(%arg15 : memref<!tpu.dma_semaphore, #tpu.memory_space<semaphore_mem>>)
    %scan3A_495 = arith.constant 0 : i32
    %scan3A_496 = arith.constant 375 : i32
    %scan3A_497 = arith.constant 120 : i32
    %scan3A_498 = arith.addi %scan3A_496, %scan3A_497 : i32
    %scan3A_499 = arith.constant 8 : i32
    scf.for %scan3A_1760 = %scan3A_496 to %scan3A_498 step %scan3A_499  : i32 {
      %mul3A_1761 = arith.constant 16 : i32
      %mul3A_1762 = arith.muli %scan3A_1760, %mul3A_1761 : i32
      %get3A_1763 = arith.index_cast %mul3A_1762 : i32 to index
      %get3A_1764 = tpu.vector_load %arg9[%get3A_1763] {strides = array<i32>} : memref<10000xi32, #tpu.memory_space<vmem>>, vector<16xi32>,
      %get3A_1765 = vector.shape_cast %get3A_1764 : vector<16xi32> to vector<16xi32>
      %mul3A_1766 = arith.constant 10112 : i32
      %mul3A_1767 = vector.broadcast %mul3A_1766 : i32 to vector<16xi32>
      %mul3A_1768 = arith.muli %get3A_1765, %mul3A_1767 : vector<16xi32>
      %get3A_1769 = arith.index_cast %mul3A_1762 : i32 to index
      %get3A_1770 = tpu.vector_load %arg7[%get3A_1769] {strides = array<i32>} : memref<10000xi32, #tpu.memory_space<vmem>>, vector<16xi32>,
      %get3A_1771 = vector.shape_cast %get3A_1770 : vector<16xi32> to vector<16xi32>
      %add3A_1772 = arith.addi %mul3A_1768, %get3A_1771 : vector<16xi32>
      %swap3A_1773 = arith.index_cast %mul3A_1762 : i32 to index
      %swap3A_1774 = tpu.vector_load %arg7[%swap3A_1773] {strides = array<i32>} : memref<10000xi32, #tpu.memory_space<vmem>>, vector<16xi32>,
      %swap3A_1775 = vector.shape_cast %swap3A_1774 : vector<16xi32> to vector<16xi32>
      %swap3A_1776 = vector.shape_cast %add3A_1772 : vector<16xi32> to vector<16xi32>
      tpu.vector_store %arg7[%swap3A_1773], %swap3A_1776 {strides = array<i32>} : memref<10000xi32, #tpu.memory_space<vmem>>, vector<16xi32>,
      %get3A_1777 = arith.index_cast %mul3A_1762 : i32 to index
      %get3A_1778 = tpu.vector_load %arg8[%get3A_1777] {strides = array<i32>} : memref<10000xi32, #tpu.memory_space<vmem>>, vector<16xi32>,
      %get3A_1779 = vector.shape_cast %get3A_1778 : vector<16xi32> to vector<16xi32>
      %add3A_1780 = arith.constant 161792 : i32
      %add3A_1781 = vector.broadcast %add3A_1780 : i32 to vector<16xi32>
      %add3A_1782 = arith.addi %get3A_1779, %add3A_1781 : vector<16xi32>
      %add3A_1783 = arith.addi %mul3A_1768, %add3A_1782 : vector<16xi32>
      %swap3A_1784 = arith.index_cast %mul3A_1762 : i32 to index
      %swap3A_1785 = tpu.vector_load %arg8[%swap3A_1784] {strides = array<i32>} : memref<10000xi32, #tpu.memory_space<vmem>>, vector<16xi32>,
      %swap3A_1786 = vector.shape_cast %swap3A_1785 : vector<16xi32> to vector<16xi32>
      %swap3A_1787 = vector.shape_cast %add3A_1783 : vector<16xi32> to vector<16xi32>
      tpu.vector_store %arg8[%swap3A_1784], %swap3A_1787 {strides = array<i32>} : memref<10000xi32, #tpu.memory_space<vmem>>, vector<16xi32>,
      %scan3A_1788 = arith.constant 1 : i32
      %scan3A_1789 = arith.addi %scan3A_1760, %scan3A_1788 : i32
      %mul3A_1790 = arith.constant 16 : i32
      %mul3A_1791 = arith.muli %scan3A_1789, %mul3A_1790 : i32
      %get3A_1792 = arith.index_cast %mul3A_1791 : i32 to index
      %get3A_1793 = tpu.vector_load %arg9[%get3A_1792] {strides = array<i32>} : memref<10000xi32, #tpu.memory_space<vmem>>, vector<16xi32>,
      %get3A_1794 = vector.shape_cast %get3A_1793 : vector<16xi32> to vector<16xi32>
      %mul3A_1795 = arith.constant 10112 : i32
      %mul3A_1796 = vector.broadcast %mul3A_1795 : i32 to vector<16xi32>
      %mul3A_1797 = arith.muli %get3A_1794, %mul3A_1796 : vector<16xi32>
      %get3A_1798 = arith.index_cast %mul3A_1791 : i32 to index
      %get3A_1799 = tpu.vector_load %arg7[%get3A_1798] {strides = array<i32>} : memref<10000xi32, #tpu.memory_space<vmem>>, vector<16xi32>,
      %get3A_1800 = vector.shape_cast %get3A_1799 : vector<16xi32> to vector<16xi32>
      %add3A_1801 = arith.addi %mul3A_1797, %get3A_1800 : vector<16xi32>
      %swap3A_1802 = arith.index_cast %mul3A_1791 : i32 to index
      %swap3A_1803 = tpu.vector_load %arg7[%swap3A_1802] {strides = array<i32>} : memref<10000xi32, #tpu.memory_space<vmem>>, vector<16xi32>,
      %swap3A_1804 = vector.shape_cast %swap3A_1803 : vector<16xi32> to vector<16xi32>
      %swap3A_1805 = vector.shape_cast %add3A_1801 : vector<16xi32> to vector<16xi32>
      tpu.vector_store %arg7[%swap3A_1802], %swap3A_1805 {strides = array<i32>} : memref<10000xi32, #tpu.memory_space<vmem>>, vector<16xi32>,
      %get3A_1806 = arith.index_cast %mul3A_1791 : i32 to index
      %get3A_1807 = tpu.vector_load %arg8[%get3A_1806] {strides = array<i32>} : memref<10000xi32, #tpu.memory_space<vmem>>, vector<16xi32>,
      %get3A_1808 = vector.shape_cast %get3A_1807 : vector<16xi32> to vector<16xi32>
      %add3A_1809 = arith.constant 161792 : i32
      %add3A_1810 = vector.broadcast %add3A_1809 : i32 to vector<16xi32>
      %add3A_1811 = arith.addi %get3A_1808, %add3A_1810 : vector<16xi32>
      %add3A_1812 = arith.addi %mul3A_1797, %add3A_1811 : vector<16xi32>
      %swap3A_1813 = arith.index_cast %mul3A_1791 : i32 to index
      %swap3A_1814 = tpu.vector_load %arg8[%swap3A_1813] {strides = array<i32>} : memref<10000xi32, #tpu.memory_space<vmem>>, vector<16xi32>,
      %swap3A_1815 = vector.shape_cast %swap3A_1814 : vector<16xi32> to vector<16xi32>
      %swap3A_1816 = vector.shape_cast %add3A_1812 : vector<16xi32> to vector<16xi32>
      tpu.vector_store %arg8[%swap3A_1813], %swap3A_1816 {strides = array<i32>} : memref<10000xi32, #tpu.memory_space<vmem>>, vector<16xi32>,
      %scan3A_1817 = arith.constant 2 : i32
      %scan3A_1818 = arith.addi %scan3A_1760, %scan3A_1817 : i32
      %mul3A_1819 = arith.constant 16 : i32
      %mul3A_1820 = arith.muli %scan3A_1818, %mul3A_1819 : i32
      %get3A_1821 = arith.index_cast %mul3A_1820 : i32 to index
      %get3A_1822 = tpu.vector_load %arg9[%get3A_1821] {strides = array<i32>} : memref<10000xi32, #tpu.memory_space<vmem>>, vector<16xi32>,
      %get3A_1823 = vector.shape_cast %get3A_1822 : vector<16xi32> to vector<16xi32>
      %mul3A_1824 = arith.constant 10112 : i32
      %mul3A_1825 = vector.broadcast %mul3A_1824 : i32 to vector<16xi32>
      %mul3A_1826 = arith.muli %get3A_1823, %mul3A_1825 : vector<16xi32>
      %get3A_1827 = arith.index_cast %mul3A_1820 : i32 to index
      %get3A_1828 = tpu.vector_load %arg7[%get3A_1827] {strides = array<i32>} : memref<10000xi32, #tpu.memory_space<vmem>>, vector<16xi32>,
      %get3A_1829 = vector.shape_cast %get3A_1828 : vector<16xi32> to vector<16xi32>
      %add3A_1830 = arith.addi %mul3A_1826, %get3A_1829 : vector<16xi32>
      %swap3A_1831 = arith.index_cast %mul3A_1820 : i32 to index
      %swap3A_1832 = tpu.vector_load %arg7[%swap3A_1831] {strides = array<i32>} : memref<10000xi32, #tpu.memory_space<vmem>>, vector<16xi32>,
      %swap3A_1833 = vector.shape_cast %swap3A_1832 : vector<16xi32> to vector<16xi32>
      %swap3A_1834 = vector.shape_cast %add3A_1830 : vector<16xi32> to vector<16xi32>
      tpu.vector_store %arg7[%swap3A_1831], %swap3A_1834 {strides = array<i32>} : memref<10000xi32, #tpu.memory_space<vmem>>, vector<16xi32>,
      %get3A_1835 = arith.index_cast %mul3A_1820 : i32 to index
      %get3A_1836 = tpu.vector_load %arg8[%get3A_1835] {strides = array<i32>} : memref<10000xi32, #tpu.memory_space<vmem>>, vector<16xi32>,
      %get3A_1837 = vector.shape_cast %get3A_1836 : vector<16xi32> to vector<16xi32>
      %add3A_1838 = arith.constant 161792 : i32
      %add3A_1839 = vector.broadcast %add3A_1838 : i32 to vector<16xi32>
      %add3A_1840 = arith.addi %get3A_1837, %add3A_1839 : vector<16xi32>
      %add3A_1841 = arith.addi %mul3A_1826, %add3A_1840 : vector<16xi32>
      %swap3A_1842 = arith.index_cast %mul3A_1820 : i32 to index
      %swap3A_1843 = tpu.vector_load %arg8[%swap3A_1842] {strides = array<i32>} : memref<10000xi32, #tpu.memory_space<vmem>>, vector<16xi32>,
      %swap3A_1844 = vector.shape_cast %swap3A_1843 : vector<16xi32> to vector<16xi32>
      %swap3A_1845 = vector.shape_cast %add3A_1841 : vector<16xi32> to vector<16xi32>
      tpu.vector_store %arg8[%swap3A_1842], %swap3A_1845 {strides = array<i32>} : memref<10000xi32, #tpu.memory_space<vmem>>, vector<16xi32>,
      %scan3A_1846 = arith.constant 3 : i32
      %scan3A_1847 = arith.addi %scan3A_1760, %scan3A_1846 : i32
      %mul3A_1848 = arith.constant 16 : i32
      %mul3A_1849 = arith.muli %scan3A_1847, %mul3A_1848 : i32
      %get3A_1850 = arith.index_cast %mul3A_1849 : i32 to index
      %get3A_1851 = tpu.vector_load %arg9[%get3A_1850] {strides = array<i32>} : memref<10000xi32, #tpu.memory_space<vmem>>, vector<16xi32>,
      %get3A_1852 = vector.shape_cast %get3A_1851 : vector<16xi32> to vector<16xi32>
      %mul3A_1853 = arith.constant 10112 : i32
      %mul3A_1854 = vector.broadcast %mul3A_1853 : i32 to vector<16xi32>
      %mul3A_1855 = arith.muli %get3A_1852, %mul3A_1854 : vector<16xi32>
      %get3A_1856 = arith.index_cast %mul3A_1849 : i32 to index
      %get3A_1857 = tpu.vector_load %arg7[%get3A_1856] {strides = array<i32>} : memref<10000xi32, #tpu.memory_space<vmem>>, vector<16xi32>,
      %get3A_1858 = vector.shape_cast %get3A_1857 : vector<16xi32> to vector<16xi32>
      %add3A_1859 = arith.addi %mul3A_1855, %get3A_1858 : vector<16xi32>
      %swap3A_1860 = arith.index_cast %mul3A_1849 : i32 to index
      %swap3A_1861 = tpu.vector_load %arg7[%swap3A_1860] {strides = array<i32>} : memref<10000xi32, #tpu.memory_space<vmem>>, vector<16xi32>,
      %swap3A_1862 = vector.shape_cast %swap3A_1861 : vector<16xi32> to vector<16xi32>
      %swap3A_1863 = vector.shape_cast %add3A_1859 : vector<16xi32> to vector<16xi32>
      tpu.vector_store %arg7[%swap3A_1860], %swap3A_1863 {strides = array<i32>} : memref<10000xi32, #tpu.memory_space<vmem>>, vector<16xi32>,
      %get3A_1864 = arith.index_cast %mul3A_1849 : i32 to index
      %get3A_1865 = tpu.vector_load %arg8[%get3A_1864] {strides = array<i32>} : memref<10000xi32, #tpu.memory_space<vmem>>, vector<16xi32>,
      %get3A_1866 = vector.shape_cast %get3A_1865 : vector<16xi32> to vector<16xi32>
      %add3A_1867 = arith.constant 161792 : i32
      %add3A_1868 = vector.broadcast %add3A_1867 : i32 to vector<16xi32>
      %add3A_1869 = arith.addi %get3A_1866, %add3A_1868 : vector<16xi32>
      %add3A_1870 = arith.addi %mul3A_1855, %add3A_1869 : vector<16xi32>
      %swap3A_1871 = arith.index_cast %mul3A_1849 : i32 to index
      %swap3A_1872 = tpu.vector_load %arg8[%swap3A_1871] {strides = array<i32>} : memref<10000xi32, #tpu.memory_space<vmem>>, vector<16xi32>,
      %swap3A_1873 = vector.shape_cast %swap3A_1872 : vector<16xi32> to vector<16xi32>
      %swap3A_1874 = vector.shape_cast %add3A_1870 : vector<16xi32> to vector<16xi32>
      tpu.vector_store %arg8[%swap3A_1871], %swap3A_1874 {strides = array<i32>} : memref<10000xi32, #tpu.memory_space<vmem>>, vector<16xi32>,
      %scan3A_1875 = arith.constant 4 : i32
      %scan3A_1876 = arith.addi %scan3A_1760, %scan3A_1875 : i32
      %mul3A_1877 = arith.constant 16 : i32
      %mul3A_1878 = arith.muli %scan3A_1876, %mul3A_1877 : i32
      %get3A_1879 = arith.index_cast %mul3A_1878 : i32 to index
      %get3A_1880 = tpu.vector_load %arg9[%get3A_1879] {strides = array<i32>} : memref<10000xi32, #tpu.memory_space<vmem>>, vector<16xi32>,
      %get3A_1881 = vector.shape_cast %get3A_1880 : vector<16xi32> to vector<16xi32>
      %mul3A_1882 = arith.constant 10112 : i32
      %mul3A_1883 = vector.broadcast %mul3A_1882 : i32 to vector<16xi32>
      %mul3A_1884 = arith.muli %get3A_1881, %mul3A_1883 : vector<16xi32>
      %get3A_1885 = arith.index_cast %mul3A_1878 : i32 to index
      %get3A_1886 = tpu.vector_load %arg7[%get3A_1885] {strides = array<i32>} : memref<10000xi32, #tpu.memory_space<vmem>>, vector<16xi32>,
      %get3A_1887 = vector.shape_cast %get3A_1886 : vector<16xi32> to vector<16xi32>
      %add3A_1888 = arith.addi %mul3A_1884, %get3A_1887 : vector<16xi32>
      %swap3A_1889 = arith.index_cast %mul3A_1878 : i32 to index
      %swap3A_1890 = tpu.vector_load %arg7[%swap3A_1889] {strides = array<i32>} : memref<10000xi32, #tpu.memory_space<vmem>>, vector<16xi32>,
      %swap3A_1891 = vector.shape_cast %swap3A_1890 : vector<16xi32> to vector<16xi32>
      %swap3A_1892 = vector.shape_cast %add3A_1888 : vector<16xi32> to vector<16xi32>
      tpu.vector_store %arg7[%swap3A_1889], %swap3A_1892 {strides = array<i32>} : memref<10000xi32, #tpu.memory_space<vmem>>, vector<16xi32>,
      %get3A_1893 = arith.index_cast %mul3A_1878 : i32 to index
      %get3A_1894 = tpu.vector_load %arg8[%get3A_1893] {strides = array<i32>} : memref<10000xi32, #tpu.memory_space<vmem>>, vector<16xi32>,
      %get3A_1895 = vector.shape_cast %get3A_1894 : vector<16xi32> to vector<16xi32>
      %add3A_1896 = arith.constant 161792 : i32
      %add3A_1897 = vector.broadcast %add3A_1896 : i32 to vector<16xi32>
      %add3A_1898 = arith.addi %get3A_1895, %add3A_1897 : vector<16xi32>
      %add3A_1899 = arith.addi %mul3A_1884, %add3A_1898 : vector<16xi32>
      %swap3A_1900 = arith.index_cast %mul3A_1878 : i32 to index
      %swap3A_1901 = tpu.vector_load %arg8[%swap3A_1900] {strides = array<i32>} : memref<10000xi32, #tpu.memory_space<vmem>>, vector<16xi32>,
      %swap3A_1902 = vector.shape_cast %swap3A_1901 : vector<16xi32> to vector<16xi32>
      %swap3A_1903 = vector.shape_cast %add3A_1899 : vector<16xi32> to vector<16xi32>
      tpu.vector_store %arg8[%swap3A_1900], %swap3A_1903 {strides = array<i32>} : memref<10000xi32, #tpu.memory_space<vmem>>, vector<16xi32>,
      %scan3A_1904 = arith.constant 5 : i32
      %scan3A_1905 = arith.addi %scan3A_1760, %scan3A_1904 : i32
      %mul3A_1906 = arith.constant 16 : i32
      %mul3A_1907 = arith.muli %scan3A_1905, %mul3A_1906 : i32
      %get3A_1908 = arith.index_cast %mul3A_1907 : i32 to index
      %get3A_1909 = tpu.vector_load %arg9[%get3A_1908] {strides = array<i32>} : memref<10000xi32, #tpu.memory_space<vmem>>, vector<16xi32>,
      %get3A_1910 = vector.shape_cast %get3A_1909 : vector<16xi32> to vector<16xi32>
      %mul3A_1911 = arith.constant 10112 : i32
      %mul3A_1912 = vector.broadcast %mul3A_1911 : i32 to vector<16xi32>
      %mul3A_1913 = arith.muli %get3A_1910, %mul3A_1912 : vector<16xi32>
      %get3A_1914 = arith.index_cast %mul3A_1907 : i32 to index
      %get3A_1915 = tpu.vector_load %arg7[%get3A_1914] {strides = array<i32>} : memref<10000xi32, #tpu.memory_space<vmem>>, vector<16xi32>,
      %get3A_1916 = vector.shape_cast %get3A_1915 : vector<16xi32> to vector<16xi32>
      %add3A_1917 = arith.addi %mul3A_1913, %get3A_1916 : vector<16xi32>
      %swap3A_1918 = arith.index_cast %mul3A_1907 : i32 to index
      %swap3A_1919 = tpu.vector_load %arg7[%swap3A_1918] {strides = array<i32>} : memref<10000xi32, #tpu.memory_space<vmem>>, vector<16xi32>,
      %swap3A_1920 = vector.shape_cast %swap3A_1919 : vector<16xi32> to vector<16xi32>
      %swap3A_1921 = vector.shape_cast %add3A_1917 : vector<16xi32> to vector<16xi32>
      tpu.vector_store %arg7[%swap3A_1918], %swap3A_1921 {strides = array<i32>} : memref<10000xi32, #tpu.memory_space<vmem>>, vector<16xi32>,
      %get3A_1922 = arith.index_cast %mul3A_1907 : i32 to index
      %get3A_1923 = tpu.vector_load %arg8[%get3A_1922] {strides = array<i32>} : memref<10000xi32, #tpu.memory_space<vmem>>, vector<16xi32>,
      %get3A_1924 = vector.shape_cast %get3A_1923 : vector<16xi32> to vector<16xi32>
      %add3A_1925 = arith.constant 161792 : i32
      %add3A_1926 = vector.broadcast %add3A_1925 : i32 to vector<16xi32>
      %add3A_1927 = arith.addi %get3A_1924, %add3A_1926 : vector<16xi32>
      %add3A_1928 = arith.addi %mul3A_1913, %add3A_1927 : vector<16xi32>
      %swap3A_1929 = arith.index_cast %mul3A_1907 : i32 to index
      %swap3A_1930 = tpu.vector_load %arg8[%swap3A_1929] {strides = array<i32>} : memref<10000xi32, #tpu.memory_space<vmem>>, vector<16xi32>,
      %swap3A_1931 = vector.shape_cast %swap3A_1930 : vector<16xi32> to vector<16xi32>
      %swap3A_1932 = vector.shape_cast %add3A_1928 : vector<16xi32> to vector<16xi32>
      tpu.vector_store %arg8[%swap3A_1929], %swap3A_1932 {strides = array<i32>} : memref<10000xi32, #tpu.memory_space<vmem>>, vector<16xi32>,
      %scan3A_1933 = arith.constant 6 : i32
      %scan3A_1934 = arith.addi %scan3A_1760, %scan3A_1933 : i32
      %mul3A_1935 = arith.constant 16 : i32
      %mul3A_1936 = arith.muli %scan3A_1934, %mul3A_1935 : i32
      %get3A_1937 = arith.index_cast %mul3A_1936 : i32 to index
      %get3A_1938 = tpu.vector_load %arg9[%get3A_1937] {strides = array<i32>} : memref<10000xi32, #tpu.memory_space<vmem>>, vector<16xi32>,
      %get3A_1939 = vector.shape_cast %get3A_1938 : vector<16xi32> to vector<16xi32>
      %mul3A_1940 = arith.constant 10112 : i32
      %mul3A_1941 = vector.broadcast %mul3A_1940 : i32 to vector<16xi32>
      %mul3A_1942 = arith.muli %get3A_1939, %mul3A_1941 : vector<16xi32>
      %get3A_1943 = arith.index_cast %mul3A_1936 : i32 to index
      %get3A_1944 = tpu.vector_load %arg7[%get3A_1943] {strides = array<i32>} : memref<10000xi32, #tpu.memory_space<vmem>>, vector<16xi32>,
      %get3A_1945 = vector.shape_cast %get3A_1944 : vector<16xi32> to vector<16xi32>
      %add3A_1946 = arith.addi %mul3A_1942, %get3A_1945 : vector<16xi32>
      %swap3A_1947 = arith.index_cast %mul3A_1936 : i32 to index
      %swap3A_1948 = tpu.vector_load %arg7[%swap3A_1947] {strides = array<i32>} : memref<10000xi32, #tpu.memory_space<vmem>>, vector<16xi32>,
      %swap3A_1949 = vector.shape_cast %swap3A_1948 : vector<16xi32> to vector<16xi32>
      %swap3A_1950 = vector.shape_cast %add3A_1946 : vector<16xi32> to vector<16xi32>
      tpu.vector_store %arg7[%swap3A_1947], %swap3A_1950 {strides = array<i32>} : memref<10000xi32, #tpu.memory_space<vmem>>, vector<16xi32>,
      %get3A_1951 = arith.index_cast %mul3A_1936 : i32 to index
      %get3A_1952 = tpu.vector_load %arg8[%get3A_1951] {strides = array<i32>} : memref<10000xi32, #tpu.memory_space<vmem>>, vector<16xi32>,
      %get3A_1953 = vector.shape_cast %get3A_1952 : vector<16xi32> to vector<16xi32>
      %add3A_1954 = arith.constant 161792 : i32
      %add3A_1955 = vector.broadcast %add3A_1954 : i32 to vector<16xi32>
      %add3A_1956 = arith.addi %get3A_1953, %add3A_1955 : vector<16xi32>
      %add3A_1957 = arith.addi %mul3A_1942, %add3A_1956 : vector<16xi32>
      %swap3A_1958 = arith.index_cast %mul3A_1936 : i32 to index
      %swap3A_1959 = tpu.vector_load %arg8[%swap3A_1958] {strides = array<i32>} : memref<10000xi32, #tpu.memory_space<vmem>>, vector<16xi32>,
      %swap3A_1960 = vector.shape_cast %swap3A_1959 : vector<16xi32> to vector<16xi32>
      %swap3A_1961 = vector.shape_cast %add3A_1957 : vector<16xi32> to vector<16xi32>
      tpu.vector_store %arg8[%swap3A_1958], %swap3A_1961 {strides = array<i32>} : memref<10000xi32, #tpu.memory_space<vmem>>, vector<16xi32>,
      %scan3A_1962 = arith.constant 7 : i32
      %scan3A_1963 = arith.addi %scan3A_1760, %scan3A_1962 : i32
      %mul3A_1964 = arith.constant 16 : i32
      %mul3A_1965 = arith.muli %scan3A_1963, %mul3A_1964 : i32
      %get3A_1966 = arith.index_cast %mul3A_1965 : i32 to index
      %get3A_1967 = tpu.vector_load %arg9[%get3A_1966] {strides = array<i32>} : memref<10000xi32, #tpu.memory_space<vmem>>, vector<16xi32>,
      %get3A_1968 = vector.shape_cast %get3A_1967 : vector<16xi32> to vector<16xi32>
      %mul3A_1969 = arith.constant 10112 : i32
      %mul3A_1970 = vector.broadcast %mul3A_1969 : i32 to vector<16xi32>
      %mul3A_1971 = arith.muli %get3A_1968, %mul3A_1970 : vector<16xi32>
      %get3A_1972 = arith.index_cast %mul3A_1965 : i32 to index
      %get3A_1973 = tpu.vector_load %arg7[%get3A_1972] {strides = array<i32>} : memref<10000xi32, #tpu.memory_space<vmem>>, vector<16xi32>,
      %get3A_1974 = vector.shape_cast %get3A_1973 : vector<16xi32> to vector<16xi32>
      %add3A_1975 = arith.addi %mul3A_1971, %get3A_1974 : vector<16xi32>
      %swap3A_1976 = arith.index_cast %mul3A_1965 : i32 to index
      %swap3A_1977 = tpu.vector_load %arg7[%swap3A_1976] {strides = array<i32>} : memref<10000xi32, #tpu.memory_space<vmem>>, vector<16xi32>,
      %swap3A_1978 = vector.shape_cast %swap3A_1977 : vector<16xi32> to vector<16xi32>
      %swap3A_1979 = vector.shape_cast %add3A_1975 : vector<16xi32> to vector<16xi32>
      tpu.vector_store %arg7[%swap3A_1976], %swap3A_1979 {strides = array<i32>} : memref<10000xi32, #tpu.memory_space<vmem>>, vector<16xi32>,
      %get3A_1980 = arith.index_cast %mul3A_1965 : i32 to index
      %get3A_1981 = tpu.vector_load %arg8[%get3A_1980] {strides = array<i32>} : memref<10000xi32, #tpu.memory_space<vmem>>, vector<16xi32>,
      %get3A_1982 = vector.shape_cast %get3A_1981 : vector<16xi32> to vector<16xi32>
      %add3A_1983 = arith.constant 161792 : i32
      %add3A_1984 = vector.broadcast %add3A_1983 : i32 to vector<16xi32>
      %add3A_1985 = arith.addi %get3A_1982, %add3A_1984 : vector<16xi32>
      %add3A_1986 = arith.addi %mul3A_1971, %add3A_1985 : vector<16xi32>
      %swap3A_1987 = arith.index_cast %mul3A_1965 : i32 to index
      %swap3A_1988 = tpu.vector_load %arg8[%swap3A_1987] {strides = array<i32>} : memref<10000xi32, #tpu.memory_space<vmem>>, vector<16xi32>,
      %swap3A_1989 = vector.shape_cast %swap3A_1988 : vector<16xi32> to vector<16xi32>
      %swap3A_1990 = vector.shape_cast %add3A_1986 : vector<16xi32> to vector<16xi32>
      tpu.vector_store %arg8[%swap3A_1987], %swap3A_1990 {strides = array<i32>} : memref<10000xi32, #tpu.memory_space<vmem>>, vector<16xi32>,
    }
    %scan3A_500 = arith.constant 120 : i32
    %scan3A_501 = arith.addi %scan3A_496, %scan3A_500 : i32
    %mul3A_502 = arith.constant 16 : i32
    %mul3A_503 = arith.muli %scan3A_501, %mul3A_502 : i32
    %get3A_504 = arith.index_cast %mul3A_503 : i32 to index
    %get3A_505 = tpu.vector_load %arg9[%get3A_504] {strides = array<i32>} : memref<10000xi32, #tpu.memory_space<vmem>>, vector<16xi32>,
    %get3A_506 = vector.shape_cast %get3A_505 : vector<16xi32> to vector<16xi32>
    %mul3A_507 = arith.constant 10112 : i32
    %mul3A_508 = vector.broadcast %mul3A_507 : i32 to vector<16xi32>
    %mul3A_509 = arith.muli %get3A_506, %mul3A_508 : vector<16xi32>
    %get3A_510 = arith.index_cast %mul3A_503 : i32 to index
    %get3A_511 = tpu.vector_load %arg7[%get3A_510] {strides = array<i32>} : memref<10000xi32, #tpu.memory_space<vmem>>, vector<16xi32>,
    %get3A_512 = vector.shape_cast %get3A_511 : vector<16xi32> to vector<16xi32>
    %add3A_513 = arith.addi %mul3A_509, %get3A_512 : vector<16xi32>
    %swap3A_514 = arith.index_cast %mul3A_503 : i32 to index
    %swap3A_515 = tpu.vector_load %arg7[%swap3A_514] {strides = array<i32>} : memref<10000xi32, #tpu.memory_space<vmem>>, vector<16xi32>,
    %swap3A_516 = vector.shape_cast %swap3A_515 : vector<16xi32> to vector<16xi32>
    %swap3A_517 = vector.shape_cast %add3A_513 : vector<16xi32> to vector<16xi32>
    tpu.vector_store %arg7[%swap3A_514], %swap3A_517 {strides = array<i32>} : memref<10000xi32, #tpu.memory_space<vmem>>, vector<16xi32>,
    %get3A_518 = arith.index_cast %mul3A_503 : i32 to index
    %get3A_519 = tpu.vector_load %arg8[%get3A_518] {strides = array<i32>} : memref<10000xi32, #tpu.memory_space<vmem>>, vector<16xi32>,
    %get3A_520 = vector.shape_cast %get3A_519 : vector<16xi32> to vector<16xi32>
    %add3A_521 = arith.constant 161792 : i32
    %add3A_522 = vector.broadcast %add3A_521 : i32 to vector<16xi32>
    %add3A_523 = arith.addi %get3A_520, %add3A_522 : vector<16xi32>
    %add3A_524 = arith.addi %mul3A_509, %add3A_523 : vector<16xi32>
    %swap3A_525 = arith.index_cast %mul3A_503 : i32 to index
    %swap3A_526 = tpu.vector_load %arg8[%swap3A_525] {strides = array<i32>} : memref<10000xi32, #tpu.memory_space<vmem>>, vector<16xi32>,
    %swap3A_527 = vector.shape_cast %swap3A_526 : vector<16xi32> to vector<16xi32>
    %swap3A_528 = vector.shape_cast %add3A_524 : vector<16xi32> to vector<16xi32>
    tpu.vector_store %arg8[%swap3A_525], %swap3A_528 {strides = array<i32>} : memref<10000xi32, #tpu.memory_space<vmem>>, vector<16xi32>,
    %scan3A_529 = arith.constant 121 : i32
    %scan3A_530 = arith.addi %scan3A_496, %scan3A_529 : i32
    %mul3A_531 = arith.constant 16 : i32
    %mul3A_532 = arith.muli %scan3A_530, %mul3A_531 : i32
    %get3A_533 = arith.index_cast %mul3A_532 : i32 to index
    %get3A_534 = tpu.vector_load %arg9[%get3A_533] {strides = array<i32>} : memref<10000xi32, #tpu.memory_space<vmem>>, vector<16xi32>,
    %get3A_535 = vector.shape_cast %get3A_534 : vector<16xi32> to vector<16xi32>
    %mul3A_536 = arith.constant 10112 : i32
    %mul3A_537 = vector.broadcast %mul3A_536 : i32 to vector<16xi32>
    %mul3A_538 = arith.muli %get3A_535, %mul3A_537 : vector<16xi32>
    %get3A_539 = arith.index_cast %mul3A_532 : i32 to index
    %get3A_540 = tpu.vector_load %arg7[%get3A_539] {strides = array<i32>} : memref<10000xi32, #tpu.memory_space<vmem>>, vector<16xi32>,
    %get3A_541 = vector.shape_cast %get3A_540 : vector<16xi32> to vector<16xi32>
    %add3A_542 = arith.addi %mul3A_538, %get3A_541 : vector<16xi32>
    %swap3A_543 = arith.index_cast %mul3A_532 : i32 to index
    %swap3A_544 = tpu.vector_load %arg7[%swap3A_543] {strides = array<i32>} : memref<10000xi32, #tpu.memory_space<vmem>>, vector<16xi32>,
    %swap3A_545 = vector.shape_cast %swap3A_544 : vector<16xi32> to vector<16xi32>
    %swap3A_546 = vector.shape_cast %add3A_542 : vector<16xi32> to vector<16xi32>
    tpu.vector_store %arg7[%swap3A_543], %swap3A_546 {strides = array<i32>} : memref<10000xi32, #tpu.memory_space<vmem>>, vector<16xi32>,
    %get3A_547 = arith.index_cast %mul3A_532 : i32 to index
    %get3A_548 = tpu.vector_load %arg8[%get3A_547] {strides = array<i32>} : memref<10000xi32, #tpu.memory_space<vmem>>, vector<16xi32>,
    %get3A_549 = vector.shape_cast %get3A_548 : vector<16xi32> to vector<16xi32>
    %add3A_550 = arith.constant 161792 : i32
    %add3A_551 = vector.broadcast %add3A_550 : i32 to vector<16xi32>
    %add3A_552 = arith.addi %get3A_549, %add3A_551 : vector<16xi32>
    %add3A_553 = arith.addi %mul3A_538, %add3A_552 : vector<16xi32>
    %swap3A_554 = arith.index_cast %mul3A_532 : i32 to index
    %swap3A_555 = tpu.vector_load %arg8[%swap3A_554] {strides = array<i32>} : memref<10000xi32, #tpu.memory_space<vmem>>, vector<16xi32>,
    %swap3A_556 = vector.shape_cast %swap3A_555 : vector<16xi32> to vector<16xi32>
    %swap3A_557 = vector.shape_cast %add3A_553 : vector<16xi32> to vector<16xi32>
    tpu.vector_store %arg8[%swap3A_554], %swap3A_557 {strides = array<i32>} : memref<10000xi32, #tpu.memory_space<vmem>>, vector<16xi32>,
    %scan3A_558 = arith.constant 122 : i32
    %scan3A_559 = arith.addi %scan3A_496, %scan3A_558 : i32
    %mul3A_560 = arith.constant 16 : i32
    %mul3A_561 = arith.muli %scan3A_559, %mul3A_560 : i32
    %get3A_562 = arith.index_cast %mul3A_561 : i32 to index
    %get3A_563 = tpu.vector_load %arg9[%get3A_562] {strides = array<i32>} : memref<10000xi32, #tpu.memory_space<vmem>>, vector<16xi32>,
    %get3A_564 = vector.shape_cast %get3A_563 : vector<16xi32> to vector<16xi32>
    %mul3A_565 = arith.constant 10112 : i32
    %mul3A_566 = vector.broadcast %mul3A_565 : i32 to vector<16xi32>
    %mul3A_567 = arith.muli %get3A_564, %mul3A_566 : vector<16xi32>
    %get3A_568 = arith.index_cast %mul3A_561 : i32 to index
    %get3A_569 = tpu.vector_load %arg7[%get3A_568] {strides = array<i32>} : memref<10000xi32, #tpu.memory_space<vmem>>, vector<16xi32>,
    %get3A_570 = vector.shape_cast %get3A_569 : vector<16xi32> to vector<16xi32>
    %add3A_571 = arith.addi %mul3A_567, %get3A_570 : vector<16xi32>
    %swap3A_572 = arith.index_cast %mul3A_561 : i32 to index
    %swap3A_573 = tpu.vector_load %arg7[%swap3A_572] {strides = array<i32>} : memref<10000xi32, #tpu.memory_space<vmem>>, vector<16xi32>,
    %swap3A_574 = vector.shape_cast %swap3A_573 : vector<16xi32> to vector<16xi32>
    %swap3A_575 = vector.shape_cast %add3A_571 : vector<16xi32> to vector<16xi32>
    tpu.vector_store %arg7[%swap3A_572], %swap3A_575 {strides = array<i32>} : memref<10000xi32, #tpu.memory_space<vmem>>, vector<16xi32>,
    %get3A_576 = arith.index_cast %mul3A_561 : i32 to index
    %get3A_577 = tpu.vector_load %arg8[%get3A_576] {strides = array<i32>} : memref<10000xi32, #tpu.memory_space<vmem>>, vector<16xi32>,
    %get3A_578 = vector.shape_cast %get3A_577 : vector<16xi32> to vector<16xi32>
    %add3A_579 = arith.constant 161792 : i32
    %add3A_580 = vector.broadcast %add3A_579 : i32 to vector<16xi32>
    %add3A_581 = arith.addi %get3A_578, %add3A_580 : vector<16xi32>
    %add3A_582 = arith.addi %mul3A_567, %add3A_581 : vector<16xi32>
    %swap3A_583 = arith.index_cast %mul3A_561 : i32 to index
    %swap3A_584 = tpu.vector_load %arg8[%swap3A_583] {strides = array<i32>} : memref<10000xi32, #tpu.memory_space<vmem>>, vector<16xi32>,
    %swap3A_585 = vector.shape_cast %swap3A_584 : vector<16xi32> to vector<16xi32>
    %swap3A_586 = vector.shape_cast %add3A_582 : vector<16xi32> to vector<16xi32>
    tpu.vector_store %arg8[%swap3A_583], %swap3A_586 {strides = array<i32>} : memref<10000xi32, #tpu.memory_space<vmem>>, vector<16xi32>,
    %scan3A_587 = arith.constant 123 : i32
    %scan3A_588 = arith.addi %scan3A_496, %scan3A_587 : i32
    %mul3A_589 = arith.constant 16 : i32
    %mul3A_590 = arith.muli %scan3A_588, %mul3A_589 : i32
    %get3A_591 = arith.index_cast %mul3A_590 : i32 to index
    %get3A_592 = tpu.vector_load %arg9[%get3A_591] {strides = array<i32>} : memref<10000xi32, #tpu.memory_space<vmem>>, vector<16xi32>,
    %get3A_593 = vector.shape_cast %get3A_592 : vector<16xi32> to vector<16xi32>
    %mul3A_594 = arith.constant 10112 : i32
    %mul3A_595 = vector.broadcast %mul3A_594 : i32 to vector<16xi32>
    %mul3A_596 = arith.muli %get3A_593, %mul3A_595 : vector<16xi32>
    %get3A_597 = arith.index_cast %mul3A_590 : i32 to index
    %get3A_598 = tpu.vector_load %arg7[%get3A_597] {strides = array<i32>} : memref<10000xi32, #tpu.memory_space<vmem>>, vector<16xi32>,
    %get3A_599 = vector.shape_cast %get3A_598 : vector<16xi32> to vector<16xi32>
    %add3A_600 = arith.addi %mul3A_596, %get3A_599 : vector<16xi32>
    %swap3A_601 = arith.index_cast %mul3A_590 : i32 to index
    %swap3A_602 = tpu.vector_load %arg7[%swap3A_601] {strides = array<i32>} : memref<10000xi32, #tpu.memory_space<vmem>>, vector<16xi32>,
    %swap3A_603 = vector.shape_cast %swap3A_602 : vector<16xi32> to vector<16xi32>
    %swap3A_604 = vector.shape_cast %add3A_600 : vector<16xi32> to vector<16xi32>
    tpu.vector_store %arg7[%swap3A_601], %swap3A_604 {strides = array<i32>} : memref<10000xi32, #tpu.memory_space<vmem>>, vector<16xi32>,
    %get3A_605 = arith.index_cast %mul3A_590 : i32 to index
    %get3A_606 = tpu.vector_load %arg8[%get3A_605] {strides = array<i32>} : memref<10000xi32, #tpu.memory_space<vmem>>, vector<16xi32>,
    %get3A_607 = vector.shape_cast %get3A_606 : vector<16xi32> to vector<16xi32>
    %add3A_608 = arith.constant 161792 : i32
    %add3A_609 = vector.broadcast %add3A_608 : i32 to vector<16xi32>
    %add3A_610 = arith.addi %get3A_607, %add3A_609 : vector<16xi32>
    %add3A_611 = arith.addi %mul3A_596, %add3A_610 : vector<16xi32>
    %swap3A_612 = arith.index_cast %mul3A_590 : i32 to index
    %swap3A_613 = tpu.vector_load %arg8[%swap3A_612] {strides = array<i32>} : memref<10000xi32, #tpu.memory_space<vmem>>, vector<16xi32>,
    %swap3A_614 = vector.shape_cast %swap3A_613 : vector<16xi32> to vector<16xi32>
    %swap3A_615 = vector.shape_cast %add3A_611 : vector<16xi32> to vector<16xi32>
    tpu.vector_store %arg8[%swap3A_612], %swap3A_615 {strides = array<i32>} : memref<10000xi32, #tpu.memory_space<vmem>>, vector<16xi32>,
    %scan3A_616 = arith.constant 124 : i32
    %scan3A_617 = arith.addi %scan3A_496, %scan3A_616 : i32
    %mul3A_618 = arith.constant 16 : i32
    %mul3A_619 = arith.muli %scan3A_617, %mul3A_618 : i32
    %get3A_620 = arith.index_cast %mul3A_619 : i32 to index
    %get3A_621 = tpu.vector_load %arg9[%get3A_620] {strides = array<i32>} : memref<10000xi32, #tpu.memory_space<vmem>>, vector<16xi32>,
    %get3A_622 = vector.shape_cast %get3A_621 : vector<16xi32> to vector<16xi32>
    %mul3A_623 = arith.constant 10112 : i32
    %mul3A_624 = vector.broadcast %mul3A_623 : i32 to vector<16xi32>
    %mul3A_625 = arith.muli %get3A_622, %mul3A_624 : vector<16xi32>
    %get3A_626 = arith.index_cast %mul3A_619 : i32 to index
    %get3A_627 = tpu.vector_load %arg7[%get3A_626] {strides = array<i32>} : memref<10000xi32, #tpu.memory_space<vmem>>, vector<16xi32>,
    %get3A_628 = vector.shape_cast %get3A_627 : vector<16xi32> to vector<16xi32>
    %add3A_629 = arith.addi %mul3A_625, %get3A_628 : vector<16xi32>
    %swap3A_630 = arith.index_cast %mul3A_619 : i32 to index
    %swap3A_631 = tpu.vector_load %arg7[%swap3A_630] {strides = array<i32>} : memref<10000xi32, #tpu.memory_space<vmem>>, vector<16xi32>,
    %swap3A_632 = vector.shape_cast %swap3A_631 : vector<16xi32> to vector<16xi32>
    %swap3A_633 = vector.shape_cast %add3A_629 : vector<16xi32> to vector<16xi32>
    tpu.vector_store %arg7[%swap3A_630], %swap3A_633 {strides = array<i32>} : memref<10000xi32, #tpu.memory_space<vmem>>, vector<16xi32>,
    %get3A_634 = arith.index_cast %mul3A_619 : i32 to index
    %get3A_635 = tpu.vector_load %arg8[%get3A_634] {strides = array<i32>} : memref<10000xi32, #tpu.memory_space<vmem>>, vector<16xi32>,
    %get3A_636 = vector.shape_cast %get3A_635 : vector<16xi32> to vector<16xi32>
    %add3A_637 = arith.constant 161792 : i32
    %add3A_638 = vector.broadcast %add3A_637 : i32 to vector<16xi32>
    %add3A_639 = arith.addi %get3A_636, %add3A_638 : vector<16xi32>
    %add3A_640 = arith.addi %mul3A_625, %add3A_639 : vector<16xi32>
    %swap3A_641 = arith.index_cast %mul3A_619 : i32 to index
    %swap3A_642 = tpu.vector_load %arg8[%swap3A_641] {strides = array<i32>} : memref<10000xi32, #tpu.memory_space<vmem>>, vector<16xi32>,
    %swap3A_643 = vector.shape_cast %swap3A_642 : vector<16xi32> to vector<16xi32>
    %swap3A_644 = vector.shape_cast %add3A_640 : vector<16xi32> to vector<16xi32>
    tpu.vector_store %arg8[%swap3A_641], %swap3A_644 {strides = array<i32>} : memref<10000xi32, #tpu.memory_space<vmem>>, vector<16xi32>,
    %scan3A_645 = arith.constant 125 : i32
    %dma_start3A_646 = arith.constant 6000 : i32
    %dma_start3A_647 = tpu.memref_slice %arg11[%dma_start3A_646] : memref<10000xf32, #tpu.memory_space<vmem>> -> memref<2000xf32, #tpu.memory_space<vmem>>
    %dma_start3A_648 = arith.constant 6000 : i32
    %dma_start3A_649 = tpu.memref_slice %arg7[%dma_start3A_648] : memref<10000xi32, #tpu.memory_space<vmem>> -> memref<2000xi32, #tpu.memory_space<vmem>>
    %dma_start3A_650 = arith.constant 0 : i32
    %dma_start3A_651 = tpu.memref_slice %arg13[%dma_start3A_650] : memref<323584xf32, #tpu.memory_space<vmem_shared>> -> memref<323584xf32, #tpu.memory_space<vmem_shared>>
    tpu.enqueue_indirect_dma source(%dma_start3A_651 : memref<323584xf32, #tpu.memory_space<vmem_shared>>) target(%dma_start3A_647 : memref<2000xf32, #tpu.memory_space<vmem>>) offsets(%dma_start3A_649 : memref<2000xi32, #tpu.memory_space<vmem>>) semaphore(%arg14 : memref<!tpu.dma_semaphore, #tpu.memory_space<semaphore_mem>>)
    %dma_start3A_652 = arith.constant 6000 : i32
    %dma_start3A_653 = tpu.memref_slice %arg12[%dma_start3A_652] : memref<10000xf32, #tpu.memory_space<vmem>> -> memref<2000xf32, #tpu.memory_space<vmem>>
    %dma_start3A_654 = arith.constant 6000 : i32
    %dma_start3A_655 = tpu.memref_slice %arg8[%dma_start3A_654] : memref<10000xi32, #tpu.memory_space<vmem>> -> memref<2000xi32, #tpu.memory_space<vmem>>
    %dma_start3A_656 = arith.constant 0 : i32
    %dma_start3A_657 = tpu.memref_slice %arg13[%dma_start3A_656] : memref<323584xf32, #tpu.memory_space<vmem_shared>> -> memref<323584xf32, #tpu.memory_space<vmem_shared>>
    tpu.enqueue_indirect_dma source(%dma_start3A_657 : memref<323584xf32, #tpu.memory_space<vmem_shared>>) target(%dma_start3A_653 : memref<2000xf32, #tpu.memory_space<vmem>>) offsets(%dma_start3A_655 : memref<2000xi32, #tpu.memory_space<vmem>>) semaphore(%arg15 : memref<!tpu.dma_semaphore, #tpu.memory_space<semaphore_mem>>)
    %scan3A_658 = arith.constant 0 : i32
    %scan3A_659 = arith.constant 500 : i32
    %scan3A_660 = arith.constant 120 : i32
    %scan3A_661 = arith.addi %scan3A_659, %scan3A_660 : i32
    %scan3A_662 = arith.constant 8 : i32
    scf.for %scan3A_1760 = %scan3A_659 to %scan3A_661 step %scan3A_662  : i32 {
      %mul3A_1761 = arith.constant 16 : i32
      %mul3A_1762 = arith.muli %scan3A_1760, %mul3A_1761 : i32
      %get3A_1763 = arith.index_cast %mul3A_1762 : i32 to index
      %get3A_1764 = tpu.vector_load %arg9[%get3A_1763] {strides = array<i32>} : memref<10000xi32, #tpu.memory_space<vmem>>, vector<16xi32>,
      %get3A_1765 = vector.shape_cast %get3A_1764 : vector<16xi32> to vector<16xi32>
      %mul3A_1766 = arith.constant 10112 : i32
      %mul3A_1767 = vector.broadcast %mul3A_1766 : i32 to vector<16xi32>
      %mul3A_1768 = arith.muli %get3A_1765, %mul3A_1767 : vector<16xi32>
      %get3A_1769 = arith.index_cast %mul3A_1762 : i32 to index
      %get3A_1770 = tpu.vector_load %arg7[%get3A_1769] {strides = array<i32>} : memref<10000xi32, #tpu.memory_space<vmem>>, vector<16xi32>,
      %get3A_1771 = vector.shape_cast %get3A_1770 : vector<16xi32> to vector<16xi32>
      %add3A_1772 = arith.addi %mul3A_1768, %get3A_1771 : vector<16xi32>
      %swap3A_1773 = arith.index_cast %mul3A_1762 : i32 to index
      %swap3A_1774 = tpu.vector_load %arg7[%swap3A_1773] {strides = array<i32>} : memref<10000xi32, #tpu.memory_space<vmem>>, vector<16xi32>,
      %swap3A_1775 = vector.shape_cast %swap3A_1774 : vector<16xi32> to vector<16xi32>
      %swap3A_1776 = vector.shape_cast %add3A_1772 : vector<16xi32> to vector<16xi32>
      tpu.vector_store %arg7[%swap3A_1773], %swap3A_1776 {strides = array<i32>} : memref<10000xi32, #tpu.memory_space<vmem>>, vector<16xi32>,
      %get3A_1777 = arith.index_cast %mul3A_1762 : i32 to index
      %get3A_1778 = tpu.vector_load %arg8[%get3A_1777] {strides = array<i32>} : memref<10000xi32, #tpu.memory_space<vmem>>, vector<16xi32>,
      %get3A_1779 = vector.shape_cast %get3A_1778 : vector<16xi32> to vector<16xi32>
      %add3A_1780 = arith.constant 161792 : i32
      %add3A_1781 = vector.broadcast %add3A_1780 : i32 to vector<16xi32>
      %add3A_1782 = arith.addi %get3A_1779, %add3A_1781 : vector<16xi32>
      %add3A_1783 = arith.addi %mul3A_1768, %add3A_1782 : vector<16xi32>
      %swap3A_1784 = arith.index_cast %mul3A_1762 : i32 to index
      %swap3A_1785 = tpu.vector_load %arg8[%swap3A_1784] {strides = array<i32>} : memref<10000xi32, #tpu.memory_space<vmem>>, vector<16xi32>,
      %swap3A_1786 = vector.shape_cast %swap3A_1785 : vector<16xi32> to vector<16xi32>
      %swap3A_1787 = vector.shape_cast %add3A_1783 : vector<16xi32> to vector<16xi32>
      tpu.vector_store %arg8[%swap3A_1784], %swap3A_1787 {strides = array<i32>} : memref<10000xi32, #tpu.memory_space<vmem>>, vector<16xi32>,
      %scan3A_1788 = arith.constant 1 : i32
      %scan3A_1789 = arith.addi %scan3A_1760, %scan3A_1788 : i32
      %mul3A_1790 = arith.constant 16 : i32
      %mul3A_1791 = arith.muli %scan3A_1789, %mul3A_1790 : i32
      %get3A_1792 = arith.index_cast %mul3A_1791 : i32 to index
      %get3A_1793 = tpu.vector_load %arg9[%get3A_1792] {strides = array<i32>} : memref<10000xi32, #tpu.memory_space<vmem>>, vector<16xi32>,
      %get3A_1794 = vector.shape_cast %get3A_1793 : vector<16xi32> to vector<16xi32>
      %mul3A_1795 = arith.constant 10112 : i32
      %mul3A_1796 = vector.broadcast %mul3A_1795 : i32 to vector<16xi32>
      %mul3A_1797 = arith.muli %get3A_1794, %mul3A_1796 : vector<16xi32>
      %get3A_1798 = arith.index_cast %mul3A_1791 : i32 to index
      %get3A_1799 = tpu.vector_load %arg7[%get3A_1798] {strides = array<i32>} : memref<10000xi32, #tpu.memory_space<vmem>>, vector<16xi32>,
      %get3A_1800 = vector.shape_cast %get3A_1799 : vector<16xi32> to vector<16xi32>
      %add3A_1801 = arith.addi %mul3A_1797, %get3A_1800 : vector<16xi32>
      %swap3A_1802 = arith.index_cast %mul3A_1791 : i32 to index
      %swap3A_1803 = tpu.vector_load %arg7[%swap3A_1802] {strides = array<i32>} : memref<10000xi32, #tpu.memory_space<vmem>>, vector<16xi32>,
      %swap3A_1804 = vector.shape_cast %swap3A_1803 : vector<16xi32> to vector<16xi32>
      %swap3A_1805 = vector.shape_cast %add3A_1801 : vector<16xi32> to vector<16xi32>
      tpu.vector_store %arg7[%swap3A_1802], %swap3A_1805 {strides = array<i32>} : memref<10000xi32, #tpu.memory_space<vmem>>, vector<16xi32>,
      %get3A_1806 = arith.index_cast %mul3A_1791 : i32 to index
      %get3A_1807 = tpu.vector_load %arg8[%get3A_1806] {strides = array<i32>} : memref<10000xi32, #tpu.memory_space<vmem>>, vector<16xi32>,
      %get3A_1808 = vector.shape_cast %get3A_1807 : vector<16xi32> to vector<16xi32>
      %add3A_1809 = arith.constant 161792 : i32
      %add3A_1810 = vector.broadcast %add3A_1809 : i32 to vector<16xi32>
      %add3A_1811 = arith.addi %get3A_1808, %add3A_1810 : vector<16xi32>
      %add3A_1812 = arith.addi %mul3A_1797, %add3A_1811 : vector<16xi32>
      %swap3A_1813 = arith.index_cast %mul3A_1791 : i32 to index
      %swap3A_1814 = tpu.vector_load %arg8[%swap3A_1813] {strides = array<i32>} : memref<10000xi32, #tpu.memory_space<vmem>>, vector<16xi32>,
      %swap3A_1815 = vector.shape_cast %swap3A_1814 : vector<16xi32> to vector<16xi32>
      %swap3A_1816 = vector.shape_cast %add3A_1812 : vector<16xi32> to vector<16xi32>
      tpu.vector_store %arg8[%swap3A_1813], %swap3A_1816 {strides = array<i32>} : memref<10000xi32, #tpu.memory_space<vmem>>, vector<16xi32>,
      %scan3A_1817 = arith.constant 2 : i32
      %scan3A_1818 = arith.addi %scan3A_1760, %scan3A_1817 : i32
      %mul3A_1819 = arith.constant 16 : i32
      %mul3A_1820 = arith.muli %scan3A_1818, %mul3A_1819 : i32
      %get3A_1821 = arith.index_cast %mul3A_1820 : i32 to index
      %get3A_1822 = tpu.vector_load %arg9[%get3A_1821] {strides = array<i32>} : memref<10000xi32, #tpu.memory_space<vmem>>, vector<16xi32>,
      %get3A_1823 = vector.shape_cast %get3A_1822 : vector<16xi32> to vector<16xi32>
      %mul3A_1824 = arith.constant 10112 : i32
      %mul3A_1825 = vector.broadcast %mul3A_1824 : i32 to vector<16xi32>
      %mul3A_1826 = arith.muli %get3A_1823, %mul3A_1825 : vector<16xi32>
      %get3A_1827 = arith.index_cast %mul3A_1820 : i32 to index
      %get3A_1828 = tpu.vector_load %arg7[%get3A_1827] {strides = array<i32>} : memref<10000xi32, #tpu.memory_space<vmem>>, vector<16xi32>,
      %get3A_1829 = vector.shape_cast %get3A_1828 : vector<16xi32> to vector<16xi32>
      %add3A_1830 = arith.addi %mul3A_1826, %get3A_1829 : vector<16xi32>
      %swap3A_1831 = arith.index_cast %mul3A_1820 : i32 to index
      %swap3A_1832 = tpu.vector_load %arg7[%swap3A_1831] {strides = array<i32>} : memref<10000xi32, #tpu.memory_space<vmem>>, vector<16xi32>,
      %swap3A_1833 = vector.shape_cast %swap3A_1832 : vector<16xi32> to vector<16xi32>
      %swap3A_1834 = vector.shape_cast %add3A_1830 : vector<16xi32> to vector<16xi32>
      tpu.vector_store %arg7[%swap3A_1831], %swap3A_1834 {strides = array<i32>} : memref<10000xi32, #tpu.memory_space<vmem>>, vector<16xi32>,
      %get3A_1835 = arith.index_cast %mul3A_1820 : i32 to index
      %get3A_1836 = tpu.vector_load %arg8[%get3A_1835] {strides = array<i32>} : memref<10000xi32, #tpu.memory_space<vmem>>, vector<16xi32>,
      %get3A_1837 = vector.shape_cast %get3A_1836 : vector<16xi32> to vector<16xi32>
      %add3A_1838 = arith.constant 161792 : i32
      %add3A_1839 = vector.broadcast %add3A_1838 : i32 to vector<16xi32>
      %add3A_1840 = arith.addi %get3A_1837, %add3A_1839 : vector<16xi32>
      %add3A_1841 = arith.addi %mul3A_1826, %add3A_1840 : vector<16xi32>
      %swap3A_1842 = arith.index_cast %mul3A_1820 : i32 to index
      %swap3A_1843 = tpu.vector_load %arg8[%swap3A_1842] {strides = array<i32>} : memref<10000xi32, #tpu.memory_space<vmem>>, vector<16xi32>,
      %swap3A_1844 = vector.shape_cast %swap3A_1843 : vector<16xi32> to vector<16xi32>
      %swap3A_1845 = vector.shape_cast %add3A_1841 : vector<16xi32> to vector<16xi32>
      tpu.vector_store %arg8[%swap3A_1842], %swap3A_1845 {strides = array<i32>} : memref<10000xi32, #tpu.memory_space<vmem>>, vector<16xi32>,
      %scan3A_1846 = arith.constant 3 : i32
      %scan3A_1847 = arith.addi %scan3A_1760, %scan3A_1846 : i32
      %mul3A_1848 = arith.constant 16 : i32
      %mul3A_1849 = arith.muli %scan3A_1847, %mul3A_1848 : i32
      %get3A_1850 = arith.index_cast %mul3A_1849 : i32 to index
      %get3A_1851 = tpu.vector_load %arg9[%get3A_1850] {strides = array<i32>} : memref<10000xi32, #tpu.memory_space<vmem>>, vector<16xi32>,
      %get3A_1852 = vector.shape_cast %get3A_1851 : vector<16xi32> to vector<16xi32>
      %mul3A_1853 = arith.constant 10112 : i32
      %mul3A_1854 = vector.broadcast %mul3A_1853 : i32 to vector<16xi32>
      %mul3A_1855 = arith.muli %get3A_1852, %mul3A_1854 : vector<16xi32>
      %get3A_1856 = arith.index_cast %mul3A_1849 : i32 to index
      %get3A_1857 = tpu.vector_load %arg7[%get3A_1856] {strides = array<i32>} : memref<10000xi32, #tpu.memory_space<vmem>>, vector<16xi32>,
      %get3A_1858 = vector.shape_cast %get3A_1857 : vector<16xi32> to vector<16xi32>
      %add3A_1859 = arith.addi %mul3A_1855, %get3A_1858 : vector<16xi32>
      %swap3A_1860 = arith.index_cast %mul3A_1849 : i32 to index
      %swap3A_1861 = tpu.vector_load %arg7[%swap3A_1860] {strides = array<i32>} : memref<10000xi32, #tpu.memory_space<vmem>>, vector<16xi32>,
      %swap3A_1862 = vector.shape_cast %swap3A_1861 : vector<16xi32> to vector<16xi32>
      %swap3A_1863 = vector.shape_cast %add3A_1859 : vector<16xi32> to vector<16xi32>
      tpu.vector_store %arg7[%swap3A_1860], %swap3A_1863 {strides = array<i32>} : memref<10000xi32, #tpu.memory_space<vmem>>, vector<16xi32>,
      %get3A_1864 = arith.index_cast %mul3A_1849 : i32 to index
      %get3A_1865 = tpu.vector_load %arg8[%get3A_1864] {strides = array<i32>} : memref<10000xi32, #tpu.memory_space<vmem>>, vector<16xi32>,
      %get3A_1866 = vector.shape_cast %get3A_1865 : vector<16xi32> to vector<16xi32>
      %add3A_1867 = arith.constant 161792 : i32
      %add3A_1868 = vector.broadcast %add3A_1867 : i32 to vector<16xi32>
      %add3A_1869 = arith.addi %get3A_1866, %add3A_1868 : vector<16xi32>
      %add3A_1870 = arith.addi %mul3A_1855, %add3A_1869 : vector<16xi32>
      %swap3A_1871 = arith.index_cast %mul3A_1849 : i32 to index
      %swap3A_1872 = tpu.vector_load %arg8[%swap3A_1871] {strides = array<i32>} : memref<10000xi32, #tpu.memory_space<vmem>>, vector<16xi32>,
      %swap3A_1873 = vector.shape_cast %swap3A_1872 : vector<16xi32> to vector<16xi32>
      %swap3A_1874 = vector.shape_cast %add3A_1870 : vector<16xi32> to vector<16xi32>
      tpu.vector_store %arg8[%swap3A_1871], %swap3A_1874 {strides = array<i32>} : memref<10000xi32, #tpu.memory_space<vmem>>, vector<16xi32>,
      %scan3A_1875 = arith.constant 4 : i32
      %scan3A_1876 = arith.addi %scan3A_1760, %scan3A_1875 : i32
      %mul3A_1877 = arith.constant 16 : i32
      %mul3A_1878 = arith.muli %scan3A_1876, %mul3A_1877 : i32
      %get3A_1879 = arith.index_cast %mul3A_1878 : i32 to index
      %get3A_1880 = tpu.vector_load %arg9[%get3A_1879] {strides = array<i32>} : memref<10000xi32, #tpu.memory_space<vmem>>, vector<16xi32>,
      %get3A_1881 = vector.shape_cast %get3A_1880 : vector<16xi32> to vector<16xi32>
      %mul3A_1882 = arith.constant 10112 : i32
      %mul3A_1883 = vector.broadcast %mul3A_1882 : i32 to vector<16xi32>
      %mul3A_1884 = arith.muli %get3A_1881, %mul3A_1883 : vector<16xi32>
      %get3A_1885 = arith.index_cast %mul3A_1878 : i32 to index
      %get3A_1886 = tpu.vector_load %arg7[%get3A_1885] {strides = array<i32>} : memref<10000xi32, #tpu.memory_space<vmem>>, vector<16xi32>,
      %get3A_1887 = vector.shape_cast %get3A_1886 : vector<16xi32> to vector<16xi32>
      %add3A_1888 = arith.addi %mul3A_1884, %get3A_1887 : vector<16xi32>
      %swap3A_1889 = arith.index_cast %mul3A_1878 : i32 to index
      %swap3A_1890 = tpu.vector_load %arg7[%swap3A_1889] {strides = array<i32>} : memref<10000xi32, #tpu.memory_space<vmem>>, vector<16xi32>,
      %swap3A_1891 = vector.shape_cast %swap3A_1890 : vector<16xi32> to vector<16xi32>
      %swap3A_1892 = vector.shape_cast %add3A_1888 : vector<16xi32> to vector<16xi32>
      tpu.vector_store %arg7[%swap3A_1889], %swap3A_1892 {strides = array<i32>} : memref<10000xi32, #tpu.memory_space<vmem>>, vector<16xi32>,
      %get3A_1893 = arith.index_cast %mul3A_1878 : i32 to index
      %get3A_1894 = tpu.vector_load %arg8[%get3A_1893] {strides = array<i32>} : memref<10000xi32, #tpu.memory_space<vmem>>, vector<16xi32>,
      %get3A_1895 = vector.shape_cast %get3A_1894 : vector<16xi32> to vector<16xi32>
      %add3A_1896 = arith.constant 161792 : i32
      %add3A_1897 = vector.broadcast %add3A_1896 : i32 to vector<16xi32>
      %add3A_1898 = arith.addi %get3A_1895, %add3A_1897 : vector<16xi32>
      %add3A_1899 = arith.addi %mul3A_1884, %add3A_1898 : vector<16xi32>
      %swap3A_1900 = arith.index_cast %mul3A_1878 : i32 to index
      %swap3A_1901 = tpu.vector_load %arg8[%swap3A_1900] {strides = array<i32>} : memref<10000xi32, #tpu.memory_space<vmem>>, vector<16xi32>,
      %swap3A_1902 = vector.shape_cast %swap3A_1901 : vector<16xi32> to vector<16xi32>
      %swap3A_1903 = vector.shape_cast %add3A_1899 : vector<16xi32> to vector<16xi32>
      tpu.vector_store %arg8[%swap3A_1900], %swap3A_1903 {strides = array<i32>} : memref<10000xi32, #tpu.memory_space<vmem>>, vector<16xi32>,
      %scan3A_1904 = arith.constant 5 : i32
      %scan3A_1905 = arith.addi %scan3A_1760, %scan3A_1904 : i32
      %mul3A_1906 = arith.constant 16 : i32
      %mul3A_1907 = arith.muli %scan3A_1905, %mul3A_1906 : i32
      %get3A_1908 = arith.index_cast %mul3A_1907 : i32 to index
      %get3A_1909 = tpu.vector_load %arg9[%get3A_1908] {strides = array<i32>} : memref<10000xi32, #tpu.memory_space<vmem>>, vector<16xi32>,
      %get3A_1910 = vector.shape_cast %get3A_1909 : vector<16xi32> to vector<16xi32>
      %mul3A_1911 = arith.constant 10112 : i32
      %mul3A_1912 = vector.broadcast %mul3A_1911 : i32 to vector<16xi32>
      %mul3A_1913 = arith.muli %get3A_1910, %mul3A_1912 : vector<16xi32>
      %get3A_1914 = arith.index_cast %mul3A_1907 : i32 to index
      %get3A_1915 = tpu.vector_load %arg7[%get3A_1914] {strides = array<i32>} : memref<10000xi32, #tpu.memory_space<vmem>>, vector<16xi32>,
      %get3A_1916 = vector.shape_cast %get3A_1915 : vector<16xi32> to vector<16xi32>
      %add3A_1917 = arith.addi %mul3A_1913, %get3A_1916 : vector<16xi32>
      %swap3A_1918 = arith.index_cast %mul3A_1907 : i32 to index
      %swap3A_1919 = tpu.vector_load %arg7[%swap3A_1918] {strides = array<i32>} : memref<10000xi32, #tpu.memory_space<vmem>>, vector<16xi32>,
      %swap3A_1920 = vector.shape_cast %swap3A_1919 : vector<16xi32> to vector<16xi32>
      %swap3A_1921 = vector.shape_cast %add3A_1917 : vector<16xi32> to vector<16xi32>
      tpu.vector_store %arg7[%swap3A_1918], %swap3A_1921 {strides = array<i32>} : memref<10000xi32, #tpu.memory_space<vmem>>, vector<16xi32>,
      %get3A_1922 = arith.index_cast %mul3A_1907 : i32 to index
      %get3A_1923 = tpu.vector_load %arg8[%get3A_1922] {strides = array<i32>} : memref<10000xi32, #tpu.memory_space<vmem>>, vector<16xi32>,
      %get3A_1924 = vector.shape_cast %get3A_1923 : vector<16xi32> to vector<16xi32>
      %add3A_1925 = arith.constant 161792 : i32
      %add3A_1926 = vector.broadcast %add3A_1925 : i32 to vector<16xi32>
      %add3A_1927 = arith.addi %get3A_1924, %add3A_1926 : vector<16xi32>
      %add3A_1928 = arith.addi %mul3A_1913, %add3A_1927 : vector<16xi32>
      %swap3A_1929 = arith.index_cast %mul3A_1907 : i32 to index
      %swap3A_1930 = tpu.vector_load %arg8[%swap3A_1929] {strides = array<i32>} : memref<10000xi32, #tpu.memory_space<vmem>>, vector<16xi32>,
      %swap3A_1931 = vector.shape_cast %swap3A_1930 : vector<16xi32> to vector<16xi32>
      %swap3A_1932 = vector.shape_cast %add3A_1928 : vector<16xi32> to vector<16xi32>
      tpu.vector_store %arg8[%swap3A_1929], %swap3A_1932 {strides = array<i32>} : memref<10000xi32, #tpu.memory_space<vmem>>, vector<16xi32>,
      %scan3A_1933 = arith.constant 6 : i32
      %scan3A_1934 = arith.addi %scan3A_1760, %scan3A_1933 : i32
      %mul3A_1935 = arith.constant 16 : i32
      %mul3A_1936 = arith.muli %scan3A_1934, %mul3A_1935 : i32
      %get3A_1937 = arith.index_cast %mul3A_1936 : i32 to index
      %get3A_1938 = tpu.vector_load %arg9[%get3A_1937] {strides = array<i32>} : memref<10000xi32, #tpu.memory_space<vmem>>, vector<16xi32>,
      %get3A_1939 = vector.shape_cast %get3A_1938 : vector<16xi32> to vector<16xi32>
      %mul3A_1940 = arith.constant 10112 : i32
      %mul3A_1941 = vector.broadcast %mul3A_1940 : i32 to vector<16xi32>
      %mul3A_1942 = arith.muli %get3A_1939, %mul3A_1941 : vector<16xi32>
      %get3A_1943 = arith.index_cast %mul3A_1936 : i32 to index
      %get3A_1944 = tpu.vector_load %arg7[%get3A_1943] {strides = array<i32>} : memref<10000xi32, #tpu.memory_space<vmem>>, vector<16xi32>,
      %get3A_1945 = vector.shape_cast %get3A_1944 : vector<16xi32> to vector<16xi32>
      %add3A_1946 = arith.addi %mul3A_1942, %get3A_1945 : vector<16xi32>
      %swap3A_1947 = arith.index_cast %mul3A_1936 : i32 to index
      %swap3A_1948 = tpu.vector_load %arg7[%swap3A_1947] {strides = array<i32>} : memref<10000xi32, #tpu.memory_space<vmem>>, vector<16xi32>,
      %swap3A_1949 = vector.shape_cast %swap3A_1948 : vector<16xi32> to vector<16xi32>
      %swap3A_1950 = vector.shape_cast %add3A_1946 : vector<16xi32> to vector<16xi32>
      tpu.vector_store %arg7[%swap3A_1947], %swap3A_1950 {strides = array<i32>} : memref<10000xi32, #tpu.memory_space<vmem>>, vector<16xi32>,
      %get3A_1951 = arith.index_cast %mul3A_1936 : i32 to index
      %get3A_1952 = tpu.vector_load %arg8[%get3A_1951] {strides = array<i32>} : memref<10000xi32, #tpu.memory_space<vmem>>, vector<16xi32>,
      %get3A_1953 = vector.shape_cast %get3A_1952 : vector<16xi32> to vector<16xi32>
      %add3A_1954 = arith.constant 161792 : i32
      %add3A_1955 = vector.broadcast %add3A_1954 : i32 to vector<16xi32>
      %add3A_1956 = arith.addi %get3A_1953, %add3A_1955 : vector<16xi32>
      %add3A_1957 = arith.addi %mul3A_1942, %add3A_1956 : vector<16xi32>
      %swap3A_1958 = arith.index_cast %mul3A_1936 : i32 to index
      %swap3A_1959 = tpu.vector_load %arg8[%swap3A_1958] {strides = array<i32>} : memref<10000xi32, #tpu.memory_space<vmem>>, vector<16xi32>,
      %swap3A_1960 = vector.shape_cast %swap3A_1959 : vector<16xi32> to vector<16xi32>
      %swap3A_1961 = vector.shape_cast %add3A_1957 : vector<16xi32> to vector<16xi32>
      tpu.vector_store %arg8[%swap3A_1958], %swap3A_1961 {strides = array<i32>} : memref<10000xi32, #tpu.memory_space<vmem>>, vector<16xi32>,
      %scan3A_1962 = arith.constant 7 : i32
      %scan3A_1963 = arith.addi %scan3A_1760, %scan3A_1962 : i32
      %mul3A_1964 = arith.constant 16 : i32
      %mul3A_1965 = arith.muli %scan3A_1963, %mul3A_1964 : i32
      %get3A_1966 = arith.index_cast %mul3A_1965 : i32 to index
      %get3A_1967 = tpu.vector_load %arg9[%get3A_1966] {strides = array<i32>} : memref<10000xi32, #tpu.memory_space<vmem>>, vector<16xi32>,
      %get3A_1968 = vector.shape_cast %get3A_1967 : vector<16xi32> to vector<16xi32>
      %mul3A_1969 = arith.constant 10112 : i32
      %mul3A_1970 = vector.broadcast %mul3A_1969 : i32 to vector<16xi32>
      %mul3A_1971 = arith.muli %get3A_1968, %mul3A_1970 : vector<16xi32>
      %get3A_1972 = arith.index_cast %mul3A_1965 : i32 to index
      %get3A_1973 = tpu.vector_load %arg7[%get3A_1972] {strides = array<i32>} : memref<10000xi32, #tpu.memory_space<vmem>>, vector<16xi32>,
      %get3A_1974 = vector.shape_cast %get3A_1973 : vector<16xi32> to vector<16xi32>
      %add3A_1975 = arith.addi %mul3A_1971, %get3A_1974 : vector<16xi32>
      %swap3A_1976 = arith.index_cast %mul3A_1965 : i32 to index
      %swap3A_1977 = tpu.vector_load %arg7[%swap3A_1976] {strides = array<i32>} : memref<10000xi32, #tpu.memory_space<vmem>>, vector<16xi32>,
      %swap3A_1978 = vector.shape_cast %swap3A_1977 : vector<16xi32> to vector<16xi32>
      %swap3A_1979 = vector.shape_cast %add3A_1975 : vector<16xi32> to vector<16xi32>
      tpu.vector_store %arg7[%swap3A_1976], %swap3A_1979 {strides = array<i32>} : memref<10000xi32, #tpu.memory_space<vmem>>, vector<16xi32>,
      %get3A_1980 = arith.index_cast %mul3A_1965 : i32 to index
      %get3A_1981 = tpu.vector_load %arg8[%get3A_1980] {strides = array<i32>} : memref<10000xi32, #tpu.memory_space<vmem>>, vector<16xi32>,
      %get3A_1982 = vector.shape_cast %get3A_1981 : vector<16xi32> to vector<16xi32>
      %add3A_1983 = arith.constant 161792 : i32
      %add3A_1984 = vector.broadcast %add3A_1983 : i32 to vector<16xi32>
      %add3A_1985 = arith.addi %get3A_1982, %add3A_1984 : vector<16xi32>
      %add3A_1986 = arith.addi %mul3A_1971, %add3A_1985 : vector<16xi32>
      %swap3A_1987 = arith.index_cast %mul3A_1965 : i32 to index
      %swap3A_1988 = tpu.vector_load %arg8[%swap3A_1987] {strides = array<i32>} : memref<10000xi32, #tpu.memory_space<vmem>>, vector<16xi32>,
      %swap3A_1989 = vector.shape_cast %swap3A_1988 : vector<16xi32> to vector<16xi32>
      %swap3A_1990 = vector.shape_cast %add3A_1986 : vector<16xi32> to vector<16xi32>
      tpu.vector_store %arg8[%swap3A_1987], %swap3A_1990 {strides = array<i32>} : memref<10000xi32, #tpu.memory_space<vmem>>, vector<16xi32>,
    }
    %scan3A_663 = arith.constant 120 : i32
    %scan3A_664 = arith.addi %scan3A_659, %scan3A_663 : i32
    %mul3A_665 = arith.constant 16 : i32
    %mul3A_666 = arith.muli %scan3A_664, %mul3A_665 : i32
    %get3A_667 = arith.index_cast %mul3A_666 : i32 to index
    %get3A_668 = tpu.vector_load %arg9[%get3A_667] {strides = array<i32>} : memref<10000xi32, #tpu.memory_space<vmem>>, vector<16xi32>,
    %get3A_669 = vector.shape_cast %get3A_668 : vector<16xi32> to vector<16xi32>
    %mul3A_670 = arith.constant 10112 : i32
    %mul3A_671 = vector.broadcast %mul3A_670 : i32 to vector<16xi32>
    %mul3A_672 = arith.muli %get3A_669, %mul3A_671 : vector<16xi32>
    %get3A_673 = arith.index_cast %mul3A_666 : i32 to index
    %get3A_674 = tpu.vector_load %arg7[%get3A_673] {strides = array<i32>} : memref<10000xi32, #tpu.memory_space<vmem>>, vector<16xi32>,
    %get3A_675 = vector.shape_cast %get3A_674 : vector<16xi32> to vector<16xi32>
    %add3A_676 = arith.addi %mul3A_672, %get3A_675 : vector<16xi32>
    %swap3A_677 = arith.index_cast %mul3A_666 : i32 to index
    %swap3A_678 = tpu.vector_load %arg7[%swap3A_677] {strides = array<i32>} : memref<10000xi32, #tpu.memory_space<vmem>>, vector<16xi32>,
    %swap3A_679 = vector.shape_cast %swap3A_678 : vector<16xi32> to vector<16xi32>
    %swap3A_680 = vector.shape_cast %add3A_676 : vector<16xi32> to vector<16xi32>
    tpu.vector_store %arg7[%swap3A_677], %swap3A_680 {strides = array<i32>} : memref<10000xi32, #tpu.memory_space<vmem>>, vector<16xi32>,
    %get3A_681 = arith.index_cast %mul3A_666 : i32 to index
    %get3A_682 = tpu.vector_load %arg8[%get3A_681] {strides = array<i32>} : memref<10000xi32, #tpu.memory_space<vmem>>, vector<16xi32>,
    %get3A_683 = vector.shape_cast %get3A_682 : vector<16xi32> to vector<16xi32>
    %add3A_684 = arith.constant 161792 : i32
    %add3A_685 = vector.broadcast %add3A_684 : i32 to vector<16xi32>
    %add3A_686 = arith.addi %get3A_683, %add3A_685 : vector<16xi32>
    %add3A_687 = arith.addi %mul3A_672, %add3A_686 : vector<16xi32>
    %swap3A_688 = arith.index_cast %mul3A_666 : i32 to index
    %swap3A_689 = tpu.vector_load %arg8[%swap3A_688] {strides = array<i32>} : memref<10000xi32, #tpu.memory_space<vmem>>, vector<16xi32>,
    %swap3A_690 = vector.shape_cast %swap3A_689 : vector<16xi32> to vector<16xi32>
    %swap3A_691 = vector.shape_cast %add3A_687 : vector<16xi32> to vector<16xi32>
    tpu.vector_store %arg8[%swap3A_688], %swap3A_691 {strides = array<i32>} : memref<10000xi32, #tpu.memory_space<vmem>>, vector<16xi32>,
    %scan3A_692 = arith.constant 121 : i32
    %scan3A_693 = arith.addi %scan3A_659, %scan3A_692 : i32
    %mul3A_694 = arith.constant 16 : i32
    %mul3A_695 = arith.muli %scan3A_693, %mul3A_694 : i32
    %get3A_696 = arith.index_cast %mul3A_695 : i32 to index
    %get3A_697 = tpu.vector_load %arg9[%get3A_696] {strides = array<i32>} : memref<10000xi32, #tpu.memory_space<vmem>>, vector<16xi32>,
    %get3A_698 = vector.shape_cast %get3A_697 : vector<16xi32> to vector<16xi32>
    %mul3A_699 = arith.constant 10112 : i32
    %mul3A_700 = vector.broadcast %mul3A_699 : i32 to vector<16xi32>
    %mul3A_701 = arith.muli %get3A_698, %mul3A_700 : vector<16xi32>
    %get3A_702 = arith.index_cast %mul3A_695 : i32 to index
    %get3A_703 = tpu.vector_load %arg7[%get3A_702] {strides = array<i32>} : memref<10000xi32, #tpu.memory_space<vmem>>, vector<16xi32>,
    %get3A_704 = vector.shape_cast %get3A_703 : vector<16xi32> to vector<16xi32>
    %add3A_705 = arith.addi %mul3A_701, %get3A_704 : vector<16xi32>
    %swap3A_706 = arith.index_cast %mul3A_695 : i32 to index
    %swap3A_707 = tpu.vector_load %arg7[%swap3A_706] {strides = array<i32>} : memref<10000xi32, #tpu.memory_space<vmem>>, vector<16xi32>,
    %swap3A_708 = vector.shape_cast %swap3A_707 : vector<16xi32> to vector<16xi32>
    %swap3A_709 = vector.shape_cast %add3A_705 : vector<16xi32> to vector<16xi32>
    tpu.vector_store %arg7[%swap3A_706], %swap3A_709 {strides = array<i32>} : memref<10000xi32, #tpu.memory_space<vmem>>, vector<16xi32>,
    %get3A_710 = arith.index_cast %mul3A_695 : i32 to index
    %get3A_711 = tpu.vector_load %arg8[%get3A_710] {strides = array<i32>} : memref<10000xi32, #tpu.memory_space<vmem>>, vector<16xi32>,
    %get3A_712 = vector.shape_cast %get3A_711 : vector<16xi32> to vector<16xi32>
    %add3A_713 = arith.constant 161792 : i32
    %add3A_714 = vector.broadcast %add3A_713 : i32 to vector<16xi32>
    %add3A_715 = arith.addi %get3A_712, %add3A_714 : vector<16xi32>
    %add3A_716 = arith.addi %mul3A_701, %add3A_715 : vector<16xi32>
    %swap3A_717 = arith.index_cast %mul3A_695 : i32 to index
    %swap3A_718 = tpu.vector_load %arg8[%swap3A_717] {strides = array<i32>} : memref<10000xi32, #tpu.memory_space<vmem>>, vector<16xi32>,
    %swap3A_719 = vector.shape_cast %swap3A_718 : vector<16xi32> to vector<16xi32>
    %swap3A_720 = vector.shape_cast %add3A_716 : vector<16xi32> to vector<16xi32>
    tpu.vector_store %arg8[%swap3A_717], %swap3A_720 {strides = array<i32>} : memref<10000xi32, #tpu.memory_space<vmem>>, vector<16xi32>,
    %scan3A_721 = arith.constant 122 : i32
    %scan3A_722 = arith.addi %scan3A_659, %scan3A_721 : i32
    %mul3A_723 = arith.constant 16 : i32
    %mul3A_724 = arith.muli %scan3A_722, %mul3A_723 : i32
    %get3A_725 = arith.index_cast %mul3A_724 : i32 to index
    %get3A_726 = tpu.vector_load %arg9[%get3A_725] {strides = array<i32>} : memref<10000xi32, #tpu.memory_space<vmem>>, vector<16xi32>,
    %get3A_727 = vector.shape_cast %get3A_726 : vector<16xi32> to vector<16xi32>
    %mul3A_728 = arith.constant 10112 : i32
    %mul3A_729 = vector.broadcast %mul3A_728 : i32 to vector<16xi32>
    %mul3A_730 = arith.muli %get3A_727, %mul3A_729 : vector<16xi32>
    %get3A_731 = arith.index_cast %mul3A_724 : i32 to index
    %get3A_732 = tpu.vector_load %arg7[%get3A_731] {strides = array<i32>} : memref<10000xi32, #tpu.memory_space<vmem>>, vector<16xi32>,
    %get3A_733 = vector.shape_cast %get3A_732 : vector<16xi32> to vector<16xi32>
    %add3A_734 = arith.addi %mul3A_730, %get3A_733 : vector<16xi32>
    %swap3A_735 = arith.index_cast %mul3A_724 : i32 to index
    %swap3A_736 = tpu.vector_load %arg7[%swap3A_735] {strides = array<i32>} : memref<10000xi32, #tpu.memory_space<vmem>>, vector<16xi32>,
    %swap3A_737 = vector.shape_cast %swap3A_736 : vector<16xi32> to vector<16xi32>
    %swap3A_738 = vector.shape_cast %add3A_734 : vector<16xi32> to vector<16xi32>
    tpu.vector_store %arg7[%swap3A_735], %swap3A_738 {strides = array<i32>} : memref<10000xi32, #tpu.memory_space<vmem>>, vector<16xi32>,
    %get3A_739 = arith.index_cast %mul3A_724 : i32 to index
    %get3A_740 = tpu.vector_load %arg8[%get3A_739] {strides = array<i32>} : memref<10000xi32, #tpu.memory_space<vmem>>, vector<16xi32>,
    %get3A_741 = vector.shape_cast %get3A_740 : vector<16xi32> to vector<16xi32>
    %add3A_742 = arith.constant 161792 : i32
    %add3A_743 = vector.broadcast %add3A_742 : i32 to vector<16xi32>
    %add3A_744 = arith.addi %get3A_741, %add3A_743 : vector<16xi32>
    %add3A_745 = arith.addi %mul3A_730, %add3A_744 : vector<16xi32>
    %swap3A_746 = arith.index_cast %mul3A_724 : i32 to index
    %swap3A_747 = tpu.vector_load %arg8[%swap3A_746] {strides = array<i32>} : memref<10000xi32, #tpu.memory_space<vmem>>, vector<16xi32>,
    %swap3A_748 = vector.shape_cast %swap3A_747 : vector<16xi32> to vector<16xi32>
    %swap3A_749 = vector.shape_cast %add3A_745 : vector<16xi32> to vector<16xi32>
    tpu.vector_store %arg8[%swap3A_746], %swap3A_749 {strides = array<i32>} : memref<10000xi32, #tpu.memory_space<vmem>>, vector<16xi32>,
    %scan3A_750 = arith.constant 123 : i32
    %scan3A_751 = arith.addi %scan3A_659, %scan3A_750 : i32
    %mul3A_752 = arith.constant 16 : i32
    %mul3A_753 = arith.muli %scan3A_751, %mul3A_752 : i32
    %get3A_754 = arith.index_cast %mul3A_753 : i32 to index
    %get3A_755 = tpu.vector_load %arg9[%get3A_754] {strides = array<i32>} : memref<10000xi32, #tpu.memory_space<vmem>>, vector<16xi32>,
    %get3A_756 = vector.shape_cast %get3A_755 : vector<16xi32> to vector<16xi32>
    %mul3A_757 = arith.constant 10112 : i32
    %mul3A_758 = vector.broadcast %mul3A_757 : i32 to vector<16xi32>
    %mul3A_759 = arith.muli %get3A_756, %mul3A_758 : vector<16xi32>
    %get3A_760 = arith.index_cast %mul3A_753 : i32 to index
    %get3A_761 = tpu.vector_load %arg7[%get3A_760] {strides = array<i32>} : memref<10000xi32, #tpu.memory_space<vmem>>, vector<16xi32>,
    %get3A_762 = vector.shape_cast %get3A_761 : vector<16xi32> to vector<16xi32>
    %add3A_763 = arith.addi %mul3A_759, %get3A_762 : vector<16xi32>
    %swap3A_764 = arith.index_cast %mul3A_753 : i32 to index
    %swap3A_765 = tpu.vector_load %arg7[%swap3A_764] {strides = array<i32>} : memref<10000xi32, #tpu.memory_space<vmem>>, vector<16xi32>,
    %swap3A_766 = vector.shape_cast %swap3A_765 : vector<16xi32> to vector<16xi32>
    %swap3A_767 = vector.shape_cast %add3A_763 : vector<16xi32> to vector<16xi32>
    tpu.vector_store %arg7[%swap3A_764], %swap3A_767 {strides = array<i32>} : memref<10000xi32, #tpu.memory_space<vmem>>, vector<16xi32>,
    %get3A_768 = arith.index_cast %mul3A_753 : i32 to index
    %get3A_769 = tpu.vector_load %arg8[%get3A_768] {strides = array<i32>} : memref<10000xi32, #tpu.memory_space<vmem>>, vector<16xi32>,
    %get3A_770 = vector.shape_cast %get3A_769 : vector<16xi32> to vector<16xi32>
    %add3A_771 = arith.constant 161792 : i32
    %add3A_772 = vector.broadcast %add3A_771 : i32 to vector<16xi32>
    %add3A_773 = arith.addi %get3A_770, %add3A_772 : vector<16xi32>
    %add3A_774 = arith.addi %mul3A_759, %add3A_773 : vector<16xi32>
    %swap3A_775 = arith.index_cast %mul3A_753 : i32 to index
    %swap3A_776 = tpu.vector_load %arg8[%swap3A_775] {strides = array<i32>} : memref<10000xi32, #tpu.memory_space<vmem>>, vector<16xi32>,
    %swap3A_777 = vector.shape_cast %swap3A_776 : vector<16xi32> to vector<16xi32>
    %swap3A_778 = vector.shape_cast %add3A_774 : vector<16xi32> to vector<16xi32>
    tpu.vector_store %arg8[%swap3A_775], %swap3A_778 {strides = array<i32>} : memref<10000xi32, #tpu.memory_space<vmem>>, vector<16xi32>,
    %scan3A_779 = arith.constant 124 : i32
    %scan3A_780 = arith.addi %scan3A_659, %scan3A_779 : i32
    %mul3A_781 = arith.constant 16 : i32
    %mul3A_782 = arith.muli %scan3A_780, %mul3A_781 : i32
    %get3A_783 = arith.index_cast %mul3A_782 : i32 to index
    %get3A_784 = tpu.vector_load %arg9[%get3A_783] {strides = array<i32>} : memref<10000xi32, #tpu.memory_space<vmem>>, vector<16xi32>,
    %get3A_785 = vector.shape_cast %get3A_784 : vector<16xi32> to vector<16xi32>
    %mul3A_786 = arith.constant 10112 : i32
    %mul3A_787 = vector.broadcast %mul3A_786 : i32 to vector<16xi32>
    %mul3A_788 = arith.muli %get3A_785, %mul3A_787 : vector<16xi32>
    %get3A_789 = arith.index_cast %mul3A_782 : i32 to index
    %get3A_790 = tpu.vector_load %arg7[%get3A_789] {strides = array<i32>} : memref<10000xi32, #tpu.memory_space<vmem>>, vector<16xi32>,
    %get3A_791 = vector.shape_cast %get3A_790 : vector<16xi32> to vector<16xi32>
    %add3A_792 = arith.addi %mul3A_788, %get3A_791 : vector<16xi32>
    %swap3A_793 = arith.index_cast %mul3A_782 : i32 to index
    %swap3A_794 = tpu.vector_load %arg7[%swap3A_793] {strides = array<i32>} : memref<10000xi32, #tpu.memory_space<vmem>>, vector<16xi32>,
    %swap3A_795 = vector.shape_cast %swap3A_794 : vector<16xi32> to vector<16xi32>
    %swap3A_796 = vector.shape_cast %add3A_792 : vector<16xi32> to vector<16xi32>
    tpu.vector_store %arg7[%swap3A_793], %swap3A_796 {strides = array<i32>} : memref<10000xi32, #tpu.memory_space<vmem>>, vector<16xi32>,
    %get3A_797 = arith.index_cast %mul3A_782 : i32 to index
    %get3A_798 = tpu.vector_load %arg8[%get3A_797] {strides = array<i32>} : memref<10000xi32, #tpu.memory_space<vmem>>, vector<16xi32>,
    %get3A_799 = vector.shape_cast %get3A_798 : vector<16xi32> to vector<16xi32>
    %add3A_800 = arith.constant 161792 : i32
    %add3A_801 = vector.broadcast %add3A_800 : i32 to vector<16xi32>
    %add3A_802 = arith.addi %get3A_799, %add3A_801 : vector<16xi32>
    %add3A_803 = arith.addi %mul3A_788, %add3A_802 : vector<16xi32>
    %swap3A_804 = arith.index_cast %mul3A_782 : i32 to index
    %swap3A_805 = tpu.vector_load %arg8[%swap3A_804] {strides = array<i32>} : memref<10000xi32, #tpu.memory_space<vmem>>, vector<16xi32>,
    %swap3A_806 = vector.shape_cast %swap3A_805 : vector<16xi32> to vector<16xi32>
    %swap3A_807 = vector.shape_cast %add3A_803 : vector<16xi32> to vector<16xi32>
    tpu.vector_store %arg8[%swap3A_804], %swap3A_807 {strides = array<i32>} : memref<10000xi32, #tpu.memory_space<vmem>>, vector<16xi32>,
    %scan3A_808 = arith.constant 125 : i32
    %dma_start3A_809 = arith.constant 8000 : i32
    %dma_start3A_810 = tpu.memref_slice %arg11[%dma_start3A_809] : memref<10000xf32, #tpu.memory_space<vmem>> -> memref<2000xf32, #tpu.memory_space<vmem>>
    %dma_start3A_811 = arith.constant 8000 : i32
    %dma_start3A_812 = tpu.memref_slice %arg7[%dma_start3A_811] : memref<10000xi32, #tpu.memory_space<vmem>> -> memref<2000xi32, #tpu.memory_space<vmem>>
    %dma_start3A_813 = arith.constant 0 : i32
    %dma_start3A_814 = tpu.memref_slice %arg13[%dma_start3A_813] : memref<323584xf32, #tpu.memory_space<vmem_shared>> -> memref<323584xf32, #tpu.memory_space<vmem_shared>>
    tpu.enqueue_indirect_dma source(%dma_start3A_814 : memref<323584xf32, #tpu.memory_space<vmem_shared>>) target(%dma_start3A_810 : memref<2000xf32, #tpu.memory_space<vmem>>) offsets(%dma_start3A_812 : memref<2000xi32, #tpu.memory_space<vmem>>) semaphore(%arg14 : memref<!tpu.dma_semaphore, #tpu.memory_space<semaphore_mem>>)
    %dma_start3A_815 = arith.constant 8000 : i32
    %dma_start3A_816 = tpu.memref_slice %arg12[%dma_start3A_815] : memref<10000xf32, #tpu.memory_space<vmem>> -> memref<2000xf32, #tpu.memory_space<vmem>>
    %dma_start3A_817 = arith.constant 8000 : i32
    %dma_start3A_818 = tpu.memref_slice %arg8[%dma_start3A_817] : memref<10000xi32, #tpu.memory_space<vmem>> -> memref<2000xi32, #tpu.memory_space<vmem>>
    %dma_start3A_819 = arith.constant 0 : i32
    %dma_start3A_820 = tpu.memref_slice %arg13[%dma_start3A_819] : memref<323584xf32, #tpu.memory_space<vmem_shared>> -> memref<323584xf32, #tpu.memory_space<vmem_shared>>
    tpu.enqueue_indirect_dma source(%dma_start3A_820 : memref<323584xf32, #tpu.memory_space<vmem_shared>>) target(%dma_start3A_816 : memref<2000xf32, #tpu.memory_space<vmem>>) offsets(%dma_start3A_818 : memref<2000xi32, #tpu.memory_space<vmem>>) semaphore(%arg15 : memref<!tpu.dma_semaphore, #tpu.memory_space<semaphore_mem>>)
    %dma_wait3A = arith.constant 0 : i32
    %dma_wait3A_821 = tpu.memref_slice %arg11[%dma_wait3A] : memref<10000xf32, #tpu.memory_space<vmem>> -> memref<2000xf32, #tpu.memory_space<vmem>>
    %dma_wait3A_822 = arith.constant 0 : i32
    %dma_wait3A_823 = tpu.memref_slice %arg7[%dma_wait3A_822] : memref<10000xi32, #tpu.memory_space<vmem>> -> memref<2000xi32, #tpu.memory_space<vmem>>
    %dma_wait3A_824 = arith.constant 0 : i32
    %dma_wait3A_825 = tpu.memref_slice %arg13[%dma_wait3A_824] : memref<323584xf32, #tpu.memory_space<vmem_shared>> -> memref<323584xf32, #tpu.memory_space<vmem_shared>>
    tpu.wait_indirect_dma semaphore(%arg14 : memref<!tpu.dma_semaphore, #tpu.memory_space<semaphore_mem>>) src(%dma_wait3A_825 : memref<323584xf32, #tpu.memory_space<vmem_shared>>) dst(%dma_wait3A_821 : memref<2000xf32, #tpu.memory_space<vmem>>)
    %dma_wait3A_826 = arith.constant 0 : i32
    %dma_wait3A_827 = tpu.memref_slice %arg12[%dma_wait3A_826] : memref<10000xf32, #tpu.memory_space<vmem>> -> memref<2000xf32, #tpu.memory_space<vmem>>
    %dma_wait3A_828 = arith.constant 0 : i32
    %dma_wait3A_829 = tpu.memref_slice %arg8[%dma_wait3A_828] : memref<10000xi32, #tpu.memory_space<vmem>> -> memref<2000xi32, #tpu.memory_space<vmem>>
    %dma_wait3A_830 = arith.constant 0 : i32
    %dma_wait3A_831 = tpu.memref_slice %arg13[%dma_wait3A_830] : memref<323584xf32, #tpu.memory_space<vmem_shared>> -> memref<323584xf32, #tpu.memory_space<vmem_shared>>
    tpu.wait_indirect_dma semaphore(%arg15 : memref<!tpu.dma_semaphore, #tpu.memory_space<semaphore_mem>>) src(%dma_wait3A_831 : memref<323584xf32, #tpu.memory_space<vmem_shared>>) dst(%dma_wait3A_827 : memref<2000xf32, #tpu.memory_space<vmem>>)
    %scan3A_832 = arith.constant 0 : i32
    %scan3A_833 = arith.constant 0 : i32
    %scan3A_834 = arith.constant 120 : i32
    %scan3A_835 = arith.addi %scan3A_833, %scan3A_834 : i32
    %scan3A_836 = arith.constant 8 : i32
    scf.for %scan3A_1760 = %scan3A_833 to %scan3A_835 step %scan3A_836  : i32 {
      %mul3A_1761 = arith.constant 16 : i32
      %mul3A_1762 = arith.muli %scan3A_1760, %mul3A_1761 : i32
      %get3A_1763 = arith.index_cast %mul3A_1762 : i32 to index
      %get3A_1764 = tpu.vector_load %arg11[%get3A_1763] {strides = array<i32>} : memref<10000xf32, #tpu.memory_space<vmem>>, vector<16xf32>,
      %get3A_1765 = vector.shape_cast %get3A_1764 : vector<16xf32> to vector<16xf32>
      %get3A_1766 = arith.index_cast %mul3A_1762 : i32 to index
      %get3A_1767 = tpu.vector_load %arg12[%get3A_1766] {strides = array<i32>} : memref<10000xf32, #tpu.memory_space<vmem>>, vector<16xf32>,
      %get3A_1768 = vector.shape_cast %get3A_1767 : vector<16xf32> to vector<16xf32>
      %add3A_1769 = arith.addf %get3A_1765, %get3A_1768 : vector<16xf32>
      %neg3A_1770 = arith.constant 0.000000e+00 : f32
      %neg3A_1771 = vector.broadcast %neg3A_1770 : f32 to vector<16xf32>
      %neg3A_1772 = arith.subf %neg3A_1771, %add3A_1769 : vector<16xf32>
      %exp3A_1773 = math.exp %neg3A_1772 : vector<16xf32>
      %add3A_1774 = arith.constant 1.000000e+00 : f32
      %add3A_1775 = vector.broadcast %add3A_1774 : f32 to vector<16xf32>
      %add3A_1776 = arith.addf %add3A_1775, %exp3A_1773 : vector<16xf32>
      %div3A_1777 = arith.constant 1.000000e+00 : f32
      %div3A_1778 = vector.broadcast %div3A_1777 : f32 to vector<16xf32>
      %div3A_1779 = arith.divf %div3A_1778, %add3A_1776 : vector<16xf32>
      %max3A_1780 = arith.constant 9.99999974E-6 : f32
      %max3A_1781 = vector.broadcast %max3A_1780 : f32 to vector<16xf32>
      %max3A_1782 = arith.maximumf %div3A_1779, %max3A_1781 : vector<16xf32>
      %min3A_1783 = arith.constant 0.999989986 : f32
      %min3A_1784 = vector.broadcast %min3A_1783 : f32 to vector<16xf32>
      %min3A_1785 = arith.minimumf %max3A_1782, %min3A_1784 : vector<16xf32>
      %swap3A_1786 = arith.index_cast %mul3A_1762 : i32 to index
      %swap3A_1787 = tpu.vector_load %arg10[%swap3A_1786] {strides = array<i32>} : memref<10000xf32, #tpu.memory_space<vmem>>, vector<16xf32>,
      %swap3A_1788 = vector.shape_cast %swap3A_1787 : vector<16xf32> to vector<16xf32>
      %swap3A_1789 = vector.shape_cast %min3A_1785 : vector<16xf32> to vector<16xf32>
      tpu.vector_store %arg10[%swap3A_1786], %swap3A_1789 {strides = array<i32>} : memref<10000xf32, #tpu.memory_space<vmem>>, vector<16xf32>,
      %scan3A_1790 = arith.constant 1 : i32
      %scan3A_1791 = arith.addi %scan3A_1760, %scan3A_1790 : i32
      %mul3A_1792 = arith.constant 16 : i32
      %mul3A_1793 = arith.muli %scan3A_1791, %mul3A_1792 : i32
      %get3A_1794 = arith.index_cast %mul3A_1793 : i32 to index
      %get3A_1795 = tpu.vector_load %arg11[%get3A_1794] {strides = array<i32>} : memref<10000xf32, #tpu.memory_space<vmem>>, vector<16xf32>,
      %get3A_1796 = vector.shape_cast %get3A_1795 : vector<16xf32> to vector<16xf32>
      %get3A_1797 = arith.index_cast %mul3A_1793 : i32 to index
      %get3A_1798 = tpu.vector_load %arg12[%get3A_1797] {strides = array<i32>} : memref<10000xf32, #tpu.memory_space<vmem>>, vector<16xf32>,
      %get3A_1799 = vector.shape_cast %get3A_1798 : vector<16xf32> to vector<16xf32>
      %add3A_1800 = arith.addf %get3A_1796, %get3A_1799 : vector<16xf32>
      %neg3A_1801 = arith.constant 0.000000e+00 : f32
      %neg3A_1802 = vector.broadcast %neg3A_1801 : f32 to vector<16xf32>
      %neg3A_1803 = arith.subf %neg3A_1802, %add3A_1800 : vector<16xf32>
      %exp3A_1804 = math.exp %neg3A_1803 : vector<16xf32>
      %add3A_1805 = arith.constant 1.000000e+00 : f32
      %add3A_1806 = vector.broadcast %add3A_1805 : f32 to vector<16xf32>
      %add3A_1807 = arith.addf %add3A_1806, %exp3A_1804 : vector<16xf32>
      %div3A_1808 = arith.constant 1.000000e+00 : f32
      %div3A_1809 = vector.broadcast %div3A_1808 : f32 to vector<16xf32>
      %div3A_1810 = arith.divf %div3A_1809, %add3A_1807 : vector<16xf32>
      %max3A_1811 = arith.constant 9.99999974E-6 : f32
      %max3A_1812 = vector.broadcast %max3A_1811 : f32 to vector<16xf32>
      %max3A_1813 = arith.maximumf %div3A_1810, %max3A_1812 : vector<16xf32>
      %min3A_1814 = arith.constant 0.999989986 : f32
      %min3A_1815 = vector.broadcast %min3A_1814 : f32 to vector<16xf32>
      %min3A_1816 = arith.minimumf %max3A_1813, %min3A_1815 : vector<16xf32>
      %swap3A_1817 = arith.index_cast %mul3A_1793 : i32 to index
      %swap3A_1818 = tpu.vector_load %arg10[%swap3A_1817] {strides = array<i32>} : memref<10000xf32, #tpu.memory_space<vmem>>, vector<16xf32>,
      %swap3A_1819 = vector.shape_cast %swap3A_1818 : vector<16xf32> to vector<16xf32>
      %swap3A_1820 = vector.shape_cast %min3A_1816 : vector<16xf32> to vector<16xf32>
      tpu.vector_store %arg10[%swap3A_1817], %swap3A_1820 {strides = array<i32>} : memref<10000xf32, #tpu.memory_space<vmem>>, vector<16xf32>,
      %scan3A_1821 = arith.constant 2 : i32
      %scan3A_1822 = arith.addi %scan3A_1760, %scan3A_1821 : i32
      %mul3A_1823 = arith.constant 16 : i32
      %mul3A_1824 = arith.muli %scan3A_1822, %mul3A_1823 : i32
      %get3A_1825 = arith.index_cast %mul3A_1824 : i32 to index
      %get3A_1826 = tpu.vector_load %arg11[%get3A_1825] {strides = array<i32>} : memref<10000xf32, #tpu.memory_space<vmem>>, vector<16xf32>,
      %get3A_1827 = vector.shape_cast %get3A_1826 : vector<16xf32> to vector<16xf32>
      %get3A_1828 = arith.index_cast %mul3A_1824 : i32 to index
      %get3A_1829 = tpu.vector_load %arg12[%get3A_1828] {strides = array<i32>} : memref<10000xf32, #tpu.memory_space<vmem>>, vector<16xf32>,
      %get3A_1830 = vector.shape_cast %get3A_1829 : vector<16xf32> to vector<16xf32>
      %add3A_1831 = arith.addf %get3A_1827, %get3A_1830 : vector<16xf32>
      %neg3A_1832 = arith.constant 0.000000e+00 : f32
      %neg3A_1833 = vector.broadcast %neg3A_1832 : f32 to vector<16xf32>
      %neg3A_1834 = arith.subf %neg3A_1833, %add3A_1831 : vector<16xf32>
      %exp3A_1835 = math.exp %neg3A_1834 : vector<16xf32>
      %add3A_1836 = arith.constant 1.000000e+00 : f32
      %add3A_1837 = vector.broadcast %add3A_1836 : f32 to vector<16xf32>
      %add3A_1838 = arith.addf %add3A_1837, %exp3A_1835 : vector<16xf32>
      %div3A_1839 = arith.constant 1.000000e+00 : f32
      %div3A_1840 = vector.broadcast %div3A_1839 : f32 to vector<16xf32>
      %div3A_1841 = arith.divf %div3A_1840, %add3A_1838 : vector<16xf32>
      %max3A_1842 = arith.constant 9.99999974E-6 : f32
      %max3A_1843 = vector.broadcast %max3A_1842 : f32 to vector<16xf32>
      %max3A_1844 = arith.maximumf %div3A_1841, %max3A_1843 : vector<16xf32>
      %min3A_1845 = arith.constant 0.999989986 : f32
      %min3A_1846 = vector.broadcast %min3A_1845 : f32 to vector<16xf32>
      %min3A_1847 = arith.minimumf %max3A_1844, %min3A_1846 : vector<16xf32>
      %swap3A_1848 = arith.index_cast %mul3A_1824 : i32 to index
      %swap3A_1849 = tpu.vector_load %arg10[%swap3A_1848] {strides = array<i32>} : memref<10000xf32, #tpu.memory_space<vmem>>, vector<16xf32>,
      %swap3A_1850 = vector.shape_cast %swap3A_1849 : vector<16xf32> to vector<16xf32>
      %swap3A_1851 = vector.shape_cast %min3A_1847 : vector<16xf32> to vector<16xf32>
      tpu.vector_store %arg10[%swap3A_1848], %swap3A_1851 {strides = array<i32>} : memref<10000xf32, #tpu.memory_space<vmem>>, vector<16xf32>,
      %scan3A_1852 = arith.constant 3 : i32
      %scan3A_1853 = arith.addi %scan3A_1760, %scan3A_1852 : i32
      %mul3A_1854 = arith.constant 16 : i32
      %mul3A_1855 = arith.muli %scan3A_1853, %mul3A_1854 : i32
      %get3A_1856 = arith.index_cast %mul3A_1855 : i32 to index
      %get3A_1857 = tpu.vector_load %arg11[%get3A_1856] {strides = array<i32>} : memref<10000xf32, #tpu.memory_space<vmem>>, vector<16xf32>,
      %get3A_1858 = vector.shape_cast %get3A_1857 : vector<16xf32> to vector<16xf32>
      %get3A_1859 = arith.index_cast %mul3A_1855 : i32 to index
      %get3A_1860 = tpu.vector_load %arg12[%get3A_1859] {strides = array<i32>} : memref<10000xf32, #tpu.memory_space<vmem>>, vector<16xf32>,
      %get3A_1861 = vector.shape_cast %get3A_1860 : vector<16xf32> to vector<16xf32>
      %add3A_1862 = arith.addf %get3A_1858, %get3A_1861 : vector<16xf32>
      %neg3A_1863 = arith.constant 0.000000e+00 : f32
      %neg3A_1864 = vector.broadcast %neg3A_1863 : f32 to vector<16xf32>
      %neg3A_1865 = arith.subf %neg3A_1864, %add3A_1862 : vector<16xf32>
      %exp3A_1866 = math.exp %neg3A_1865 : vector<16xf32>
      %add3A_1867 = arith.constant 1.000000e+00 : f32
      %add3A_1868 = vector.broadcast %add3A_1867 : f32 to vector<16xf32>
      %add3A_1869 = arith.addf %add3A_1868, %exp3A_1866 : vector<16xf32>
      %div3A_1870 = arith.constant 1.000000e+00 : f32
      %div3A_1871 = vector.broadcast %div3A_1870 : f32 to vector<16xf32>
      %div3A_1872 = arith.divf %div3A_1871, %add3A_1869 : vector<16xf32>
      %max3A_1873 = arith.constant 9.99999974E-6 : f32
      %max3A_1874 = vector.broadcast %max3A_1873 : f32 to vector<16xf32>
      %max3A_1875 = arith.maximumf %div3A_1872, %max3A_1874 : vector<16xf32>
      %min3A_1876 = arith.constant 0.999989986 : f32
      %min3A_1877 = vector.broadcast %min3A_1876 : f32 to vector<16xf32>
      %min3A_1878 = arith.minimumf %max3A_1875, %min3A_1877 : vector<16xf32>
      %swap3A_1879 = arith.index_cast %mul3A_1855 : i32 to index
      %swap3A_1880 = tpu.vector_load %arg10[%swap3A_1879] {strides = array<i32>} : memref<10000xf32, #tpu.memory_space<vmem>>, vector<16xf32>,
      %swap3A_1881 = vector.shape_cast %swap3A_1880 : vector<16xf32> to vector<16xf32>
      %swap3A_1882 = vector.shape_cast %min3A_1878 : vector<16xf32> to vector<16xf32>
      tpu.vector_store %arg10[%swap3A_1879], %swap3A_1882 {strides = array<i32>} : memref<10000xf32, #tpu.memory_space<vmem>>, vector<16xf32>,
      %scan3A_1883 = arith.constant 4 : i32
      %scan3A_1884 = arith.addi %scan3A_1760, %scan3A_1883 : i32
      %mul3A_1885 = arith.constant 16 : i32
      %mul3A_1886 = arith.muli %scan3A_1884, %mul3A_1885 : i32
      %get3A_1887 = arith.index_cast %mul3A_1886 : i32 to index
      %get3A_1888 = tpu.vector_load %arg11[%get3A_1887] {strides = array<i32>} : memref<10000xf32, #tpu.memory_space<vmem>>, vector<16xf32>,
      %get3A_1889 = vector.shape_cast %get3A_1888 : vector<16xf32> to vector<16xf32>
      %get3A_1890 = arith.index_cast %mul3A_1886 : i32 to index
      %get3A_1891 = tpu.vector_load %arg12[%get3A_1890] {strides = array<i32>} : memref<10000xf32, #tpu.memory_space<vmem>>, vector<16xf32>,
      %get3A_1892 = vector.shape_cast %get3A_1891 : vector<16xf32> to vector<16xf32>
      %add3A_1893 = arith.addf %get3A_1889, %get3A_1892 : vector<16xf32>
      %neg3A_1894 = arith.constant 0.000000e+00 : f32
      %neg3A_1895 = vector.broadcast %neg3A_1894 : f32 to vector<16xf32>
      %neg3A_1896 = arith.subf %neg3A_1895, %add3A_1893 : vector<16xf32>
      %exp3A_1897 = math.exp %neg3A_1896 : vector<16xf32>
      %add3A_1898 = arith.constant 1.000000e+00 : f32
      %add3A_1899 = vector.broadcast %add3A_1898 : f32 to vector<16xf32>
      %add3A_1900 = arith.addf %add3A_1899, %exp3A_1897 : vector<16xf32>
      %div3A_1901 = arith.constant 1.000000e+00 : f32
      %div3A_1902 = vector.broadcast %div3A_1901 : f32 to vector<16xf32>
      %div3A_1903 = arith.divf %div3A_1902, %add3A_1900 : vector<16xf32>
      %max3A_1904 = arith.constant 9.99999974E-6 : f32
      %max3A_1905 = vector.broadcast %max3A_1904 : f32 to vector<16xf32>
      %max3A_1906 = arith.maximumf %div3A_1903, %max3A_1905 : vector<16xf32>
      %min3A_1907 = arith.constant 0.999989986 : f32
      %min3A_1908 = vector.broadcast %min3A_1907 : f32 to vector<16xf32>
      %min3A_1909 = arith.minimumf %max3A_1906, %min3A_1908 : vector<16xf32>
      %swap3A_1910 = arith.index_cast %mul3A_1886 : i32 to index
      %swap3A_1911 = tpu.vector_load %arg10[%swap3A_1910] {strides = array<i32>} : memref<10000xf32, #tpu.memory_space<vmem>>, vector<16xf32>,
      %swap3A_1912 = vector.shape_cast %swap3A_1911 : vector<16xf32> to vector<16xf32>
      %swap3A_1913 = vector.shape_cast %min3A_1909 : vector<16xf32> to vector<16xf32>
      tpu.vector_store %arg10[%swap3A_1910], %swap3A_1913 {strides = array<i32>} : memref<10000xf32, #tpu.memory_space<vmem>>, vector<16xf32>,
      %scan3A_1914 = arith.constant 5 : i32
      %scan3A_1915 = arith.addi %scan3A_1760, %scan3A_1914 : i32
      %mul3A_1916 = arith.constant 16 : i32
      %mul3A_1917 = arith.muli %scan3A_1915, %mul3A_1916 : i32
      %get3A_1918 = arith.index_cast %mul3A_1917 : i32 to index
      %get3A_1919 = tpu.vector_load %arg11[%get3A_1918] {strides = array<i32>} : memref<10000xf32, #tpu.memory_space<vmem>>, vector<16xf32>,
      %get3A_1920 = vector.shape_cast %get3A_1919 : vector<16xf32> to vector<16xf32>
      %get3A_1921 = arith.index_cast %mul3A_1917 : i32 to index
      %get3A_1922 = tpu.vector_load %arg12[%get3A_1921] {strides = array<i32>} : memref<10000xf32, #tpu.memory_space<vmem>>, vector<16xf32>,
      %get3A_1923 = vector.shape_cast %get3A_1922 : vector<16xf32> to vector<16xf32>
      %add3A_1924 = arith.addf %get3A_1920, %get3A_1923 : vector<16xf32>
      %neg3A_1925 = arith.constant 0.000000e+00 : f32
      %neg3A_1926 = vector.broadcast %neg3A_1925 : f32 to vector<16xf32>
      %neg3A_1927 = arith.subf %neg3A_1926, %add3A_1924 : vector<16xf32>
      %exp3A_1928 = math.exp %neg3A_1927 : vector<16xf32>
      %add3A_1929 = arith.constant 1.000000e+00 : f32
      %add3A_1930 = vector.broadcast %add3A_1929 : f32 to vector<16xf32>
      %add3A_1931 = arith.addf %add3A_1930, %exp3A_1928 : vector<16xf32>
      %div3A_1932 = arith.constant 1.000000e+00 : f32
      %div3A_1933 = vector.broadcast %div3A_1932 : f32 to vector<16xf32>
      %div3A_1934 = arith.divf %div3A_1933, %add3A_1931 : vector<16xf32>
      %max3A_1935 = arith.constant 9.99999974E-6 : f32
      %max3A_1936 = vector.broadcast %max3A_1935 : f32 to vector<16xf32>
      %max3A_1937 = arith.maximumf %div3A_1934, %max3A_1936 : vector<16xf32>
      %min3A_1938 = arith.constant 0.999989986 : f32
      %min3A_1939 = vector.broadcast %min3A_1938 : f32 to vector<16xf32>
      %min3A_1940 = arith.minimumf %max3A_1937, %min3A_1939 : vector<16xf32>
      %swap3A_1941 = arith.index_cast %mul3A_1917 : i32 to index
      %swap3A_1942 = tpu.vector_load %arg10[%swap3A_1941] {strides = array<i32>} : memref<10000xf32, #tpu.memory_space<vmem>>, vector<16xf32>,
      %swap3A_1943 = vector.shape_cast %swap3A_1942 : vector<16xf32> to vector<16xf32>
      %swap3A_1944 = vector.shape_cast %min3A_1940 : vector<16xf32> to vector<16xf32>
      tpu.vector_store %arg10[%swap3A_1941], %swap3A_1944 {strides = array<i32>} : memref<10000xf32, #tpu.memory_space<vmem>>, vector<16xf32>,
      %scan3A_1945 = arith.constant 6 : i32
      %scan3A_1946 = arith.addi %scan3A_1760, %scan3A_1945 : i32
      %mul3A_1947 = arith.constant 16 : i32
      %mul3A_1948 = arith.muli %scan3A_1946, %mul3A_1947 : i32
      %get3A_1949 = arith.index_cast %mul3A_1948 : i32 to index
      %get3A_1950 = tpu.vector_load %arg11[%get3A_1949] {strides = array<i32>} : memref<10000xf32, #tpu.memory_space<vmem>>, vector<16xf32>,
      %get3A_1951 = vector.shape_cast %get3A_1950 : vector<16xf32> to vector<16xf32>
      %get3A_1952 = arith.index_cast %mul3A_1948 : i32 to index
      %get3A_1953 = tpu.vector_load %arg12[%get3A_1952] {strides = array<i32>} : memref<10000xf32, #tpu.memory_space<vmem>>, vector<16xf32>,
      %get3A_1954 = vector.shape_cast %get3A_1953 : vector<16xf32> to vector<16xf32>
      %add3A_1955 = arith.addf %get3A_1951, %get3A_1954 : vector<16xf32>
      %neg3A_1956 = arith.constant 0.000000e+00 : f32
      %neg3A_1957 = vector.broadcast %neg3A_1956 : f32 to vector<16xf32>
      %neg3A_1958 = arith.subf %neg3A_1957, %add3A_1955 : vector<16xf32>
      %exp3A_1959 = math.exp %neg3A_1958 : vector<16xf32>
      %add3A_1960 = arith.constant 1.000000e+00 : f32
      %add3A_1961 = vector.broadcast %add3A_1960 : f32 to vector<16xf32>
      %add3A_1962 = arith.addf %add3A_1961, %exp3A_1959 : vector<16xf32>
      %div3A_1963 = arith.constant 1.000000e+00 : f32
      %div3A_1964 = vector.broadcast %div3A_1963 : f32 to vector<16xf32>
      %div3A_1965 = arith.divf %div3A_1964, %add3A_1962 : vector<16xf32>
      %max3A_1966 = arith.constant 9.99999974E-6 : f32
      %max3A_1967 = vector.broadcast %max3A_1966 : f32 to vector<16xf32>
      %max3A_1968 = arith.maximumf %div3A_1965, %max3A_1967 : vector<16xf32>
      %min3A_1969 = arith.constant 0.999989986 : f32
      %min3A_1970 = vector.broadcast %min3A_1969 : f32 to vector<16xf32>
      %min3A_1971 = arith.minimumf %max3A_1968, %min3A_1970 : vector<16xf32>
      %swap3A_1972 = arith.index_cast %mul3A_1948 : i32 to index
      %swap3A_1973 = tpu.vector_load %arg10[%swap3A_1972] {strides = array<i32>} : memref<10000xf32, #tpu.memory_space<vmem>>, vector<16xf32>,
      %swap3A_1974 = vector.shape_cast %swap3A_1973 : vector<16xf32> to vector<16xf32>
      %swap3A_1975 = vector.shape_cast %min3A_1971 : vector<16xf32> to vector<16xf32>
      tpu.vector_store %arg10[%swap3A_1972], %swap3A_1975 {strides = array<i32>} : memref<10000xf32, #tpu.memory_space<vmem>>, vector<16xf32>,
      %scan3A_1976 = arith.constant 7 : i32
      %scan3A_1977 = arith.addi %scan3A_1760, %scan3A_1976 : i32
      %mul3A_1978 = arith.constant 16 : i32
      %mul3A_1979 = arith.muli %scan3A_1977, %mul3A_1978 : i32
      %get3A_1980 = arith.index_cast %mul3A_1979 : i32 to index
      %get3A_1981 = tpu.vector_load %arg11[%get3A_1980] {strides = array<i32>} : memref<10000xf32, #tpu.memory_space<vmem>>, vector<16xf32>,
      %get3A_1982 = vector.shape_cast %get3A_1981 : vector<16xf32> to vector<16xf32>
      %get3A_1983 = arith.index_cast %mul3A_1979 : i32 to index
      %get3A_1984 = tpu.vector_load %arg12[%get3A_1983] {strides = array<i32>} : memref<10000xf32, #tpu.memory_space<vmem>>, vector<16xf32>,
      %get3A_1985 = vector.shape_cast %get3A_1984 : vector<16xf32> to vector<16xf32>
      %add3A_1986 = arith.addf %get3A_1982, %get3A_1985 : vector<16xf32>
      %neg3A_1987 = arith.constant 0.000000e+00 : f32
      %neg3A_1988 = vector.broadcast %neg3A_1987 : f32 to vector<16xf32>
      %neg3A_1989 = arith.subf %neg3A_1988, %add3A_1986 : vector<16xf32>
      %exp3A_1990 = math.exp %neg3A_1989 : vector<16xf32>
      %add3A_1991 = arith.constant 1.000000e+00 : f32
      %add3A_1992 = vector.broadcast %add3A_1991 : f32 to vector<16xf32>
      %add3A_1993 = arith.addf %add3A_1992, %exp3A_1990 : vector<16xf32>
      %div3A_1994 = arith.constant 1.000000e+00 : f32
      %div3A_1995 = vector.broadcast %div3A_1994 : f32 to vector<16xf32>
      %div3A_1996 = arith.divf %div3A_1995, %add3A_1993 : vector<16xf32>
      %max3A_1997 = arith.constant 9.99999974E-6 : f32
      %max3A_1998 = vector.broadcast %max3A_1997 : f32 to vector<16xf32>
      %max3A_1999 = arith.maximumf %div3A_1996, %max3A_1998 : vector<16xf32>
      %min3A_2000 = arith.constant 0.999989986 : f32
      %min3A_2001 = vector.broadcast %min3A_2000 : f32 to vector<16xf32>
      %min3A_2002 = arith.minimumf %max3A_1999, %min3A_2001 : vector<16xf32>
      %swap3A_2003 = arith.index_cast %mul3A_1979 : i32 to index
      %swap3A_2004 = tpu.vector_load %arg10[%swap3A_2003] {strides = array<i32>} : memref<10000xf32, #tpu.memory_space<vmem>>, vector<16xf32>,
      %swap3A_2005 = vector.shape_cast %swap3A_2004 : vector<16xf32> to vector<16xf32>
      %swap3A_2006 = vector.shape_cast %min3A_2002 : vector<16xf32> to vector<16xf32>
      tpu.vector_store %arg10[%swap3A_2003], %swap3A_2006 {strides = array<i32>} : memref<10000xf32, #tpu.memory_space<vmem>>, vector<16xf32>,
    }
    %scan3A_837 = arith.constant 120 : i32
    %scan3A_838 = arith.addi %scan3A_833, %scan3A_837 : i32
    %mul3A_839 = arith.constant 16 : i32
    %mul3A_840 = arith.muli %scan3A_838, %mul3A_839 : i32
    %get3A_841 = arith.index_cast %mul3A_840 : i32 to index
    %get3A_842 = tpu.vector_load %arg11[%get3A_841] {strides = array<i32>} : memref<10000xf32, #tpu.memory_space<vmem>>, vector<16xf32>,
    %get3A_843 = vector.shape_cast %get3A_842 : vector<16xf32> to vector<16xf32>
    %get3A_844 = arith.index_cast %mul3A_840 : i32 to index
    %get3A_845 = tpu.vector_load %arg12[%get3A_844] {strides = array<i32>} : memref<10000xf32, #tpu.memory_space<vmem>>, vector<16xf32>,
    %get3A_846 = vector.shape_cast %get3A_845 : vector<16xf32> to vector<16xf32>
    %add3A_847 = arith.addf %get3A_843, %get3A_846 : vector<16xf32>
    %neg3A = arith.constant 0.000000e+00 : f32
    %neg3A_848 = vector.broadcast %neg3A : f32 to vector<16xf32>
    %neg3A_849 = arith.subf %neg3A_848, %add3A_847 : vector<16xf32>
    %exp3A = math.exp %neg3A_849 : vector<16xf32>
    %add3A_850 = arith.constant 1.000000e+00 : f32
    %add3A_851 = vector.broadcast %add3A_850 : f32 to vector<16xf32>
    %add3A_852 = arith.addf %add3A_851, %exp3A : vector<16xf32>
    %div3A = arith.constant 1.000000e+00 : f32
    %div3A_853 = vector.broadcast %div3A : f32 to vector<16xf32>
    %div3A_854 = arith.divf %div3A_853, %add3A_852 : vector<16xf32>
    %max3A = arith.constant 9.99999974E-6 : f32
    %max3A_855 = vector.broadcast %max3A : f32 to vector<16xf32>
    %max3A_856 = arith.maximumf %div3A_854, %max3A_855 : vector<16xf32>
    %min3A = arith.constant 0.999989986 : f32
    %min3A_857 = vector.broadcast %min3A : f32 to vector<16xf32>
    %min3A_858 = arith.minimumf %max3A_856, %min3A_857 : vector<16xf32>
    %swap3A_859 = arith.index_cast %mul3A_840 : i32 to index
    %swap3A_860 = tpu.vector_load %arg10[%swap3A_859] {strides = array<i32>} : memref<10000xf32, #tpu.memory_space<vmem>>, vector<16xf32>,
    %swap3A_861 = vector.shape_cast %swap3A_860 : vector<16xf32> to vector<16xf32>
    %swap3A_862 = vector.shape_cast %min3A_858 : vector<16xf32> to vector<16xf32>
    tpu.vector_store %arg10[%swap3A_859], %swap3A_862 {strides = array<i32>} : memref<10000xf32, #tpu.memory_space<vmem>>, vector<16xf32>,
    %scan3A_863 = arith.constant 121 : i32
    %scan3A_864 = arith.addi %scan3A_833, %scan3A_863 : i32
    %mul3A_865 = arith.constant 16 : i32
    %mul3A_866 = arith.muli %scan3A_864, %mul3A_865 : i32
    %get3A_867 = arith.index_cast %mul3A_866 : i32 to index
    %get3A_868 = tpu.vector_load %arg11[%get3A_867] {strides = array<i32>} : memref<10000xf32, #tpu.memory_space<vmem>>, vector<16xf32>,
    %get3A_869 = vector.shape_cast %get3A_868 : vector<16xf32> to vector<16xf32>
    %get3A_870 = arith.index_cast %mul3A_866 : i32 to index
    %get3A_871 = tpu.vector_load %arg12[%get3A_870] {strides = array<i32>} : memref<10000xf32, #tpu.memory_space<vmem>>, vector<16xf32>,
    %get3A_872 = vector.shape_cast %get3A_871 : vector<16xf32> to vector<16xf32>
    %add3A_873 = arith.addf %get3A_869, %get3A_872 : vector<16xf32>
    %neg3A_874 = arith.constant 0.000000e+00 : f32
    %neg3A_875 = vector.broadcast %neg3A_874 : f32 to vector<16xf32>
    %neg3A_876 = arith.subf %neg3A_875, %add3A_873 : vector<16xf32>
    %exp3A_877 = math.exp %neg3A_876 : vector<16xf32>
    %add3A_878 = arith.constant 1.000000e+00 : f32
    %add3A_879 = vector.broadcast %add3A_878 : f32 to vector<16xf32>
    %add3A_880 = arith.addf %add3A_879, %exp3A_877 : vector<16xf32>
    %div3A_881 = arith.constant 1.000000e+00 : f32
    %div3A_882 = vector.broadcast %div3A_881 : f32 to vector<16xf32>
    %div3A_883 = arith.divf %div3A_882, %add3A_880 : vector<16xf32>
    %max3A_884 = arith.constant 9.99999974E-6 : f32
    %max3A_885 = vector.broadcast %max3A_884 : f32 to vector<16xf32>
    %max3A_886 = arith.maximumf %div3A_883, %max3A_885 : vector<16xf32>
    %min3A_887 = arith.constant 0.999989986 : f32
    %min3A_888 = vector.broadcast %min3A_887 : f32 to vector<16xf32>
    %min3A_889 = arith.minimumf %max3A_886, %min3A_888 : vector<16xf32>
    %swap3A_890 = arith.index_cast %mul3A_866 : i32 to index
    %swap3A_891 = tpu.vector_load %arg10[%swap3A_890] {strides = array<i32>} : memref<10000xf32, #tpu.memory_space<vmem>>, vector<16xf32>,
    %swap3A_892 = vector.shape_cast %swap3A_891 : vector<16xf32> to vector<16xf32>
    %swap3A_893 = vector.shape_cast %min3A_889 : vector<16xf32> to vector<16xf32>
    tpu.vector_store %arg10[%swap3A_890], %swap3A_893 {strides = array<i32>} : memref<10000xf32, #tpu.memory_space<vmem>>, vector<16xf32>,
    %scan3A_894 = arith.constant 122 : i32
    %scan3A_895 = arith.addi %scan3A_833, %scan3A_894 : i32
    %mul3A_896 = arith.constant 16 : i32
    %mul3A_897 = arith.muli %scan3A_895, %mul3A_896 : i32
    %get3A_898 = arith.index_cast %mul3A_897 : i32 to index
    %get3A_899 = tpu.vector_load %arg11[%get3A_898] {strides = array<i32>} : memref<10000xf32, #tpu.memory_space<vmem>>, vector<16xf32>,
    %get3A_900 = vector.shape_cast %get3A_899 : vector<16xf32> to vector<16xf32>
    %get3A_901 = arith.index_cast %mul3A_897 : i32 to index
    %get3A_902 = tpu.vector_load %arg12[%get3A_901] {strides = array<i32>} : memref<10000xf32, #tpu.memory_space<vmem>>, vector<16xf32>,
    %get3A_903 = vector.shape_cast %get3A_902 : vector<16xf32> to vector<16xf32>
    %add3A_904 = arith.addf %get3A_900, %get3A_903 : vector<16xf32>
    %neg3A_905 = arith.constant 0.000000e+00 : f32
    %neg3A_906 = vector.broadcast %neg3A_905 : f32 to vector<16xf32>
    %neg3A_907 = arith.subf %neg3A_906, %add3A_904 : vector<16xf32>
    %exp3A_908 = math.exp %neg3A_907 : vector<16xf32>
    %add3A_909 = arith.constant 1.000000e+00 : f32
    %add3A_910 = vector.broadcast %add3A_909 : f32 to vector<16xf32>
    %add3A_911 = arith.addf %add3A_910, %exp3A_908 : vector<16xf32>
    %div3A_912 = arith.constant 1.000000e+00 : f32
    %div3A_913 = vector.broadcast %div3A_912 : f32 to vector<16xf32>
    %div3A_914 = arith.divf %div3A_913, %add3A_911 : vector<16xf32>
    %max3A_915 = arith.constant 9.99999974E-6 : f32
    %max3A_916 = vector.broadcast %max3A_915 : f32 to vector<16xf32>
    %max3A_917 = arith.maximumf %div3A_914, %max3A_916 : vector<16xf32>
    %min3A_918 = arith.constant 0.999989986 : f32
    %min3A_919 = vector.broadcast %min3A_918 : f32 to vector<16xf32>
    %min3A_920 = arith.minimumf %max3A_917, %min3A_919 : vector<16xf32>
    %swap3A_921 = arith.index_cast %mul3A_897 : i32 to index
    %swap3A_922 = tpu.vector_load %arg10[%swap3A_921] {strides = array<i32>} : memref<10000xf32, #tpu.memory_space<vmem>>, vector<16xf32>,
    %swap3A_923 = vector.shape_cast %swap3A_922 : vector<16xf32> to vector<16xf32>
    %swap3A_924 = vector.shape_cast %min3A_920 : vector<16xf32> to vector<16xf32>
    tpu.vector_store %arg10[%swap3A_921], %swap3A_924 {strides = array<i32>} : memref<10000xf32, #tpu.memory_space<vmem>>, vector<16xf32>,
    %scan3A_925 = arith.constant 123 : i32
    %scan3A_926 = arith.addi %scan3A_833, %scan3A_925 : i32
    %mul3A_927 = arith.constant 16 : i32
    %mul3A_928 = arith.muli %scan3A_926, %mul3A_927 : i32
    %get3A_929 = arith.index_cast %mul3A_928 : i32 to index
    %get3A_930 = tpu.vector_load %arg11[%get3A_929] {strides = array<i32>} : memref<10000xf32, #tpu.memory_space<vmem>>, vector<16xf32>,
    %get3A_931 = vector.shape_cast %get3A_930 : vector<16xf32> to vector<16xf32>
    %get3A_932 = arith.index_cast %mul3A_928 : i32 to index
    %get3A_933 = tpu.vector_load %arg12[%get3A_932] {strides = array<i32>} : memref<10000xf32, #tpu.memory_space<vmem>>, vector<16xf32>,
    %get3A_934 = vector.shape_cast %get3A_933 : vector<16xf32> to vector<16xf32>
    %add3A_935 = arith.addf %get3A_931, %get3A_934 : vector<16xf32>
    %neg3A_936 = arith.constant 0.000000e+00 : f32
    %neg3A_937 = vector.broadcast %neg3A_936 : f32 to vector<16xf32>
    %neg3A_938 = arith.subf %neg3A_937, %add3A_935 : vector<16xf32>
    %exp3A_939 = math.exp %neg3A_938 : vector<16xf32>
    %add3A_940 = arith.constant 1.000000e+00 : f32
    %add3A_941 = vector.broadcast %add3A_940 : f32 to vector<16xf32>
    %add3A_942 = arith.addf %add3A_941, %exp3A_939 : vector<16xf32>
    %div3A_943 = arith.constant 1.000000e+00 : f32
    %div3A_944 = vector.broadcast %div3A_943 : f32 to vector<16xf32>
    %div3A_945 = arith.divf %div3A_944, %add3A_942 : vector<16xf32>
    %max3A_946 = arith.constant 9.99999974E-6 : f32
    %max3A_947 = vector.broadcast %max3A_946 : f32 to vector<16xf32>
    %max3A_948 = arith.maximumf %div3A_945, %max3A_947 : vector<16xf32>
    %min3A_949 = arith.constant 0.999989986 : f32
    %min3A_950 = vector.broadcast %min3A_949 : f32 to vector<16xf32>
    %min3A_951 = arith.minimumf %max3A_948, %min3A_950 : vector<16xf32>
    %swap3A_952 = arith.index_cast %mul3A_928 : i32 to index
    %swap3A_953 = tpu.vector_load %arg10[%swap3A_952] {strides = array<i32>} : memref<10000xf32, #tpu.memory_space<vmem>>, vector<16xf32>,
    %swap3A_954 = vector.shape_cast %swap3A_953 : vector<16xf32> to vector<16xf32>
    %swap3A_955 = vector.shape_cast %min3A_951 : vector<16xf32> to vector<16xf32>
    tpu.vector_store %arg10[%swap3A_952], %swap3A_955 {strides = array<i32>} : memref<10000xf32, #tpu.memory_space<vmem>>, vector<16xf32>,
    %scan3A_956 = arith.constant 124 : i32
    %scan3A_957 = arith.addi %scan3A_833, %scan3A_956 : i32
    %mul3A_958 = arith.constant 16 : i32
    %mul3A_959 = arith.muli %scan3A_957, %mul3A_958 : i32
    %get3A_960 = arith.index_cast %mul3A_959 : i32 to index
    %get3A_961 = tpu.vector_load %arg11[%get3A_960] {strides = array<i32>} : memref<10000xf32, #tpu.memory_space<vmem>>, vector<16xf32>,
    %get3A_962 = vector.shape_cast %get3A_961 : vector<16xf32> to vector<16xf32>
    %get3A_963 = arith.index_cast %mul3A_959 : i32 to index
    %get3A_964 = tpu.vector_load %arg12[%get3A_963] {strides = array<i32>} : memref<10000xf32, #tpu.memory_space<vmem>>, vector<16xf32>,
    %get3A_965 = vector.shape_cast %get3A_964 : vector<16xf32> to vector<16xf32>
    %add3A_966 = arith.addf %get3A_962, %get3A_965 : vector<16xf32>
    %neg3A_967 = arith.constant 0.000000e+00 : f32
    %neg3A_968 = vector.broadcast %neg3A_967 : f32 to vector<16xf32>
    %neg3A_969 = arith.subf %neg3A_968, %add3A_966 : vector<16xf32>
    %exp3A_970 = math.exp %neg3A_969 : vector<16xf32>
    %add3A_971 = arith.constant 1.000000e+00 : f32
    %add3A_972 = vector.broadcast %add3A_971 : f32 to vector<16xf32>
    %add3A_973 = arith.addf %add3A_972, %exp3A_970 : vector<16xf32>
    %div3A_974 = arith.constant 1.000000e+00 : f32
    %div3A_975 = vector.broadcast %div3A_974 : f32 to vector<16xf32>
    %div3A_976 = arith.divf %div3A_975, %add3A_973 : vector<16xf32>
    %max3A_977 = arith.constant 9.99999974E-6 : f32
    %max3A_978 = vector.broadcast %max3A_977 : f32 to vector<16xf32>
    %max3A_979 = arith.maximumf %div3A_976, %max3A_978 : vector<16xf32>
    %min3A_980 = arith.constant 0.999989986 : f32
    %min3A_981 = vector.broadcast %min3A_980 : f32 to vector<16xf32>
    %min3A_982 = arith.minimumf %max3A_979, %min3A_981 : vector<16xf32>
    %swap3A_983 = arith.index_cast %mul3A_959 : i32 to index
    %swap3A_984 = tpu.vector_load %arg10[%swap3A_983] {strides = array<i32>} : memref<10000xf32, #tpu.memory_space<vmem>>, vector<16xf32>,
    %swap3A_985 = vector.shape_cast %swap3A_984 : vector<16xf32> to vector<16xf32>
    %swap3A_986 = vector.shape_cast %min3A_982 : vector<16xf32> to vector<16xf32>
    tpu.vector_store %arg10[%swap3A_983], %swap3A_986 {strides = array<i32>} : memref<10000xf32, #tpu.memory_space<vmem>>, vector<16xf32>,
    %scan3A_987 = arith.constant 125 : i32
    %add3A_988 = arith.constant 0 : i32
    %add3A_989 = arith.addi %mul3A_2, %add3A_988 : i32
    %dma_start3A_990 = arith.constant 0 : i32
    %dma_start3A_991 = tpu.memref_slice %arg10[%dma_start3A_990] : memref<10000xf32, #tpu.memory_space<vmem>> -> memref<2000xf32, #tpu.memory_space<vmem>>
    %dma_start3A_992 = tpu.memref_slice %arg6[%add3A_989] : memref<320000xf32, #tpu.memory_space<hbm>> -> memref<2000xf32, #tpu.memory_space<hbm>>
    %dma_start3A_993 = tpu.memref_slice %arg6[%add3A_989] : memref<320000xf32, #tpu.memory_space<hbm>> -> memref<2000xf32, #tpu.memory_space<hbm>>
    %dma_start3A_994 = arith.constant 0 : i32
    %dma_start3A_995 = tpu.memref_slice %arg10[%dma_start3A_994] : memref<10000xf32, #tpu.memory_space<vmem>> -> memref<2000xf32, #tpu.memory_space<vmem>>
    tpu.enqueue_dma source(%dma_start3A_995 : memref<2000xf32, #tpu.memory_space<vmem>>) target(%dma_start3A_993 : memref<2000xf32, #tpu.memory_space<hbm>>) target_semaphore(%arg16 : memref<!tpu.dma_semaphore, #tpu.memory_space<semaphore_mem>>)
    %dma_wait3A_996 = arith.constant 2000 : i32
    %dma_wait3A_997 = tpu.memref_slice %arg11[%dma_wait3A_996] : memref<10000xf32, #tpu.memory_space<vmem>> -> memref<2000xf32, #tpu.memory_space<vmem>>
    %dma_wait3A_998 = arith.constant 2000 : i32
    %dma_wait3A_999 = tpu.memref_slice %arg7[%dma_wait3A_998] : memref<10000xi32, #tpu.memory_space<vmem>> -> memref<2000xi32, #tpu.memory_space<vmem>>
    %dma_wait3A_1000 = arith.constant 0 : i32
    %dma_wait3A_1001 = tpu.memref_slice %arg13[%dma_wait3A_1000] : memref<323584xf32, #tpu.memory_space<vmem_shared>> -> memref<323584xf32, #tpu.memory_space<vmem_shared>>
    tpu.wait_indirect_dma semaphore(%arg14 : memref<!tpu.dma_semaphore, #tpu.memory_space<semaphore_mem>>) src(%dma_wait3A_1001 : memref<323584xf32, #tpu.memory_space<vmem_shared>>) dst(%dma_wait3A_997 : memref<2000xf32, #tpu.memory_space<vmem>>)
    %dma_wait3A_1002 = arith.constant 2000 : i32
    %dma_wait3A_1003 = tpu.memref_slice %arg12[%dma_wait3A_1002] : memref<10000xf32, #tpu.memory_space<vmem>> -> memref<2000xf32, #tpu.memory_space<vmem>>
    %dma_wait3A_1004 = arith.constant 2000 : i32
    %dma_wait3A_1005 = tpu.memref_slice %arg8[%dma_wait3A_1004] : memref<10000xi32, #tpu.memory_space<vmem>> -> memref<2000xi32, #tpu.memory_space<vmem>>
    %dma_wait3A_1006 = arith.constant 0 : i32
    %dma_wait3A_1007 = tpu.memref_slice %arg13[%dma_wait3A_1006] : memref<323584xf32, #tpu.memory_space<vmem_shared>> -> memref<323584xf32, #tpu.memory_space<vmem_shared>>
    tpu.wait_indirect_dma semaphore(%arg15 : memref<!tpu.dma_semaphore, #tpu.memory_space<semaphore_mem>>) src(%dma_wait3A_1007 : memref<323584xf32, #tpu.memory_space<vmem_shared>>) dst(%dma_wait3A_1003 : memref<2000xf32, #tpu.memory_space<vmem>>)
    %scan3A_1008 = arith.constant 0 : i32
    %scan3A_1009 = arith.constant 125 : i32
    %scan3A_1010 = arith.constant 120 : i32
    %scan3A_1011 = arith.addi %scan3A_1009, %scan3A_1010 : i32
    %scan3A_1012 = arith.constant 8 : i32
    scf.for %scan3A_1760 = %scan3A_1009 to %scan3A_1011 step %scan3A_1012  : i32 {
      %mul3A_1761 = arith.constant 16 : i32
      %mul3A_1762 = arith.muli %scan3A_1760, %mul3A_1761 : i32
      %get3A_1763 = arith.index_cast %mul3A_1762 : i32 to index
      %get3A_1764 = tpu.vector_load %arg11[%get3A_1763] {strides = array<i32>} : memref<10000xf32, #tpu.memory_space<vmem>>, vector<16xf32>,
      %get3A_1765 = vector.shape_cast %get3A_1764 : vector<16xf32> to vector<16xf32>
      %get3A_1766 = arith.index_cast %mul3A_1762 : i32 to index
      %get3A_1767 = tpu.vector_load %arg12[%get3A_1766] {strides = array<i32>} : memref<10000xf32, #tpu.memory_space<vmem>>, vector<16xf32>,
      %get3A_1768 = vector.shape_cast %get3A_1767 : vector<16xf32> to vector<16xf32>
      %add3A_1769 = arith.addf %get3A_1765, %get3A_1768 : vector<16xf32>
      %neg3A_1770 = arith.constant 0.000000e+00 : f32
      %neg3A_1771 = vector.broadcast %neg3A_1770 : f32 to vector<16xf32>
      %neg3A_1772 = arith.subf %neg3A_1771, %add3A_1769 : vector<16xf32>
      %exp3A_1773 = math.exp %neg3A_1772 : vector<16xf32>
      %add3A_1774 = arith.constant 1.000000e+00 : f32
      %add3A_1775 = vector.broadcast %add3A_1774 : f32 to vector<16xf32>
      %add3A_1776 = arith.addf %add3A_1775, %exp3A_1773 : vector<16xf32>
      %div3A_1777 = arith.constant 1.000000e+00 : f32
      %div3A_1778 = vector.broadcast %div3A_1777 : f32 to vector<16xf32>
      %div3A_1779 = arith.divf %div3A_1778, %add3A_1776 : vector<16xf32>
      %max3A_1780 = arith.constant 9.99999974E-6 : f32
      %max3A_1781 = vector.broadcast %max3A_1780 : f32 to vector<16xf32>
      %max3A_1782 = arith.maximumf %div3A_1779, %max3A_1781 : vector<16xf32>
      %min3A_1783 = arith.constant 0.999989986 : f32
      %min3A_1784 = vector.broadcast %min3A_1783 : f32 to vector<16xf32>
      %min3A_1785 = arith.minimumf %max3A_1782, %min3A_1784 : vector<16xf32>
      %swap3A_1786 = arith.index_cast %mul3A_1762 : i32 to index
      %swap3A_1787 = tpu.vector_load %arg10[%swap3A_1786] {strides = array<i32>} : memref<10000xf32, #tpu.memory_space<vmem>>, vector<16xf32>,
      %swap3A_1788 = vector.shape_cast %swap3A_1787 : vector<16xf32> to vector<16xf32>
      %swap3A_1789 = vector.shape_cast %min3A_1785 : vector<16xf32> to vector<16xf32>
      tpu.vector_store %arg10[%swap3A_1786], %swap3A_1789 {strides = array<i32>} : memref<10000xf32, #tpu.memory_space<vmem>>, vector<16xf32>,
      %scan3A_1790 = arith.constant 1 : i32
      %scan3A_1791 = arith.addi %scan3A_1760, %scan3A_1790 : i32
      %mul3A_1792 = arith.constant 16 : i32
      %mul3A_1793 = arith.muli %scan3A_1791, %mul3A_1792 : i32
      %get3A_1794 = arith.index_cast %mul3A_1793 : i32 to index
      %get3A_1795 = tpu.vector_load %arg11[%get3A_1794] {strides = array<i32>} : memref<10000xf32, #tpu.memory_space<vmem>>, vector<16xf32>,
      %get3A_1796 = vector.shape_cast %get3A_1795 : vector<16xf32> to vector<16xf32>
      %get3A_1797 = arith.index_cast %mul3A_1793 : i32 to index
      %get3A_1798 = tpu.vector_load %arg12[%get3A_1797] {strides = array<i32>} : memref<10000xf32, #tpu.memory_space<vmem>>, vector<16xf32>,
      %get3A_1799 = vector.shape_cast %get3A_1798 : vector<16xf32> to vector<16xf32>
      %add3A_1800 = arith.addf %get3A_1796, %get3A_1799 : vector<16xf32>
      %neg3A_1801 = arith.constant 0.000000e+00 : f32
      %neg3A_1802 = vector.broadcast %neg3A_1801 : f32 to vector<16xf32>
      %neg3A_1803 = arith.subf %neg3A_1802, %add3A_1800 : vector<16xf32>
      %exp3A_1804 = math.exp %neg3A_1803 : vector<16xf32>
      %add3A_1805 = arith.constant 1.000000e+00 : f32
      %add3A_1806 = vector.broadcast %add3A_1805 : f32 to vector<16xf32>
      %add3A_1807 = arith.addf %add3A_1806, %exp3A_1804 : vector<16xf32>
      %div3A_1808 = arith.constant 1.000000e+00 : f32
      %div3A_1809 = vector.broadcast %div3A_1808 : f32 to vector<16xf32>
      %div3A_1810 = arith.divf %div3A_1809, %add3A_1807 : vector<16xf32>
      %max3A_1811 = arith.constant 9.99999974E-6 : f32
      %max3A_1812 = vector.broadcast %max3A_1811 : f32 to vector<16xf32>
      %max3A_1813 = arith.maximumf %div3A_1810, %max3A_1812 : vector<16xf32>
      %min3A_1814 = arith.constant 0.999989986 : f32
      %min3A_1815 = vector.broadcast %min3A_1814 : f32 to vector<16xf32>
      %min3A_1816 = arith.minimumf %max3A_1813, %min3A_1815 : vector<16xf32>
      %swap3A_1817 = arith.index_cast %mul3A_1793 : i32 to index
      %swap3A_1818 = tpu.vector_load %arg10[%swap3A_1817] {strides = array<i32>} : memref<10000xf32, #tpu.memory_space<vmem>>, vector<16xf32>,
      %swap3A_1819 = vector.shape_cast %swap3A_1818 : vector<16xf32> to vector<16xf32>
      %swap3A_1820 = vector.shape_cast %min3A_1816 : vector<16xf32> to vector<16xf32>
      tpu.vector_store %arg10[%swap3A_1817], %swap3A_1820 {strides = array<i32>} : memref<10000xf32, #tpu.memory_space<vmem>>, vector<16xf32>,
      %scan3A_1821 = arith.constant 2 : i32
      %scan3A_1822 = arith.addi %scan3A_1760, %scan3A_1821 : i32
      %mul3A_1823 = arith.constant 16 : i32
      %mul3A_1824 = arith.muli %scan3A_1822, %mul3A_1823 : i32
      %get3A_1825 = arith.index_cast %mul3A_1824 : i32 to index
      %get3A_1826 = tpu.vector_load %arg11[%get3A_1825] {strides = array<i32>} : memref<10000xf32, #tpu.memory_space<vmem>>, vector<16xf32>,
      %get3A_1827 = vector.shape_cast %get3A_1826 : vector<16xf32> to vector<16xf32>
      %get3A_1828 = arith.index_cast %mul3A_1824 : i32 to index
      %get3A_1829 = tpu.vector_load %arg12[%get3A_1828] {strides = array<i32>} : memref<10000xf32, #tpu.memory_space<vmem>>, vector<16xf32>,
      %get3A_1830 = vector.shape_cast %get3A_1829 : vector<16xf32> to vector<16xf32>
      %add3A_1831 = arith.addf %get3A_1827, %get3A_1830 : vector<16xf32>
      %neg3A_1832 = arith.constant 0.000000e+00 : f32
      %neg3A_1833 = vector.broadcast %neg3A_1832 : f32 to vector<16xf32>
      %neg3A_1834 = arith.subf %neg3A_1833, %add3A_1831 : vector<16xf32>
      %exp3A_1835 = math.exp %neg3A_1834 : vector<16xf32>
      %add3A_1836 = arith.constant 1.000000e+00 : f32
      %add3A_1837 = vector.broadcast %add3A_1836 : f32 to vector<16xf32>
      %add3A_1838 = arith.addf %add3A_1837, %exp3A_1835 : vector<16xf32>
      %div3A_1839 = arith.constant 1.000000e+00 : f32
      %div3A_1840 = vector.broadcast %div3A_1839 : f32 to vector<16xf32>
      %div3A_1841 = arith.divf %div3A_1840, %add3A_1838 : vector<16xf32>
      %max3A_1842 = arith.constant 9.99999974E-6 : f32
      %max3A_1843 = vector.broadcast %max3A_1842 : f32 to vector<16xf32>
      %max3A_1844 = arith.maximumf %div3A_1841, %max3A_1843 : vector<16xf32>
      %min3A_1845 = arith.constant 0.999989986 : f32
      %min3A_1846 = vector.broadcast %min3A_1845 : f32 to vector<16xf32>
      %min3A_1847 = arith.minimumf %max3A_1844, %min3A_1846 : vector<16xf32>
      %swap3A_1848 = arith.index_cast %mul3A_1824 : i32 to index
      %swap3A_1849 = tpu.vector_load %arg10[%swap3A_1848] {strides = array<i32>} : memref<10000xf32, #tpu.memory_space<vmem>>, vector<16xf32>,
      %swap3A_1850 = vector.shape_cast %swap3A_1849 : vector<16xf32> to vector<16xf32>
      %swap3A_1851 = vector.shape_cast %min3A_1847 : vector<16xf32> to vector<16xf32>
      tpu.vector_store %arg10[%swap3A_1848], %swap3A_1851 {strides = array<i32>} : memref<10000xf32, #tpu.memory_space<vmem>>, vector<16xf32>,
      %scan3A_1852 = arith.constant 3 : i32
      %scan3A_1853 = arith.addi %scan3A_1760, %scan3A_1852 : i32
      %mul3A_1854 = arith.constant 16 : i32
      %mul3A_1855 = arith.muli %scan3A_1853, %mul3A_1854 : i32
      %get3A_1856 = arith.index_cast %mul3A_1855 : i32 to index
      %get3A_1857 = tpu.vector_load %arg11[%get3A_1856] {strides = array<i32>} : memref<10000xf32, #tpu.memory_space<vmem>>, vector<16xf32>,
      %get3A_1858 = vector.shape_cast %get3A_1857 : vector<16xf32> to vector<16xf32>
      %get3A_1859 = arith.index_cast %mul3A_1855 : i32 to index
      %get3A_1860 = tpu.vector_load %arg12[%get3A_1859] {strides = array<i32>} : memref<10000xf32, #tpu.memory_space<vmem>>, vector<16xf32>,
      %get3A_1861 = vector.shape_cast %get3A_1860 : vector<16xf32> to vector<16xf32>
      %add3A_1862 = arith.addf %get3A_1858, %get3A_1861 : vector<16xf32>
      %neg3A_1863 = arith.constant 0.000000e+00 : f32
      %neg3A_1864 = vector.broadcast %neg3A_1863 : f32 to vector<16xf32>
      %neg3A_1865 = arith.subf %neg3A_1864, %add3A_1862 : vector<16xf32>
      %exp3A_1866 = math.exp %neg3A_1865 : vector<16xf32>
      %add3A_1867 = arith.constant 1.000000e+00 : f32
      %add3A_1868 = vector.broadcast %add3A_1867 : f32 to vector<16xf32>
      %add3A_1869 = arith.addf %add3A_1868, %exp3A_1866 : vector<16xf32>
      %div3A_1870 = arith.constant 1.000000e+00 : f32
      %div3A_1871 = vector.broadcast %div3A_1870 : f32 to vector<16xf32>
      %div3A_1872 = arith.divf %div3A_1871, %add3A_1869 : vector<16xf32>
      %max3A_1873 = arith.constant 9.99999974E-6 : f32
      %max3A_1874 = vector.broadcast %max3A_1873 : f32 to vector<16xf32>
      %max3A_1875 = arith.maximumf %div3A_1872, %max3A_1874 : vector<16xf32>
      %min3A_1876 = arith.constant 0.999989986 : f32
      %min3A_1877 = vector.broadcast %min3A_1876 : f32 to vector<16xf32>
      %min3A_1878 = arith.minimumf %max3A_1875, %min3A_1877 : vector<16xf32>
      %swap3A_1879 = arith.index_cast %mul3A_1855 : i32 to index
      %swap3A_1880 = tpu.vector_load %arg10[%swap3A_1879] {strides = array<i32>} : memref<10000xf32, #tpu.memory_space<vmem>>, vector<16xf32>,
      %swap3A_1881 = vector.shape_cast %swap3A_1880 : vector<16xf32> to vector<16xf32>
      %swap3A_1882 = vector.shape_cast %min3A_1878 : vector<16xf32> to vector<16xf32>
      tpu.vector_store %arg10[%swap3A_1879], %swap3A_1882 {strides = array<i32>} : memref<10000xf32, #tpu.memory_space<vmem>>, vector<16xf32>,
      %scan3A_1883 = arith.constant 4 : i32
      %scan3A_1884 = arith.addi %scan3A_1760, %scan3A_1883 : i32
      %mul3A_1885 = arith.constant 16 : i32
      %mul3A_1886 = arith.muli %scan3A_1884, %mul3A_1885 : i32
      %get3A_1887 = arith.index_cast %mul3A_1886 : i32 to index
      %get3A_1888 = tpu.vector_load %arg11[%get3A_1887] {strides = array<i32>} : memref<10000xf32, #tpu.memory_space<vmem>>, vector<16xf32>,
      %get3A_1889 = vector.shape_cast %get3A_1888 : vector<16xf32> to vector<16xf32>
      %get3A_1890 = arith.index_cast %mul3A_1886 : i32 to index
      %get3A_1891 = tpu.vector_load %arg12[%get3A_1890] {strides = array<i32>} : memref<10000xf32, #tpu.memory_space<vmem>>, vector<16xf32>,
      %get3A_1892 = vector.shape_cast %get3A_1891 : vector<16xf32> to vector<16xf32>
      %add3A_1893 = arith.addf %get3A_1889, %get3A_1892 : vector<16xf32>
      %neg3A_1894 = arith.constant 0.000000e+00 : f32
      %neg3A_1895 = vector.broadcast %neg3A_1894 : f32 to vector<16xf32>
      %neg3A_1896 = arith.subf %neg3A_1895, %add3A_1893 : vector<16xf32>
      %exp3A_1897 = math.exp %neg3A_1896 : vector<16xf32>
      %add3A_1898 = arith.constant 1.000000e+00 : f32
      %add3A_1899 = vector.broadcast %add3A_1898 : f32 to vector<16xf32>
      %add3A_1900 = arith.addf %add3A_1899, %exp3A_1897 : vector<16xf32>
      %div3A_1901 = arith.constant 1.000000e+00 : f32
      %div3A_1902 = vector.broadcast %div3A_1901 : f32 to vector<16xf32>
      %div3A_1903 = arith.divf %div3A_1902, %add3A_1900 : vector<16xf32>
      %max3A_1904 = arith.constant 9.99999974E-6 : f32
      %max3A_1905 = vector.broadcast %max3A_1904 : f32 to vector<16xf32>
      %max3A_1906 = arith.maximumf %div3A_1903, %max3A_1905 : vector<16xf32>
      %min3A_1907 = arith.constant 0.999989986 : f32
      %min3A_1908 = vector.broadcast %min3A_1907 : f32 to vector<16xf32>
      %min3A_1909 = arith.minimumf %max3A_1906, %min3A_1908 : vector<16xf32>
      %swap3A_1910 = arith.index_cast %mul3A_1886 : i32 to index
      %swap3A_1911 = tpu.vector_load %arg10[%swap3A_1910] {strides = array<i32>} : memref<10000xf32, #tpu.memory_space<vmem>>, vector<16xf32>,
      %swap3A_1912 = vector.shape_cast %swap3A_1911 : vector<16xf32> to vector<16xf32>
      %swap3A_1913 = vector.shape_cast %min3A_1909 : vector<16xf32> to vector<16xf32>
      tpu.vector_store %arg10[%swap3A_1910], %swap3A_1913 {strides = array<i32>} : memref<10000xf32, #tpu.memory_space<vmem>>, vector<16xf32>,
      %scan3A_1914 = arith.constant 5 : i32
      %scan3A_1915 = arith.addi %scan3A_1760, %scan3A_1914 : i32
      %mul3A_1916 = arith.constant 16 : i32
      %mul3A_1917 = arith.muli %scan3A_1915, %mul3A_1916 : i32
      %get3A_1918 = arith.index_cast %mul3A_1917 : i32 to index
      %get3A_1919 = tpu.vector_load %arg11[%get3A_1918] {strides = array<i32>} : memref<10000xf32, #tpu.memory_space<vmem>>, vector<16xf32>,
      %get3A_1920 = vector.shape_cast %get3A_1919 : vector<16xf32> to vector<16xf32>
      %get3A_1921 = arith.index_cast %mul3A_1917 : i32 to index
      %get3A_1922 = tpu.vector_load %arg12[%get3A_1921] {strides = array<i32>} : memref<10000xf32, #tpu.memory_space<vmem>>, vector<16xf32>,
      %get3A_1923 = vector.shape_cast %get3A_1922 : vector<16xf32> to vector<16xf32>
      %add3A_1924 = arith.addf %get3A_1920, %get3A_1923 : vector<16xf32>
      %neg3A_1925 = arith.constant 0.000000e+00 : f32
      %neg3A_1926 = vector.broadcast %neg3A_1925 : f32 to vector<16xf32>
      %neg3A_1927 = arith.subf %neg3A_1926, %add3A_1924 : vector<16xf32>
      %exp3A_1928 = math.exp %neg3A_1927 : vector<16xf32>
      %add3A_1929 = arith.constant 1.000000e+00 : f32
      %add3A_1930 = vector.broadcast %add3A_1929 : f32 to vector<16xf32>
      %add3A_1931 = arith.addf %add3A_1930, %exp3A_1928 : vector<16xf32>
      %div3A_1932 = arith.constant 1.000000e+00 : f32
      %div3A_1933 = vector.broadcast %div3A_1932 : f32 to vector<16xf32>
      %div3A_1934 = arith.divf %div3A_1933, %add3A_1931 : vector<16xf32>
      %max3A_1935 = arith.constant 9.99999974E-6 : f32
      %max3A_1936 = vector.broadcast %max3A_1935 : f32 to vector<16xf32>
      %max3A_1937 = arith.maximumf %div3A_1934, %max3A_1936 : vector<16xf32>
      %min3A_1938 = arith.constant 0.999989986 : f32
      %min3A_1939 = vector.broadcast %min3A_1938 : f32 to vector<16xf32>
      %min3A_1940 = arith.minimumf %max3A_1937, %min3A_1939 : vector<16xf32>
      %swap3A_1941 = arith.index_cast %mul3A_1917 : i32 to index
      %swap3A_1942 = tpu.vector_load %arg10[%swap3A_1941] {strides = array<i32>} : memref<10000xf32, #tpu.memory_space<vmem>>, vector<16xf32>,
      %swap3A_1943 = vector.shape_cast %swap3A_1942 : vector<16xf32> to vector<16xf32>
      %swap3A_1944 = vector.shape_cast %min3A_1940 : vector<16xf32> to vector<16xf32>
      tpu.vector_store %arg10[%swap3A_1941], %swap3A_1944 {strides = array<i32>} : memref<10000xf32, #tpu.memory_space<vmem>>, vector<16xf32>,
      %scan3A_1945 = arith.constant 6 : i32
      %scan3A_1946 = arith.addi %scan3A_1760, %scan3A_1945 : i32
      %mul3A_1947 = arith.constant 16 : i32
      %mul3A_1948 = arith.muli %scan3A_1946, %mul3A_1947 : i32
      %get3A_1949 = arith.index_cast %mul3A_1948 : i32 to index
      %get3A_1950 = tpu.vector_load %arg11[%get3A_1949] {strides = array<i32>} : memref<10000xf32, #tpu.memory_space<vmem>>, vector<16xf32>,
      %get3A_1951 = vector.shape_cast %get3A_1950 : vector<16xf32> to vector<16xf32>
      %get3A_1952 = arith.index_cast %mul3A_1948 : i32 to index
      %get3A_1953 = tpu.vector_load %arg12[%get3A_1952] {strides = array<i32>} : memref<10000xf32, #tpu.memory_space<vmem>>, vector<16xf32>,
      %get3A_1954 = vector.shape_cast %get3A_1953 : vector<16xf32> to vector<16xf32>
      %add3A_1955 = arith.addf %get3A_1951, %get3A_1954 : vector<16xf32>
      %neg3A_1956 = arith.constant 0.000000e+00 : f32
      %neg3A_1957 = vector.broadcast %neg3A_1956 : f32 to vector<16xf32>
      %neg3A_1958 = arith.subf %neg3A_1957, %add3A_1955 : vector<16xf32>
      %exp3A_1959 = math.exp %neg3A_1958 : vector<16xf32>
      %add3A_1960 = arith.constant 1.000000e+00 : f32
      %add3A_1961 = vector.broadcast %add3A_1960 : f32 to vector<16xf32>
      %add3A_1962 = arith.addf %add3A_1961, %exp3A_1959 : vector<16xf32>
      %div3A_1963 = arith.constant 1.000000e+00 : f32
      %div3A_1964 = vector.broadcast %div3A_1963 : f32 to vector<16xf32>
      %div3A_1965 = arith.divf %div3A_1964, %add3A_1962 : vector<16xf32>
      %max3A_1966 = arith.constant 9.99999974E-6 : f32
      %max3A_1967 = vector.broadcast %max3A_1966 : f32 to vector<16xf32>
      %max3A_1968 = arith.maximumf %div3A_1965, %max3A_1967 : vector<16xf32>
      %min3A_1969 = arith.constant 0.999989986 : f32
      %min3A_1970 = vector.broadcast %min3A_1969 : f32 to vector<16xf32>
      %min3A_1971 = arith.minimumf %max3A_1968, %min3A_1970 : vector<16xf32>
      %swap3A_1972 = arith.index_cast %mul3A_1948 : i32 to index
      %swap3A_1973 = tpu.vector_load %arg10[%swap3A_1972] {strides = array<i32>} : memref<10000xf32, #tpu.memory_space<vmem>>, vector<16xf32>,
      %swap3A_1974 = vector.shape_cast %swap3A_1973 : vector<16xf32> to vector<16xf32>
      %swap3A_1975 = vector.shape_cast %min3A_1971 : vector<16xf32> to vector<16xf32>
      tpu.vector_store %arg10[%swap3A_1972], %swap3A_1975 {strides = array<i32>} : memref<10000xf32, #tpu.memory_space<vmem>>, vector<16xf32>,
      %scan3A_1976 = arith.constant 7 : i32
      %scan3A_1977 = arith.addi %scan3A_1760, %scan3A_1976 : i32
      %mul3A_1978 = arith.constant 16 : i32
      %mul3A_1979 = arith.muli %scan3A_1977, %mul3A_1978 : i32
      %get3A_1980 = arith.index_cast %mul3A_1979 : i32 to index
      %get3A_1981 = tpu.vector_load %arg11[%get3A_1980] {strides = array<i32>} : memref<10000xf32, #tpu.memory_space<vmem>>, vector<16xf32>,
      %get3A_1982 = vector.shape_cast %get3A_1981 : vector<16xf32> to vector<16xf32>
      %get3A_1983 = arith.index_cast %mul3A_1979 : i32 to index
      %get3A_1984 = tpu.vector_load %arg12[%get3A_1983] {strides = array<i32>} : memref<10000xf32, #tpu.memory_space<vmem>>, vector<16xf32>,
      %get3A_1985 = vector.shape_cast %get3A_1984 : vector<16xf32> to vector<16xf32>
      %add3A_1986 = arith.addf %get3A_1982, %get3A_1985 : vector<16xf32>
      %neg3A_1987 = arith.constant 0.000000e+00 : f32
      %neg3A_1988 = vector.broadcast %neg3A_1987 : f32 to vector<16xf32>
      %neg3A_1989 = arith.subf %neg3A_1988, %add3A_1986 : vector<16xf32>
      %exp3A_1990 = math.exp %neg3A_1989 : vector<16xf32>
      %add3A_1991 = arith.constant 1.000000e+00 : f32
      %add3A_1992 = vector.broadcast %add3A_1991 : f32 to vector<16xf32>
      %add3A_1993 = arith.addf %add3A_1992, %exp3A_1990 : vector<16xf32>
      %div3A_1994 = arith.constant 1.000000e+00 : f32
      %div3A_1995 = vector.broadcast %div3A_1994 : f32 to vector<16xf32>
      %div3A_1996 = arith.divf %div3A_1995, %add3A_1993 : vector<16xf32>
      %max3A_1997 = arith.constant 9.99999974E-6 : f32
      %max3A_1998 = vector.broadcast %max3A_1997 : f32 to vector<16xf32>
      %max3A_1999 = arith.maximumf %div3A_1996, %max3A_1998 : vector<16xf32>
      %min3A_2000 = arith.constant 0.999989986 : f32
      %min3A_2001 = vector.broadcast %min3A_2000 : f32 to vector<16xf32>
      %min3A_2002 = arith.minimumf %max3A_1999, %min3A_2001 : vector<16xf32>
      %swap3A_2003 = arith.index_cast %mul3A_1979 : i32 to index
      %swap3A_2004 = tpu.vector_load %arg10[%swap3A_2003] {strides = array<i32>} : memref<10000xf32, #tpu.memory_space<vmem>>, vector<16xf32>,
      %swap3A_2005 = vector.shape_cast %swap3A_2004 : vector<16xf32> to vector<16xf32>
      %swap3A_2006 = vector.shape_cast %min3A_2002 : vector<16xf32> to vector<16xf32>
      tpu.vector_store %arg10[%swap3A_2003], %swap3A_2006 {strides = array<i32>} : memref<10000xf32, #tpu.memory_space<vmem>>, vector<16xf32>,
    }
    %scan3A_1013 = arith.constant 120 : i32
    %scan3A_1014 = arith.addi %scan3A_1009, %scan3A_1013 : i32
    %mul3A_1015 = arith.constant 16 : i32
    %mul3A_1016 = arith.muli %scan3A_1014, %mul3A_1015 : i32
    %get3A_1017 = arith.index_cast %mul3A_1016 : i32 to index
    %get3A_1018 = tpu.vector_load %arg11[%get3A_1017] {strides = array<i32>} : memref<10000xf32, #tpu.memory_space<vmem>>, vector<16xf32>,
    %get3A_1019 = vector.shape_cast %get3A_1018 : vector<16xf32> to vector<16xf32>
    %get3A_1020 = arith.index_cast %mul3A_1016 : i32 to index
    %get3A_1021 = tpu.vector_load %arg12[%get3A_1020] {strides = array<i32>} : memref<10000xf32, #tpu.memory_space<vmem>>, vector<16xf32>,
    %get3A_1022 = vector.shape_cast %get3A_1021 : vector<16xf32> to vector<16xf32>
    %add3A_1023 = arith.addf %get3A_1019, %get3A_1022 : vector<16xf32>
    %neg3A_1024 = arith.constant 0.000000e+00 : f32
    %neg3A_1025 = vector.broadcast %neg3A_1024 : f32 to vector<16xf32>
    %neg3A_1026 = arith.subf %neg3A_1025, %add3A_1023 : vector<16xf32>
    %exp3A_1027 = math.exp %neg3A_1026 : vector<16xf32>
    %add3A_1028 = arith.constant 1.000000e+00 : f32
    %add3A_1029 = vector.broadcast %add3A_1028 : f32 to vector<16xf32>
    %add3A_1030 = arith.addf %add3A_1029, %exp3A_1027 : vector<16xf32>
    %div3A_1031 = arith.constant 1.000000e+00 : f32
    %div3A_1032 = vector.broadcast %div3A_1031 : f32 to vector<16xf32>
    %div3A_1033 = arith.divf %div3A_1032, %add3A_1030 : vector<16xf32>
    %max3A_1034 = arith.constant 9.99999974E-6 : f32
    %max3A_1035 = vector.broadcast %max3A_1034 : f32 to vector<16xf32>
    %max3A_1036 = arith.maximumf %div3A_1033, %max3A_1035 : vector<16xf32>
    %min3A_1037 = arith.constant 0.999989986 : f32
    %min3A_1038 = vector.broadcast %min3A_1037 : f32 to vector<16xf32>
    %min3A_1039 = arith.minimumf %max3A_1036, %min3A_1038 : vector<16xf32>
    %swap3A_1040 = arith.index_cast %mul3A_1016 : i32 to index
    %swap3A_1041 = tpu.vector_load %arg10[%swap3A_1040] {strides = array<i32>} : memref<10000xf32, #tpu.memory_space<vmem>>, vector<16xf32>,
    %swap3A_1042 = vector.shape_cast %swap3A_1041 : vector<16xf32> to vector<16xf32>
    %swap3A_1043 = vector.shape_cast %min3A_1039 : vector<16xf32> to vector<16xf32>
    tpu.vector_store %arg10[%swap3A_1040], %swap3A_1043 {strides = array<i32>} : memref<10000xf32, #tpu.memory_space<vmem>>, vector<16xf32>,
    %scan3A_1044 = arith.constant 121 : i32
    %scan3A_1045 = arith.addi %scan3A_1009, %scan3A_1044 : i32
    %mul3A_1046 = arith.constant 16 : i32
    %mul3A_1047 = arith.muli %scan3A_1045, %mul3A_1046 : i32
    %get3A_1048 = arith.index_cast %mul3A_1047 : i32 to index
    %get3A_1049 = tpu.vector_load %arg11[%get3A_1048] {strides = array<i32>} : memref<10000xf32, #tpu.memory_space<vmem>>, vector<16xf32>,
    %get3A_1050 = vector.shape_cast %get3A_1049 : vector<16xf32> to vector<16xf32>
    %get3A_1051 = arith.index_cast %mul3A_1047 : i32 to index
    %get3A_1052 = tpu.vector_load %arg12[%get3A_1051] {strides = array<i32>} : memref<10000xf32, #tpu.memory_space<vmem>>, vector<16xf32>,
    %get3A_1053 = vector.shape_cast %get3A_1052 : vector<16xf32> to vector<16xf32>
    %add3A_1054 = arith.addf %get3A_1050, %get3A_1053 : vector<16xf32>
    %neg3A_1055 = arith.constant 0.000000e+00 : f32
    %neg3A_1056 = vector.broadcast %neg3A_1055 : f32 to vector<16xf32>
    %neg3A_1057 = arith.subf %neg3A_1056, %add3A_1054 : vector<16xf32>
    %exp3A_1058 = math.exp %neg3A_1057 : vector<16xf32>
    %add3A_1059 = arith.constant 1.000000e+00 : f32
    %add3A_1060 = vector.broadcast %add3A_1059 : f32 to vector<16xf32>
    %add3A_1061 = arith.addf %add3A_1060, %exp3A_1058 : vector<16xf32>
    %div3A_1062 = arith.constant 1.000000e+00 : f32
    %div3A_1063 = vector.broadcast %div3A_1062 : f32 to vector<16xf32>
    %div3A_1064 = arith.divf %div3A_1063, %add3A_1061 : vector<16xf32>
    %max3A_1065 = arith.constant 9.99999974E-6 : f32
    %max3A_1066 = vector.broadcast %max3A_1065 : f32 to vector<16xf32>
    %max3A_1067 = arith.maximumf %div3A_1064, %max3A_1066 : vector<16xf32>
    %min3A_1068 = arith.constant 0.999989986 : f32
    %min3A_1069 = vector.broadcast %min3A_1068 : f32 to vector<16xf32>
    %min3A_1070 = arith.minimumf %max3A_1067, %min3A_1069 : vector<16xf32>
    %swap3A_1071 = arith.index_cast %mul3A_1047 : i32 to index
    %swap3A_1072 = tpu.vector_load %arg10[%swap3A_1071] {strides = array<i32>} : memref<10000xf32, #tpu.memory_space<vmem>>, vector<16xf32>,
    %swap3A_1073 = vector.shape_cast %swap3A_1072 : vector<16xf32> to vector<16xf32>
    %swap3A_1074 = vector.shape_cast %min3A_1070 : vector<16xf32> to vector<16xf32>
    tpu.vector_store %arg10[%swap3A_1071], %swap3A_1074 {strides = array<i32>} : memref<10000xf32, #tpu.memory_space<vmem>>, vector<16xf32>,
    %scan3A_1075 = arith.constant 122 : i32
    %scan3A_1076 = arith.addi %scan3A_1009, %scan3A_1075 : i32
    %mul3A_1077 = arith.constant 16 : i32
    %mul3A_1078 = arith.muli %scan3A_1076, %mul3A_1077 : i32
    %get3A_1079 = arith.index_cast %mul3A_1078 : i32 to index
    %get3A_1080 = tpu.vector_load %arg11[%get3A_1079] {strides = array<i32>} : memref<10000xf32, #tpu.memory_space<vmem>>, vector<16xf32>,
    %get3A_1081 = vector.shape_cast %get3A_1080 : vector<16xf32> to vector<16xf32>
    %get3A_1082 = arith.index_cast %mul3A_1078 : i32 to index
    %get3A_1083 = tpu.vector_load %arg12[%get3A_1082] {strides = array<i32>} : memref<10000xf32, #tpu.memory_space<vmem>>, vector<16xf32>,
    %get3A_1084 = vector.shape_cast %get3A_1083 : vector<16xf32> to vector<16xf32>
    %add3A_1085 = arith.addf %get3A_1081, %get3A_1084 : vector<16xf32>
    %neg3A_1086 = arith.constant 0.000000e+00 : f32
    %neg3A_1087 = vector.broadcast %neg3A_1086 : f32 to vector<16xf32>
    %neg3A_1088 = arith.subf %neg3A_1087, %add3A_1085 : vector<16xf32>
    %exp3A_1089 = math.exp %neg3A_1088 : vector<16xf32>
    %add3A_1090 = arith.constant 1.000000e+00 : f32
    %add3A_1091 = vector.broadcast %add3A_1090 : f32 to vector<16xf32>
    %add3A_1092 = arith.addf %add3A_1091, %exp3A_1089 : vector<16xf32>
    %div3A_1093 = arith.constant 1.000000e+00 : f32
    %div3A_1094 = vector.broadcast %div3A_1093 : f32 to vector<16xf32>
    %div3A_1095 = arith.divf %div3A_1094, %add3A_1092 : vector<16xf32>
    %max3A_1096 = arith.constant 9.99999974E-6 : f32
    %max3A_1097 = vector.broadcast %max3A_1096 : f32 to vector<16xf32>
    %max3A_1098 = arith.maximumf %div3A_1095, %max3A_1097 : vector<16xf32>
    %min3A_1099 = arith.constant 0.999989986 : f32
    %min3A_1100 = vector.broadcast %min3A_1099 : f32 to vector<16xf32>
    %min3A_1101 = arith.minimumf %max3A_1098, %min3A_1100 : vector<16xf32>
    %swap3A_1102 = arith.index_cast %mul3A_1078 : i32 to index
    %swap3A_1103 = tpu.vector_load %arg10[%swap3A_1102] {strides = array<i32>} : memref<10000xf32, #tpu.memory_space<vmem>>, vector<16xf32>,
    %swap3A_1104 = vector.shape_cast %swap3A_1103 : vector<16xf32> to vector<16xf32>
    %swap3A_1105 = vector.shape_cast %min3A_1101 : vector<16xf32> to vector<16xf32>
    tpu.vector_store %arg10[%swap3A_1102], %swap3A_1105 {strides = array<i32>} : memref<10000xf32, #tpu.memory_space<vmem>>, vector<16xf32>,
    %scan3A_1106 = arith.constant 123 : i32
    %scan3A_1107 = arith.addi %scan3A_1009, %scan3A_1106 : i32
    %mul3A_1108 = arith.constant 16 : i32
    %mul3A_1109 = arith.muli %scan3A_1107, %mul3A_1108 : i32
    %get3A_1110 = arith.index_cast %mul3A_1109 : i32 to index
    %get3A_1111 = tpu.vector_load %arg11[%get3A_1110] {strides = array<i32>} : memref<10000xf32, #tpu.memory_space<vmem>>, vector<16xf32>,
    %get3A_1112 = vector.shape_cast %get3A_1111 : vector<16xf32> to vector<16xf32>
    %get3A_1113 = arith.index_cast %mul3A_1109 : i32 to index
    %get3A_1114 = tpu.vector_load %arg12[%get3A_1113] {strides = array<i32>} : memref<10000xf32, #tpu.memory_space<vmem>>, vector<16xf32>,
    %get3A_1115 = vector.shape_cast %get3A_1114 : vector<16xf32> to vector<16xf32>
    %add3A_1116 = arith.addf %get3A_1112, %get3A_1115 : vector<16xf32>
    %neg3A_1117 = arith.constant 0.000000e+00 : f32
    %neg3A_1118 = vector.broadcast %neg3A_1117 : f32 to vector<16xf32>
    %neg3A_1119 = arith.subf %neg3A_1118, %add3A_1116 : vector<16xf32>
    %exp3A_1120 = math.exp %neg3A_1119 : vector<16xf32>
    %add3A_1121 = arith.constant 1.000000e+00 : f32
    %add3A_1122 = vector.broadcast %add3A_1121 : f32 to vector<16xf32>
    %add3A_1123 = arith.addf %add3A_1122, %exp3A_1120 : vector<16xf32>
    %div3A_1124 = arith.constant 1.000000e+00 : f32
    %div3A_1125 = vector.broadcast %div3A_1124 : f32 to vector<16xf32>
    %div3A_1126 = arith.divf %div3A_1125, %add3A_1123 : vector<16xf32>
    %max3A_1127 = arith.constant 9.99999974E-6 : f32
    %max3A_1128 = vector.broadcast %max3A_1127 : f32 to vector<16xf32>
    %max3A_1129 = arith.maximumf %div3A_1126, %max3A_1128 : vector<16xf32>
    %min3A_1130 = arith.constant 0.999989986 : f32
    %min3A_1131 = vector.broadcast %min3A_1130 : f32 to vector<16xf32>
    %min3A_1132 = arith.minimumf %max3A_1129, %min3A_1131 : vector<16xf32>
    %swap3A_1133 = arith.index_cast %mul3A_1109 : i32 to index
    %swap3A_1134 = tpu.vector_load %arg10[%swap3A_1133] {strides = array<i32>} : memref<10000xf32, #tpu.memory_space<vmem>>, vector<16xf32>,
    %swap3A_1135 = vector.shape_cast %swap3A_1134 : vector<16xf32> to vector<16xf32>
    %swap3A_1136 = vector.shape_cast %min3A_1132 : vector<16xf32> to vector<16xf32>
    tpu.vector_store %arg10[%swap3A_1133], %swap3A_1136 {strides = array<i32>} : memref<10000xf32, #tpu.memory_space<vmem>>, vector<16xf32>,
    %scan3A_1137 = arith.constant 124 : i32
    %scan3A_1138 = arith.addi %scan3A_1009, %scan3A_1137 : i32
    %mul3A_1139 = arith.constant 16 : i32
    %mul3A_1140 = arith.muli %scan3A_1138, %mul3A_1139 : i32
    %get3A_1141 = arith.index_cast %mul3A_1140 : i32 to index
    %get3A_1142 = tpu.vector_load %arg11[%get3A_1141] {strides = array<i32>} : memref<10000xf32, #tpu.memory_space<vmem>>, vector<16xf32>,
    %get3A_1143 = vector.shape_cast %get3A_1142 : vector<16xf32> to vector<16xf32>
    %get3A_1144 = arith.index_cast %mul3A_1140 : i32 to index
    %get3A_1145 = tpu.vector_load %arg12[%get3A_1144] {strides = array<i32>} : memref<10000xf32, #tpu.memory_space<vmem>>, vector<16xf32>,
    %get3A_1146 = vector.shape_cast %get3A_1145 : vector<16xf32> to vector<16xf32>
    %add3A_1147 = arith.addf %get3A_1143, %get3A_1146 : vector<16xf32>
    %neg3A_1148 = arith.constant 0.000000e+00 : f32
    %neg3A_1149 = vector.broadcast %neg3A_1148 : f32 to vector<16xf32>
    %neg3A_1150 = arith.subf %neg3A_1149, %add3A_1147 : vector<16xf32>
    %exp3A_1151 = math.exp %neg3A_1150 : vector<16xf32>
    %add3A_1152 = arith.constant 1.000000e+00 : f32
    %add3A_1153 = vector.broadcast %add3A_1152 : f32 to vector<16xf32>
    %add3A_1154 = arith.addf %add3A_1153, %exp3A_1151 : vector<16xf32>
    %div3A_1155 = arith.constant 1.000000e+00 : f32
    %div3A_1156 = vector.broadcast %div3A_1155 : f32 to vector<16xf32>
    %div3A_1157 = arith.divf %div3A_1156, %add3A_1154 : vector<16xf32>
    %max3A_1158 = arith.constant 9.99999974E-6 : f32
    %max3A_1159 = vector.broadcast %max3A_1158 : f32 to vector<16xf32>
    %max3A_1160 = arith.maximumf %div3A_1157, %max3A_1159 : vector<16xf32>
    %min3A_1161 = arith.constant 0.999989986 : f32
    %min3A_1162 = vector.broadcast %min3A_1161 : f32 to vector<16xf32>
    %min3A_1163 = arith.minimumf %max3A_1160, %min3A_1162 : vector<16xf32>
    %swap3A_1164 = arith.index_cast %mul3A_1140 : i32 to index
    %swap3A_1165 = tpu.vector_load %arg10[%swap3A_1164] {strides = array<i32>} : memref<10000xf32, #tpu.memory_space<vmem>>, vector<16xf32>,
    %swap3A_1166 = vector.shape_cast %swap3A_1165 : vector<16xf32> to vector<16xf32>
    %swap3A_1167 = vector.shape_cast %min3A_1163 : vector<16xf32> to vector<16xf32>
    tpu.vector_store %arg10[%swap3A_1164], %swap3A_1167 {strides = array<i32>} : memref<10000xf32, #tpu.memory_space<vmem>>, vector<16xf32>,
    %scan3A_1168 = arith.constant 125 : i32
    %add3A_1169 = arith.constant 2000 : i32
    %add3A_1170 = arith.addi %mul3A_2, %add3A_1169 : i32
    %dma_start3A_1171 = arith.constant 2000 : i32
    %dma_start3A_1172 = tpu.memref_slice %arg10[%dma_start3A_1171] : memref<10000xf32, #tpu.memory_space<vmem>> -> memref<2000xf32, #tpu.memory_space<vmem>>
    %dma_start3A_1173 = tpu.memref_slice %arg6[%add3A_1170] : memref<320000xf32, #tpu.memory_space<hbm>> -> memref<2000xf32, #tpu.memory_space<hbm>>
    %dma_start3A_1174 = tpu.memref_slice %arg6[%add3A_1170] : memref<320000xf32, #tpu.memory_space<hbm>> -> memref<2000xf32, #tpu.memory_space<hbm>>
    %dma_start3A_1175 = arith.constant 2000 : i32
    %dma_start3A_1176 = tpu.memref_slice %arg10[%dma_start3A_1175] : memref<10000xf32, #tpu.memory_space<vmem>> -> memref<2000xf32, #tpu.memory_space<vmem>>
    tpu.enqueue_dma source(%dma_start3A_1176 : memref<2000xf32, #tpu.memory_space<vmem>>) target(%dma_start3A_1174 : memref<2000xf32, #tpu.memory_space<hbm>>) target_semaphore(%arg16 : memref<!tpu.dma_semaphore, #tpu.memory_space<semaphore_mem>>)
    %dma_wait3A_1177 = arith.constant 4000 : i32
    %dma_wait3A_1178 = tpu.memref_slice %arg11[%dma_wait3A_1177] : memref<10000xf32, #tpu.memory_space<vmem>> -> memref<2000xf32, #tpu.memory_space<vmem>>
    %dma_wait3A_1179 = arith.constant 4000 : i32
    %dma_wait3A_1180 = tpu.memref_slice %arg7[%dma_wait3A_1179] : memref<10000xi32, #tpu.memory_space<vmem>> -> memref<2000xi32, #tpu.memory_space<vmem>>
    %dma_wait3A_1181 = arith.constant 0 : i32
    %dma_wait3A_1182 = tpu.memref_slice %arg13[%dma_wait3A_1181] : memref<323584xf32, #tpu.memory_space<vmem_shared>> -> memref<323584xf32, #tpu.memory_space<vmem_shared>>
    tpu.wait_indirect_dma semaphore(%arg14 : memref<!tpu.dma_semaphore, #tpu.memory_space<semaphore_mem>>) src(%dma_wait3A_1182 : memref<323584xf32, #tpu.memory_space<vmem_shared>>) dst(%dma_wait3A_1178 : memref<2000xf32, #tpu.memory_space<vmem>>)
    %dma_wait3A_1183 = arith.constant 4000 : i32
    %dma_wait3A_1184 = tpu.memref_slice %arg12[%dma_wait3A_1183] : memref<10000xf32, #tpu.memory_space<vmem>> -> memref<2000xf32, #tpu.memory_space<vmem>>
    %dma_wait3A_1185 = arith.constant 4000 : i32
    %dma_wait3A_1186 = tpu.memref_slice %arg8[%dma_wait3A_1185] : memref<10000xi32, #tpu.memory_space<vmem>> -> memref<2000xi32, #tpu.memory_space<vmem>>
    %dma_wait3A_1187 = arith.constant 0 : i32
    %dma_wait3A_1188 = tpu.memref_slice %arg13[%dma_wait3A_1187] : memref<323584xf32, #tpu.memory_space<vmem_shared>> -> memref<323584xf32, #tpu.memory_space<vmem_shared>>
    tpu.wait_indirect_dma semaphore(%arg15 : memref<!tpu.dma_semaphore, #tpu.memory_space<semaphore_mem>>) src(%dma_wait3A_1188 : memref<323584xf32, #tpu.memory_space<vmem_shared>>) dst(%dma_wait3A_1184 : memref<2000xf32, #tpu.memory_space<vmem>>)
    %scan3A_1189 = arith.constant 0 : i32
    %scan3A_1190 = arith.constant 250 : i32
    %scan3A_1191 = arith.constant 120 : i32
    %scan3A_1192 = arith.addi %scan3A_1190, %scan3A_1191 : i32
    %scan3A_1193 = arith.constant 8 : i32
    scf.for %scan3A_1760 = %scan3A_1190 to %scan3A_1192 step %scan3A_1193  : i32 {
      %mul3A_1761 = arith.constant 16 : i32
      %mul3A_1762 = arith.muli %scan3A_1760, %mul3A_1761 : i32
      %get3A_1763 = arith.index_cast %mul3A_1762 : i32 to index
      %get3A_1764 = tpu.vector_load %arg11[%get3A_1763] {strides = array<i32>} : memref<10000xf32, #tpu.memory_space<vmem>>, vector<16xf32>,
      %get3A_1765 = vector.shape_cast %get3A_1764 : vector<16xf32> to vector<16xf32>
      %get3A_1766 = arith.index_cast %mul3A_1762 : i32 to index
      %get3A_1767 = tpu.vector_load %arg12[%get3A_1766] {strides = array<i32>} : memref<10000xf32, #tpu.memory_space<vmem>>, vector<16xf32>,
      %get3A_1768 = vector.shape_cast %get3A_1767 : vector<16xf32> to vector<16xf32>
      %add3A_1769 = arith.addf %get3A_1765, %get3A_1768 : vector<16xf32>
      %neg3A_1770 = arith.constant 0.000000e+00 : f32
      %neg3A_1771 = vector.broadcast %neg3A_1770 : f32 to vector<16xf32>
      %neg3A_1772 = arith.subf %neg3A_1771, %add3A_1769 : vector<16xf32>
      %exp3A_1773 = math.exp %neg3A_1772 : vector<16xf32>
      %add3A_1774 = arith.constant 1.000000e+00 : f32
      %add3A_1775 = vector.broadcast %add3A_1774 : f32 to vector<16xf32>
      %add3A_1776 = arith.addf %add3A_1775, %exp3A_1773 : vector<16xf32>
      %div3A_1777 = arith.constant 1.000000e+00 : f32
      %div3A_1778 = vector.broadcast %div3A_1777 : f32 to vector<16xf32>
      %div3A_1779 = arith.divf %div3A_1778, %add3A_1776 : vector<16xf32>
      %max3A_1780 = arith.constant 9.99999974E-6 : f32
      %max3A_1781 = vector.broadcast %max3A_1780 : f32 to vector<16xf32>
      %max3A_1782 = arith.maximumf %div3A_1779, %max3A_1781 : vector<16xf32>
      %min3A_1783 = arith.constant 0.999989986 : f32
      %min3A_1784 = vector.broadcast %min3A_1783 : f32 to vector<16xf32>
      %min3A_1785 = arith.minimumf %max3A_1782, %min3A_1784 : vector<16xf32>
      %swap3A_1786 = arith.index_cast %mul3A_1762 : i32 to index
      %swap3A_1787 = tpu.vector_load %arg10[%swap3A_1786] {strides = array<i32>} : memref<10000xf32, #tpu.memory_space<vmem>>, vector<16xf32>,
      %swap3A_1788 = vector.shape_cast %swap3A_1787 : vector<16xf32> to vector<16xf32>
      %swap3A_1789 = vector.shape_cast %min3A_1785 : vector<16xf32> to vector<16xf32>
      tpu.vector_store %arg10[%swap3A_1786], %swap3A_1789 {strides = array<i32>} : memref<10000xf32, #tpu.memory_space<vmem>>, vector<16xf32>,
      %scan3A_1790 = arith.constant 1 : i32
      %scan3A_1791 = arith.addi %scan3A_1760, %scan3A_1790 : i32
      %mul3A_1792 = arith.constant 16 : i32
      %mul3A_1793 = arith.muli %scan3A_1791, %mul3A_1792 : i32
      %get3A_1794 = arith.index_cast %mul3A_1793 : i32 to index
      %get3A_1795 = tpu.vector_load %arg11[%get3A_1794] {strides = array<i32>} : memref<10000xf32, #tpu.memory_space<vmem>>, vector<16xf32>,
      %get3A_1796 = vector.shape_cast %get3A_1795 : vector<16xf32> to vector<16xf32>
      %get3A_1797 = arith.index_cast %mul3A_1793 : i32 to index
      %get3A_1798 = tpu.vector_load %arg12[%get3A_1797] {strides = array<i32>} : memref<10000xf32, #tpu.memory_space<vmem>>, vector<16xf32>,
      %get3A_1799 = vector.shape_cast %get3A_1798 : vector<16xf32> to vector<16xf32>
      %add3A_1800 = arith.addf %get3A_1796, %get3A_1799 : vector<16xf32>
      %neg3A_1801 = arith.constant 0.000000e+00 : f32
      %neg3A_1802 = vector.broadcast %neg3A_1801 : f32 to vector<16xf32>
      %neg3A_1803 = arith.subf %neg3A_1802, %add3A_1800 : vector<16xf32>
      %exp3A_1804 = math.exp %neg3A_1803 : vector<16xf32>
      %add3A_1805 = arith.constant 1.000000e+00 : f32
      %add3A_1806 = vector.broadcast %add3A_1805 : f32 to vector<16xf32>
      %add3A_1807 = arith.addf %add3A_1806, %exp3A_1804 : vector<16xf32>
      %div3A_1808 = arith.constant 1.000000e+00 : f32
      %div3A_1809 = vector.broadcast %div3A_1808 : f32 to vector<16xf32>
      %div3A_1810 = arith.divf %div3A_1809, %add3A_1807 : vector<16xf32>
      %max3A_1811 = arith.constant 9.99999974E-6 : f32
      %max3A_1812 = vector.broadcast %max3A_1811 : f32 to vector<16xf32>
      %max3A_1813 = arith.maximumf %div3A_1810, %max3A_1812 : vector<16xf32>
      %min3A_1814 = arith.constant 0.999989986 : f32
      %min3A_1815 = vector.broadcast %min3A_1814 : f32 to vector<16xf32>
      %min3A_1816 = arith.minimumf %max3A_1813, %min3A_1815 : vector<16xf32>
      %swap3A_1817 = arith.index_cast %mul3A_1793 : i32 to index
      %swap3A_1818 = tpu.vector_load %arg10[%swap3A_1817] {strides = array<i32>} : memref<10000xf32, #tpu.memory_space<vmem>>, vector<16xf32>,
      %swap3A_1819 = vector.shape_cast %swap3A_1818 : vector<16xf32> to vector<16xf32>
      %swap3A_1820 = vector.shape_cast %min3A_1816 : vector<16xf32> to vector<16xf32>
      tpu.vector_store %arg10[%swap3A_1817], %swap3A_1820 {strides = array<i32>} : memref<10000xf32, #tpu.memory_space<vmem>>, vector<16xf32>,
      %scan3A_1821 = arith.constant 2 : i32
      %scan3A_1822 = arith.addi %scan3A_1760, %scan3A_1821 : i32
      %mul3A_1823 = arith.constant 16 : i32
      %mul3A_1824 = arith.muli %scan3A_1822, %mul3A_1823 : i32
      %get3A_1825 = arith.index_cast %mul3A_1824 : i32 to index
      %get3A_1826 = tpu.vector_load %arg11[%get3A_1825] {strides = array<i32>} : memref<10000xf32, #tpu.memory_space<vmem>>, vector<16xf32>,
      %get3A_1827 = vector.shape_cast %get3A_1826 : vector<16xf32> to vector<16xf32>
      %get3A_1828 = arith.index_cast %mul3A_1824 : i32 to index
      %get3A_1829 = tpu.vector_load %arg12[%get3A_1828] {strides = array<i32>} : memref<10000xf32, #tpu.memory_space<vmem>>, vector<16xf32>,
      %get3A_1830 = vector.shape_cast %get3A_1829 : vector<16xf32> to vector<16xf32>
      %add3A_1831 = arith.addf %get3A_1827, %get3A_1830 : vector<16xf32>
      %neg3A_1832 = arith.constant 0.000000e+00 : f32
      %neg3A_1833 = vector.broadcast %neg3A_1832 : f32 to vector<16xf32>
      %neg3A_1834 = arith.subf %neg3A_1833, %add3A_1831 : vector<16xf32>
      %exp3A_1835 = math.exp %neg3A_1834 : vector<16xf32>
      %add3A_1836 = arith.constant 1.000000e+00 : f32
      %add3A_1837 = vector.broadcast %add3A_1836 : f32 to vector<16xf32>
      %add3A_1838 = arith.addf %add3A_1837, %exp3A_1835 : vector<16xf32>
      %div3A_1839 = arith.constant 1.000000e+00 : f32
      %div3A_1840 = vector.broadcast %div3A_1839 : f32 to vector<16xf32>
      %div3A_1841 = arith.divf %div3A_1840, %add3A_1838 : vector<16xf32>
      %max3A_1842 = arith.constant 9.99999974E-6 : f32
      %max3A_1843 = vector.broadcast %max3A_1842 : f32 to vector<16xf32>
      %max3A_1844 = arith.maximumf %div3A_1841, %max3A_1843 : vector<16xf32>
      %min3A_1845 = arith.constant 0.999989986 : f32
      %min3A_1846 = vector.broadcast %min3A_1845 : f32 to vector<16xf32>
      %min3A_1847 = arith.minimumf %max3A_1844, %min3A_1846 : vector<16xf32>
      %swap3A_1848 = arith.index_cast %mul3A_1824 : i32 to index
      %swap3A_1849 = tpu.vector_load %arg10[%swap3A_1848] {strides = array<i32>} : memref<10000xf32, #tpu.memory_space<vmem>>, vector<16xf32>,
      %swap3A_1850 = vector.shape_cast %swap3A_1849 : vector<16xf32> to vector<16xf32>
      %swap3A_1851 = vector.shape_cast %min3A_1847 : vector<16xf32> to vector<16xf32>
      tpu.vector_store %arg10[%swap3A_1848], %swap3A_1851 {strides = array<i32>} : memref<10000xf32, #tpu.memory_space<vmem>>, vector<16xf32>,
      %scan3A_1852 = arith.constant 3 : i32
      %scan3A_1853 = arith.addi %scan3A_1760, %scan3A_1852 : i32
      %mul3A_1854 = arith.constant 16 : i32
      %mul3A_1855 = arith.muli %scan3A_1853, %mul3A_1854 : i32
      %get3A_1856 = arith.index_cast %mul3A_1855 : i32 to index
      %get3A_1857 = tpu.vector_load %arg11[%get3A_1856] {strides = array<i32>} : memref<10000xf32, #tpu.memory_space<vmem>>, vector<16xf32>,
      %get3A_1858 = vector.shape_cast %get3A_1857 : vector<16xf32> to vector<16xf32>
      %get3A_1859 = arith.index_cast %mul3A_1855 : i32 to index
      %get3A_1860 = tpu.vector_load %arg12[%get3A_1859] {strides = array<i32>} : memref<10000xf32, #tpu.memory_space<vmem>>, vector<16xf32>,
      %get3A_1861 = vector.shape_cast %get3A_1860 : vector<16xf32> to vector<16xf32>
      %add3A_1862 = arith.addf %get3A_1858, %get3A_1861 : vector<16xf32>
      %neg3A_1863 = arith.constant 0.000000e+00 : f32
      %neg3A_1864 = vector.broadcast %neg3A_1863 : f32 to vector<16xf32>
      %neg3A_1865 = arith.subf %neg3A_1864, %add3A_1862 : vector<16xf32>
      %exp3A_1866 = math.exp %neg3A_1865 : vector<16xf32>
      %add3A_1867 = arith.constant 1.000000e+00 : f32
      %add3A_1868 = vector.broadcast %add3A_1867 : f32 to vector<16xf32>
      %add3A_1869 = arith.addf %add3A_1868, %exp3A_1866 : vector<16xf32>
      %div3A_1870 = arith.constant 1.000000e+00 : f32
      %div3A_1871 = vector.broadcast %div3A_1870 : f32 to vector<16xf32>
      %div3A_1872 = arith.divf %div3A_1871, %add3A_1869 : vector<16xf32>
      %max3A_1873 = arith.constant 9.99999974E-6 : f32
      %max3A_1874 = vector.broadcast %max3A_1873 : f32 to vector<16xf32>
      %max3A_1875 = arith.maximumf %div3A_1872, %max3A_1874 : vector<16xf32>
      %min3A_1876 = arith.constant 0.999989986 : f32
      %min3A_1877 = vector.broadcast %min3A_1876 : f32 to vector<16xf32>
      %min3A_1878 = arith.minimumf %max3A_1875, %min3A_1877 : vector<16xf32>
      %swap3A_1879 = arith.index_cast %mul3A_1855 : i32 to index
      %swap3A_1880 = tpu.vector_load %arg10[%swap3A_1879] {strides = array<i32>} : memref<10000xf32, #tpu.memory_space<vmem>>, vector<16xf32>,
      %swap3A_1881 = vector.shape_cast %swap3A_1880 : vector<16xf32> to vector<16xf32>
      %swap3A_1882 = vector.shape_cast %min3A_1878 : vector<16xf32> to vector<16xf32>
      tpu.vector_store %arg10[%swap3A_1879], %swap3A_1882 {strides = array<i32>} : memref<10000xf32, #tpu.memory_space<vmem>>, vector<16xf32>,
      %scan3A_1883 = arith.constant 4 : i32
      %scan3A_1884 = arith.addi %scan3A_1760, %scan3A_1883 : i32
      %mul3A_1885 = arith.constant 16 : i32
      %mul3A_1886 = arith.muli %scan3A_1884, %mul3A_1885 : i32
      %get3A_1887 = arith.index_cast %mul3A_1886 : i32 to index
      %get3A_1888 = tpu.vector_load %arg11[%get3A_1887] {strides = array<i32>} : memref<10000xf32, #tpu.memory_space<vmem>>, vector<16xf32>,
      %get3A_1889 = vector.shape_cast %get3A_1888 : vector<16xf32> to vector<16xf32>
      %get3A_1890 = arith.index_cast %mul3A_1886 : i32 to index
      %get3A_1891 = tpu.vector_load %arg12[%get3A_1890] {strides = array<i32>} : memref<10000xf32, #tpu.memory_space<vmem>>, vector<16xf32>,
      %get3A_1892 = vector.shape_cast %get3A_1891 : vector<16xf32> to vector<16xf32>
      %add3A_1893 = arith.addf %get3A_1889, %get3A_1892 : vector<16xf32>
      %neg3A_1894 = arith.constant 0.000000e+00 : f32
      %neg3A_1895 = vector.broadcast %neg3A_1894 : f32 to vector<16xf32>
      %neg3A_1896 = arith.subf %neg3A_1895, %add3A_1893 : vector<16xf32>
      %exp3A_1897 = math.exp %neg3A_1896 : vector<16xf32>
      %add3A_1898 = arith.constant 1.000000e+00 : f32
      %add3A_1899 = vector.broadcast %add3A_1898 : f32 to vector<16xf32>
      %add3A_1900 = arith.addf %add3A_1899, %exp3A_1897 : vector<16xf32>
      %div3A_1901 = arith.constant 1.000000e+00 : f32
      %div3A_1902 = vector.broadcast %div3A_1901 : f32 to vector<16xf32>
      %div3A_1903 = arith.divf %div3A_1902, %add3A_1900 : vector<16xf32>
      %max3A_1904 = arith.constant 9.99999974E-6 : f32
      %max3A_1905 = vector.broadcast %max3A_1904 : f32 to vector<16xf32>
      %max3A_1906 = arith.maximumf %div3A_1903, %max3A_1905 : vector<16xf32>
      %min3A_1907 = arith.constant 0.999989986 : f32
      %min3A_1908 = vector.broadcast %min3A_1907 : f32 to vector<16xf32>
      %min3A_1909 = arith.minimumf %max3A_1906, %min3A_1908 : vector<16xf32>
      %swap3A_1910 = arith.index_cast %mul3A_1886 : i32 to index
      %swap3A_1911 = tpu.vector_load %arg10[%swap3A_1910] {strides = array<i32>} : memref<10000xf32, #tpu.memory_space<vmem>>, vector<16xf32>,
      %swap3A_1912 = vector.shape_cast %swap3A_1911 : vector<16xf32> to vector<16xf32>
      %swap3A_1913 = vector.shape_cast %min3A_1909 : vector<16xf32> to vector<16xf32>
      tpu.vector_store %arg10[%swap3A_1910], %swap3A_1913 {strides = array<i32>} : memref<10000xf32, #tpu.memory_space<vmem>>, vector<16xf32>,
      %scan3A_1914 = arith.constant 5 : i32
      %scan3A_1915 = arith.addi %scan3A_1760, %scan3A_1914 : i32
      %mul3A_1916 = arith.constant 16 : i32
      %mul3A_1917 = arith.muli %scan3A_1915, %mul3A_1916 : i32
      %get3A_1918 = arith.index_cast %mul3A_1917 : i32 to index
      %get3A_1919 = tpu.vector_load %arg11[%get3A_1918] {strides = array<i32>} : memref<10000xf32, #tpu.memory_space<vmem>>, vector<16xf32>,
      %get3A_1920 = vector.shape_cast %get3A_1919 : vector<16xf32> to vector<16xf32>
      %get3A_1921 = arith.index_cast %mul3A_1917 : i32 to index
      %get3A_1922 = tpu.vector_load %arg12[%get3A_1921] {strides = array<i32>} : memref<10000xf32, #tpu.memory_space<vmem>>, vector<16xf32>,
      %get3A_1923 = vector.shape_cast %get3A_1922 : vector<16xf32> to vector<16xf32>
      %add3A_1924 = arith.addf %get3A_1920, %get3A_1923 : vector<16xf32>
      %neg3A_1925 = arith.constant 0.000000e+00 : f32
      %neg3A_1926 = vector.broadcast %neg3A_1925 : f32 to vector<16xf32>
      %neg3A_1927 = arith.subf %neg3A_1926, %add3A_1924 : vector<16xf32>
      %exp3A_1928 = math.exp %neg3A_1927 : vector<16xf32>
      %add3A_1929 = arith.constant 1.000000e+00 : f32
      %add3A_1930 = vector.broadcast %add3A_1929 : f32 to vector<16xf32>
      %add3A_1931 = arith.addf %add3A_1930, %exp3A_1928 : vector<16xf32>
      %div3A_1932 = arith.constant 1.000000e+00 : f32
      %div3A_1933 = vector.broadcast %div3A_1932 : f32 to vector<16xf32>
      %div3A_1934 = arith.divf %div3A_1933, %add3A_1931 : vector<16xf32>
      %max3A_1935 = arith.constant 9.99999974E-6 : f32
      %max3A_1936 = vector.broadcast %max3A_1935 : f32 to vector<16xf32>
      %max3A_1937 = arith.maximumf %div3A_1934, %max3A_1936 : vector<16xf32>
      %min3A_1938 = arith.constant 0.999989986 : f32
      %min3A_1939 = vector.broadcast %min3A_1938 : f32 to vector<16xf32>
      %min3A_1940 = arith.minimumf %max3A_1937, %min3A_1939 : vector<16xf32>
      %swap3A_1941 = arith.index_cast %mul3A_1917 : i32 to index
      %swap3A_1942 = tpu.vector_load %arg10[%swap3A_1941] {strides = array<i32>} : memref<10000xf32, #tpu.memory_space<vmem>>, vector<16xf32>,
      %swap3A_1943 = vector.shape_cast %swap3A_1942 : vector<16xf32> to vector<16xf32>
      %swap3A_1944 = vector.shape_cast %min3A_1940 : vector<16xf32> to vector<16xf32>
      tpu.vector_store %arg10[%swap3A_1941], %swap3A_1944 {strides = array<i32>} : memref<10000xf32, #tpu.memory_space<vmem>>, vector<16xf32>,
      %scan3A_1945 = arith.constant 6 : i32
      %scan3A_1946 = arith.addi %scan3A_1760, %scan3A_1945 : i32
      %mul3A_1947 = arith.constant 16 : i32
      %mul3A_1948 = arith.muli %scan3A_1946, %mul3A_1947 : i32
      %get3A_1949 = arith.index_cast %mul3A_1948 : i32 to index
      %get3A_1950 = tpu.vector_load %arg11[%get3A_1949] {strides = array<i32>} : memref<10000xf32, #tpu.memory_space<vmem>>, vector<16xf32>,
      %get3A_1951 = vector.shape_cast %get3A_1950 : vector<16xf32> to vector<16xf32>
      %get3A_1952 = arith.index_cast %mul3A_1948 : i32 to index
      %get3A_1953 = tpu.vector_load %arg12[%get3A_1952] {strides = array<i32>} : memref<10000xf32, #tpu.memory_space<vmem>>, vector<16xf32>,
      %get3A_1954 = vector.shape_cast %get3A_1953 : vector<16xf32> to vector<16xf32>
      %add3A_1955 = arith.addf %get3A_1951, %get3A_1954 : vector<16xf32>
      %neg3A_1956 = arith.constant 0.000000e+00 : f32
      %neg3A_1957 = vector.broadcast %neg3A_1956 : f32 to vector<16xf32>
      %neg3A_1958 = arith.subf %neg3A_1957, %add3A_1955 : vector<16xf32>
      %exp3A_1959 = math.exp %neg3A_1958 : vector<16xf32>
      %add3A_1960 = arith.constant 1.000000e+00 : f32
      %add3A_1961 = vector.broadcast %add3A_1960 : f32 to vector<16xf32>
      %add3A_1962 = arith.addf %add3A_1961, %exp3A_1959 : vector<16xf32>
      %div3A_1963 = arith.constant 1.000000e+00 : f32
      %div3A_1964 = vector.broadcast %div3A_1963 : f32 to vector<16xf32>
      %div3A_1965 = arith.divf %div3A_1964, %add3A_1962 : vector<16xf32>
      %max3A_1966 = arith.constant 9.99999974E-6 : f32
      %max3A_1967 = vector.broadcast %max3A_1966 : f32 to vector<16xf32>
      %max3A_1968 = arith.maximumf %div3A_1965, %max3A_1967 : vector<16xf32>
      %min3A_1969 = arith.constant 0.999989986 : f32
      %min3A_1970 = vector.broadcast %min3A_1969 : f32 to vector<16xf32>
      %min3A_1971 = arith.minimumf %max3A_1968, %min3A_1970 : vector<16xf32>
      %swap3A_1972 = arith.index_cast %mul3A_1948 : i32 to index
      %swap3A_1973 = tpu.vector_load %arg10[%swap3A_1972] {strides = array<i32>} : memref<10000xf32, #tpu.memory_space<vmem>>, vector<16xf32>,
      %swap3A_1974 = vector.shape_cast %swap3A_1973 : vector<16xf32> to vector<16xf32>
      %swap3A_1975 = vector.shape_cast %min3A_1971 : vector<16xf32> to vector<16xf32>
      tpu.vector_store %arg10[%swap3A_1972], %swap3A_1975 {strides = array<i32>} : memref<10000xf32, #tpu.memory_space<vmem>>, vector<16xf32>,
      %scan3A_1976 = arith.constant 7 : i32
      %scan3A_1977 = arith.addi %scan3A_1760, %scan3A_1976 : i32
      %mul3A_1978 = arith.constant 16 : i32
      %mul3A_1979 = arith.muli %scan3A_1977, %mul3A_1978 : i32
      %get3A_1980 = arith.index_cast %mul3A_1979 : i32 to index
      %get3A_1981 = tpu.vector_load %arg11[%get3A_1980] {strides = array<i32>} : memref<10000xf32, #tpu.memory_space<vmem>>, vector<16xf32>,
      %get3A_1982 = vector.shape_cast %get3A_1981 : vector<16xf32> to vector<16xf32>
      %get3A_1983 = arith.index_cast %mul3A_1979 : i32 to index
      %get3A_1984 = tpu.vector_load %arg12[%get3A_1983] {strides = array<i32>} : memref<10000xf32, #tpu.memory_space<vmem>>, vector<16xf32>,
      %get3A_1985 = vector.shape_cast %get3A_1984 : vector<16xf32> to vector<16xf32>
      %add3A_1986 = arith.addf %get3A_1982, %get3A_1985 : vector<16xf32>
      %neg3A_1987 = arith.constant 0.000000e+00 : f32
      %neg3A_1988 = vector.broadcast %neg3A_1987 : f32 to vector<16xf32>
      %neg3A_1989 = arith.subf %neg3A_1988, %add3A_1986 : vector<16xf32>
      %exp3A_1990 = math.exp %neg3A_1989 : vector<16xf32>
      %add3A_1991 = arith.constant 1.000000e+00 : f32
      %add3A_1992 = vector.broadcast %add3A_1991 : f32 to vector<16xf32>
      %add3A_1993 = arith.addf %add3A_1992, %exp3A_1990 : vector<16xf32>
      %div3A_1994 = arith.constant 1.000000e+00 : f32
      %div3A_1995 = vector.broadcast %div3A_1994 : f32 to vector<16xf32>
      %div3A_1996 = arith.divf %div3A_1995, %add3A_1993 : vector<16xf32>
      %max3A_1997 = arith.constant 9.99999974E-6 : f32
      %max3A_1998 = vector.broadcast %max3A_1997 : f32 to vector<16xf32>
      %max3A_1999 = arith.maximumf %div3A_1996, %max3A_1998 : vector<16xf32>
      %min3A_2000 = arith.constant 0.999989986 : f32
      %min3A_2001 = vector.broadcast %min3A_2000 : f32 to vector<16xf32>
      %min3A_2002 = arith.minimumf %max3A_1999, %min3A_2001 : vector<16xf32>
      %swap3A_2003 = arith.index_cast %mul3A_1979 : i32 to index
      %swap3A_2004 = tpu.vector_load %arg10[%swap3A_2003] {strides = array<i32>} : memref<10000xf32, #tpu.memory_space<vmem>>, vector<16xf32>,
      %swap3A_2005 = vector.shape_cast %swap3A_2004 : vector<16xf32> to vector<16xf32>
      %swap3A_2006 = vector.shape_cast %min3A_2002 : vector<16xf32> to vector<16xf32>
      tpu.vector_store %arg10[%swap3A_2003], %swap3A_2006 {strides = array<i32>} : memref<10000xf32, #tpu.memory_space<vmem>>, vector<16xf32>,
    }
    %scan3A_1194 = arith.constant 120 : i32
    %scan3A_1195 = arith.addi %scan3A_1190, %scan3A_1194 : i32
    %mul3A_1196 = arith.constant 16 : i32
    %mul3A_1197 = arith.muli %scan3A_1195, %mul3A_1196 : i32
    %get3A_1198 = arith.index_cast %mul3A_1197 : i32 to index
    %get3A_1199 = tpu.vector_load %arg11[%get3A_1198] {strides = array<i32>} : memref<10000xf32, #tpu.memory_space<vmem>>, vector<16xf32>,
    %get3A_1200 = vector.shape_cast %get3A_1199 : vector<16xf32> to vector<16xf32>
    %get3A_1201 = arith.index_cast %mul3A_1197 : i32 to index
    %get3A_1202 = tpu.vector_load %arg12[%get3A_1201] {strides = array<i32>} : memref<10000xf32, #tpu.memory_space<vmem>>, vector<16xf32>,
    %get3A_1203 = vector.shape_cast %get3A_1202 : vector<16xf32> to vector<16xf32>
    %add3A_1204 = arith.addf %get3A_1200, %get3A_1203 : vector<16xf32>
    %neg3A_1205 = arith.constant 0.000000e+00 : f32
    %neg3A_1206 = vector.broadcast %neg3A_1205 : f32 to vector<16xf32>
    %neg3A_1207 = arith.subf %neg3A_1206, %add3A_1204 : vector<16xf32>
    %exp3A_1208 = math.exp %neg3A_1207 : vector<16xf32>
    %add3A_1209 = arith.constant 1.000000e+00 : f32
    %add3A_1210 = vector.broadcast %add3A_1209 : f32 to vector<16xf32>
    %add3A_1211 = arith.addf %add3A_1210, %exp3A_1208 : vector<16xf32>
    %div3A_1212 = arith.constant 1.000000e+00 : f32
    %div3A_1213 = vector.broadcast %div3A_1212 : f32 to vector<16xf32>
    %div3A_1214 = arith.divf %div3A_1213, %add3A_1211 : vector<16xf32>
    %max3A_1215 = arith.constant 9.99999974E-6 : f32
    %max3A_1216 = vector.broadcast %max3A_1215 : f32 to vector<16xf32>
    %max3A_1217 = arith.maximumf %div3A_1214, %max3A_1216 : vector<16xf32>
    %min3A_1218 = arith.constant 0.999989986 : f32
    %min3A_1219 = vector.broadcast %min3A_1218 : f32 to vector<16xf32>
    %min3A_1220 = arith.minimumf %max3A_1217, %min3A_1219 : vector<16xf32>
    %swap3A_1221 = arith.index_cast %mul3A_1197 : i32 to index
    %swap3A_1222 = tpu.vector_load %arg10[%swap3A_1221] {strides = array<i32>} : memref<10000xf32, #tpu.memory_space<vmem>>, vector<16xf32>,
    %swap3A_1223 = vector.shape_cast %swap3A_1222 : vector<16xf32> to vector<16xf32>
    %swap3A_1224 = vector.shape_cast %min3A_1220 : vector<16xf32> to vector<16xf32>
    tpu.vector_store %arg10[%swap3A_1221], %swap3A_1224 {strides = array<i32>} : memref<10000xf32, #tpu.memory_space<vmem>>, vector<16xf32>,
    %scan3A_1225 = arith.constant 121 : i32
    %scan3A_1226 = arith.addi %scan3A_1190, %scan3A_1225 : i32
    %mul3A_1227 = arith.constant 16 : i32
    %mul3A_1228 = arith.muli %scan3A_1226, %mul3A_1227 : i32
    %get3A_1229 = arith.index_cast %mul3A_1228 : i32 to index
    %get3A_1230 = tpu.vector_load %arg11[%get3A_1229] {strides = array<i32>} : memref<10000xf32, #tpu.memory_space<vmem>>, vector<16xf32>,
    %get3A_1231 = vector.shape_cast %get3A_1230 : vector<16xf32> to vector<16xf32>
    %get3A_1232 = arith.index_cast %mul3A_1228 : i32 to index
    %get3A_1233 = tpu.vector_load %arg12[%get3A_1232] {strides = array<i32>} : memref<10000xf32, #tpu.memory_space<vmem>>, vector<16xf32>,
    %get3A_1234 = vector.shape_cast %get3A_1233 : vector<16xf32> to vector<16xf32>
    %add3A_1235 = arith.addf %get3A_1231, %get3A_1234 : vector<16xf32>
    %neg3A_1236 = arith.constant 0.000000e+00 : f32
    %neg3A_1237 = vector.broadcast %neg3A_1236 : f32 to vector<16xf32>
    %neg3A_1238 = arith.subf %neg3A_1237, %add3A_1235 : vector<16xf32>
    %exp3A_1239 = math.exp %neg3A_1238 : vector<16xf32>
    %add3A_1240 = arith.constant 1.000000e+00 : f32
    %add3A_1241 = vector.broadcast %add3A_1240 : f32 to vector<16xf32>
    %add3A_1242 = arith.addf %add3A_1241, %exp3A_1239 : vector<16xf32>
    %div3A_1243 = arith.constant 1.000000e+00 : f32
    %div3A_1244 = vector.broadcast %div3A_1243 : f32 to vector<16xf32>
    %div3A_1245 = arith.divf %div3A_1244, %add3A_1242 : vector<16xf32>
    %max3A_1246 = arith.constant 9.99999974E-6 : f32
    %max3A_1247 = vector.broadcast %max3A_1246 : f32 to vector<16xf32>
    %max3A_1248 = arith.maximumf %div3A_1245, %max3A_1247 : vector<16xf32>
    %min3A_1249 = arith.constant 0.999989986 : f32
    %min3A_1250 = vector.broadcast %min3A_1249 : f32 to vector<16xf32>
    %min3A_1251 = arith.minimumf %max3A_1248, %min3A_1250 : vector<16xf32>
    %swap3A_1252 = arith.index_cast %mul3A_1228 : i32 to index
    %swap3A_1253 = tpu.vector_load %arg10[%swap3A_1252] {strides = array<i32>} : memref<10000xf32, #tpu.memory_space<vmem>>, vector<16xf32>,
    %swap3A_1254 = vector.shape_cast %swap3A_1253 : vector<16xf32> to vector<16xf32>
    %swap3A_1255 = vector.shape_cast %min3A_1251 : vector<16xf32> to vector<16xf32>
    tpu.vector_store %arg10[%swap3A_1252], %swap3A_1255 {strides = array<i32>} : memref<10000xf32, #tpu.memory_space<vmem>>, vector<16xf32>,
    %scan3A_1256 = arith.constant 122 : i32
    %scan3A_1257 = arith.addi %scan3A_1190, %scan3A_1256 : i32
    %mul3A_1258 = arith.constant 16 : i32
    %mul3A_1259 = arith.muli %scan3A_1257, %mul3A_1258 : i32
    %get3A_1260 = arith.index_cast %mul3A_1259 : i32 to index
    %get3A_1261 = tpu.vector_load %arg11[%get3A_1260] {strides = array<i32>} : memref<10000xf32, #tpu.memory_space<vmem>>, vector<16xf32>,
    %get3A_1262 = vector.shape_cast %get3A_1261 : vector<16xf32> to vector<16xf32>
    %get3A_1263 = arith.index_cast %mul3A_1259 : i32 to index
    %get3A_1264 = tpu.vector_load %arg12[%get3A_1263] {strides = array<i32>} : memref<10000xf32, #tpu.memory_space<vmem>>, vector<16xf32>,
    %get3A_1265 = vector.shape_cast %get3A_1264 : vector<16xf32> to vector<16xf32>
    %add3A_1266 = arith.addf %get3A_1262, %get3A_1265 : vector<16xf32>
    %neg3A_1267 = arith.constant 0.000000e+00 : f32
    %neg3A_1268 = vector.broadcast %neg3A_1267 : f32 to vector<16xf32>
    %neg3A_1269 = arith.subf %neg3A_1268, %add3A_1266 : vector<16xf32>
    %exp3A_1270 = math.exp %neg3A_1269 : vector<16xf32>
    %add3A_1271 = arith.constant 1.000000e+00 : f32
    %add3A_1272 = vector.broadcast %add3A_1271 : f32 to vector<16xf32>
    %add3A_1273 = arith.addf %add3A_1272, %exp3A_1270 : vector<16xf32>
    %div3A_1274 = arith.constant 1.000000e+00 : f32
    %div3A_1275 = vector.broadcast %div3A_1274 : f32 to vector<16xf32>
    %div3A_1276 = arith.divf %div3A_1275, %add3A_1273 : vector<16xf32>
    %max3A_1277 = arith.constant 9.99999974E-6 : f32
    %max3A_1278 = vector.broadcast %max3A_1277 : f32 to vector<16xf32>
    %max3A_1279 = arith.maximumf %div3A_1276, %max3A_1278 : vector<16xf32>
    %min3A_1280 = arith.constant 0.999989986 : f32
    %min3A_1281 = vector.broadcast %min3A_1280 : f32 to vector<16xf32>
    %min3A_1282 = arith.minimumf %max3A_1279, %min3A_1281 : vector<16xf32>
    %swap3A_1283 = arith.index_cast %mul3A_1259 : i32 to index
    %swap3A_1284 = tpu.vector_load %arg10[%swap3A_1283] {strides = array<i32>} : memref<10000xf32, #tpu.memory_space<vmem>>, vector<16xf32>,
    %swap3A_1285 = vector.shape_cast %swap3A_1284 : vector<16xf32> to vector<16xf32>
    %swap3A_1286 = vector.shape_cast %min3A_1282 : vector<16xf32> to vector<16xf32>
    tpu.vector_store %arg10[%swap3A_1283], %swap3A_1286 {strides = array<i32>} : memref<10000xf32, #tpu.memory_space<vmem>>, vector<16xf32>,
    %scan3A_1287 = arith.constant 123 : i32
    %scan3A_1288 = arith.addi %scan3A_1190, %scan3A_1287 : i32
    %mul3A_1289 = arith.constant 16 : i32
    %mul3A_1290 = arith.muli %scan3A_1288, %mul3A_1289 : i32
    %get3A_1291 = arith.index_cast %mul3A_1290 : i32 to index
    %get3A_1292 = tpu.vector_load %arg11[%get3A_1291] {strides = array<i32>} : memref<10000xf32, #tpu.memory_space<vmem>>, vector<16xf32>,
    %get3A_1293 = vector.shape_cast %get3A_1292 : vector<16xf32> to vector<16xf32>
    %get3A_1294 = arith.index_cast %mul3A_1290 : i32 to index
    %get3A_1295 = tpu.vector_load %arg12[%get3A_1294] {strides = array<i32>} : memref<10000xf32, #tpu.memory_space<vmem>>, vector<16xf32>,
    %get3A_1296 = vector.shape_cast %get3A_1295 : vector<16xf32> to vector<16xf32>
    %add3A_1297 = arith.addf %get3A_1293, %get3A_1296 : vector<16xf32>
    %neg3A_1298 = arith.constant 0.000000e+00 : f32
    %neg3A_1299 = vector.broadcast %neg3A_1298 : f32 to vector<16xf32>
    %neg3A_1300 = arith.subf %neg3A_1299, %add3A_1297 : vector<16xf32>
    %exp3A_1301 = math.exp %neg3A_1300 : vector<16xf32>
    %add3A_1302 = arith.constant 1.000000e+00 : f32
    %add3A_1303 = vector.broadcast %add3A_1302 : f32 to vector<16xf32>
    %add3A_1304 = arith.addf %add3A_1303, %exp3A_1301 : vector<16xf32>
    %div3A_1305 = arith.constant 1.000000e+00 : f32
    %div3A_1306 = vector.broadcast %div3A_1305 : f32 to vector<16xf32>
    %div3A_1307 = arith.divf %div3A_1306, %add3A_1304 : vector<16xf32>
    %max3A_1308 = arith.constant 9.99999974E-6 : f32
    %max3A_1309 = vector.broadcast %max3A_1308 : f32 to vector<16xf32>
    %max3A_1310 = arith.maximumf %div3A_1307, %max3A_1309 : vector<16xf32>
    %min3A_1311 = arith.constant 0.999989986 : f32
    %min3A_1312 = vector.broadcast %min3A_1311 : f32 to vector<16xf32>
    %min3A_1313 = arith.minimumf %max3A_1310, %min3A_1312 : vector<16xf32>
    %swap3A_1314 = arith.index_cast %mul3A_1290 : i32 to index
    %swap3A_1315 = tpu.vector_load %arg10[%swap3A_1314] {strides = array<i32>} : memref<10000xf32, #tpu.memory_space<vmem>>, vector<16xf32>,
    %swap3A_1316 = vector.shape_cast %swap3A_1315 : vector<16xf32> to vector<16xf32>
    %swap3A_1317 = vector.shape_cast %min3A_1313 : vector<16xf32> to vector<16xf32>
    tpu.vector_store %arg10[%swap3A_1314], %swap3A_1317 {strides = array<i32>} : memref<10000xf32, #tpu.memory_space<vmem>>, vector<16xf32>,
    %scan3A_1318 = arith.constant 124 : i32
    %scan3A_1319 = arith.addi %scan3A_1190, %scan3A_1318 : i32
    %mul3A_1320 = arith.constant 16 : i32
    %mul3A_1321 = arith.muli %scan3A_1319, %mul3A_1320 : i32
    %get3A_1322 = arith.index_cast %mul3A_1321 : i32 to index
    %get3A_1323 = tpu.vector_load %arg11[%get3A_1322] {strides = array<i32>} : memref<10000xf32, #tpu.memory_space<vmem>>, vector<16xf32>,
    %get3A_1324 = vector.shape_cast %get3A_1323 : vector<16xf32> to vector<16xf32>
    %get3A_1325 = arith.index_cast %mul3A_1321 : i32 to index
    %get3A_1326 = tpu.vector_load %arg12[%get3A_1325] {strides = array<i32>} : memref<10000xf32, #tpu.memory_space<vmem>>, vector<16xf32>,
    %get3A_1327 = vector.shape_cast %get3A_1326 : vector<16xf32> to vector<16xf32>
    %add3A_1328 = arith.addf %get3A_1324, %get3A_1327 : vector<16xf32>
    %neg3A_1329 = arith.constant 0.000000e+00 : f32
    %neg3A_1330 = vector.broadcast %neg3A_1329 : f32 to vector<16xf32>
    %neg3A_1331 = arith.subf %neg3A_1330, %add3A_1328 : vector<16xf32>
    %exp3A_1332 = math.exp %neg3A_1331 : vector<16xf32>
    %add3A_1333 = arith.constant 1.000000e+00 : f32
    %add3A_1334 = vector.broadcast %add3A_1333 : f32 to vector<16xf32>
    %add3A_1335 = arith.addf %add3A_1334, %exp3A_1332 : vector<16xf32>
    %div3A_1336 = arith.constant 1.000000e+00 : f32
    %div3A_1337 = vector.broadcast %div3A_1336 : f32 to vector<16xf32>
    %div3A_1338 = arith.divf %div3A_1337, %add3A_1335 : vector<16xf32>
    %max3A_1339 = arith.constant 9.99999974E-6 : f32
    %max3A_1340 = vector.broadcast %max3A_1339 : f32 to vector<16xf32>
    %max3A_1341 = arith.maximumf %div3A_1338, %max3A_1340 : vector<16xf32>
    %min3A_1342 = arith.constant 0.999989986 : f32
    %min3A_1343 = vector.broadcast %min3A_1342 : f32 to vector<16xf32>
    %min3A_1344 = arith.minimumf %max3A_1341, %min3A_1343 : vector<16xf32>
    %swap3A_1345 = arith.index_cast %mul3A_1321 : i32 to index
    %swap3A_1346 = tpu.vector_load %arg10[%swap3A_1345] {strides = array<i32>} : memref<10000xf32, #tpu.memory_space<vmem>>, vector<16xf32>,
    %swap3A_1347 = vector.shape_cast %swap3A_1346 : vector<16xf32> to vector<16xf32>
    %swap3A_1348 = vector.shape_cast %min3A_1344 : vector<16xf32> to vector<16xf32>
    tpu.vector_store %arg10[%swap3A_1345], %swap3A_1348 {strides = array<i32>} : memref<10000xf32, #tpu.memory_space<vmem>>, vector<16xf32>,
    %scan3A_1349 = arith.constant 125 : i32
    %add3A_1350 = arith.constant 4000 : i32
    %add3A_1351 = arith.addi %mul3A_2, %add3A_1350 : i32
    %dma_start3A_1352 = arith.constant 4000 : i32
    %dma_start3A_1353 = tpu.memref_slice %arg10[%dma_start3A_1352] : memref<10000xf32, #tpu.memory_space<vmem>> -> memref<2000xf32, #tpu.memory_space<vmem>>
    %dma_start3A_1354 = tpu.memref_slice %arg6[%add3A_1351] : memref<320000xf32, #tpu.memory_space<hbm>> -> memref<2000xf32, #tpu.memory_space<hbm>>
    %dma_start3A_1355 = tpu.memref_slice %arg6[%add3A_1351] : memref<320000xf32, #tpu.memory_space<hbm>> -> memref<2000xf32, #tpu.memory_space<hbm>>
    %dma_start3A_1356 = arith.constant 4000 : i32
    %dma_start3A_1357 = tpu.memref_slice %arg10[%dma_start3A_1356] : memref<10000xf32, #tpu.memory_space<vmem>> -> memref<2000xf32, #tpu.memory_space<vmem>>
    tpu.enqueue_dma source(%dma_start3A_1357 : memref<2000xf32, #tpu.memory_space<vmem>>) target(%dma_start3A_1355 : memref<2000xf32, #tpu.memory_space<hbm>>) target_semaphore(%arg16 : memref<!tpu.dma_semaphore, #tpu.memory_space<semaphore_mem>>)
    %dma_wait3A_1358 = arith.constant 6000 : i32
    %dma_wait3A_1359 = tpu.memref_slice %arg11[%dma_wait3A_1358] : memref<10000xf32, #tpu.memory_space<vmem>> -> memref<2000xf32, #tpu.memory_space<vmem>>
    %dma_wait3A_1360 = arith.constant 6000 : i32
    %dma_wait3A_1361 = tpu.memref_slice %arg7[%dma_wait3A_1360] : memref<10000xi32, #tpu.memory_space<vmem>> -> memref<2000xi32, #tpu.memory_space<vmem>>
    %dma_wait3A_1362 = arith.constant 0 : i32
    %dma_wait3A_1363 = tpu.memref_slice %arg13[%dma_wait3A_1362] : memref<323584xf32, #tpu.memory_space<vmem_shared>> -> memref<323584xf32, #tpu.memory_space<vmem_shared>>
    tpu.wait_indirect_dma semaphore(%arg14 : memref<!tpu.dma_semaphore, #tpu.memory_space<semaphore_mem>>) src(%dma_wait3A_1363 : memref<323584xf32, #tpu.memory_space<vmem_shared>>) dst(%dma_wait3A_1359 : memref<2000xf32, #tpu.memory_space<vmem>>)
    %dma_wait3A_1364 = arith.constant 6000 : i32
    %dma_wait3A_1365 = tpu.memref_slice %arg12[%dma_wait3A_1364] : memref<10000xf32, #tpu.memory_space<vmem>> -> memref<2000xf32, #tpu.memory_space<vmem>>
    %dma_wait3A_1366 = arith.constant 6000 : i32
    %dma_wait3A_1367 = tpu.memref_slice %arg8[%dma_wait3A_1366] : memref<10000xi32, #tpu.memory_space<vmem>> -> memref<2000xi32, #tpu.memory_space<vmem>>
    %dma_wait3A_1368 = arith.constant 0 : i32
    %dma_wait3A_1369 = tpu.memref_slice %arg13[%dma_wait3A_1368] : memref<323584xf32, #tpu.memory_space<vmem_shared>> -> memref<323584xf32, #tpu.memory_space<vmem_shared>>
    tpu.wait_indirect_dma semaphore(%arg15 : memref<!tpu.dma_semaphore, #tpu.memory_space<semaphore_mem>>) src(%dma_wait3A_1369 : memref<323584xf32, #tpu.memory_space<vmem_shared>>) dst(%dma_wait3A_1365 : memref<2000xf32, #tpu.memory_space<vmem>>)
    %scan3A_1370 = arith.constant 0 : i32
    %scan3A_1371 = arith.constant 375 : i32
    %scan3A_1372 = arith.constant 120 : i32
    %scan3A_1373 = arith.addi %scan3A_1371, %scan3A_1372 : i32
    %scan3A_1374 = arith.constant 8 : i32
    scf.for %scan3A_1760 = %scan3A_1371 to %scan3A_1373 step %scan3A_1374  : i32 {
      %mul3A_1761 = arith.constant 16 : i32
      %mul3A_1762 = arith.muli %scan3A_1760, %mul3A_1761 : i32
      %get3A_1763 = arith.index_cast %mul3A_1762 : i32 to index
      %get3A_1764 = tpu.vector_load %arg11[%get3A_1763] {strides = array<i32>} : memref<10000xf32, #tpu.memory_space<vmem>>, vector<16xf32>,
      %get3A_1765 = vector.shape_cast %get3A_1764 : vector<16xf32> to vector<16xf32>
      %get3A_1766 = arith.index_cast %mul3A_1762 : i32 to index
      %get3A_1767 = tpu.vector_load %arg12[%get3A_1766] {strides = array<i32>} : memref<10000xf32, #tpu.memory_space<vmem>>, vector<16xf32>,
      %get3A_1768 = vector.shape_cast %get3A_1767 : vector<16xf32> to vector<16xf32>
      %add3A_1769 = arith.addf %get3A_1765, %get3A_1768 : vector<16xf32>
      %neg3A_1770 = arith.constant 0.000000e+00 : f32
      %neg3A_1771 = vector.broadcast %neg3A_1770 : f32 to vector<16xf32>
      %neg3A_1772 = arith.subf %neg3A_1771, %add3A_1769 : vector<16xf32>
      %exp3A_1773 = math.exp %neg3A_1772 : vector<16xf32>
      %add3A_1774 = arith.constant 1.000000e+00 : f32
      %add3A_1775 = vector.broadcast %add3A_1774 : f32 to vector<16xf32>
      %add3A_1776 = arith.addf %add3A_1775, %exp3A_1773 : vector<16xf32>
      %div3A_1777 = arith.constant 1.000000e+00 : f32
      %div3A_1778 = vector.broadcast %div3A_1777 : f32 to vector<16xf32>
      %div3A_1779 = arith.divf %div3A_1778, %add3A_1776 : vector<16xf32>
      %max3A_1780 = arith.constant 9.99999974E-6 : f32
      %max3A_1781 = vector.broadcast %max3A_1780 : f32 to vector<16xf32>
      %max3A_1782 = arith.maximumf %div3A_1779, %max3A_1781 : vector<16xf32>
      %min3A_1783 = arith.constant 0.999989986 : f32
      %min3A_1784 = vector.broadcast %min3A_1783 : f32 to vector<16xf32>
      %min3A_1785 = arith.minimumf %max3A_1782, %min3A_1784 : vector<16xf32>
      %swap3A_1786 = arith.index_cast %mul3A_1762 : i32 to index
      %swap3A_1787 = tpu.vector_load %arg10[%swap3A_1786] {strides = array<i32>} : memref<10000xf32, #tpu.memory_space<vmem>>, vector<16xf32>,
      %swap3A_1788 = vector.shape_cast %swap3A_1787 : vector<16xf32> to vector<16xf32>
      %swap3A_1789 = vector.shape_cast %min3A_1785 : vector<16xf32> to vector<16xf32>
      tpu.vector_store %arg10[%swap3A_1786], %swap3A_1789 {strides = array<i32>} : memref<10000xf32, #tpu.memory_space<vmem>>, vector<16xf32>,
      %scan3A_1790 = arith.constant 1 : i32
      %scan3A_1791 = arith.addi %scan3A_1760, %scan3A_1790 : i32
      %mul3A_1792 = arith.constant 16 : i32
      %mul3A_1793 = arith.muli %scan3A_1791, %mul3A_1792 : i32
      %get3A_1794 = arith.index_cast %mul3A_1793 : i32 to index
      %get3A_1795 = tpu.vector_load %arg11[%get3A_1794] {strides = array<i32>} : memref<10000xf32, #tpu.memory_space<vmem>>, vector<16xf32>,
      %get3A_1796 = vector.shape_cast %get3A_1795 : vector<16xf32> to vector<16xf32>
      %get3A_1797 = arith.index_cast %mul3A_1793 : i32 to index
      %get3A_1798 = tpu.vector_load %arg12[%get3A_1797] {strides = array<i32>} : memref<10000xf32, #tpu.memory_space<vmem>>, vector<16xf32>,
      %get3A_1799 = vector.shape_cast %get3A_1798 : vector<16xf32> to vector<16xf32>
      %add3A_1800 = arith.addf %get3A_1796, %get3A_1799 : vector<16xf32>
      %neg3A_1801 = arith.constant 0.000000e+00 : f32
      %neg3A_1802 = vector.broadcast %neg3A_1801 : f32 to vector<16xf32>
      %neg3A_1803 = arith.subf %neg3A_1802, %add3A_1800 : vector<16xf32>
      %exp3A_1804 = math.exp %neg3A_1803 : vector<16xf32>
      %add3A_1805 = arith.constant 1.000000e+00 : f32
      %add3A_1806 = vector.broadcast %add3A_1805 : f32 to vector<16xf32>
      %add3A_1807 = arith.addf %add3A_1806, %exp3A_1804 : vector<16xf32>
      %div3A_1808 = arith.constant 1.000000e+00 : f32
      %div3A_1809 = vector.broadcast %div3A_1808 : f32 to vector<16xf32>
      %div3A_1810 = arith.divf %div3A_1809, %add3A_1807 : vector<16xf32>
      %max3A_1811 = arith.constant 9.99999974E-6 : f32
      %max3A_1812 = vector.broadcast %max3A_1811 : f32 to vector<16xf32>
      %max3A_1813 = arith.maximumf %div3A_1810, %max3A_1812 : vector<16xf32>
      %min3A_1814 = arith.constant 0.999989986 : f32
      %min3A_1815 = vector.broadcast %min3A_1814 : f32 to vector<16xf32>
      %min3A_1816 = arith.minimumf %max3A_1813, %min3A_1815 : vector<16xf32>
      %swap3A_1817 = arith.index_cast %mul3A_1793 : i32 to index
      %swap3A_1818 = tpu.vector_load %arg10[%swap3A_1817] {strides = array<i32>} : memref<10000xf32, #tpu.memory_space<vmem>>, vector<16xf32>,
      %swap3A_1819 = vector.shape_cast %swap3A_1818 : vector<16xf32> to vector<16xf32>
      %swap3A_1820 = vector.shape_cast %min3A_1816 : vector<16xf32> to vector<16xf32>
      tpu.vector_store %arg10[%swap3A_1817], %swap3A_1820 {strides = array<i32>} : memref<10000xf32, #tpu.memory_space<vmem>>, vector<16xf32>,
      %scan3A_1821 = arith.constant 2 : i32
      %scan3A_1822 = arith.addi %scan3A_1760, %scan3A_1821 : i32
      %mul3A_1823 = arith.constant 16 : i32
      %mul3A_1824 = arith.muli %scan3A_1822, %mul3A_1823 : i32
      %get3A_1825 = arith.index_cast %mul3A_1824 : i32 to index
      %get3A_1826 = tpu.vector_load %arg11[%get3A_1825] {strides = array<i32>} : memref<10000xf32, #tpu.memory_space<vmem>>, vector<16xf32>,
      %get3A_1827 = vector.shape_cast %get3A_1826 : vector<16xf32> to vector<16xf32>
      %get3A_1828 = arith.index_cast %mul3A_1824 : i32 to index
      %get3A_1829 = tpu.vector_load %arg12[%get3A_1828] {strides = array<i32>} : memref<10000xf32, #tpu.memory_space<vmem>>, vector<16xf32>,
      %get3A_1830 = vector.shape_cast %get3A_1829 : vector<16xf32> to vector<16xf32>
      %add3A_1831 = arith.addf %get3A_1827, %get3A_1830 : vector<16xf32>
      %neg3A_1832 = arith.constant 0.000000e+00 : f32
      %neg3A_1833 = vector.broadcast %neg3A_1832 : f32 to vector<16xf32>
      %neg3A_1834 = arith.subf %neg3A_1833, %add3A_1831 : vector<16xf32>
      %exp3A_1835 = math.exp %neg3A_1834 : vector<16xf32>
      %add3A_1836 = arith.constant 1.000000e+00 : f32
      %add3A_1837 = vector.broadcast %add3A_1836 : f32 to vector<16xf32>
      %add3A_1838 = arith.addf %add3A_1837, %exp3A_1835 : vector<16xf32>
      %div3A_1839 = arith.constant 1.000000e+00 : f32
      %div3A_1840 = vector.broadcast %div3A_1839 : f32 to vector<16xf32>
      %div3A_1841 = arith.divf %div3A_1840, %add3A_1838 : vector<16xf32>
      %max3A_1842 = arith.constant 9.99999974E-6 : f32
      %max3A_1843 = vector.broadcast %max3A_1842 : f32 to vector<16xf32>
      %max3A_1844 = arith.maximumf %div3A_1841, %max3A_1843 : vector<16xf32>
      %min3A_1845 = arith.constant 0.999989986 : f32
      %min3A_1846 = vector.broadcast %min3A_1845 : f32 to vector<16xf32>
      %min3A_1847 = arith.minimumf %max3A_1844, %min3A_1846 : vector<16xf32>
      %swap3A_1848 = arith.index_cast %mul3A_1824 : i32 to index
      %swap3A_1849 = tpu.vector_load %arg10[%swap3A_1848] {strides = array<i32>} : memref<10000xf32, #tpu.memory_space<vmem>>, vector<16xf32>,
      %swap3A_1850 = vector.shape_cast %swap3A_1849 : vector<16xf32> to vector<16xf32>
      %swap3A_1851 = vector.shape_cast %min3A_1847 : vector<16xf32> to vector<16xf32>
      tpu.vector_store %arg10[%swap3A_1848], %swap3A_1851 {strides = array<i32>} : memref<10000xf32, #tpu.memory_space<vmem>>, vector<16xf32>,
      %scan3A_1852 = arith.constant 3 : i32
      %scan3A_1853 = arith.addi %scan3A_1760, %scan3A_1852 : i32
      %mul3A_1854 = arith.constant 16 : i32
      %mul3A_1855 = arith.muli %scan3A_1853, %mul3A_1854 : i32
      %get3A_1856 = arith.index_cast %mul3A_1855 : i32 to index
      %get3A_1857 = tpu.vector_load %arg11[%get3A_1856] {strides = array<i32>} : memref<10000xf32, #tpu.memory_space<vmem>>, vector<16xf32>,
      %get3A_1858 = vector.shape_cast %get3A_1857 : vector<16xf32> to vector<16xf32>
      %get3A_1859 = arith.index_cast %mul3A_1855 : i32 to index
      %get3A_1860 = tpu.vector_load %arg12[%get3A_1859] {strides = array<i32>} : memref<10000xf32, #tpu.memory_space<vmem>>, vector<16xf32>,
      %get3A_1861 = vector.shape_cast %get3A_1860 : vector<16xf32> to vector<16xf32>
      %add3A_1862 = arith.addf %get3A_1858, %get3A_1861 : vector<16xf32>
      %neg3A_1863 = arith.constant 0.000000e+00 : f32
      %neg3A_1864 = vector.broadcast %neg3A_1863 : f32 to vector<16xf32>
      %neg3A_1865 = arith.subf %neg3A_1864, %add3A_1862 : vector<16xf32>
      %exp3A_1866 = math.exp %neg3A_1865 : vector<16xf32>
      %add3A_1867 = arith.constant 1.000000e+00 : f32
      %add3A_1868 = vector.broadcast %add3A_1867 : f32 to vector<16xf32>
      %add3A_1869 = arith.addf %add3A_1868, %exp3A_1866 : vector<16xf32>
      %div3A_1870 = arith.constant 1.000000e+00 : f32
      %div3A_1871 = vector.broadcast %div3A_1870 : f32 to vector<16xf32>
      %div3A_1872 = arith.divf %div3A_1871, %add3A_1869 : vector<16xf32>
      %max3A_1873 = arith.constant 9.99999974E-6 : f32
      %max3A_1874 = vector.broadcast %max3A_1873 : f32 to vector<16xf32>
      %max3A_1875 = arith.maximumf %div3A_1872, %max3A_1874 : vector<16xf32>
      %min3A_1876 = arith.constant 0.999989986 : f32
      %min3A_1877 = vector.broadcast %min3A_1876 : f32 to vector<16xf32>
      %min3A_1878 = arith.minimumf %max3A_1875, %min3A_1877 : vector<16xf32>
      %swap3A_1879 = arith.index_cast %mul3A_1855 : i32 to index
      %swap3A_1880 = tpu.vector_load %arg10[%swap3A_1879] {strides = array<i32>} : memref<10000xf32, #tpu.memory_space<vmem>>, vector<16xf32>,
      %swap3A_1881 = vector.shape_cast %swap3A_1880 : vector<16xf32> to vector<16xf32>
      %swap3A_1882 = vector.shape_cast %min3A_1878 : vector<16xf32> to vector<16xf32>
      tpu.vector_store %arg10[%swap3A_1879], %swap3A_1882 {strides = array<i32>} : memref<10000xf32, #tpu.memory_space<vmem>>, vector<16xf32>,
      %scan3A_1883 = arith.constant 4 : i32
      %scan3A_1884 = arith.addi %scan3A_1760, %scan3A_1883 : i32
      %mul3A_1885 = arith.constant 16 : i32
      %mul3A_1886 = arith.muli %scan3A_1884, %mul3A_1885 : i32
      %get3A_1887 = arith.index_cast %mul3A_1886 : i32 to index
      %get3A_1888 = tpu.vector_load %arg11[%get3A_1887] {strides = array<i32>} : memref<10000xf32, #tpu.memory_space<vmem>>, vector<16xf32>,
      %get3A_1889 = vector.shape_cast %get3A_1888 : vector<16xf32> to vector<16xf32>
      %get3A_1890 = arith.index_cast %mul3A_1886 : i32 to index
      %get3A_1891 = tpu.vector_load %arg12[%get3A_1890] {strides = array<i32>} : memref<10000xf32, #tpu.memory_space<vmem>>, vector<16xf32>,
      %get3A_1892 = vector.shape_cast %get3A_1891 : vector<16xf32> to vector<16xf32>
      %add3A_1893 = arith.addf %get3A_1889, %get3A_1892 : vector<16xf32>
      %neg3A_1894 = arith.constant 0.000000e+00 : f32
      %neg3A_1895 = vector.broadcast %neg3A_1894 : f32 to vector<16xf32>
      %neg3A_1896 = arith.subf %neg3A_1895, %add3A_1893 : vector<16xf32>
      %exp3A_1897 = math.exp %neg3A_1896 : vector<16xf32>
      %add3A_1898 = arith.constant 1.000000e+00 : f32
      %add3A_1899 = vector.broadcast %add3A_1898 : f32 to vector<16xf32>
      %add3A_1900 = arith.addf %add3A_1899, %exp3A_1897 : vector<16xf32>
      %div3A_1901 = arith.constant 1.000000e+00 : f32
      %div3A_1902 = vector.broadcast %div3A_1901 : f32 to vector<16xf32>
      %div3A_1903 = arith.divf %div3A_1902, %add3A_1900 : vector<16xf32>
      %max3A_1904 = arith.constant 9.99999974E-6 : f32
      %max3A_1905 = vector.broadcast %max3A_1904 : f32 to vector<16xf32>
      %max3A_1906 = arith.maximumf %div3A_1903, %max3A_1905 : vector<16xf32>
      %min3A_1907 = arith.constant 0.999989986 : f32
      %min3A_1908 = vector.broadcast %min3A_1907 : f32 to vector<16xf32>
      %min3A_1909 = arith.minimumf %max3A_1906, %min3A_1908 : vector<16xf32>
      %swap3A_1910 = arith.index_cast %mul3A_1886 : i32 to index
      %swap3A_1911 = tpu.vector_load %arg10[%swap3A_1910] {strides = array<i32>} : memref<10000xf32, #tpu.memory_space<vmem>>, vector<16xf32>,
      %swap3A_1912 = vector.shape_cast %swap3A_1911 : vector<16xf32> to vector<16xf32>
      %swap3A_1913 = vector.shape_cast %min3A_1909 : vector<16xf32> to vector<16xf32>
      tpu.vector_store %arg10[%swap3A_1910], %swap3A_1913 {strides = array<i32>} : memref<10000xf32, #tpu.memory_space<vmem>>, vector<16xf32>,
      %scan3A_1914 = arith.constant 5 : i32
      %scan3A_1915 = arith.addi %scan3A_1760, %scan3A_1914 : i32
      %mul3A_1916 = arith.constant 16 : i32
      %mul3A_1917 = arith.muli %scan3A_1915, %mul3A_1916 : i32
      %get3A_1918 = arith.index_cast %mul3A_1917 : i32 to index
      %get3A_1919 = tpu.vector_load %arg11[%get3A_1918] {strides = array<i32>} : memref<10000xf32, #tpu.memory_space<vmem>>, vector<16xf32>,
      %get3A_1920 = vector.shape_cast %get3A_1919 : vector<16xf32> to vector<16xf32>
      %get3A_1921 = arith.index_cast %mul3A_1917 : i32 to index
      %get3A_1922 = tpu.vector_load %arg12[%get3A_1921] {strides = array<i32>} : memref<10000xf32, #tpu.memory_space<vmem>>, vector<16xf32>,
      %get3A_1923 = vector.shape_cast %get3A_1922 : vector<16xf32> to vector<16xf32>
      %add3A_1924 = arith.addf %get3A_1920, %get3A_1923 : vector<16xf32>
      %neg3A_1925 = arith.constant 0.000000e+00 : f32
      %neg3A_1926 = vector.broadcast %neg3A_1925 : f32 to vector<16xf32>
      %neg3A_1927 = arith.subf %neg3A_1926, %add3A_1924 : vector<16xf32>
      %exp3A_1928 = math.exp %neg3A_1927 : vector<16xf32>
      %add3A_1929 = arith.constant 1.000000e+00 : f32
      %add3A_1930 = vector.broadcast %add3A_1929 : f32 to vector<16xf32>
      %add3A_1931 = arith.addf %add3A_1930, %exp3A_1928 : vector<16xf32>
      %div3A_1932 = arith.constant 1.000000e+00 : f32
      %div3A_1933 = vector.broadcast %div3A_1932 : f32 to vector<16xf32>
      %div3A_1934 = arith.divf %div3A_1933, %add3A_1931 : vector<16xf32>
      %max3A_1935 = arith.constant 9.99999974E-6 : f32
      %max3A_1936 = vector.broadcast %max3A_1935 : f32 to vector<16xf32>
      %max3A_1937 = arith.maximumf %div3A_1934, %max3A_1936 : vector<16xf32>
      %min3A_1938 = arith.constant 0.999989986 : f32
      %min3A_1939 = vector.broadcast %min3A_1938 : f32 to vector<16xf32>
      %min3A_1940 = arith.minimumf %max3A_1937, %min3A_1939 : vector<16xf32>
      %swap3A_1941 = arith.index_cast %mul3A_1917 : i32 to index
      %swap3A_1942 = tpu.vector_load %arg10[%swap3A_1941] {strides = array<i32>} : memref<10000xf32, #tpu.memory_space<vmem>>, vector<16xf32>,
      %swap3A_1943 = vector.shape_cast %swap3A_1942 : vector<16xf32> to vector<16xf32>
      %swap3A_1944 = vector.shape_cast %min3A_1940 : vector<16xf32> to vector<16xf32>
      tpu.vector_store %arg10[%swap3A_1941], %swap3A_1944 {strides = array<i32>} : memref<10000xf32, #tpu.memory_space<vmem>>, vector<16xf32>,
      %scan3A_1945 = arith.constant 6 : i32
      %scan3A_1946 = arith.addi %scan3A_1760, %scan3A_1945 : i32
      %mul3A_1947 = arith.constant 16 : i32
      %mul3A_1948 = arith.muli %scan3A_1946, %mul3A_1947 : i32
      %get3A_1949 = arith.index_cast %mul3A_1948 : i32 to index
      %get3A_1950 = tpu.vector_load %arg11[%get3A_1949] {strides = array<i32>} : memref<10000xf32, #tpu.memory_space<vmem>>, vector<16xf32>,
      %get3A_1951 = vector.shape_cast %get3A_1950 : vector<16xf32> to vector<16xf32>
      %get3A_1952 = arith.index_cast %mul3A_1948 : i32 to index
      %get3A_1953 = tpu.vector_load %arg12[%get3A_1952] {strides = array<i32>} : memref<10000xf32, #tpu.memory_space<vmem>>, vector<16xf32>,
      %get3A_1954 = vector.shape_cast %get3A_1953 : vector<16xf32> to vector<16xf32>
      %add3A_1955 = arith.addf %get3A_1951, %get3A_1954 : vector<16xf32>
      %neg3A_1956 = arith.constant 0.000000e+00 : f32
      %neg3A_1957 = vector.broadcast %neg3A_1956 : f32 to vector<16xf32>
      %neg3A_1958 = arith.subf %neg3A_1957, %add3A_1955 : vector<16xf32>
      %exp3A_1959 = math.exp %neg3A_1958 : vector<16xf32>
      %add3A_1960 = arith.constant 1.000000e+00 : f32
      %add3A_1961 = vector.broadcast %add3A_1960 : f32 to vector<16xf32>
      %add3A_1962 = arith.addf %add3A_1961, %exp3A_1959 : vector<16xf32>
      %div3A_1963 = arith.constant 1.000000e+00 : f32
      %div3A_1964 = vector.broadcast %div3A_1963 : f32 to vector<16xf32>
      %div3A_1965 = arith.divf %div3A_1964, %add3A_1962 : vector<16xf32>
      %max3A_1966 = arith.constant 9.99999974E-6 : f32
      %max3A_1967 = vector.broadcast %max3A_1966 : f32 to vector<16xf32>
      %max3A_1968 = arith.maximumf %div3A_1965, %max3A_1967 : vector<16xf32>
      %min3A_1969 = arith.constant 0.999989986 : f32
      %min3A_1970 = vector.broadcast %min3A_1969 : f32 to vector<16xf32>
      %min3A_1971 = arith.minimumf %max3A_1968, %min3A_1970 : vector<16xf32>
      %swap3A_1972 = arith.index_cast %mul3A_1948 : i32 to index
      %swap3A_1973 = tpu.vector_load %arg10[%swap3A_1972] {strides = array<i32>} : memref<10000xf32, #tpu.memory_space<vmem>>, vector<16xf32>,
      %swap3A_1974 = vector.shape_cast %swap3A_1973 : vector<16xf32> to vector<16xf32>
      %swap3A_1975 = vector.shape_cast %min3A_1971 : vector<16xf32> to vector<16xf32>
      tpu.vector_store %arg10[%swap3A_1972], %swap3A_1975 {strides = array<i32>} : memref<10000xf32, #tpu.memory_space<vmem>>, vector<16xf32>,
      %scan3A_1976 = arith.constant 7 : i32
      %scan3A_1977 = arith.addi %scan3A_1760, %scan3A_1976 : i32
      %mul3A_1978 = arith.constant 16 : i32
      %mul3A_1979 = arith.muli %scan3A_1977, %mul3A_1978 : i32
      %get3A_1980 = arith.index_cast %mul3A_1979 : i32 to index
      %get3A_1981 = tpu.vector_load %arg11[%get3A_1980] {strides = array<i32>} : memref<10000xf32, #tpu.memory_space<vmem>>, vector<16xf32>,
      %get3A_1982 = vector.shape_cast %get3A_1981 : vector<16xf32> to vector<16xf32>
      %get3A_1983 = arith.index_cast %mul3A_1979 : i32 to index
      %get3A_1984 = tpu.vector_load %arg12[%get3A_1983] {strides = array<i32>} : memref<10000xf32, #tpu.memory_space<vmem>>, vector<16xf32>,
      %get3A_1985 = vector.shape_cast %get3A_1984 : vector<16xf32> to vector<16xf32>
      %add3A_1986 = arith.addf %get3A_1982, %get3A_1985 : vector<16xf32>
      %neg3A_1987 = arith.constant 0.000000e+00 : f32
      %neg3A_1988 = vector.broadcast %neg3A_1987 : f32 to vector<16xf32>
      %neg3A_1989 = arith.subf %neg3A_1988, %add3A_1986 : vector<16xf32>
      %exp3A_1990 = math.exp %neg3A_1989 : vector<16xf32>
      %add3A_1991 = arith.constant 1.000000e+00 : f32
      %add3A_1992 = vector.broadcast %add3A_1991 : f32 to vector<16xf32>
      %add3A_1993 = arith.addf %add3A_1992, %exp3A_1990 : vector<16xf32>
      %div3A_1994 = arith.constant 1.000000e+00 : f32
      %div3A_1995 = vector.broadcast %div3A_1994 : f32 to vector<16xf32>
      %div3A_1996 = arith.divf %div3A_1995, %add3A_1993 : vector<16xf32>
      %max3A_1997 = arith.constant 9.99999974E-6 : f32
      %max3A_1998 = vector.broadcast %max3A_1997 : f32 to vector<16xf32>
      %max3A_1999 = arith.maximumf %div3A_1996, %max3A_1998 : vector<16xf32>
      %min3A_2000 = arith.constant 0.999989986 : f32
      %min3A_2001 = vector.broadcast %min3A_2000 : f32 to vector<16xf32>
      %min3A_2002 = arith.minimumf %max3A_1999, %min3A_2001 : vector<16xf32>
      %swap3A_2003 = arith.index_cast %mul3A_1979 : i32 to index
      %swap3A_2004 = tpu.vector_load %arg10[%swap3A_2003] {strides = array<i32>} : memref<10000xf32, #tpu.memory_space<vmem>>, vector<16xf32>,
      %swap3A_2005 = vector.shape_cast %swap3A_2004 : vector<16xf32> to vector<16xf32>
      %swap3A_2006 = vector.shape_cast %min3A_2002 : vector<16xf32> to vector<16xf32>
      tpu.vector_store %arg10[%swap3A_2003], %swap3A_2006 {strides = array<i32>} : memref<10000xf32, #tpu.memory_space<vmem>>, vector<16xf32>,
    }
    %scan3A_1375 = arith.constant 120 : i32
    %scan3A_1376 = arith.addi %scan3A_1371, %scan3A_1375 : i32
    %mul3A_1377 = arith.constant 16 : i32
    %mul3A_1378 = arith.muli %scan3A_1376, %mul3A_1377 : i32
    %get3A_1379 = arith.index_cast %mul3A_1378 : i32 to index
    %get3A_1380 = tpu.vector_load %arg11[%get3A_1379] {strides = array<i32>} : memref<10000xf32, #tpu.memory_space<vmem>>, vector<16xf32>,
    %get3A_1381 = vector.shape_cast %get3A_1380 : vector<16xf32> to vector<16xf32>
    %get3A_1382 = arith.index_cast %mul3A_1378 : i32 to index
    %get3A_1383 = tpu.vector_load %arg12[%get3A_1382] {strides = array<i32>} : memref<10000xf32, #tpu.memory_space<vmem>>, vector<16xf32>,
    %get3A_1384 = vector.shape_cast %get3A_1383 : vector<16xf32> to vector<16xf32>
    %add3A_1385 = arith.addf %get3A_1381, %get3A_1384 : vector<16xf32>
    %neg3A_1386 = arith.constant 0.000000e+00 : f32
    %neg3A_1387 = vector.broadcast %neg3A_1386 : f32 to vector<16xf32>
    %neg3A_1388 = arith.subf %neg3A_1387, %add3A_1385 : vector<16xf32>
    %exp3A_1389 = math.exp %neg3A_1388 : vector<16xf32>
    %add3A_1390 = arith.constant 1.000000e+00 : f32
    %add3A_1391 = vector.broadcast %add3A_1390 : f32 to vector<16xf32>
    %add3A_1392 = arith.addf %add3A_1391, %exp3A_1389 : vector<16xf32>
    %div3A_1393 = arith.constant 1.000000e+00 : f32
    %div3A_1394 = vector.broadcast %div3A_1393 : f32 to vector<16xf32>
    %div3A_1395 = arith.divf %div3A_1394, %add3A_1392 : vector<16xf32>
    %max3A_1396 = arith.constant 9.99999974E-6 : f32
    %max3A_1397 = vector.broadcast %max3A_1396 : f32 to vector<16xf32>
    %max3A_1398 = arith.maximumf %div3A_1395, %max3A_1397 : vector<16xf32>
    %min3A_1399 = arith.constant 0.999989986 : f32
    %min3A_1400 = vector.broadcast %min3A_1399 : f32 to vector<16xf32>
    %min3A_1401 = arith.minimumf %max3A_1398, %min3A_1400 : vector<16xf32>
    %swap3A_1402 = arith.index_cast %mul3A_1378 : i32 to index
    %swap3A_1403 = tpu.vector_load %arg10[%swap3A_1402] {strides = array<i32>} : memref<10000xf32, #tpu.memory_space<vmem>>, vector<16xf32>,
    %swap3A_1404 = vector.shape_cast %swap3A_1403 : vector<16xf32> to vector<16xf32>
    %swap3A_1405 = vector.shape_cast %min3A_1401 : vector<16xf32> to vector<16xf32>
    tpu.vector_store %arg10[%swap3A_1402], %swap3A_1405 {strides = array<i32>} : memref<10000xf32, #tpu.memory_space<vmem>>, vector<16xf32>,
    %scan3A_1406 = arith.constant 121 : i32
    %scan3A_1407 = arith.addi %scan3A_1371, %scan3A_1406 : i32
    %mul3A_1408 = arith.constant 16 : i32
    %mul3A_1409 = arith.muli %scan3A_1407, %mul3A_1408 : i32
    %get3A_1410 = arith.index_cast %mul3A_1409 : i32 to index
    %get3A_1411 = tpu.vector_load %arg11[%get3A_1410] {strides = array<i32>} : memref<10000xf32, #tpu.memory_space<vmem>>, vector<16xf32>,
    %get3A_1412 = vector.shape_cast %get3A_1411 : vector<16xf32> to vector<16xf32>
    %get3A_1413 = arith.index_cast %mul3A_1409 : i32 to index
    %get3A_1414 = tpu.vector_load %arg12[%get3A_1413] {strides = array<i32>} : memref<10000xf32, #tpu.memory_space<vmem>>, vector<16xf32>,
    %get3A_1415 = vector.shape_cast %get3A_1414 : vector<16xf32> to vector<16xf32>
    %add3A_1416 = arith.addf %get3A_1412, %get3A_1415 : vector<16xf32>
    %neg3A_1417 = arith.constant 0.000000e+00 : f32
    %neg3A_1418 = vector.broadcast %neg3A_1417 : f32 to vector<16xf32>
    %neg3A_1419 = arith.subf %neg3A_1418, %add3A_1416 : vector<16xf32>
    %exp3A_1420 = math.exp %neg3A_1419 : vector<16xf32>
    %add3A_1421 = arith.constant 1.000000e+00 : f32
    %add3A_1422 = vector.broadcast %add3A_1421 : f32 to vector<16xf32>
    %add3A_1423 = arith.addf %add3A_1422, %exp3A_1420 : vector<16xf32>
    %div3A_1424 = arith.constant 1.000000e+00 : f32
    %div3A_1425 = vector.broadcast %div3A_1424 : f32 to vector<16xf32>
    %div3A_1426 = arith.divf %div3A_1425, %add3A_1423 : vector<16xf32>
    %max3A_1427 = arith.constant 9.99999974E-6 : f32
    %max3A_1428 = vector.broadcast %max3A_1427 : f32 to vector<16xf32>
    %max3A_1429 = arith.maximumf %div3A_1426, %max3A_1428 : vector<16xf32>
    %min3A_1430 = arith.constant 0.999989986 : f32
    %min3A_1431 = vector.broadcast %min3A_1430 : f32 to vector<16xf32>
    %min3A_1432 = arith.minimumf %max3A_1429, %min3A_1431 : vector<16xf32>
    %swap3A_1433 = arith.index_cast %mul3A_1409 : i32 to index
    %swap3A_1434 = tpu.vector_load %arg10[%swap3A_1433] {strides = array<i32>} : memref<10000xf32, #tpu.memory_space<vmem>>, vector<16xf32>,
    %swap3A_1435 = vector.shape_cast %swap3A_1434 : vector<16xf32> to vector<16xf32>
    %swap3A_1436 = vector.shape_cast %min3A_1432 : vector<16xf32> to vector<16xf32>
    tpu.vector_store %arg10[%swap3A_1433], %swap3A_1436 {strides = array<i32>} : memref<10000xf32, #tpu.memory_space<vmem>>, vector<16xf32>,
    %scan3A_1437 = arith.constant 122 : i32
    %scan3A_1438 = arith.addi %scan3A_1371, %scan3A_1437 : i32
    %mul3A_1439 = arith.constant 16 : i32
    %mul3A_1440 = arith.muli %scan3A_1438, %mul3A_1439 : i32
    %get3A_1441 = arith.index_cast %mul3A_1440 : i32 to index
    %get3A_1442 = tpu.vector_load %arg11[%get3A_1441] {strides = array<i32>} : memref<10000xf32, #tpu.memory_space<vmem>>, vector<16xf32>,
    %get3A_1443 = vector.shape_cast %get3A_1442 : vector<16xf32> to vector<16xf32>
    %get3A_1444 = arith.index_cast %mul3A_1440 : i32 to index
    %get3A_1445 = tpu.vector_load %arg12[%get3A_1444] {strides = array<i32>} : memref<10000xf32, #tpu.memory_space<vmem>>, vector<16xf32>,
    %get3A_1446 = vector.shape_cast %get3A_1445 : vector<16xf32> to vector<16xf32>
    %add3A_1447 = arith.addf %get3A_1443, %get3A_1446 : vector<16xf32>
    %neg3A_1448 = arith.constant 0.000000e+00 : f32
    %neg3A_1449 = vector.broadcast %neg3A_1448 : f32 to vector<16xf32>
    %neg3A_1450 = arith.subf %neg3A_1449, %add3A_1447 : vector<16xf32>
    %exp3A_1451 = math.exp %neg3A_1450 : vector<16xf32>
    %add3A_1452 = arith.constant 1.000000e+00 : f32
    %add3A_1453 = vector.broadcast %add3A_1452 : f32 to vector<16xf32>
    %add3A_1454 = arith.addf %add3A_1453, %exp3A_1451 : vector<16xf32>
    %div3A_1455 = arith.constant 1.000000e+00 : f32
    %div3A_1456 = vector.broadcast %div3A_1455 : f32 to vector<16xf32>
    %div3A_1457 = arith.divf %div3A_1456, %add3A_1454 : vector<16xf32>
    %max3A_1458 = arith.constant 9.99999974E-6 : f32
    %max3A_1459 = vector.broadcast %max3A_1458 : f32 to vector<16xf32>
    %max3A_1460 = arith.maximumf %div3A_1457, %max3A_1459 : vector<16xf32>
    %min3A_1461 = arith.constant 0.999989986 : f32
    %min3A_1462 = vector.broadcast %min3A_1461 : f32 to vector<16xf32>
    %min3A_1463 = arith.minimumf %max3A_1460, %min3A_1462 : vector<16xf32>
    %swap3A_1464 = arith.index_cast %mul3A_1440 : i32 to index
    %swap3A_1465 = tpu.vector_load %arg10[%swap3A_1464] {strides = array<i32>} : memref<10000xf32, #tpu.memory_space<vmem>>, vector<16xf32>,
    %swap3A_1466 = vector.shape_cast %swap3A_1465 : vector<16xf32> to vector<16xf32>
    %swap3A_1467 = vector.shape_cast %min3A_1463 : vector<16xf32> to vector<16xf32>
    tpu.vector_store %arg10[%swap3A_1464], %swap3A_1467 {strides = array<i32>} : memref<10000xf32, #tpu.memory_space<vmem>>, vector<16xf32>,
    %scan3A_1468 = arith.constant 123 : i32
    %scan3A_1469 = arith.addi %scan3A_1371, %scan3A_1468 : i32
    %mul3A_1470 = arith.constant 16 : i32
    %mul3A_1471 = arith.muli %scan3A_1469, %mul3A_1470 : i32
    %get3A_1472 = arith.index_cast %mul3A_1471 : i32 to index
    %get3A_1473 = tpu.vector_load %arg11[%get3A_1472] {strides = array<i32>} : memref<10000xf32, #tpu.memory_space<vmem>>, vector<16xf32>,
    %get3A_1474 = vector.shape_cast %get3A_1473 : vector<16xf32> to vector<16xf32>
    %get3A_1475 = arith.index_cast %mul3A_1471 : i32 to index
    %get3A_1476 = tpu.vector_load %arg12[%get3A_1475] {strides = array<i32>} : memref<10000xf32, #tpu.memory_space<vmem>>, vector<16xf32>,
    %get3A_1477 = vector.shape_cast %get3A_1476 : vector<16xf32> to vector<16xf32>
    %add3A_1478 = arith.addf %get3A_1474, %get3A_1477 : vector<16xf32>
    %neg3A_1479 = arith.constant 0.000000e+00 : f32
    %neg3A_1480 = vector.broadcast %neg3A_1479 : f32 to vector<16xf32>
    %neg3A_1481 = arith.subf %neg3A_1480, %add3A_1478 : vector<16xf32>
    %exp3A_1482 = math.exp %neg3A_1481 : vector<16xf32>
    %add3A_1483 = arith.constant 1.000000e+00 : f32
    %add3A_1484 = vector.broadcast %add3A_1483 : f32 to vector<16xf32>
    %add3A_1485 = arith.addf %add3A_1484, %exp3A_1482 : vector<16xf32>
    %div3A_1486 = arith.constant 1.000000e+00 : f32
    %div3A_1487 = vector.broadcast %div3A_1486 : f32 to vector<16xf32>
    %div3A_1488 = arith.divf %div3A_1487, %add3A_1485 : vector<16xf32>
    %max3A_1489 = arith.constant 9.99999974E-6 : f32
    %max3A_1490 = vector.broadcast %max3A_1489 : f32 to vector<16xf32>
    %max3A_1491 = arith.maximumf %div3A_1488, %max3A_1490 : vector<16xf32>
    %min3A_1492 = arith.constant 0.999989986 : f32
    %min3A_1493 = vector.broadcast %min3A_1492 : f32 to vector<16xf32>
    %min3A_1494 = arith.minimumf %max3A_1491, %min3A_1493 : vector<16xf32>
    %swap3A_1495 = arith.index_cast %mul3A_1471 : i32 to index
    %swap3A_1496 = tpu.vector_load %arg10[%swap3A_1495] {strides = array<i32>} : memref<10000xf32, #tpu.memory_space<vmem>>, vector<16xf32>,
    %swap3A_1497 = vector.shape_cast %swap3A_1496 : vector<16xf32> to vector<16xf32>
    %swap3A_1498 = vector.shape_cast %min3A_1494 : vector<16xf32> to vector<16xf32>
    tpu.vector_store %arg10[%swap3A_1495], %swap3A_1498 {strides = array<i32>} : memref<10000xf32, #tpu.memory_space<vmem>>, vector<16xf32>,
    %scan3A_1499 = arith.constant 124 : i32
    %scan3A_1500 = arith.addi %scan3A_1371, %scan3A_1499 : i32
    %mul3A_1501 = arith.constant 16 : i32
    %mul3A_1502 = arith.muli %scan3A_1500, %mul3A_1501 : i32
    %get3A_1503 = arith.index_cast %mul3A_1502 : i32 to index
    %get3A_1504 = tpu.vector_load %arg11[%get3A_1503] {strides = array<i32>} : memref<10000xf32, #tpu.memory_space<vmem>>, vector<16xf32>,
    %get3A_1505 = vector.shape_cast %get3A_1504 : vector<16xf32> to vector<16xf32>
    %get3A_1506 = arith.index_cast %mul3A_1502 : i32 to index
    %get3A_1507 = tpu.vector_load %arg12[%get3A_1506] {strides = array<i32>} : memref<10000xf32, #tpu.memory_space<vmem>>, vector<16xf32>,
    %get3A_1508 = vector.shape_cast %get3A_1507 : vector<16xf32> to vector<16xf32>
    %add3A_1509 = arith.addf %get3A_1505, %get3A_1508 : vector<16xf32>
    %neg3A_1510 = arith.constant 0.000000e+00 : f32
    %neg3A_1511 = vector.broadcast %neg3A_1510 : f32 to vector<16xf32>
    %neg3A_1512 = arith.subf %neg3A_1511, %add3A_1509 : vector<16xf32>
    %exp3A_1513 = math.exp %neg3A_1512 : vector<16xf32>
    %add3A_1514 = arith.constant 1.000000e+00 : f32
    %add3A_1515 = vector.broadcast %add3A_1514 : f32 to vector<16xf32>
    %add3A_1516 = arith.addf %add3A_1515, %exp3A_1513 : vector<16xf32>
    %div3A_1517 = arith.constant 1.000000e+00 : f32
    %div3A_1518 = vector.broadcast %div3A_1517 : f32 to vector<16xf32>
    %div3A_1519 = arith.divf %div3A_1518, %add3A_1516 : vector<16xf32>
    %max3A_1520 = arith.constant 9.99999974E-6 : f32
    %max3A_1521 = vector.broadcast %max3A_1520 : f32 to vector<16xf32>
    %max3A_1522 = arith.maximumf %div3A_1519, %max3A_1521 : vector<16xf32>
    %min3A_1523 = arith.constant 0.999989986 : f32
    %min3A_1524 = vector.broadcast %min3A_1523 : f32 to vector<16xf32>
    %min3A_1525 = arith.minimumf %max3A_1522, %min3A_1524 : vector<16xf32>
    %swap3A_1526 = arith.index_cast %mul3A_1502 : i32 to index
    %swap3A_1527 = tpu.vector_load %arg10[%swap3A_1526] {strides = array<i32>} : memref<10000xf32, #tpu.memory_space<vmem>>, vector<16xf32>,
    %swap3A_1528 = vector.shape_cast %swap3A_1527 : vector<16xf32> to vector<16xf32>
    %swap3A_1529 = vector.shape_cast %min3A_1525 : vector<16xf32> to vector<16xf32>
    tpu.vector_store %arg10[%swap3A_1526], %swap3A_1529 {strides = array<i32>} : memref<10000xf32, #tpu.memory_space<vmem>>, vector<16xf32>,
    %scan3A_1530 = arith.constant 125 : i32
    %add3A_1531 = arith.constant 6000 : i32
    %add3A_1532 = arith.addi %mul3A_2, %add3A_1531 : i32
    %dma_start3A_1533 = arith.constant 6000 : i32
    %dma_start3A_1534 = tpu.memref_slice %arg10[%dma_start3A_1533] : memref<10000xf32, #tpu.memory_space<vmem>> -> memref<2000xf32, #tpu.memory_space<vmem>>
    %dma_start3A_1535 = tpu.memref_slice %arg6[%add3A_1532] : memref<320000xf32, #tpu.memory_space<hbm>> -> memref<2000xf32, #tpu.memory_space<hbm>>
    %dma_start3A_1536 = tpu.memref_slice %arg6[%add3A_1532] : memref<320000xf32, #tpu.memory_space<hbm>> -> memref<2000xf32, #tpu.memory_space<hbm>>
    %dma_start3A_1537 = arith.constant 6000 : i32
    %dma_start3A_1538 = tpu.memref_slice %arg10[%dma_start3A_1537] : memref<10000xf32, #tpu.memory_space<vmem>> -> memref<2000xf32, #tpu.memory_space<vmem>>
    tpu.enqueue_dma source(%dma_start3A_1538 : memref<2000xf32, #tpu.memory_space<vmem>>) target(%dma_start3A_1536 : memref<2000xf32, #tpu.memory_space<hbm>>) target_semaphore(%arg16 : memref<!tpu.dma_semaphore, #tpu.memory_space<semaphore_mem>>)
    %dma_wait3A_1539 = arith.constant 8000 : i32
    %dma_wait3A_1540 = tpu.memref_slice %arg11[%dma_wait3A_1539] : memref<10000xf32, #tpu.memory_space<vmem>> -> memref<2000xf32, #tpu.memory_space<vmem>>
    %dma_wait3A_1541 = arith.constant 8000 : i32
    %dma_wait3A_1542 = tpu.memref_slice %arg7[%dma_wait3A_1541] : memref<10000xi32, #tpu.memory_space<vmem>> -> memref<2000xi32, #tpu.memory_space<vmem>>
    %dma_wait3A_1543 = arith.constant 0 : i32
    %dma_wait3A_1544 = tpu.memref_slice %arg13[%dma_wait3A_1543] : memref<323584xf32, #tpu.memory_space<vmem_shared>> -> memref<323584xf32, #tpu.memory_space<vmem_shared>>
    tpu.wait_indirect_dma semaphore(%arg14 : memref<!tpu.dma_semaphore, #tpu.memory_space<semaphore_mem>>) src(%dma_wait3A_1544 : memref<323584xf32, #tpu.memory_space<vmem_shared>>) dst(%dma_wait3A_1540 : memref<2000xf32, #tpu.memory_space<vmem>>)
    %dma_wait3A_1545 = arith.constant 8000 : i32
    %dma_wait3A_1546 = tpu.memref_slice %arg12[%dma_wait3A_1545] : memref<10000xf32, #tpu.memory_space<vmem>> -> memref<2000xf32, #tpu.memory_space<vmem>>
    %dma_wait3A_1547 = arith.constant 8000 : i32
    %dma_wait3A_1548 = tpu.memref_slice %arg8[%dma_wait3A_1547] : memref<10000xi32, #tpu.memory_space<vmem>> -> memref<2000xi32, #tpu.memory_space<vmem>>
    %dma_wait3A_1549 = arith.constant 0 : i32
    %dma_wait3A_1550 = tpu.memref_slice %arg13[%dma_wait3A_1549] : memref<323584xf32, #tpu.memory_space<vmem_shared>> -> memref<323584xf32, #tpu.memory_space<vmem_shared>>
    tpu.wait_indirect_dma semaphore(%arg15 : memref<!tpu.dma_semaphore, #tpu.memory_space<semaphore_mem>>) src(%dma_wait3A_1550 : memref<323584xf32, #tpu.memory_space<vmem_shared>>) dst(%dma_wait3A_1546 : memref<2000xf32, #tpu.memory_space<vmem>>)
    %scan3A_1551 = arith.constant 0 : i32
    %scan3A_1552 = arith.constant 500 : i32
    %scan3A_1553 = arith.constant 120 : i32
    %scan3A_1554 = arith.addi %scan3A_1552, %scan3A_1553 : i32
    %scan3A_1555 = arith.constant 8 : i32
    scf.for %scan3A_1760 = %scan3A_1552 to %scan3A_1554 step %scan3A_1555  : i32 {
      %mul3A_1761 = arith.constant 16 : i32
      %mul3A_1762 = arith.muli %scan3A_1760, %mul3A_1761 : i32
      %get3A_1763 = arith.index_cast %mul3A_1762 : i32 to index
      %get3A_1764 = tpu.vector_load %arg11[%get3A_1763] {strides = array<i32>} : memref<10000xf32, #tpu.memory_space<vmem>>, vector<16xf32>,
      %get3A_1765 = vector.shape_cast %get3A_1764 : vector<16xf32> to vector<16xf32>
      %get3A_1766 = arith.index_cast %mul3A_1762 : i32 to index
      %get3A_1767 = tpu.vector_load %arg12[%get3A_1766] {strides = array<i32>} : memref<10000xf32, #tpu.memory_space<vmem>>, vector<16xf32>,
      %get3A_1768 = vector.shape_cast %get3A_1767 : vector<16xf32> to vector<16xf32>
      %add3A_1769 = arith.addf %get3A_1765, %get3A_1768 : vector<16xf32>
      %neg3A_1770 = arith.constant 0.000000e+00 : f32
      %neg3A_1771 = vector.broadcast %neg3A_1770 : f32 to vector<16xf32>
      %neg3A_1772 = arith.subf %neg3A_1771, %add3A_1769 : vector<16xf32>
      %exp3A_1773 = math.exp %neg3A_1772 : vector<16xf32>
      %add3A_1774 = arith.constant 1.000000e+00 : f32
      %add3A_1775 = vector.broadcast %add3A_1774 : f32 to vector<16xf32>
      %add3A_1776 = arith.addf %add3A_1775, %exp3A_1773 : vector<16xf32>
      %div3A_1777 = arith.constant 1.000000e+00 : f32
      %div3A_1778 = vector.broadcast %div3A_1777 : f32 to vector<16xf32>
      %div3A_1779 = arith.divf %div3A_1778, %add3A_1776 : vector<16xf32>
      %max3A_1780 = arith.constant 9.99999974E-6 : f32
      %max3A_1781 = vector.broadcast %max3A_1780 : f32 to vector<16xf32>
      %max3A_1782 = arith.maximumf %div3A_1779, %max3A_1781 : vector<16xf32>
      %min3A_1783 = arith.constant 0.999989986 : f32
      %min3A_1784 = vector.broadcast %min3A_1783 : f32 to vector<16xf32>
      %min3A_1785 = arith.minimumf %max3A_1782, %min3A_1784 : vector<16xf32>
      %swap3A_1786 = arith.index_cast %mul3A_1762 : i32 to index
      %swap3A_1787 = tpu.vector_load %arg10[%swap3A_1786] {strides = array<i32>} : memref<10000xf32, #tpu.memory_space<vmem>>, vector<16xf32>,
      %swap3A_1788 = vector.shape_cast %swap3A_1787 : vector<16xf32> to vector<16xf32>
      %swap3A_1789 = vector.shape_cast %min3A_1785 : vector<16xf32> to vector<16xf32>
      tpu.vector_store %arg10[%swap3A_1786], %swap3A_1789 {strides = array<i32>} : memref<10000xf32, #tpu.memory_space<vmem>>, vector<16xf32>,
      %scan3A_1790 = arith.constant 1 : i32
      %scan3A_1791 = arith.addi %scan3A_1760, %scan3A_1790 : i32
      %mul3A_1792 = arith.constant 16 : i32
      %mul3A_1793 = arith.muli %scan3A_1791, %mul3A_1792 : i32
      %get3A_1794 = arith.index_cast %mul3A_1793 : i32 to index
      %get3A_1795 = tpu.vector_load %arg11[%get3A_1794] {strides = array<i32>} : memref<10000xf32, #tpu.memory_space<vmem>>, vector<16xf32>,
      %get3A_1796 = vector.shape_cast %get3A_1795 : vector<16xf32> to vector<16xf32>
      %get3A_1797 = arith.index_cast %mul3A_1793 : i32 to index
      %get3A_1798 = tpu.vector_load %arg12[%get3A_1797] {strides = array<i32>} : memref<10000xf32, #tpu.memory_space<vmem>>, vector<16xf32>,
      %get3A_1799 = vector.shape_cast %get3A_1798 : vector<16xf32> to vector<16xf32>
      %add3A_1800 = arith.addf %get3A_1796, %get3A_1799 : vector<16xf32>
      %neg3A_1801 = arith.constant 0.000000e+00 : f32
      %neg3A_1802 = vector.broadcast %neg3A_1801 : f32 to vector<16xf32>
      %neg3A_1803 = arith.subf %neg3A_1802, %add3A_1800 : vector<16xf32>
      %exp3A_1804 = math.exp %neg3A_1803 : vector<16xf32>
      %add3A_1805 = arith.constant 1.000000e+00 : f32
      %add3A_1806 = vector.broadcast %add3A_1805 : f32 to vector<16xf32>
      %add3A_1807 = arith.addf %add3A_1806, %exp3A_1804 : vector<16xf32>
      %div3A_1808 = arith.constant 1.000000e+00 : f32
      %div3A_1809 = vector.broadcast %div3A_1808 : f32 to vector<16xf32>
      %div3A_1810 = arith.divf %div3A_1809, %add3A_1807 : vector<16xf32>
      %max3A_1811 = arith.constant 9.99999974E-6 : f32
      %max3A_1812 = vector.broadcast %max3A_1811 : f32 to vector<16xf32>
      %max3A_1813 = arith.maximumf %div3A_1810, %max3A_1812 : vector<16xf32>
      %min3A_1814 = arith.constant 0.999989986 : f32
      %min3A_1815 = vector.broadcast %min3A_1814 : f32 to vector<16xf32>
      %min3A_1816 = arith.minimumf %max3A_1813, %min3A_1815 : vector<16xf32>
      %swap3A_1817 = arith.index_cast %mul3A_1793 : i32 to index
      %swap3A_1818 = tpu.vector_load %arg10[%swap3A_1817] {strides = array<i32>} : memref<10000xf32, #tpu.memory_space<vmem>>, vector<16xf32>,
      %swap3A_1819 = vector.shape_cast %swap3A_1818 : vector<16xf32> to vector<16xf32>
      %swap3A_1820 = vector.shape_cast %min3A_1816 : vector<16xf32> to vector<16xf32>
      tpu.vector_store %arg10[%swap3A_1817], %swap3A_1820 {strides = array<i32>} : memref<10000xf32, #tpu.memory_space<vmem>>, vector<16xf32>,
      %scan3A_1821 = arith.constant 2 : i32
      %scan3A_1822 = arith.addi %scan3A_1760, %scan3A_1821 : i32
      %mul3A_1823 = arith.constant 16 : i32
      %mul3A_1824 = arith.muli %scan3A_1822, %mul3A_1823 : i32
      %get3A_1825 = arith.index_cast %mul3A_1824 : i32 to index
      %get3A_1826 = tpu.vector_load %arg11[%get3A_1825] {strides = array<i32>} : memref<10000xf32, #tpu.memory_space<vmem>>, vector<16xf32>,
      %get3A_1827 = vector.shape_cast %get3A_1826 : vector<16xf32> to vector<16xf32>
      %get3A_1828 = arith.index_cast %mul3A_1824 : i32 to index
      %get3A_1829 = tpu.vector_load %arg12[%get3A_1828] {strides = array<i32>} : memref<10000xf32, #tpu.memory_space<vmem>>, vector<16xf32>,
      %get3A_1830 = vector.shape_cast %get3A_1829 : vector<16xf32> to vector<16xf32>
      %add3A_1831 = arith.addf %get3A_1827, %get3A_1830 : vector<16xf32>
      %neg3A_1832 = arith.constant 0.000000e+00 : f32
      %neg3A_1833 = vector.broadcast %neg3A_1832 : f32 to vector<16xf32>
      %neg3A_1834 = arith.subf %neg3A_1833, %add3A_1831 : vector<16xf32>
      %exp3A_1835 = math.exp %neg3A_1834 : vector<16xf32>
      %add3A_1836 = arith.constant 1.000000e+00 : f32
      %add3A_1837 = vector.broadcast %add3A_1836 : f32 to vector<16xf32>
      %add3A_1838 = arith.addf %add3A_1837, %exp3A_1835 : vector<16xf32>
      %div3A_1839 = arith.constant 1.000000e+00 : f32
      %div3A_1840 = vector.broadcast %div3A_1839 : f32 to vector<16xf32>
      %div3A_1841 = arith.divf %div3A_1840, %add3A_1838 : vector<16xf32>
      %max3A_1842 = arith.constant 9.99999974E-6 : f32
      %max3A_1843 = vector.broadcast %max3A_1842 : f32 to vector<16xf32>
      %max3A_1844 = arith.maximumf %div3A_1841, %max3A_1843 : vector<16xf32>
      %min3A_1845 = arith.constant 0.999989986 : f32
      %min3A_1846 = vector.broadcast %min3A_1845 : f32 to vector<16xf32>
      %min3A_1847 = arith.minimumf %max3A_1844, %min3A_1846 : vector<16xf32>
      %swap3A_1848 = arith.index_cast %mul3A_1824 : i32 to index
      %swap3A_1849 = tpu.vector_load %arg10[%swap3A_1848] {strides = array<i32>} : memref<10000xf32, #tpu.memory_space<vmem>>, vector<16xf32>,
      %swap3A_1850 = vector.shape_cast %swap3A_1849 : vector<16xf32> to vector<16xf32>
      %swap3A_1851 = vector.shape_cast %min3A_1847 : vector<16xf32> to vector<16xf32>
      tpu.vector_store %arg10[%swap3A_1848], %swap3A_1851 {strides = array<i32>} : memref<10000xf32, #tpu.memory_space<vmem>>, vector<16xf32>,
      %scan3A_1852 = arith.constant 3 : i32
      %scan3A_1853 = arith.addi %scan3A_1760, %scan3A_1852 : i32
      %mul3A_1854 = arith.constant 16 : i32
      %mul3A_1855 = arith.muli %scan3A_1853, %mul3A_1854 : i32
      %get3A_1856 = arith.index_cast %mul3A_1855 : i32 to index
      %get3A_1857 = tpu.vector_load %arg11[%get3A_1856] {strides = array<i32>} : memref<10000xf32, #tpu.memory_space<vmem>>, vector<16xf32>,
      %get3A_1858 = vector.shape_cast %get3A_1857 : vector<16xf32> to vector<16xf32>
      %get3A_1859 = arith.index_cast %mul3A_1855 : i32 to index
      %get3A_1860 = tpu.vector_load %arg12[%get3A_1859] {strides = array<i32>} : memref<10000xf32, #tpu.memory_space<vmem>>, vector<16xf32>,
      %get3A_1861 = vector.shape_cast %get3A_1860 : vector<16xf32> to vector<16xf32>
      %add3A_1862 = arith.addf %get3A_1858, %get3A_1861 : vector<16xf32>
      %neg3A_1863 = arith.constant 0.000000e+00 : f32
      %neg3A_1864 = vector.broadcast %neg3A_1863 : f32 to vector<16xf32>
      %neg3A_1865 = arith.subf %neg3A_1864, %add3A_1862 : vector<16xf32>
      %exp3A_1866 = math.exp %neg3A_1865 : vector<16xf32>
      %add3A_1867 = arith.constant 1.000000e+00 : f32
      %add3A_1868 = vector.broadcast %add3A_1867 : f32 to vector<16xf32>
      %add3A_1869 = arith.addf %add3A_1868, %exp3A_1866 : vector<16xf32>
      %div3A_1870 = arith.constant 1.000000e+00 : f32
      %div3A_1871 = vector.broadcast %div3A_1870 : f32 to vector<16xf32>
      %div3A_1872 = arith.divf %div3A_1871, %add3A_1869 : vector<16xf32>
      %max3A_1873 = arith.constant 9.99999974E-6 : f32
      %max3A_1874 = vector.broadcast %max3A_1873 : f32 to vector<16xf32>
      %max3A_1875 = arith.maximumf %div3A_1872, %max3A_1874 : vector<16xf32>
      %min3A_1876 = arith.constant 0.999989986 : f32
      %min3A_1877 = vector.broadcast %min3A_1876 : f32 to vector<16xf32>
      %min3A_1878 = arith.minimumf %max3A_1875, %min3A_1877 : vector<16xf32>
      %swap3A_1879 = arith.index_cast %mul3A_1855 : i32 to index
      %swap3A_1880 = tpu.vector_load %arg10[%swap3A_1879] {strides = array<i32>} : memref<10000xf32, #tpu.memory_space<vmem>>, vector<16xf32>,
      %swap3A_1881 = vector.shape_cast %swap3A_1880 : vector<16xf32> to vector<16xf32>
      %swap3A_1882 = vector.shape_cast %min3A_1878 : vector<16xf32> to vector<16xf32>
      tpu.vector_store %arg10[%swap3A_1879], %swap3A_1882 {strides = array<i32>} : memref<10000xf32, #tpu.memory_space<vmem>>, vector<16xf32>,
      %scan3A_1883 = arith.constant 4 : i32
      %scan3A_1884 = arith.addi %scan3A_1760, %scan3A_1883 : i32
      %mul3A_1885 = arith.constant 16 : i32
      %mul3A_1886 = arith.muli %scan3A_1884, %mul3A_1885 : i32
      %get3A_1887 = arith.index_cast %mul3A_1886 : i32 to index
      %get3A_1888 = tpu.vector_load %arg11[%get3A_1887] {strides = array<i32>} : memref<10000xf32, #tpu.memory_space<vmem>>, vector<16xf32>,
      %get3A_1889 = vector.shape_cast %get3A_1888 : vector<16xf32> to vector<16xf32>
      %get3A_1890 = arith.index_cast %mul3A_1886 : i32 to index
      %get3A_1891 = tpu.vector_load %arg12[%get3A_1890] {strides = array<i32>} : memref<10000xf32, #tpu.memory_space<vmem>>, vector<16xf32>,
      %get3A_1892 = vector.shape_cast %get3A_1891 : vector<16xf32> to vector<16xf32>
      %add3A_1893 = arith.addf %get3A_1889, %get3A_1892 : vector<16xf32>
      %neg3A_1894 = arith.constant 0.000000e+00 : f32
      %neg3A_1895 = vector.broadcast %neg3A_1894 : f32 to vector<16xf32>
      %neg3A_1896 = arith.subf %neg3A_1895, %add3A_1893 : vector<16xf32>
      %exp3A_1897 = math.exp %neg3A_1896 : vector<16xf32>
      %add3A_1898 = arith.constant 1.000000e+00 : f32
      %add3A_1899 = vector.broadcast %add3A_1898 : f32 to vector<16xf32>
      %add3A_1900 = arith.addf %add3A_1899, %exp3A_1897 : vector<16xf32>
      %div3A_1901 = arith.constant 1.000000e+00 : f32
      %div3A_1902 = vector.broadcast %div3A_1901 : f32 to vector<16xf32>
      %div3A_1903 = arith.divf %div3A_1902, %add3A_1900 : vector<16xf32>
      %max3A_1904 = arith.constant 9.99999974E-6 : f32
      %max3A_1905 = vector.broadcast %max3A_1904 : f32 to vector<16xf32>
      %max3A_1906 = arith.maximumf %div3A_1903, %max3A_1905 : vector<16xf32>
      %min3A_1907 = arith.constant 0.999989986 : f32
      %min3A_1908 = vector.broadcast %min3A_1907 : f32 to vector<16xf32>
      %min3A_1909 = arith.minimumf %max3A_1906, %min3A_1908 : vector<16xf32>
      %swap3A_1910 = arith.index_cast %mul3A_1886 : i32 to index
      %swap3A_1911 = tpu.vector_load %arg10[%swap3A_1910] {strides = array<i32>} : memref<10000xf32, #tpu.memory_space<vmem>>, vector<16xf32>,
      %swap3A_1912 = vector.shape_cast %swap3A_1911 : vector<16xf32> to vector<16xf32>
      %swap3A_1913 = vector.shape_cast %min3A_1909 : vector<16xf32> to vector<16xf32>
      tpu.vector_store %arg10[%swap3A_1910], %swap3A_1913 {strides = array<i32>} : memref<10000xf32, #tpu.memory_space<vmem>>, vector<16xf32>,
      %scan3A_1914 = arith.constant 5 : i32
      %scan3A_1915 = arith.addi %scan3A_1760, %scan3A_1914 : i32
      %mul3A_1916 = arith.constant 16 : i32
      %mul3A_1917 = arith.muli %scan3A_1915, %mul3A_1916 : i32
      %get3A_1918 = arith.index_cast %mul3A_1917 : i32 to index
      %get3A_1919 = tpu.vector_load %arg11[%get3A_1918] {strides = array<i32>} : memref<10000xf32, #tpu.memory_space<vmem>>, vector<16xf32>,
      %get3A_1920 = vector.shape_cast %get3A_1919 : vector<16xf32> to vector<16xf32>
      %get3A_1921 = arith.index_cast %mul3A_1917 : i32 to index
      %get3A_1922 = tpu.vector_load %arg12[%get3A_1921] {strides = array<i32>} : memref<10000xf32, #tpu.memory_space<vmem>>, vector<16xf32>,
      %get3A_1923 = vector.shape_cast %get3A_1922 : vector<16xf32> to vector<16xf32>
      %add3A_1924 = arith.addf %get3A_1920, %get3A_1923 : vector<16xf32>
      %neg3A_1925 = arith.constant 0.000000e+00 : f32
      %neg3A_1926 = vector.broadcast %neg3A_1925 : f32 to vector<16xf32>
      %neg3A_1927 = arith.subf %neg3A_1926, %add3A_1924 : vector<16xf32>
      %exp3A_1928 = math.exp %neg3A_1927 : vector<16xf32>
      %add3A_1929 = arith.constant 1.000000e+00 : f32
      %add3A_1930 = vector.broadcast %add3A_1929 : f32 to vector<16xf32>
      %add3A_1931 = arith.addf %add3A_1930, %exp3A_1928 : vector<16xf32>
      %div3A_1932 = arith.constant 1.000000e+00 : f32
      %div3A_1933 = vector.broadcast %div3A_1932 : f32 to vector<16xf32>
      %div3A_1934 = arith.divf %div3A_1933, %add3A_1931 : vector<16xf32>
      %max3A_1935 = arith.constant 9.99999974E-6 : f32
      %max3A_1936 = vector.broadcast %max3A_1935 : f32 to vector<16xf32>
      %max3A_1937 = arith.maximumf %div3A_1934, %max3A_1936 : vector<16xf32>
      %min3A_1938 = arith.constant 0.999989986 : f32
      %min3A_1939 = vector.broadcast %min3A_1938 : f32 to vector<16xf32>
      %min3A_1940 = arith.minimumf %max3A_1937, %min3A_1939 : vector<16xf32>
      %swap3A_1941 = arith.index_cast %mul3A_1917 : i32 to index
      %swap3A_1942 = tpu.vector_load %arg10[%swap3A_1941] {strides = array<i32>} : memref<10000xf32, #tpu.memory_space<vmem>>, vector<16xf32>,
      %swap3A_1943 = vector.shape_cast %swap3A_1942 : vector<16xf32> to vector<16xf32>
      %swap3A_1944 = vector.shape_cast %min3A_1940 : vector<16xf32> to vector<16xf32>
      tpu.vector_store %arg10[%swap3A_1941], %swap3A_1944 {strides = array<i32>} : memref<10000xf32, #tpu.memory_space<vmem>>, vector<16xf32>,
      %scan3A_1945 = arith.constant 6 : i32
      %scan3A_1946 = arith.addi %scan3A_1760, %scan3A_1945 : i32
      %mul3A_1947 = arith.constant 16 : i32
      %mul3A_1948 = arith.muli %scan3A_1946, %mul3A_1947 : i32
      %get3A_1949 = arith.index_cast %mul3A_1948 : i32 to index
      %get3A_1950 = tpu.vector_load %arg11[%get3A_1949] {strides = array<i32>} : memref<10000xf32, #tpu.memory_space<vmem>>, vector<16xf32>,
      %get3A_1951 = vector.shape_cast %get3A_1950 : vector<16xf32> to vector<16xf32>
      %get3A_1952 = arith.index_cast %mul3A_1948 : i32 to index
      %get3A_1953 = tpu.vector_load %arg12[%get3A_1952] {strides = array<i32>} : memref<10000xf32, #tpu.memory_space<vmem>>, vector<16xf32>,
      %get3A_1954 = vector.shape_cast %get3A_1953 : vector<16xf32> to vector<16xf32>
      %add3A_1955 = arith.addf %get3A_1951, %get3A_1954 : vector<16xf32>
      %neg3A_1956 = arith.constant 0.000000e+00 : f32
      %neg3A_1957 = vector.broadcast %neg3A_1956 : f32 to vector<16xf32>
      %neg3A_1958 = arith.subf %neg3A_1957, %add3A_1955 : vector<16xf32>
      %exp3A_1959 = math.exp %neg3A_1958 : vector<16xf32>
      %add3A_1960 = arith.constant 1.000000e+00 : f32
      %add3A_1961 = vector.broadcast %add3A_1960 : f32 to vector<16xf32>
      %add3A_1962 = arith.addf %add3A_1961, %exp3A_1959 : vector<16xf32>
      %div3A_1963 = arith.constant 1.000000e+00 : f32
      %div3A_1964 = vector.broadcast %div3A_1963 : f32 to vector<16xf32>
      %div3A_1965 = arith.divf %div3A_1964, %add3A_1962 : vector<16xf32>
      %max3A_1966 = arith.constant 9.99999974E-6 : f32
      %max3A_1967 = vector.broadcast %max3A_1966 : f32 to vector<16xf32>
      %max3A_1968 = arith.maximumf %div3A_1965, %max3A_1967 : vector<16xf32>
      %min3A_1969 = arith.constant 0.999989986 : f32
      %min3A_1970 = vector.broadcast %min3A_1969 : f32 to vector<16xf32>
      %min3A_1971 = arith.minimumf %max3A_1968, %min3A_1970 : vector<16xf32>
      %swap3A_1972 = arith.index_cast %mul3A_1948 : i32 to index
      %swap3A_1973 = tpu.vector_load %arg10[%swap3A_1972] {strides = array<i32>} : memref<10000xf32, #tpu.memory_space<vmem>>, vector<16xf32>,
      %swap3A_1974 = vector.shape_cast %swap3A_1973 : vector<16xf32> to vector<16xf32>
      %swap3A_1975 = vector.shape_cast %min3A_1971 : vector<16xf32> to vector<16xf32>
      tpu.vector_store %arg10[%swap3A_1972], %swap3A_1975 {strides = array<i32>} : memref<10000xf32, #tpu.memory_space<vmem>>, vector<16xf32>,
      %scan3A_1976 = arith.constant 7 : i32
      %scan3A_1977 = arith.addi %scan3A_1760, %scan3A_1976 : i32
      %mul3A_1978 = arith.constant 16 : i32
      %mul3A_1979 = arith.muli %scan3A_1977, %mul3A_1978 : i32
      %get3A_1980 = arith.index_cast %mul3A_1979 : i32 to index
      %get3A_1981 = tpu.vector_load %arg11[%get3A_1980] {strides = array<i32>} : memref<10000xf32, #tpu.memory_space<vmem>>, vector<16xf32>,
      %get3A_1982 = vector.shape_cast %get3A_1981 : vector<16xf32> to vector<16xf32>
      %get3A_1983 = arith.index_cast %mul3A_1979 : i32 to index
      %get3A_1984 = tpu.vector_load %arg12[%get3A_1983] {strides = array<i32>} : memref<10000xf32, #tpu.memory_space<vmem>>, vector<16xf32>,
      %get3A_1985 = vector.shape_cast %get3A_1984 : vector<16xf32> to vector<16xf32>
      %add3A_1986 = arith.addf %get3A_1982, %get3A_1985 : vector<16xf32>
      %neg3A_1987 = arith.constant 0.000000e+00 : f32
      %neg3A_1988 = vector.broadcast %neg3A_1987 : f32 to vector<16xf32>
      %neg3A_1989 = arith.subf %neg3A_1988, %add3A_1986 : vector<16xf32>
      %exp3A_1990 = math.exp %neg3A_1989 : vector<16xf32>
      %add3A_1991 = arith.constant 1.000000e+00 : f32
      %add3A_1992 = vector.broadcast %add3A_1991 : f32 to vector<16xf32>
      %add3A_1993 = arith.addf %add3A_1992, %exp3A_1990 : vector<16xf32>
      %div3A_1994 = arith.constant 1.000000e+00 : f32
      %div3A_1995 = vector.broadcast %div3A_1994 : f32 to vector<16xf32>
      %div3A_1996 = arith.divf %div3A_1995, %add3A_1993 : vector<16xf32>
      %max3A_1997 = arith.constant 9.99999974E-6 : f32
      %max3A_1998 = vector.broadcast %max3A_1997 : f32 to vector<16xf32>
      %max3A_1999 = arith.maximumf %div3A_1996, %max3A_1998 : vector<16xf32>
      %min3A_2000 = arith.constant 0.999989986 : f32
      %min3A_2001 = vector.broadcast %min3A_2000 : f32 to vector<16xf32>
      %min3A_2002 = arith.minimumf %max3A_1999, %min3A_2001 : vector<16xf32>
      %swap3A_2003 = arith.index_cast %mul3A_1979 : i32 to index
      %swap3A_2004 = tpu.vector_load %arg10[%swap3A_2003] {strides = array<i32>} : memref<10000xf32, #tpu.memory_space<vmem>>, vector<16xf32>,
      %swap3A_2005 = vector.shape_cast %swap3A_2004 : vector<16xf32> to vector<16xf32>
      %swap3A_2006 = vector.shape_cast %min3A_2002 : vector<16xf32> to vector<16xf32>
      tpu.vector_store %arg10[%swap3A_2003], %swap3A_2006 {strides = array<i32>} : memref<10000xf32, #tpu.memory_space<vmem>>, vector<16xf32>,
    }
    %scan3A_1556 = arith.constant 120 : i32
    %scan3A_1557 = arith.addi %scan3A_1552, %scan3A_1556 : i32
    %mul3A_1558 = arith.constant 16 : i32
    %mul3A_1559 = arith.muli %scan3A_1557, %mul3A_1558 : i32
    %get3A_1560 = arith.index_cast %mul3A_1559 : i32 to index
    %get3A_1561 = tpu.vector_load %arg11[%get3A_1560] {strides = array<i32>} : memref<10000xf32, #tpu.memory_space<vmem>>, vector<16xf32>,
    %get3A_1562 = vector.shape_cast %get3A_1561 : vector<16xf32> to vector<16xf32>
    %get3A_1563 = arith.index_cast %mul3A_1559 : i32 to index
    %get3A_1564 = tpu.vector_load %arg12[%get3A_1563] {strides = array<i32>} : memref<10000xf32, #tpu.memory_space<vmem>>, vector<16xf32>,
    %get3A_1565 = vector.shape_cast %get3A_1564 : vector<16xf32> to vector<16xf32>
    %add3A_1566 = arith.addf %get3A_1562, %get3A_1565 : vector<16xf32>
    %neg3A_1567 = arith.constant 0.000000e+00 : f32
    %neg3A_1568 = vector.broadcast %neg3A_1567 : f32 to vector<16xf32>
    %neg3A_1569 = arith.subf %neg3A_1568, %add3A_1566 : vector<16xf32>
    %exp3A_1570 = math.exp %neg3A_1569 : vector<16xf32>
    %add3A_1571 = arith.constant 1.000000e+00 : f32
    %add3A_1572 = vector.broadcast %add3A_1571 : f32 to vector<16xf32>
    %add3A_1573 = arith.addf %add3A_1572, %exp3A_1570 : vector<16xf32>
    %div3A_1574 = arith.constant 1.000000e+00 : f32
    %div3A_1575 = vector.broadcast %div3A_1574 : f32 to vector<16xf32>
    %div3A_1576 = arith.divf %div3A_1575, %add3A_1573 : vector<16xf32>
    %max3A_1577 = arith.constant 9.99999974E-6 : f32
    %max3A_1578 = vector.broadcast %max3A_1577 : f32 to vector<16xf32>
    %max3A_1579 = arith.maximumf %div3A_1576, %max3A_1578 : vector<16xf32>
    %min3A_1580 = arith.constant 0.999989986 : f32
    %min3A_1581 = vector.broadcast %min3A_1580 : f32 to vector<16xf32>
    %min3A_1582 = arith.minimumf %max3A_1579, %min3A_1581 : vector<16xf32>
    %swap3A_1583 = arith.index_cast %mul3A_1559 : i32 to index
    %swap3A_1584 = tpu.vector_load %arg10[%swap3A_1583] {strides = array<i32>} : memref<10000xf32, #tpu.memory_space<vmem>>, vector<16xf32>,
    %swap3A_1585 = vector.shape_cast %swap3A_1584 : vector<16xf32> to vector<16xf32>
    %swap3A_1586 = vector.shape_cast %min3A_1582 : vector<16xf32> to vector<16xf32>
    tpu.vector_store %arg10[%swap3A_1583], %swap3A_1586 {strides = array<i32>} : memref<10000xf32, #tpu.memory_space<vmem>>, vector<16xf32>,
    %scan3A_1587 = arith.constant 121 : i32
    %scan3A_1588 = arith.addi %scan3A_1552, %scan3A_1587 : i32
    %mul3A_1589 = arith.constant 16 : i32
    %mul3A_1590 = arith.muli %scan3A_1588, %mul3A_1589 : i32
    %get3A_1591 = arith.index_cast %mul3A_1590 : i32 to index
    %get3A_1592 = tpu.vector_load %arg11[%get3A_1591] {strides = array<i32>} : memref<10000xf32, #tpu.memory_space<vmem>>, vector<16xf32>,
    %get3A_1593 = vector.shape_cast %get3A_1592 : vector<16xf32> to vector<16xf32>
    %get3A_1594 = arith.index_cast %mul3A_1590 : i32 to index
    %get3A_1595 = tpu.vector_load %arg12[%get3A_1594] {strides = array<i32>} : memref<10000xf32, #tpu.memory_space<vmem>>, vector<16xf32>,
    %get3A_1596 = vector.shape_cast %get3A_1595 : vector<16xf32> to vector<16xf32>
    %add3A_1597 = arith.addf %get3A_1593, %get3A_1596 : vector<16xf32>
    %neg3A_1598 = arith.constant 0.000000e+00 : f32
    %neg3A_1599 = vector.broadcast %neg3A_1598 : f32 to vector<16xf32>
    %neg3A_1600 = arith.subf %neg3A_1599, %add3A_1597 : vector<16xf32>
    %exp3A_1601 = math.exp %neg3A_1600 : vector<16xf32>
    %add3A_1602 = arith.constant 1.000000e+00 : f32
    %add3A_1603 = vector.broadcast %add3A_1602 : f32 to vector<16xf32>
    %add3A_1604 = arith.addf %add3A_1603, %exp3A_1601 : vector<16xf32>
    %div3A_1605 = arith.constant 1.000000e+00 : f32
    %div3A_1606 = vector.broadcast %div3A_1605 : f32 to vector<16xf32>
    %div3A_1607 = arith.divf %div3A_1606, %add3A_1604 : vector<16xf32>
    %max3A_1608 = arith.constant 9.99999974E-6 : f32
    %max3A_1609 = vector.broadcast %max3A_1608 : f32 to vector<16xf32>
    %max3A_1610 = arith.maximumf %div3A_1607, %max3A_1609 : vector<16xf32>
    %min3A_1611 = arith.constant 0.999989986 : f32
    %min3A_1612 = vector.broadcast %min3A_1611 : f32 to vector<16xf32>
    %min3A_1613 = arith.minimumf %max3A_1610, %min3A_1612 : vector<16xf32>
    %swap3A_1614 = arith.index_cast %mul3A_1590 : i32 to index
    %swap3A_1615 = tpu.vector_load %arg10[%swap3A_1614] {strides = array<i32>} : memref<10000xf32, #tpu.memory_space<vmem>>, vector<16xf32>,
    %swap3A_1616 = vector.shape_cast %swap3A_1615 : vector<16xf32> to vector<16xf32>
    %swap3A_1617 = vector.shape_cast %min3A_1613 : vector<16xf32> to vector<16xf32>
    tpu.vector_store %arg10[%swap3A_1614], %swap3A_1617 {strides = array<i32>} : memref<10000xf32, #tpu.memory_space<vmem>>, vector<16xf32>,
    %scan3A_1618 = arith.constant 122 : i32
    %scan3A_1619 = arith.addi %scan3A_1552, %scan3A_1618 : i32
    %mul3A_1620 = arith.constant 16 : i32
    %mul3A_1621 = arith.muli %scan3A_1619, %mul3A_1620 : i32
    %get3A_1622 = arith.index_cast %mul3A_1621 : i32 to index
    %get3A_1623 = tpu.vector_load %arg11[%get3A_1622] {strides = array<i32>} : memref<10000xf32, #tpu.memory_space<vmem>>, vector<16xf32>,
    %get3A_1624 = vector.shape_cast %get3A_1623 : vector<16xf32> to vector<16xf32>
    %get3A_1625 = arith.index_cast %mul3A_1621 : i32 to index
    %get3A_1626 = tpu.vector_load %arg12[%get3A_1625] {strides = array<i32>} : memref<10000xf32, #tpu.memory_space<vmem>>, vector<16xf32>,
    %get3A_1627 = vector.shape_cast %get3A_1626 : vector<16xf32> to vector<16xf32>
    %add3A_1628 = arith.addf %get3A_1624, %get3A_1627 : vector<16xf32>
    %neg3A_1629 = arith.constant 0.000000e+00 : f32
    %neg3A_1630 = vector.broadcast %neg3A_1629 : f32 to vector<16xf32>
    %neg3A_1631 = arith.subf %neg3A_1630, %add3A_1628 : vector<16xf32>
    %exp3A_1632 = math.exp %neg3A_1631 : vector<16xf32>
    %add3A_1633 = arith.constant 1.000000e+00 : f32
    %add3A_1634 = vector.broadcast %add3A_1633 : f32 to vector<16xf32>
    %add3A_1635 = arith.addf %add3A_1634, %exp3A_1632 : vector<16xf32>
    %div3A_1636 = arith.constant 1.000000e+00 : f32
    %div3A_1637 = vector.broadcast %div3A_1636 : f32 to vector<16xf32>
    %div3A_1638 = arith.divf %div3A_1637, %add3A_1635 : vector<16xf32>
    %max3A_1639 = arith.constant 9.99999974E-6 : f32
    %max3A_1640 = vector.broadcast %max3A_1639 : f32 to vector<16xf32>
    %max3A_1641 = arith.maximumf %div3A_1638, %max3A_1640 : vector<16xf32>
    %min3A_1642 = arith.constant 0.999989986 : f32
    %min3A_1643 = vector.broadcast %min3A_1642 : f32 to vector<16xf32>
    %min3A_1644 = arith.minimumf %max3A_1641, %min3A_1643 : vector<16xf32>
    %swap3A_1645 = arith.index_cast %mul3A_1621 : i32 to index
    %swap3A_1646 = tpu.vector_load %arg10[%swap3A_1645] {strides = array<i32>} : memref<10000xf32, #tpu.memory_space<vmem>>, vector<16xf32>,
    %swap3A_1647 = vector.shape_cast %swap3A_1646 : vector<16xf32> to vector<16xf32>
    %swap3A_1648 = vector.shape_cast %min3A_1644 : vector<16xf32> to vector<16xf32>
    tpu.vector_store %arg10[%swap3A_1645], %swap3A_1648 {strides = array<i32>} : memref<10000xf32, #tpu.memory_space<vmem>>, vector<16xf32>,
    %scan3A_1649 = arith.constant 123 : i32
    %scan3A_1650 = arith.addi %scan3A_1552, %scan3A_1649 : i32
    %mul3A_1651 = arith.constant 16 : i32
    %mul3A_1652 = arith.muli %scan3A_1650, %mul3A_1651 : i32
    %get3A_1653 = arith.index_cast %mul3A_1652 : i32 to index
    %get3A_1654 = tpu.vector_load %arg11[%get3A_1653] {strides = array<i32>} : memref<10000xf32, #tpu.memory_space<vmem>>, vector<16xf32>,
    %get3A_1655 = vector.shape_cast %get3A_1654 : vector<16xf32> to vector<16xf32>
    %get3A_1656 = arith.index_cast %mul3A_1652 : i32 to index
    %get3A_1657 = tpu.vector_load %arg12[%get3A_1656] {strides = array<i32>} : memref<10000xf32, #tpu.memory_space<vmem>>, vector<16xf32>,
    %get3A_1658 = vector.shape_cast %get3A_1657 : vector<16xf32> to vector<16xf32>
    %add3A_1659 = arith.addf %get3A_1655, %get3A_1658 : vector<16xf32>
    %neg3A_1660 = arith.constant 0.000000e+00 : f32
    %neg3A_1661 = vector.broadcast %neg3A_1660 : f32 to vector<16xf32>
    %neg3A_1662 = arith.subf %neg3A_1661, %add3A_1659 : vector<16xf32>
    %exp3A_1663 = math.exp %neg3A_1662 : vector<16xf32>
    %add3A_1664 = arith.constant 1.000000e+00 : f32
    %add3A_1665 = vector.broadcast %add3A_1664 : f32 to vector<16xf32>
    %add3A_1666 = arith.addf %add3A_1665, %exp3A_1663 : vector<16xf32>
    %div3A_1667 = arith.constant 1.000000e+00 : f32
    %div3A_1668 = vector.broadcast %div3A_1667 : f32 to vector<16xf32>
    %div3A_1669 = arith.divf %div3A_1668, %add3A_1666 : vector<16xf32>
    %max3A_1670 = arith.constant 9.99999974E-6 : f32
    %max3A_1671 = vector.broadcast %max3A_1670 : f32 to vector<16xf32>
    %max3A_1672 = arith.maximumf %div3A_1669, %max3A_1671 : vector<16xf32>
    %min3A_1673 = arith.constant 0.999989986 : f32
    %min3A_1674 = vector.broadcast %min3A_1673 : f32 to vector<16xf32>
    %min3A_1675 = arith.minimumf %max3A_1672, %min3A_1674 : vector<16xf32>
    %swap3A_1676 = arith.index_cast %mul3A_1652 : i32 to index
    %swap3A_1677 = tpu.vector_load %arg10[%swap3A_1676] {strides = array<i32>} : memref<10000xf32, #tpu.memory_space<vmem>>, vector<16xf32>,
    %swap3A_1678 = vector.shape_cast %swap3A_1677 : vector<16xf32> to vector<16xf32>
    %swap3A_1679 = vector.shape_cast %min3A_1675 : vector<16xf32> to vector<16xf32>
    tpu.vector_store %arg10[%swap3A_1676], %swap3A_1679 {strides = array<i32>} : memref<10000xf32, #tpu.memory_space<vmem>>, vector<16xf32>,
    %scan3A_1680 = arith.constant 124 : i32
    %scan3A_1681 = arith.addi %scan3A_1552, %scan3A_1680 : i32
    %mul3A_1682 = arith.constant 16 : i32
    %mul3A_1683 = arith.muli %scan3A_1681, %mul3A_1682 : i32
    %get3A_1684 = arith.index_cast %mul3A_1683 : i32 to index
    %get3A_1685 = tpu.vector_load %arg11[%get3A_1684] {strides = array<i32>} : memref<10000xf32, #tpu.memory_space<vmem>>, vector<16xf32>,
    %get3A_1686 = vector.shape_cast %get3A_1685 : vector<16xf32> to vector<16xf32>
    %get3A_1687 = arith.index_cast %mul3A_1683 : i32 to index
    %get3A_1688 = tpu.vector_load %arg12[%get3A_1687] {strides = array<i32>} : memref<10000xf32, #tpu.memory_space<vmem>>, vector<16xf32>,
    %get3A_1689 = vector.shape_cast %get3A_1688 : vector<16xf32> to vector<16xf32>
    %add3A_1690 = arith.addf %get3A_1686, %get3A_1689 : vector<16xf32>
    %neg3A_1691 = arith.constant 0.000000e+00 : f32
    %neg3A_1692 = vector.broadcast %neg3A_1691 : f32 to vector<16xf32>
    %neg3A_1693 = arith.subf %neg3A_1692, %add3A_1690 : vector<16xf32>
    %exp3A_1694 = math.exp %neg3A_1693 : vector<16xf32>
    %add3A_1695 = arith.constant 1.000000e+00 : f32
    %add3A_1696 = vector.broadcast %add3A_1695 : f32 to vector<16xf32>
    %add3A_1697 = arith.addf %add3A_1696, %exp3A_1694 : vector<16xf32>
    %div3A_1698 = arith.constant 1.000000e+00 : f32
    %div3A_1699 = vector.broadcast %div3A_1698 : f32 to vector<16xf32>
    %div3A_1700 = arith.divf %div3A_1699, %add3A_1697 : vector<16xf32>
    %max3A_1701 = arith.constant 9.99999974E-6 : f32
    %max3A_1702 = vector.broadcast %max3A_1701 : f32 to vector<16xf32>
    %max3A_1703 = arith.maximumf %div3A_1700, %max3A_1702 : vector<16xf32>
    %min3A_1704 = arith.constant 0.999989986 : f32
    %min3A_1705 = vector.broadcast %min3A_1704 : f32 to vector<16xf32>
    %min3A_1706 = arith.minimumf %max3A_1703, %min3A_1705 : vector<16xf32>
    %swap3A_1707 = arith.index_cast %mul3A_1683 : i32 to index
    %swap3A_1708 = tpu.vector_load %arg10[%swap3A_1707] {strides = array<i32>} : memref<10000xf32, #tpu.memory_space<vmem>>, vector<16xf32>,
    %swap3A_1709 = vector.shape_cast %swap3A_1708 : vector<16xf32> to vector<16xf32>
    %swap3A_1710 = vector.shape_cast %min3A_1706 : vector<16xf32> to vector<16xf32>
    tpu.vector_store %arg10[%swap3A_1707], %swap3A_1710 {strides = array<i32>} : memref<10000xf32, #tpu.memory_space<vmem>>, vector<16xf32>,
    %scan3A_1711 = arith.constant 125 : i32
    %add3A_1712 = arith.constant 8000 : i32
    %add3A_1713 = arith.addi %mul3A_2, %add3A_1712 : i32
    %dma_start3A_1714 = arith.constant 8000 : i32
    %dma_start3A_1715 = tpu.memref_slice %arg10[%dma_start3A_1714] : memref<10000xf32, #tpu.memory_space<vmem>> -> memref<2000xf32, #tpu.memory_space<vmem>>
    %dma_start3A_1716 = tpu.memref_slice %arg6[%add3A_1713] : memref<320000xf32, #tpu.memory_space<hbm>> -> memref<2000xf32, #tpu.memory_space<hbm>>
    %dma_start3A_1717 = tpu.memref_slice %arg6[%add3A_1713] : memref<320000xf32, #tpu.memory_space<hbm>> -> memref<2000xf32, #tpu.memory_space<hbm>>
    %dma_start3A_1718 = arith.constant 8000 : i32
    %dma_start3A_1719 = tpu.memref_slice %arg10[%dma_start3A_1718] : memref<10000xf32, #tpu.memory_space<vmem>> -> memref<2000xf32, #tpu.memory_space<vmem>>
    tpu.enqueue_dma source(%dma_start3A_1719 : memref<2000xf32, #tpu.memory_space<vmem>>) target(%dma_start3A_1717 : memref<2000xf32, #tpu.memory_space<hbm>>) target_semaphore(%arg16 : memref<!tpu.dma_semaphore, #tpu.memory_space<semaphore_mem>>)
    %add3A_1720 = arith.constant 0 : i32
    %add3A_1721 = arith.addi %mul3A_2, %add3A_1720 : i32
    %dma_wait3A_1722 = arith.constant 0 : i32
    %dma_wait3A_1723 = tpu.memref_slice %arg10[%dma_wait3A_1722] : memref<10000xf32, #tpu.memory_space<vmem>> -> memref<2000xf32, #tpu.memory_space<vmem>>
    %dma_wait3A_1724 = tpu.memref_slice %arg6[%add3A_1721] : memref<320000xf32, #tpu.memory_space<hbm>> -> memref<2000xf32, #tpu.memory_space<hbm>>
    %dma_wait3A_1725 = tpu.memref_slice %arg6[%add3A_1721] : memref<320000xf32, #tpu.memory_space<hbm>> -> memref<2000xf32, #tpu.memory_space<hbm>>
    %dma_wait3A_1726 = arith.constant 0 : i32
    %dma_wait3A_1727 = tpu.memref_slice %arg10[%dma_wait3A_1726] : memref<10000xf32, #tpu.memory_space<vmem>> -> memref<2000xf32, #tpu.memory_space<vmem>>
    tpu.wait_dma2 semaphore(%arg16 : memref<!tpu.dma_semaphore, #tpu.memory_space<semaphore_mem>>) src(%dma_wait3A_1727 : memref<2000xf32, #tpu.memory_space<vmem>>) dst(%dma_wait3A_1725 : memref<2000xf32, #tpu.memory_space<hbm>>)
    %add3A_1728 = arith.constant 2000 : i32
    %add3A_1729 = arith.addi %mul3A_2, %add3A_1728 : i32
    %dma_wait3A_1730 = arith.constant 2000 : i32
    %dma_wait3A_1731 = tpu.memref_slice %arg10[%dma_wait3A_1730] : memref<10000xf32, #tpu.memory_space<vmem>> -> memref<2000xf32, #tpu.memory_space<vmem>>
    %dma_wait3A_1732 = tpu.memref_slice %arg6[%add3A_1729] : memref<320000xf32, #tpu.memory_space<hbm>> -> memref<2000xf32, #tpu.memory_space<hbm>>
    %dma_wait3A_1733 = tpu.memref_slice %arg6[%add3A_1729] : memref<320000xf32, #tpu.memory_space<hbm>> -> memref<2000xf32, #tpu.memory_space<hbm>>
    %dma_wait3A_1734 = arith.constant 2000 : i32
    %dma_wait3A_1735 = tpu.memref_slice %arg10[%dma_wait3A_1734] : memref<10000xf32, #tpu.memory_space<vmem>> -> memref<2000xf32, #tpu.memory_space<vmem>>
    tpu.wait_dma2 semaphore(%arg16 : memref<!tpu.dma_semaphore, #tpu.memory_space<semaphore_mem>>) src(%dma_wait3A_1735 : memref<2000xf32, #tpu.memory_space<vmem>>) dst(%dma_wait3A_1733 : memref<2000xf32, #tpu.memory_space<hbm>>)
    %add3A_1736 = arith.constant 4000 : i32
    %add3A_1737 = arith.addi %mul3A_2, %add3A_1736 : i32
    %dma_wait3A_1738 = arith.constant 4000 : i32
    %dma_wait3A_1739 = tpu.memref_slice %arg10[%dma_wait3A_1738] : memref<10000xf32, #tpu.memory_space<vmem>> -> memref<2000xf32, #tpu.memory_space<vmem>>
    %dma_wait3A_1740 = tpu.memref_slice %arg6[%add3A_1737] : memref<320000xf32, #tpu.memory_space<hbm>> -> memref<2000xf32, #tpu.memory_space<hbm>>
    %dma_wait3A_1741 = tpu.memref_slice %arg6[%add3A_1737] : memref<320000xf32, #tpu.memory_space<hbm>> -> memref<2000xf32, #tpu.memory_space<hbm>>
    %dma_wait3A_1742 = arith.constant 4000 : i32
    %dma_wait3A_1743 = tpu.memref_slice %arg10[%dma_wait3A_1742] : memref<10000xf32, #tpu.memory_space<vmem>> -> memref<2000xf32, #tpu.memory_space<vmem>>
    tpu.wait_dma2 semaphore(%arg16 : memref<!tpu.dma_semaphore, #tpu.memory_space<semaphore_mem>>) src(%dma_wait3A_1743 : memref<2000xf32, #tpu.memory_space<vmem>>) dst(%dma_wait3A_1741 : memref<2000xf32, #tpu.memory_space<hbm>>)
    %add3A_1744 = arith.constant 6000 : i32
    %add3A_1745 = arith.addi %mul3A_2, %add3A_1744 : i32
    %dma_wait3A_1746 = arith.constant 6000 : i32
    %dma_wait3A_1747 = tpu.memref_slice %arg10[%dma_wait3A_1746] : memref<10000xf32, #tpu.memory_space<vmem>> -> memref<2000xf32, #tpu.memory_space<vmem>>
    %dma_wait3A_1748 = tpu.memref_slice %arg6[%add3A_1745] : memref<320000xf32, #tpu.memory_space<hbm>> -> memref<2000xf32, #tpu.memory_space<hbm>>
    %dma_wait3A_1749 = tpu.memref_slice %arg6[%add3A_1745] : memref<320000xf32, #tpu.memory_space<hbm>> -> memref<2000xf32, #tpu.memory_space<hbm>>
    %dma_wait3A_1750 = arith.constant 6000 : i32
    %dma_wait3A_1751 = tpu.memref_slice %arg10[%dma_wait3A_1750] : memref<10000xf32, #tpu.memory_space<vmem>> -> memref<2000xf32, #tpu.memory_space<vmem>>
    tpu.wait_dma2 semaphore(%arg16 : memref<!tpu.dma_semaphore, #tpu.memory_space<semaphore_mem>>) src(%dma_wait3A_1751 : memref<2000xf32, #tpu.memory_space<vmem>>) dst(%dma_wait3A_1749 : memref<2000xf32, #tpu.memory_space<hbm>>)
    %add3A_1752 = arith.constant 8000 : i32
    %add3A_1753 = arith.addi %mul3A_2, %add3A_1752 : i32
    %dma_wait3A_1754 = arith.constant 8000 : i32
    %dma_wait3A_1755 = tpu.memref_slice %arg10[%dma_wait3A_1754] : memref<10000xf32, #tpu.memory_space<vmem>> -> memref<2000xf32, #tpu.memory_space<vmem>>
    %dma_wait3A_1756 = tpu.memref_slice %arg6[%add3A_1753] : memref<320000xf32, #tpu.memory_space<hbm>> -> memref<2000xf32, #tpu.memory_space<hbm>>
    %dma_wait3A_1757 = tpu.memref_slice %arg6[%add3A_1753] : memref<320000xf32, #tpu.memory_space<hbm>> -> memref<2000xf32, #tpu.memory_space<hbm>>
    %dma_wait3A_1758 = arith.constant 8000 : i32
    %dma_wait3A_1759 = tpu.memref_slice %arg10[%dma_wait3A_1758] : memref<10000xf32, #tpu.memory_space<vmem>> -> memref<2000xf32, #tpu.memory_space<vmem>>
    tpu.wait_dma2 semaphore(%arg16 : memref<!tpu.dma_semaphore, #tpu.memory_space<semaphore_mem>>) src(%dma_wait3A_1759 : memref<2000xf32, #tpu.memory_space<vmem>>) dst(%dma_wait3A_1757 : memref<2000xf32, #tpu.memory_space<hbm>>)
    return
  }
}

module attributes {stable_mosaic.version = 14 : i64} {
  func.func @body(%arg0: memref<10000x128xf32, #tpu.memory_space<vmem>>, %arg1: memref<128x32xf32, #tpu.memory_space<vmem>>, %arg2: memref<32x10112xf32, #tpu.memory_space<vmem>>) attributes {dimension_semantics = [], scalar_prefetch = 0 : i64, scratch_operands = 0 : i64, tpu.core_type = #tpu.core_type<tc>} {
    %get3A = arith.constant 0 : index
    %get3A_0 = arith.constant 0 : index
    %get3A_1 = vector.load %arg1[%get3A, %get3A_0] : memref<128x32xf32, #tpu.memory_space<vmem>>, vector<128x32xf32>
    %get3A_2 = arith.constant 0 : index
    %get3A_3 = arith.constant 0 : index
    %get3A_4 = vector.load %arg0[%get3A_2, %get3A_3] : memref<10000x128xf32, #tpu.memory_space<vmem>>, vector<10000x128xf32>
    %dot_general3A = arith.constant dense<0.000000e+00> : vector<32x10000xf32>
    %dot_general3A_5 = tpu.matmul %get3A_1, %get3A_4, %dot_general3A {dimension_numbers = #tpu.dot_dimension_numbers<[0], [1], [1], [0], [0, 1, 1, 0], [], []>, transpose_lhs_hint = false} : vector<128x32xf32>, vector<10000x128xf32>, vector<32x10000xf32> -> vector<32x10000xf32>
    %swap3A = arith.constant 0 : index
    %swap3A_6 = arith.constant 0 : index
    %swap3A_7 = vector.load %arg2[%swap3A, %swap3A_6] : memref<32x10112xf32, #tpu.memory_space<vmem>>, vector<32x10000xf32>
    tpu.vector_store %arg2[%swap3A, %swap3A_6], %dot_general3A_5 {strides = array<i32>} : memref<32x10112xf32, #tpu.memory_space<vmem>>, vector<32x10000xf32>,
    return
  }
}

</mosaic_0001>

<sc_bundles>
// kernel: kernel.4.cloned.1.call-start
scs
__scs_entry_jumppad:
0x0: {  	(pc) =	sbr.rel $0x88, $3  }
0x1: {  	(tag) =	ssettag $0x0;
	lr =	simm.s32 $0x1  }
0x2: {  	[smem:$0x3F9D] =	sst lr;
	_ =	strace $0xD0000000  }
0x3: {  	_ = 	snop  }
0x4: {  	_ = 	snop  }
0x5: {  	_ = 	snop  }
0x6: {  	_ = 	snop  }
0x7: {  	_ = 	snop  }
__scs_overlays_trampoline_lowered:
0x8: {  	[smem:$0x3FAC] =	sst s0  }
0x9: {  	[smem:$0x3FAD] =	sst s1  }
0xa: {  	[smem:$0x3FAE] =	sst s2  }
0xb: {  	[smem:$0x3FAF] =	sst s3  }
0xc: {  	[smem:$0x3FB0] =	sst s4  }
0xd: {  	[smem:$0x3FB1] =	sst s5  }
0xe: {  	[smem:$0x3FB2] =	sst s6  }
0xf: {  	[smem:$0x3FB3] =	sst s7  }
0x10: {  	[smem:$0x3FB4] =	sst s8  }
0x11: {  	[smem:$0x3FB5] =	sst s9;
	s0 =	simm.s32 @!p0 $0x0  }
0x12: {  	s1 =	sld [smem:$0x3F9B];
	s0 =	simm.s32 @p0 $0x1  }
0x13: {  	[smem:$0x3FB6] =	sst s0;
	s0 =	simm.s32 @!p1 $0x0  }
0x14: {  	s2 =	sld [smem:$0x3F9A];
	s0 =	simm.s32 @p1 $0x1  }
0x15: {  	[smem:$0x3FB7] =	sst s0;
	s0 =	simm.s32 @!p2 $0x0  }
0x16: {  	s3 =	sld [smem:$0x3FDB];
	s0 =	simm.s32 @p2 $0x1  }
0x17: {  	s4 =	simm.s32 $0x1BF5;
	[smem:$0x3FB9] =	sst s0  }
0x18: {  	s0 =	sld [smem:$0x3F9C];
	_ =	swait.ge [sflag:s4], $0x0  }
0x19: {  	s7 =	sld [smem:$0x3F9D]  }
0x1a: {  	s8 =	sadd.s32 $0xFFFFE003, lr  }
0x1b: {  	s9 =	sadd.s32 $0xFFFFFEF7, lr;
	s5 =	simm.s32 $0xFFFFFFFF;
	p2 =	slt.u32 s8, $0xFFFFF086  }
0x1c: {  	p1 =	slt.u32 s9, $0xF7A;
	s5 =	simm.s32 @!p2 $0x0  }
0x1d: {  	s5 =	simm.s32 @p1 $0x1;
	p0 =	seq.s32 s7, s2  }
0x1e: {  	s7 =	smul.u32 @!p0 $0xF7A, s2;
	p2 =	seq.s32 @!p0 s5, $0x0  }
0x1f: {  	s9 =	smul.u32 $0xF7A, s1;
	s8 =	simm.s32 @!p0 $0x1BF5;
	p2 =	por !p2, p0  }
0x20: {  	[sflag:s8] =	ssyncset.s32 @!p0 $0xFFFFF086;
	s6 =	sadd.s32 @!p0 s3, s7;
	s7 =	simm.s32 @!p0 $0x108  }
0x21: {  	s3 =	sadd.s32 s3, s9;
	s6 =	sadd.s32 @!p0 $0x88, s6;
	s7 =	simm.s32 @p2 $0x1082  }
0x22: {  	[simem:s7], [sflag:s8] =	dma.local @!p0 [hbm:s6], $0xF7A  }
0x23: {  	s9 =	sor.u32 $0xD0000000, s2;
	s6 =	simm.s32 $0x108;
	_ =	swait.ge @!p0 [sflag:s8], $0x0  }
0x24: {  	s3 =	sadd.s32 $0x88, s3;
	s6 =	simm.s32 @!p1 $0x1082;
	[sflag:s4] =	ssyncset.s32 $0xFFFFF086  }
0x25: {  	[simem:s6], [sflag:s4] =	dma.local [hbm:s3], $0xF7A  }
0x26: {  	[smem:$0x3F9D] =	sst s1;
	(tag) =	ssettag s2;
	_ =	strace s9  }
0x27: {  	s1 =	sld [smem:$0x3FAD]  }
0x28: {  	s2 =	sld [smem:$0x3FAE]  }
0x29: {  	s4 =	sld [smem:$0x3FB0]  }
0x2a: {  	p0 =	seq.s32 s5, $0x0;
	s5 =	sld [smem:$0x3FB1]  }
0x2b: {  	s6 =	sld [smem:$0x3FB2]  }
0x2c: {  	s7 =	sld [smem:$0x3FB3]  }
0x2d: {  	s3 =	simm.s32 $0x108;
	s8 =	sld [smem:$0x3FB4]  }
0x2e: {  	s3 =	simm.s32 @!p0 $0x1082;
	s9 =	sld [smem:$0x3FB5]  }
0x2f: {  	lr =	sadd.s32 s0, s3;
	s0 =	sld [smem:$0x3FAC]  }
0x30: {  	s3 =	sld [smem:$0x3FAF]  }
0x31: {  	[smem:$0x3FB8] =	sst s10  }
0x32: {  	s10 =	sld [smem:$0x3FB6];
	_ =	sdelay $0x3  }
0x33: {  	p0 =	seq.s32 s10, $0x1;
	s10 =	sld [smem:$0x3FB8];
	_ =	sdelay $0x3  }
0x34: {  	[smem:$0x3FB8] =	sst s10  }
0x35: {  	s10 =	sld [smem:$0x3FB7];
	_ =	sdelay $0x3  }
0x36: {  	p1 =	seq.s32 s10, $0x1;
	s10 =	sld [smem:$0x3FB8];
	_ =	sdelay $0x3  }
0x37: {  	[smem:$0x3FB8] =	sst s10  }
0x38: {  	s10 =	sld [smem:$0x3FB9]  }
0x39: {  	_ = 	snop;
	(pc) =	sbr.ind lr, $3  }
0x3a: {  	_ = 	snop  }
0x3b: {  	_ = 	snop  }
0x3c: {  	p2 =	seq.s32 s10, $0x1;
	s10 =	sld [smem:$0x3FB8]  }
0x3d: {  	_ =	shalt  }
0x3e: {  	_ =	shalt  }
0x3f: {  	_ =	shalt  }
0x40: {  	_ =	shalt  }
0x41: {  	_ =	shalt  }
0x42: {  	_ =	shalt  }
0x43: {  	_ =	shalt  }
0x44: {  	_ =	shalt  }
0x45: {  	_ =	shalt  }
0x46: {  	_ =	shalt  }
0x47: {  	_ =	shalt  }
0x48: {  	_ =	shalt  }
0x49: {  	_ =	shalt  }
0x4a: {  	_ =	shalt  }
0x4b: {  	_ =	shalt  }
0x4c: {  	_ =	shalt  }
0x4d: {  	_ =	shalt  }
0x4e: {  	_ =	shalt  }
0x4f: {  	_ =	shalt  }
0x50: {  	_ =	shalt  }
0x51: {  	_ =	shalt  }
0x52: {  	_ =	shalt  }
0x53: {  	_ =	shalt  }
0x54: {  	_ =	shalt  }
0x55: {  	_ =	shalt  }
0x56: {  	_ =	shalt  }
0x57: {  	_ =	shalt  }
0x58: {  	_ =	shalt  }
0x59: {  	_ =	shalt  }
0x5a: {  	_ =	shalt  }
0x5b: {  	_ =	shalt  }
0x5c: {  	_ =	shalt  }
0x5d: {  	_ =	shalt  }
0x5e: {  	_ =	shalt  }
0x5f: {  	_ =	shalt  }
0x60: {  	_ =	shalt  }
0x61: {  	_ =	shalt  }
0x62: {  	_ =	shalt  }
0x63: {  	_ =	shalt  }
0x64: {  	_ =	shalt  }
0x65: {  	_ =	shalt  }
0x66: {  	_ =	shalt  }
0x67: {  	_ =	shalt  }
0x68: {  	_ =	shalt  }
0x69: {  	_ =	shalt  }
0x6a: {  	_ =	shalt  }
0x6b: {  	_ =	shalt  }
0x6c: {  	_ =	shalt  }
0x6d: {  	_ =	shalt  }
0x6e: {  	_ =	shalt  }
0x6f: {  	_ =	shalt  }
0x70: {  	_ =	shalt  }
0x71: {  	_ =	shalt  }
0x72: {  	_ =	shalt  }
0x73: {  	_ =	shalt  }
0x74: {  	_ =	shalt  }
0x75: {  	_ =	shalt  }
0x76: {  	_ =	shalt  }
0x77: {  	_ =	shalt  }
0x78: {  	_ =	shalt  }
0x79: {  	_ =	shalt  }
0x7a: {  	_ =	shalt  }
0x7b: {  	_ =	shalt  }
0x7c: {  	_ =	shalt  }
0x7d: {  	_ =	shalt  }
0x7e: {  	_ =	shalt  }
0x7f: {  	_ =	shalt  }
0x80: {  	_ =	shalt  }
0x81: {  	_ =	shalt  }
0x82: {  	_ =	shalt  }
0x83: {  	_ =	shalt  }
0x84: {  	_ =	shalt  }
0x85: {  	_ =	shalt  }
0x86: {  	_ =	shalt  }
0x87: {  	_ =	shalt  }
.Lfunc_end0:
.L_simem_size_0:
called_computation_lowered:
.L_overlay_start_0:
0x88: {  	s2 =	sld [smem:$0x3FD9]  }
0x89: {  	s3 =	sld [smem:$0x3FFE];
	_ =	sdelay $0x1  }
0x8a: {  	s1 =	srdreg.scid  }
0x8b: {  	s0 =	sand.u32 $0x1, s1  }
0x8c: {  	s17 =	sshll.u32 s0, $0xA;
	s2 =	sadd.s32 s3, s2  }
0x8d: {  	s2 =	sadd.s32 s2, s17  }
0x8e: {  	[smem:$0x3FC4] =	sst s2  }
0x8f: {  	_ = 	snop  }
0x90: {  	s2 =	sld [smem:$0x3FC7]  }
0x91: {  	s18 =	sld [smem:$0x3FD0];
	(tm) =	ssettm $0x1  }
0x92: {  	s4 =	sld [smem:$0x3FFB];
	_ =	sdelay $0x3  }
0x93: {  	_ =	strace s4  }
0x94: {  	s4 =	sld [smem:$0x3FFC];
	_ =	sdelay $0x3  }
0x95: {  	_ =	strace s4  }
0x96: {  	s4 =	sld [smem:$0x3FFD];
	_ =	sdelay $0x3  }
0x97: {  	_ =	strace s4  }
0x98: {  	_ =	strace $0x8FFFFFFF  }
0x99: {  	s19 =	sld [smem:$0x3FDB];
	_ =	sdelay $0x1  }
0x9a: {  	s5 =	simm.s32 $_scs_section_size  }
0x9b: {  	s6 =	simm.s32 $_size__tile_overlayer_lowered;
	s7 =	simm.s32 $_tile_overlayer_lowered  }
0x9c: {  	s22 =	simm.s32 $0x1BFF;
	s21 =	sshll.u32 s7, $0x1;
	s4 =	sadd.s32 s5, s19  }
0x9d: {  	s8 =	simm.s32 $0x0;
	s20 =	sshll.u32 s6, $0x1;
	s6 =	sadd.s32 s21, s4  }
0x9e: {  	[timem:s8], [sflag:s22] =	dma.local [hbm:s6], s20  }
0x9f: {  	_ =	swait.ge [sflag:s22], s20  }
0xa0: {  	s5 =	ssub.s32 $0x0, s20;
	[sflag:s22] =	ssyncset.done $0x0  }
0xa1: {  	[sflag:s22] =	ssyncadd.s32 s5;
	_ =	sdelay $0x1  }
0xa2: {  	s23 =	simm.s32 $0x1B8B  }
0xa3: {  	_ =	swait.ge [sflag:s23], $0x1  }
0xa4: {  	[sflag:s23] =	ssyncset.done $0x0  }
0xa5: {  	s25 =	simm.s32 $0x1B8E;
	s24 =	sld [smem:$0x3FFE];
	[sflag:s23] =	ssyncadd.s32 $0xFFFFFFFF  }
0xa6: {  	s26 =	simm.s32 $execute0_lowered;
	[smem:$0x3FD2] =	sst s25  }
0xa7: {  	s6 =	sshll.u32 s26, $0x1;
	_ =	strace $0x80000046;
	[dreg:$0x1] =	wrdreg $0xFFFFFFFF  }
0xa8: {  	s28 =	simm.s32 $_size_execute0_lowered;
	s4 =	sadd.s32 s4, s6;
	[dreg:$0x0] =	wrdreg $0x0  }
0xa9: {  	s6 =	sshll.u32 s28, $0x1;
	[dreg:$0x2] =	wrdreg s4  }
0xaa: {  	[dreg:$0x3] =	wrdreg s6  }
0xab: {  	[dreg:$0x4] =	wrdreg $0xC0  }
0xac: {  	_ =	task [dreg:s8], $0x5FFFF  }
0xad: {  	[dreg:$0x1] =	wrdreg $0xFFFFFFFF  }
0xae: {  	[dreg:$0x0] =	wrdreg $0x60  }
0xaf: {  	[dreg:$0x2] =	wrdreg s24  }
0xb0: {  	[dreg:$0x3] =	wrdreg s2  }
0xb1: {  	[dreg:$0x4] =	wrdreg s18  }
0xb2: {  	[dreg:$0x5] =	wrdreg $0xED000  }
0xb3: {  	[dreg:$0x6] =	wrdreg $0x9  }
0xb4: {  	_ =	task.clear_ibuf [dreg:s8], $0x7FFFF;
	_ =	strace $0x90000046  }
0xb5: {  	s29 =	simm.s32 $0x9;
	_ =	strace $0x80000048  }
0xb6: {  	_ =	swait.ge [sflag:s29], $0x1  }
0xb7: {  	[sflag:s29] =	ssyncadd.s32 $0xFFFFFFFF  }
0xb8: {  	_ =	strace $0x90000048  }
0xb9: {  	_ =	sfence  }
0xba: {  	s30 =	sld [smem:$0x0];
	_ =	sdelay $0x2  }
0xbb: {  	s31 =	sshll.u32 s1, $0xD;
	s1 =	sshrl.u32 s1, $0x2  }
0xbc: {  	s3 =	sand.u32 $0x4000, s31;
	s1 =	sadd.s32 s1, s30  }
0xbd: {  	s0 =	sor.u32 s3, s0;
	s1 =	sshll.u32 s1, $0x11  }
0xbe: {  	s0 =	sor.u32 s1, s0  }
0xbf: {  	s0 =	sadd.s32 $0x8F2B, s0  }
0xc0: {  	[sflag:s0] =	ssyncadd.remote.s32 $0x1  }
0xc1: {  	_ =	sfence.sel $0xFFFF  }
0xc2: {  	[dreg:$0x0] =	wrdreg $0xFFFFFFFF;
	(pc) =	sbr.abs _section_cstart, $3  }
0xc3: {  	[dreg:$0x1] =	wrdreg $0xFFFFFFFF  }
0xc4: {  	_ =	task.clear_ibuf [dreg:s8], $0x2FFFF;
	_ =	strace $0x9FFFFFFF  }
0xc5: {  	(tm) =	ssettm $0x7FFFFFFF  }
tec
execute0_lowered:
.L_overlay_start_1:
0x0: {  	(tag) =	ssettag $0x1  }
0x1: {  	s0 =	rddreg [dreg:$0x0]  }
0x2: {  	s7 =	rddreg [dreg:$0x1]  }
0x3: {  	s1 =	srdreg.scid;
	s11 =	stileid.u32  }
0x4: {  	s5 =	rddreg [dreg:$0x2];
	s14 =	simm.s32 $0x4;
	s15 =	simm.s32 $0x2780  }
0x5: {  	s17 =	simm.s32 $0x7D0;
	s19 =	simm.s32 $0xE4C0;
	s20 =	simm.s32 $0x1  }
0x6: {  	s21 =	simm.s32 $0x2;
	s22 =	simm.s32 $0x7680;
	s23 =	simm.s32 $0x7E50  }
0x7: {  	s24 =	simm.s32 $0x8620;
	s25 =	simm.s32 $0x8DF0;
	s26 =	simm.s32 $0x95C0  }
0x8: {  	s28 =	simm.s32 $0x3;
	s29 =	simm.s32 $0x0;
	s3 =	sand.u32 $0x1, s1  }
0x9: {  	s2 =	sshll.u32 s11, $0x1;
	s1 =	rddreg [dreg:$0x3];
	p0 =	sne.s32 s11, $0x0  }
0xa: {  	s4 =	sor.u32 s3, s2;
	s2 =	simm.s32 $0x0;
	s31 =	ssub.s32 $0x2, s3  }
0xb: {  	s3 =	sadd.s32 $0x200, s0;
	s4 =	smul.u32 $0x2710, s4;
	s6 =	sshrl.u32 s31, $0x1  }
0xc: {  	s13 =	sshrl.u32 @!p0 s1, $0x3;
	[smem:$0x7FF] =	sst s2;
	s12 =	ssub.s32 s31, s6  }
0xd: {  	_ =	strace $0x80000047;
	s8 =	sshrl.u32 s4, $0x3;
	s12 =	smax.u32 s12, $0x1  }
0xe: {  	s0 =	sadd.s32 s8, s0;
	s5 =	sadd.s32 s5, s8;
	s7 =	sadd.s32 s7, s8  }
0xf: {  	s4 =	sadd.s32 $0x13E00, s0;
	s6 =	sadd.s32 $0xA000, s0;
	s8 =	sadd.s32 $0xFA, s5  }
0x10: {  	s9 =	sadd.s32 $0x1F4, s5;
	s10 =	sadd.s32 $0x2EE, s5;
	s11 =	sadd.s32 $0x3E8, s5  }
.LBB2_1:
0x11: {  	s0 =	simm.s32 @!p0 $0x1C03  }
0x12: {  	[spmem:s13], [sflag:s0] =	dma.local @!p0 [hbm:s3], $0x9E00  }
0x13: {  	[tilespmem:s2], [sflag:$0x4] =	stream.linear.gather [hbm4b:s4+s2], $0x2710, $0x38;
	[tilespmem:$0x13C00] =	vst v63  }
0x14: {  	_ =	swait.ge [sflag:s14], $0x2710  }
0x15: {  	[sflag:s14] =	ssyncset.done $0x0  }
0x16: {  	[sflag:s14] =	ssyncadd.s32 $0xFFFFD8F0  }
0x17: {  	[tilespmem:s15], [sflag:$0x4] =	stream.linear.gather [hbm4b:s6+s2], $0x2710, $0x38;
	[tilespmem:$0x13C00] =	vst v63  }
0x18: {  	_ =	swait.ge [sflag:s14], $0x2710  }
0x19: {  	[sflag:s14] =	ssyncset.done $0x0  }
0x1a: {  	s18 =	simm.s32 $0x4F00;
	[sflag:s14] =	ssyncadd.s32 $0xFFFFD8F0  }
0x1b: {  	[tilespmem:s18], [sflag:$0x4] =	stream.linear.gather [hbm4b:s7+s2], $0x2710, $0x38;
	[tilespmem:$0x13C00] =	vst v63  }
0x1c: {  	_ =	swait.ge [sflag:s14], $0x2710  }
0x1d: {  	[sflag:s14] =	ssyncset.done $0x0  }
0x1e: {  	s30 =	simm.s32 $0x4F40;
	[sflag:s14] =	ssyncadd.s32 $0xFFFFD8F0  }
0x1f: {  	v0 =	vld [tilespmem:s30+$0xFFFFFFC0]  }
0x20: {  	s31 =	simm.s32 $0x40  }
0x21: {  	v1 =	vld [tilespmem:s31+$0xFFFFFFC0];
	_ =	sdelay $0x2  }
0x22: {  	v0 =	vmul.u32 $0x2780, v0;
	_ =	sdelay $0x1  }
0x23: {  	v1 =	vadd.s32 v1, v0  }
0x24: {  	s0 =	simm.s32 $0x27C0;
	[tilespmem:s31+$0xFFFFFFC0] =	vst v1  }
0x25: {  	v1 =	vld [tilespmem:s0+$0xFFFFFFC0];
	_ =	sdelay $0x4  }
0x26: {  	v0 =	vadd.s32 v1, v0  }
0x27: {  	v0 =	vadd.s32 $0x27800, v0  }
0x28: {  	[tilespmem:s0+$0xFFFFFFC0] =	vst v0  }
0x29: {  	v0 =	vld [tilespmem:s30+$0xFFFFFFD0];
	_ =	sdelay $0x1  }
0x2a: {  	v1 =	vld [tilespmem:s31+$0xFFFFFFD0];
	_ =	sdelay $0x2  }
0x2b: {  	v0 =	vmul.u32 $0x2780, v0;
	_ =	sdelay $0x1  }
0x2c: {  	v1 =	vadd.s32 v1, v0  }
0x2d: {  	[tilespmem:s31+$0xFFFFFFD0] =	vst v1  }
0x2e: {  	v1 =	vld [tilespmem:s0+$0xFFFFFFD0];
	_ =	sdelay $0x4  }
0x2f: {  	v0 =	vadd.s32 v1, v0  }
0x30: {  	v0 =	vadd.s32 $0x27800, v0  }
0x31: {  	[tilespmem:s0+$0xFFFFFFD0] =	vst v0  }
0x32: {  	v0 =	vld [tilespmem:s30+$0xFFFFFFE0];
	_ =	sdelay $0x1  }
0x33: {  	v1 =	vld [tilespmem:s31+$0xFFFFFFE0];
	_ =	sdelay $0x2  }
0x34: {  	v0 =	vmul.u32 $0x2780, v0;
	_ =	sdelay $0x1  }
0x35: {  	v1 =	vadd.s32 v1, v0  }
0x36: {  	[tilespmem:s31+$0xFFFFFFE0] =	vst v1  }
0x37: {  	v1 =	vld [tilespmem:s0+$0xFFFFFFE0];
	_ =	sdelay $0x4  }
0x38: {  	v0 =	vadd.s32 v1, v0  }
0x39: {  	v0 =	vadd.s32 $0x27800, v0  }
0x3a: {  	[tilespmem:s0+$0xFFFFFFE0] =	vst v0  }
0x3b: {  	v0 =	vld [tilespmem:s30+$0xFFFFFFF0];
	_ =	sdelay $0x1  }
0x3c: {  	v1 =	vld [tilespmem:s31+$0xFFFFFFF0];
	_ =	sdelay $0x2  }
0x3d: {  	v0 =	vmul.u32 $0x2780, v0;
	_ =	sdelay $0x1  }
0x3e: {  	v1 =	vadd.s32 v1, v0  }
0x3f: {  	[tilespmem:s31+$0xFFFFFFF0] =	vst v1  }
0x40: {  	v1 =	vld [tilespmem:s0+$0xFFFFFFF0];
	_ =	sdelay $0x4  }
0x41: {  	v0 =	vadd.s32 v1, v0  }
0x42: {  	v0 =	vadd.s32 $0x27800, v0  }
0x43: {  	[tilespmem:s0+$0xFFFFFFF0] =	vst v0  }
0x44: {  	v0 =	vld [tilespmem:s30+$0x0];
	_ =	sdelay $0x1  }
0x45: {  	v1 =	vld [tilespmem:s31+$0x0];
	_ =	sdelay $0x2  }
0x46: {  	v0 =	vmul.u32 $0x2780, v0;
	_ =	sdelay $0x1  }
0x47: {  	v1 =	vadd.s32 v1, v0  }
0x48: {  	[tilespmem:s31+$0x0] =	vst v1  }
0x49: {  	v1 =	vld [tilespmem:s0+$0x0];
	_ =	sdelay $0x4  }
0x4a: {  	v0 =	vadd.s32 v1, v0  }
0x4b: {  	v0 =	vadd.s32 $0x27800, v0  }
0x4c: {  	[tilespmem:s0+$0x0] =	vst v0  }
0x4d: {  	v0 =	vld [tilespmem:s30+$0x10];
	_ =	sdelay $0x1  }
0x4e: {  	v1 =	vld [tilespmem:s31+$0x10];
	_ =	sdelay $0x2  }
0x4f: {  	v0 =	vmul.u32 $0x2780, v0;
	_ =	sdelay $0x1  }
0x50: {  	v1 =	vadd.s32 v1, v0  }
0x51: {  	[tilespmem:s31+$0x10] =	vst v1  }
0x52: {  	v1 =	vld [tilespmem:s0+$0x10];
	_ =	sdelay $0x4  }
0x53: {  	v0 =	vadd.s32 v1, v0  }
0x54: {  	v0 =	vadd.s32 $0x27800, v0  }
0x55: {  	[tilespmem:s0+$0x10] =	vst v0  }
0x56: {  	v0 =	vld [tilespmem:s30+$0x20];
	_ =	sdelay $0x1  }
0x57: {  	v1 =	vld [tilespmem:s31+$0x20];
	_ =	sdelay $0x2  }
0x58: {  	v0 =	vmul.u32 $0x2780, v0;
	_ =	sdelay $0x1  }
0x59: {  	v1 =	vadd.s32 v1, v0  }
0x5a: {  	[tilespmem:s31+$0x20] =	vst v1  }
0x5b: {  	v1 =	vld [tilespmem:s0+$0x20];
	_ =	sdelay $0x4  }
0x5c: {  	v0 =	vadd.s32 v1, v0  }
0x5d: {  	v0 =	vadd.s32 $0x27800, v0  }
0x5e: {  	[tilespmem:s0+$0x20] =	vst v0  }
0x5f: {  	v0 =	vld [tilespmem:s30+$0x30];
	_ =	sdelay $0x1  }
0x60: {  	v1 =	vld [tilespmem:s31+$0x30];
	_ =	sdelay $0x2  }
0x61: {  	v0 =	vmul.u32 $0x2780, v0;
	_ =	sdelay $0x1  }
0x62: {  	v1 =	vadd.s32 v1, v0  }
0x63: {  	[tilespmem:s31+$0x30] =	vst v1  }
0x64: {  	v1 =	vld [tilespmem:s0+$0x30];
	_ =	sdelay $0x4  }
0x65: {  	v0 =	vadd.s32 v1, v0  }
0x66: {  	s16 =	simm.s32 $0x0;
	s18 =	simm.s32 $0x2840;
	v0 =	vadd.s32 $0x27800, v0  }
.LBB2_2:
0x67: {  	s16 =	sadd.s32 $0x8, s16;
	[tilespmem:s0+$0x30] =	vst v0;
	s30 =	sadd.s32 $0x80, s30;
	s31 =	sadd.s32 $0x80, s31  }
0x68: {  	s0 =	smov.u32 s18;
	v0 =	vld [tilespmem:s30+$0xFFFFFFC0];
	p1 =	slt.u32 s16, $0x70;
	_ =	sdelay $0x1  }
0x69: {  	v1 =	vld [tilespmem:s31+$0xFFFFFFC0];
	_ =	sdelay $0x2  }
0x6a: {  	v0 =	vmul.u32 $0x2780, v0;
	_ =	sdelay $0x1  }
0x6b: {  	v1 =	vadd.s32 v1, v0  }
0x6c: {  	[tilespmem:s31+$0xFFFFFFC0] =	vst v1  }
0x6d: {  	v1 =	vld [tilespmem:s18+$0xFFFFFFC0];
	_ =	sdelay $0x4  }
0x6e: {  	v0 =	vadd.s32 v1, v0  }
0x6f: {  	v0 =	vadd.s32 $0x27800, v0  }
0x70: {  	[tilespmem:s18+$0xFFFFFFC0] =	vst v0  }
0x71: {  	v0 =	vld [tilespmem:s30+$0xFFFFFFD0];
	_ =	sdelay $0x1  }
0x72: {  	v1 =	vld [tilespmem:s31+$0xFFFFFFD0];
	_ =	sdelay $0x2  }
0x73: {  	v0 =	vmul.u32 $0x2780, v0;
	_ =	sdelay $0x1  }
0x74: {  	v1 =	vadd.s32 v1, v0  }
0x75: {  	[tilespmem:s31+$0xFFFFFFD0] =	vst v1  }
0x76: {  	v1 =	vld [tilespmem:s18+$0xFFFFFFD0];
	_ =	sdelay $0x4  }
0x77: {  	v0 =	vadd.s32 v1, v0  }
0x78: {  	v0 =	vadd.s32 $0x27800, v0  }
0x79: {  	[tilespmem:s18+$0xFFFFFFD0] =	vst v0  }
0x7a: {  	v0 =	vld [tilespmem:s30+$0xFFFFFFE0];
	_ =	sdelay $0x1  }
0x7b: {  	v1 =	vld [tilespmem:s31+$0xFFFFFFE0];
	_ =	sdelay $0x2  }
0x7c: {  	v0 =	vmul.u32 $0x2780, v0;
	_ =	sdelay $0x1  }
0x7d: {  	v1 =	vadd.s32 v1, v0  }
0x7e: {  	[tilespmem:s31+$0xFFFFFFE0] =	vst v1  }
0x7f: {  	v1 =	vld [tilespmem:s18+$0xFFFFFFE0];
	_ =	sdelay $0x4  }
0x80: {  	v0 =	vadd.s32 v1, v0  }
0x81: {  	v0 =	vadd.s32 $0x27800, v0  }
0x82: {  	[tilespmem:s18+$0xFFFFFFE0] =	vst v0  }
0x83: {  	v0 =	vld [tilespmem:s30+$0xFFFFFFF0];
	_ =	sdelay $0x1  }
0x84: {  	v1 =	vld [tilespmem:s31+$0xFFFFFFF0];
	_ =	sdelay $0x2  }
0x85: {  	v0 =	vmul.u32 $0x2780, v0;
	_ =	sdelay $0x1  }
0x86: {  	v1 =	vadd.s32 v1, v0  }
0x87: {  	[tilespmem:s31+$0xFFFFFFF0] =	vst v1  }
0x88: {  	v1 =	vld [tilespmem:s18+$0xFFFFFFF0];
	_ =	sdelay $0x4  }
0x89: {  	v0 =	vadd.s32 v1, v0  }
0x8a: {  	v0 =	vadd.s32 $0x27800, v0  }
0x8b: {  	[tilespmem:s18+$0xFFFFFFF0] =	vst v0  }
0x8c: {  	v0 =	vld [tilespmem:s30+$0x0];
	_ =	sdelay $0x1  }
0x8d: {  	v1 =	vld [tilespmem:s31+$0x0];
	_ =	sdelay $0x2  }
0x8e: {  	v0 =	vmul.u32 $0x2780, v0;
	_ =	sdelay $0x1  }
0x8f: {  	v1 =	vadd.s32 v1, v0  }
0x90: {  	[tilespmem:s31+$0x0] =	vst v1  }
0x91: {  	v1 =	vld [tilespmem:s18+$0x0];
	_ =	sdelay $0x4  }
0x92: {  	v0 =	vadd.s32 v1, v0  }
0x93: {  	v0 =	vadd.s32 $0x27800, v0  }
0x94: {  	[tilespmem:s18+$0x0] =	vst v0  }
0x95: {  	v0 =	vld [tilespmem:s30+$0x10];
	_ =	sdelay $0x1  }
0x96: {  	v1 =	vld [tilespmem:s31+$0x10];
	_ =	sdelay $0x2  }
0x97: {  	v0 =	vmul.u32 $0x2780, v0;
	_ =	sdelay $0x1  }
0x98: {  	v1 =	vadd.s32 v1, v0  }
0x99: {  	[tilespmem:s31+$0x10] =	vst v1  }
0x9a: {  	v1 =	vld [tilespmem:s18+$0x10];
	_ =	sdelay $0x4  }
0x9b: {  	v0 =	vadd.s32 v1, v0  }
0x9c: {  	v0 =	vadd.s32 $0x27800, v0  }
0x9d: {  	[tilespmem:s18+$0x10] =	vst v0  }
0x9e: {  	v0 =	vld [tilespmem:s30+$0x20]  }
0x9f: {  	v1 =	vld [tilespmem:s31+$0x20];
	_ =	sdelay $0x3  }
0xa0: {  	v0 =	vmul.u32 $0x2780, v0;
	_ =	sdelay $0x1  }
0xa1: {  	v1 =	vadd.s32 v1, v0  }
0xa2: {  	[tilespmem:s31+$0x20] =	vst v1  }
0xa3: {  	v1 =	vld [tilespmem:s18+$0x20];
	_ =	sdelay $0x4  }
0xa4: {  	v0 =	vadd.s32 v1, v0  }
0xa5: {  	v0 =	vadd.s32 $0x27800, v0  }
0xa6: {  	[tilespmem:s18+$0x20] =	vst v0  }
0xa7: {  	v0 =	vld [tilespmem:s30+$0x30]  }
0xa8: {  	v1 =	vld [tilespmem:s31+$0x30];
	_ =	sdelay $0x3  }
0xa9: {  	v0 =	vmul.u32 $0x2780, v0;
	_ =	sdelay $0x1  }
0xaa: {  	v1 =	vadd.s32 v1, v0  }
0xab: {  	[tilespmem:s31+$0x30] =	vst v1  }
0xac: {  	v1 =	vld [tilespmem:s18+$0x30];
	_ =	sdelay $0x1  }
.Ltmp0:
0xad: {  	(pc) =	sbr.rel @p1 .LBB2_2-.Ltmp0, $3  }
0xae: {  	_ =	sdelay $0x1  }
0xaf: {  	v0 =	vadd.s32 v1, v0  }
0xb0: {  	s18 =	sadd.s32 $0x80, s18;
	v0 =	vadd.s32 $0x27800, v0  }
0xb1: {  	[tilespmem:s0+$0x30] =	vst v0  }
0xb2: {  	v0 =	vld [tilespmem:$0x5680]  }
0xb3: {  	v1 =	vld [tilespmem:$0x780]  }
0xb4: {  	v2 =	vld [tilespmem:$0x2F00]  }
0xb5: {  	v3 =	vld [tilespmem:$0x5690]  }
0xb6: {  	v4 =	vld [tilespmem:$0x790]  }
0xb7: {  	v5 =	vld [tilespmem:$0x2F10]  }
0xb8: {  	v6 =	vld [tilespmem:$0x56A0]  }
0xb9: {  	v7 =	vld [tilespmem:$0x7A0]  }
0xba: {  	v8 =	vld [tilespmem:$0x2F20]  }
0xbb: {  	v9 =	vld [tilespmem:$0x56B0];
	v0 =	vmul.u32 $0x2780, v0  }
0xbc: {  	v10 =	vld [tilespmem:$0x7B0]  }
0xbd: {  	v1 =	vadd.s32 v1, v0;
	v0 =	vadd.s32 v2, v0;
	v2 =	vmul.u32 $0x2780, v3;
	v3 =	vld [tilespmem:$0x2F30]  }
0xbe: {  	[tilespmem:$0x780] =	vst v1;
	v0 =	vadd.s32 $0x27800, v0;
	v1 =	vld [tilespmem:$0x56C0]  }
0xbf: {  	v62 =	vld [tilespmem:$0x7C0];
	v61 =	vmul.u32 $0x2780, v6;
	[tilespmem:$0x2F00] =	vst v0;
	v0 =	vadd.s32 v4, v2;
	v2 =	vadd.s32 v5, v2  }
0xc0: {  	[tilespmem:$0x790] =	vst v0;
	v0 =	vadd.s32 $0x27800, v2;
	v2 =	vld [tilespmem:$0x2F40]  }
0xc1: {  	v63 =	vmul.u32 $0x2780, v9;
	v4 =	vadd.s32 v8, v61;
	[tilespmem:$0x2F10] =	vst v0;
	v0 =	vadd.s32 v7, v61  }
0xc2: {  	[tilespmem:$0x7A0] =	vst v0;
	v0 =	vadd.s32 $0x27800, v4  }
0xc3: {  	v3 =	vadd.s32 v3, v63;
	[tilespmem:$0x2F20] =	vst v0;
	v0 =	vadd.s32 v10, v63;
	v1 =	vmul.u32 $0x2780, v1  }
0xc4: {  	[tilespmem:$0x7B0] =	vst v0;
	v0 =	vadd.s32 $0x27800, v3  }
0xc5: {  	[tilespmem:$0x2F30] =	vst v0;
	v0 =	vadd.s32 v62, v1;
	v1 =	vadd.s32 v2, v1  }
0xc6: {  	[tilespmem:$0x7C0] =	vst v0;
	v0 =	vadd.s32 $0x27800, v1  }
0xc7: {  	s0 =	simm.s32 @!p0 $0x3;
	[tilespmem:$0x2F40] =	vst v0  }
0xc8: {  	_ =	swait.ge @!p0 [sflag:s0], $0x9E00  }
0xc9: {  	[sflag:s0] =	ssyncset.done @!p0 $0x0  }
0xca: {  	[sflag:s0] =	ssyncadd.s32 @!p0 $0xFFFF6200  }
0xcb: {  	s16 =	simm.s32 $0x9E00;
	[bflag:$0x0] =	sbarrier.arrive $0xFFFF  }
0xcc: {  	[tilespmem:s16], [sflag:$0x1] =	stream.indirect.gather [spmem:s1], $0x1, s2, s17, $0xb8;
	[tilespmem:$0x13C00] =	vst v63  }
0xcd: {  	s18 =	simm.s32 $0xC580;
	s30 =	simm.s32 $0x5740  }
0xce: {  	[tilespmem:s18], [sflag:$0x2] =	stream.indirect.gather [spmem:s1], $0x1, s15, s17, $0xb8;
	[tilespmem:$0x13C00] =	vst v63  }
0xcf: {  	v0 =	vld [tilespmem:s30+$0xFFFFFF90]  }
0xd0: {  	s31 =	simm.s32 $0x840  }
0xd1: {  	v1 =	vld [tilespmem:s31+$0xFFFFFF90];
	_ =	sdelay $0x2  }
0xd2: {  	v0 =	vmul.u32 $0x2780, v0;
	_ =	sdelay $0x1  }
0xd3: {  	v1 =	vadd.s32 v1, v0  }
0xd4: {  	s0 =	simm.s32 $0x2FC0;
	[tilespmem:s31+$0xFFFFFF90] =	vst v1  }
0xd5: {  	v1 =	vld [tilespmem:s0+$0xFFFFFF90];
	_ =	sdelay $0x4  }
0xd6: {  	v0 =	vadd.s32 v1, v0  }
0xd7: {  	v0 =	vadd.s32 $0x27800, v0  }
0xd8: {  	[tilespmem:s0+$0xFFFFFF90] =	vst v0  }
0xd9: {  	v0 =	vld [tilespmem:s30+$0xFFFFFFA0];
	_ =	sdelay $0x1  }
0xda: {  	v1 =	vld [tilespmem:s31+$0xFFFFFFA0];
	_ =	sdelay $0x2  }
0xdb: {  	v0 =	vmul.u32 $0x2780, v0;
	_ =	sdelay $0x1  }
0xdc: {  	v1 =	vadd.s32 v1, v0  }
0xdd: {  	[tilespmem:s31+$0xFFFFFFA0] =	vst v1  }
0xde: {  	v1 =	vld [tilespmem:s0+$0xFFFFFFA0];
	_ =	sdelay $0x4  }
0xdf: {  	v0 =	vadd.s32 v1, v0  }
0xe0: {  	v0 =	vadd.s32 $0x27800, v0  }
0xe1: {  	[tilespmem:s0+$0xFFFFFFA0] =	vst v0  }
0xe2: {  	v0 =	vld [tilespmem:s30+$0xFFFFFFB0];
	_ =	sdelay $0x1  }
0xe3: {  	v1 =	vld [tilespmem:s31+$0xFFFFFFB0];
	_ =	sdelay $0x2  }
0xe4: {  	v0 =	vmul.u32 $0x2780, v0;
	_ =	sdelay $0x1  }
0xe5: {  	v1 =	vadd.s32 v1, v0  }
0xe6: {  	[tilespmem:s31+$0xFFFFFFB0] =	vst v1  }
0xe7: {  	v1 =	vld [tilespmem:s0+$0xFFFFFFB0];
	_ =	sdelay $0x4  }
0xe8: {  	v0 =	vadd.s32 v1, v0  }
0xe9: {  	v0 =	vadd.s32 $0x27800, v0  }
0xea: {  	[tilespmem:s0+$0xFFFFFFB0] =	vst v0  }
0xeb: {  	v0 =	vld [tilespmem:s30+$0xFFFFFFC0];
	_ =	sdelay $0x1  }
0xec: {  	v1 =	vld [tilespmem:s31+$0xFFFFFFC0];
	_ =	sdelay $0x2  }
0xed: {  	v0 =	vmul.u32 $0x2780, v0;
	_ =	sdelay $0x1  }
0xee: {  	v1 =	vadd.s32 v1, v0  }
0xef: {  	[tilespmem:s31+$0xFFFFFFC0] =	vst v1  }
0xf0: {  	v1 =	vld [tilespmem:s0+$0xFFFFFFC0];
	_ =	sdelay $0x4  }
0xf1: {  	v0 =	vadd.s32 v1, v0  }
0xf2: {  	v0 =	vadd.s32 $0x27800, v0  }
0xf3: {  	[tilespmem:s0+$0xFFFFFFC0] =	vst v0  }
0xf4: {  	v0 =	vld [tilespmem:s30+$0xFFFFFFD0];
	_ =	sdelay $0x1  }
0xf5: {  	v1 =	vld [tilespmem:s31+$0xFFFFFFD0];
	_ =	sdelay $0x2  }
0xf6: {  	v0 =	vmul.u32 $0x2780, v0;
	_ =	sdelay $0x1  }
0xf7: {  	v1 =	vadd.s32 v1, v0  }
0xf8: {  	[tilespmem:s31+$0xFFFFFFD0] =	vst v1  }
0xf9: {  	v1 =	vld [tilespmem:s0+$0xFFFFFFD0];
	_ =	sdelay $0x4  }
0xfa: {  	v0 =	vadd.s32 v1, v0  }
0xfb: {  	v0 =	vadd.s32 $0x27800, v0  }
0xfc: {  	[tilespmem:s0+$0xFFFFFFD0] =	vst v0  }
0xfd: {  	v0 =	vld [tilespmem:s30+$0xFFFFFFE0];
	_ =	sdelay $0x1  }
0xfe: {  	v1 =	vld [tilespmem:s31+$0xFFFFFFE0];
	_ =	sdelay $0x2  }
0xff: {  	v0 =	vmul.u32 $0x2780, v0;
	_ =	sdelay $0x1  }
0x100: {  	v1 =	vadd.s32 v1, v0  }
0x101: {  	[tilespmem:s31+$0xFFFFFFE0] =	vst v1  }
0x102: {  	v1 =	vld [tilespmem:s0+$0xFFFFFFE0];
	_ =	sdelay $0x4  }
0x103: {  	v0 =	vadd.s32 v1, v0  }
0x104: {  	v0 =	vadd.s32 $0x27800, v0  }
0x105: {  	[tilespmem:s0+$0xFFFFFFE0] =	vst v0  }
0x106: {  	v0 =	vld [tilespmem:s30+$0xFFFFFFF0];
	_ =	sdelay $0x1  }
0x107: {  	v1 =	vld [tilespmem:s31+$0xFFFFFFF0];
	_ =	sdelay $0x2  }
0x108: {  	v0 =	vmul.u32 $0x2780, v0;
	_ =	sdelay $0x1  }
0x109: {  	v1 =	vadd.s32 v1, v0  }
0x10a: {  	[tilespmem:s31+$0xFFFFFFF0] =	vst v1  }
0x10b: {  	v1 =	vld [tilespmem:s0+$0xFFFFFFF0];
	_ =	sdelay $0x4  }
0x10c: {  	v0 =	vadd.s32 v1, v0  }
0x10d: {  	v0 =	vadd.s32 $0x27800, v0  }
0x10e: {  	[tilespmem:s0+$0xFFFFFFF0] =	vst v0  }
0x10f: {  	v0 =	vld [tilespmem:s30+$0x0];
	_ =	sdelay $0x1  }
0x110: {  	v1 =	vld [tilespmem:s31+$0x0];
	_ =	sdelay $0x2  }
0x111: {  	v0 =	vmul.u32 $0x2780, v0;
	_ =	sdelay $0x1  }
0x112: {  	v1 =	vadd.s32 v1, v0  }
0x113: {  	[tilespmem:s31+$0x0] =	vst v1  }
0x114: {  	v1 =	vld [tilespmem:s0+$0x0];
	_ =	sdelay $0x4  }
0x115: {  	v0 =	vadd.s32 v1, v0  }
0x116: {  	s16 =	simm.s32 $0x7D;
	s18 =	simm.s32 $0x3040;
	v0 =	vadd.s32 $0x27800, v0  }
.LBB2_4:
0x117: {  	s16 =	sadd.s32 $0x8, s16;
	[tilespmem:s0+$0x0] =	vst v0;
	s30 =	sadd.s32 $0x80, s30;
	s31 =	sadd.s32 $0x80, s31  }
0x118: {  	s0 =	smov.u32 s18;
	v0 =	vld [tilespmem:s30+$0xFFFFFF90];
	p1 =	slt.u32 s16, $0xED;
	_ =	sdelay $0x1  }
0x119: {  	v1 =	vld [tilespmem:s31+$0xFFFFFF90];
	_ =	sdelay $0x2  }
0x11a: {  	v0 =	vmul.u32 $0x2780, v0;
	_ =	sdelay $0x1  }
0x11b: {  	v1 =	vadd.s32 v1, v0  }
0x11c: {  	[tilespmem:s31+$0xFFFFFF90] =	vst v1  }
0x11d: {  	v1 =	vld [tilespmem:s18+$0xFFFFFF90];
	_ =	sdelay $0x4  }
0x11e: {  	v0 =	vadd.s32 v1, v0  }
0x11f: {  	v0 =	vadd.s32 $0x27800, v0  }
0x120: {  	[tilespmem:s18+$0xFFFFFF90] =	vst v0  }
0x121: {  	v0 =	vld [tilespmem:s30+$0xFFFFFFA0];
	_ =	sdelay $0x1  }
0x122: {  	v1 =	vld [tilespmem:s31+$0xFFFFFFA0];
	_ =	sdelay $0x2  }
0x123: {  	v0 =	vmul.u32 $0x2780, v0;
	_ =	sdelay $0x1  }
0x124: {  	v1 =	vadd.s32 v1, v0  }
0x125: {  	[tilespmem:s31+$0xFFFFFFA0] =	vst v1  }
0x126: {  	v1 =	vld [tilespmem:s18+$0xFFFFFFA0];
	_ =	sdelay $0x4  }
0x127: {  	v0 =	vadd.s32 v1, v0  }
0x128: {  	v0 =	vadd.s32 $0x27800, v0  }
0x129: {  	[tilespmem:s18+$0xFFFFFFA0] =	vst v0  }
0x12a: {  	v0 =	vld [tilespmem:s30+$0xFFFFFFB0];
	_ =	sdelay $0x1  }
0x12b: {  	v1 =	vld [tilespmem:s31+$0xFFFFFFB0];
	_ =	sdelay $0x2  }
0x12c: {  	v0 =	vmul.u32 $0x2780, v0;
	_ =	sdelay $0x1  }
0x12d: {  	v1 =	vadd.s32 v1, v0  }
0x12e: {  	[tilespmem:s31+$0xFFFFFFB0] =	vst v1  }
0x12f: {  	v1 =	vld [tilespmem:s18+$0xFFFFFFB0];
	_ =	sdelay $0x4  }
0x130: {  	v0 =	vadd.s32 v1, v0  }
0x131: {  	v0 =	vadd.s32 $0x27800, v0  }
0x132: {  	[tilespmem:s18+$0xFFFFFFB0] =	vst v0  }
0x133: {  	v0 =	vld [tilespmem:s30+$0xFFFFFFC0];
	_ =	sdelay $0x1  }
0x134: {  	v1 =	vld [tilespmem:s31+$0xFFFFFFC0];
	_ =	sdelay $0x2  }
0x135: {  	v0 =	vmul.u32 $0x2780, v0;
	_ =	sdelay $0x1  }
0x136: {  	v1 =	vadd.s32 v1, v0  }
0x137: {  	[tilespmem:s31+$0xFFFFFFC0] =	vst v1  }
0x138: {  	v1 =	vld [tilespmem:s18+$0xFFFFFFC0];
	_ =	sdelay $0x4  }
0x139: {  	v0 =	vadd.s32 v1, v0  }
0x13a: {  	v0 =	vadd.s32 $0x27800, v0  }
0x13b: {  	[tilespmem:s18+$0xFFFFFFC0] =	vst v0  }
0x13c: {  	v0 =	vld [tilespmem:s30+$0xFFFFFFD0];
	_ =	sdelay $0x1  }
0x13d: {  	v1 =	vld [tilespmem:s31+$0xFFFFFFD0];
	_ =	sdelay $0x2  }
0x13e: {  	v0 =	vmul.u32 $0x2780, v0;
	_ =	sdelay $0x1  }
0x13f: {  	v1 =	vadd.s32 v1, v0  }
0x140: {  	[tilespmem:s31+$0xFFFFFFD0] =	vst v1  }
0x141: {  	v1 =	vld [tilespmem:s18+$0xFFFFFFD0];
	_ =	sdelay $0x4  }
0x142: {  	v0 =	vadd.s32 v1, v0  }
0x143: {  	v0 =	vadd.s32 $0x27800, v0  }
0x144: {  	[tilespmem:s18+$0xFFFFFFD0] =	vst v0  }
0x145: {  	v0 =	vld [tilespmem:s30+$0xFFFFFFE0];
	_ =	sdelay $0x1  }
0x146: {  	v1 =	vld [tilespmem:s31+$0xFFFFFFE0];
	_ =	sdelay $0x2  }
0x147: {  	v0 =	vmul.u32 $0x2780, v0;
	_ =	sdelay $0x1  }
0x148: {  	v1 =	vadd.s32 v1, v0  }
0x149: {  	[tilespmem:s31+$0xFFFFFFE0] =	vst v1  }
0x14a: {  	v1 =	vld [tilespmem:s18+$0xFFFFFFE0];
	_ =	sdelay $0x4  }
0x14b: {  	v0 =	vadd.s32 v1, v0  }
0x14c: {  	v0 =	vadd.s32 $0x27800, v0  }
0x14d: {  	[tilespmem:s18+$0xFFFFFFE0] =	vst v0  }
0x14e: {  	v0 =	vld [tilespmem:s30+$0xFFFFFFF0]  }
0x14f: {  	v1 =	vld [tilespmem:s31+$0xFFFFFFF0];
	_ =	sdelay $0x3  }
0x150: {  	v0 =	vmul.u32 $0x2780, v0;
	_ =	sdelay $0x1  }
0x151: {  	v1 =	vadd.s32 v1, v0  }
0x152: {  	[tilespmem:s31+$0xFFFFFFF0] =	vst v1  }
0x153: {  	v1 =	vld [tilespmem:s18+$0xFFFFFFF0];
	_ =	sdelay $0x4  }
0x154: {  	v0 =	vadd.s32 v1, v0  }
0x155: {  	v0 =	vadd.s32 $0x27800, v0  }
0x156: {  	[tilespmem:s18+$0xFFFFFFF0] =	vst v0  }
0x157: {  	v0 =	vld [tilespmem:s30+$0x0]  }
0x158: {  	v1 =	vld [tilespmem:s31+$0x0];
	_ =	sdelay $0x3  }
0x159: {  	v0 =	vmul.u32 $0x2780, v0;
	_ =	sdelay $0x1  }
0x15a: {  	v1 =	vadd.s32 v1, v0  }
0x15b: {  	[tilespmem:s31+$0x0] =	vst v1  }
0x15c: {  	v1 =	vld [tilespmem:s18+$0x0];
	_ =	sdelay $0x1  }
.Ltmp1:
0x15d: {  	(pc) =	sbr.rel @p1 .LBB2_4-.Ltmp1, $3  }
0x15e: {  	_ =	sdelay $0x1  }
0x15f: {  	v0 =	vadd.s32 v1, v0  }
0x160: {  	s18 =	sadd.s32 $0x80, s18;
	v0 =	vadd.s32 $0x27800, v0  }
0x161: {  	[tilespmem:s0+$0x0] =	vst v0  }
0x162: {  	v0 =	vld [tilespmem:$0x5E50]  }
0x163: {  	v1 =	vld [tilespmem:$0xF50]  }
0x164: {  	v2 =	vld [tilespmem:$0x36D0]  }
0x165: {  	v3 =	vld [tilespmem:$0x5E60]  }
0x166: {  	v4 =	vld [tilespmem:$0xF60]  }
0x167: {  	v5 =	vld [tilespmem:$0x36E0]  }
0x168: {  	v6 =	vld [tilespmem:$0x5E70]  }
0x169: {  	v7 =	vld [tilespmem:$0xF70]  }
0x16a: {  	v8 =	vld [tilespmem:$0x36F0]  }
0x16b: {  	v9 =	vld [tilespmem:$0x5E80];
	v0 =	vmul.u32 $0x2780, v0  }
0x16c: {  	v10 =	vld [tilespmem:$0xF80]  }
0x16d: {  	v1 =	vadd.s32 v1, v0;
	v0 =	vadd.s32 v2, v0;
	v2 =	vmul.u32 $0x2780, v3;
	v3 =	vld [tilespmem:$0x3700]  }
0x16e: {  	[tilespmem:$0xF50] =	vst v1;
	v0 =	vadd.s32 $0x27800, v0;
	v1 =	vld [tilespmem:$0x5E90]  }
0x16f: {  	v62 =	vld [tilespmem:$0xF90];
	v61 =	vmul.u32 $0x2780, v6;
	[tilespmem:$0x36D0] =	vst v0;
	v0 =	vadd.s32 v4, v2;
	v2 =	vadd.s32 v5, v2  }
0x170: {  	[tilespmem:$0xF60] =	vst v0;
	v0 =	vadd.s32 $0x27800, v2;
	v2 =	vld [tilespmem:$0x3710]  }
0x171: {  	v63 =	vmul.u32 $0x2780, v9;
	v4 =	vadd.s32 v8, v61;
	[tilespmem:$0x36E0] =	vst v0;
	v0 =	vadd.s32 v7, v61  }
0x172: {  	[tilespmem:$0xF70] =	vst v0;
	v0 =	vadd.s32 $0x27800, v4  }
0x173: {  	v3 =	vadd.s32 v3, v63;
	[tilespmem:$0x36F0] =	vst v0;
	v0 =	vadd.s32 v10, v63;
	v1 =	vmul.u32 $0x2780, v1  }
0x174: {  	[tilespmem:$0xF80] =	vst v0;
	v0 =	vadd.s32 $0x27800, v3  }
0x175: {  	[tilespmem:$0x3700] =	vst v0;
	v0 =	vadd.s32 v62, v1;
	v1 =	vadd.s32 v2, v1  }
0x176: {  	[tilespmem:$0xF90] =	vst v0;
	v0 =	vadd.s32 $0x27800, v1  }
0x177: {  	s16 =	simm.s32 $0xA5D0;
	[tilespmem:$0x3710] =	vst v0  }
0x178: {  	[tilespmem:s16], [sflag:$0x1] =	stream.indirect.gather [spmem:s1], $0x1, s17, s17, $0xb8;
	[tilespmem:$0x13C00] =	vst v63  }
0x179: {  	s18 =	simm.s32 $0x2F50;
	s30 =	simm.s32 $0x5F10;
	s16 =	simm.s32 $0xCD50  }
0x17a: {  	[tilespmem:s16], [sflag:$0x2] =	stream.indirect.gather [spmem:s1], $0x1, s18, s17, $0xb8;
	[tilespmem:$0x13C00] =	vst v63  }
0x17b: {  	v0 =	vld [tilespmem:s30+$0xFFFFFF90]  }
0x17c: {  	s31 =	simm.s32 $0x1010  }
0x17d: {  	v1 =	vld [tilespmem:s31+$0xFFFFFF90];
	_ =	sdelay $0x2  }
0x17e: {  	v0 =	vmul.u32 $0x2780, v0;
	_ =	sdelay $0x1  }
0x17f: {  	v1 =	vadd.s32 v1, v0  }
0x180: {  	s0 =	simm.s32 $0x3790;
	[tilespmem:s31+$0xFFFFFF90] =	vst v1  }
0x181: {  	v1 =	vld [tilespmem:s0+$0xFFFFFF90];
	_ =	sdelay $0x4  }
0x182: {  	v0 =	vadd.s32 v1, v0  }
0x183: {  	v0 =	vadd.s32 $0x27800, v0  }
0x184: {  	[tilespmem:s0+$0xFFFFFF90] =	vst v0  }
0x185: {  	v0 =	vld [tilespmem:s30+$0xFFFFFFA0];
	_ =	sdelay $0x1  }
0x186: {  	v1 =	vld [tilespmem:s31+$0xFFFFFFA0];
	_ =	sdelay $0x2  }
0x187: {  	v0 =	vmul.u32 $0x2780, v0;
	_ =	sdelay $0x1  }
0x188: {  	v1 =	vadd.s32 v1, v0  }
0x189: {  	[tilespmem:s31+$0xFFFFFFA0] =	vst v1  }
0x18a: {  	v1 =	vld [tilespmem:s0+$0xFFFFFFA0];
	_ =	sdelay $0x4  }
0x18b: {  	v0 =	vadd.s32 v1, v0  }
0x18c: {  	v0 =	vadd.s32 $0x27800, v0  }
0x18d: {  	[tilespmem:s0+$0xFFFFFFA0] =	vst v0  }
0x18e: {  	v0 =	vld [tilespmem:s30+$0xFFFFFFB0];
	_ =	sdelay $0x1  }
0x18f: {  	v1 =	vld [tilespmem:s31+$0xFFFFFFB0];
	_ =	sdelay $0x2  }
0x190: {  	v0 =	vmul.u32 $0x2780, v0;
	_ =	sdelay $0x1  }
0x191: {  	v1 =	vadd.s32 v1, v0  }
0x192: {  	[tilespmem:s31+$0xFFFFFFB0] =	vst v1  }
0x193: {  	v1 =	vld [tilespmem:s0+$0xFFFFFFB0];
	_ =	sdelay $0x4  }
0x194: {  	v0 =	vadd.s32 v1, v0  }
0x195: {  	v0 =	vadd.s32 $0x27800, v0  }
0x196: {  	[tilespmem:s0+$0xFFFFFFB0] =	vst v0  }
0x197: {  	v0 =	vld [tilespmem:s30+$0xFFFFFFC0];
	_ =	sdelay $0x1  }
0x198: {  	v1 =	vld [tilespmem:s31+$0xFFFFFFC0];
	_ =	sdelay $0x2  }
0x199: {  	v0 =	vmul.u32 $0x2780, v0;
	_ =	sdelay $0x1  }
0x19a: {  	v1 =	vadd.s32 v1, v0  }
0x19b: {  	[tilespmem:s31+$0xFFFFFFC0] =	vst v1  }
0x19c: {  	v1 =	vld [tilespmem:s0+$0xFFFFFFC0];
	_ =	sdelay $0x4  }
0x19d: {  	v0 =	vadd.s32 v1, v0  }
0x19e: {  	v0 =	vadd.s32 $0x27800, v0  }
0x19f: {  	[tilespmem:s0+$0xFFFFFFC0] =	vst v0  }
0x1a0: {  	v0 =	vld [tilespmem:s30+$0xFFFFFFD0];
	_ =	sdelay $0x1  }
0x1a1: {  	v1 =	vld [tilespmem:s31+$0xFFFFFFD0];
	_ =	sdelay $0x2  }
0x1a2: {  	v0 =	vmul.u32 $0x2780, v0;
	_ =	sdelay $0x1  }
0x1a3: {  	v1 =	vadd.s32 v1, v0  }
0x1a4: {  	[tilespmem:s31+$0xFFFFFFD0] =	vst v1  }
0x1a5: {  	v1 =	vld [tilespmem:s0+$0xFFFFFFD0];
	_ =	sdelay $0x4  }
0x1a6: {  	v0 =	vadd.s32 v1, v0  }
0x1a7: {  	v0 =	vadd.s32 $0x27800, v0  }
0x1a8: {  	[tilespmem:s0+$0xFFFFFFD0] =	vst v0  }
0x1a9: {  	v0 =	vld [tilespmem:s30+$0xFFFFFFE0];
	_ =	sdelay $0x1  }
0x1aa: {  	v1 =	vld [tilespmem:s31+$0xFFFFFFE0];
	_ =	sdelay $0x2  }
0x1ab: {  	v0 =	vmul.u32 $0x2780, v0;
	_ =	sdelay $0x1  }
0x1ac: {  	v1 =	vadd.s32 v1, v0  }
0x1ad: {  	[tilespmem:s31+$0xFFFFFFE0] =	vst v1  }
0x1ae: {  	v1 =	vld [tilespmem:s0+$0xFFFFFFE0];
	_ =	sdelay $0x4  }
0x1af: {  	v0 =	vadd.s32 v1, v0  }
0x1b0: {  	v0 =	vadd.s32 $0x27800, v0  }
0x1b1: {  	[tilespmem:s0+$0xFFFFFFE0] =	vst v0  }
0x1b2: {  	v0 =	vld [tilespmem:s30+$0xFFFFFFF0];
	_ =	sdelay $0x1  }
0x1b3: {  	v1 =	vld [tilespmem:s31+$0xFFFFFFF0];
	_ =	sdelay $0x2  }
0x1b4: {  	v0 =	vmul.u32 $0x2780, v0;
	_ =	sdelay $0x1  }
0x1b5: {  	v1 =	vadd.s32 v1, v0  }
0x1b6: {  	[tilespmem:s31+$0xFFFFFFF0] =	vst v1  }
0x1b7: {  	v1 =	vld [tilespmem:s0+$0xFFFFFFF0];
	_ =	sdelay $0x4  }
0x1b8: {  	v0 =	vadd.s32 v1, v0  }
0x1b9: {  	v0 =	vadd.s32 $0x27800, v0  }
0x1ba: {  	[tilespmem:s0+$0xFFFFFFF0] =	vst v0  }
0x1bb: {  	v0 =	vld [tilespmem:s30+$0x0];
	_ =	sdelay $0x1  }
0x1bc: {  	v1 =	vld [tilespmem:s31+$0x0];
	_ =	sdelay $0x2  }
0x1bd: {  	v0 =	vmul.u32 $0x2780, v0;
	_ =	sdelay $0x1  }
0x1be: {  	v1 =	vadd.s32 v1, v0  }
0x1bf: {  	[tilespmem:s31+$0x0] =	vst v1  }
0x1c0: {  	v1 =	vld [tilespmem:s0+$0x0];
	_ =	sdelay $0x4  }
0x1c1: {  	v0 =	vadd.s32 v1, v0  }
0x1c2: {  	s16 =	simm.s32 $0xFA;
	s18 =	simm.s32 $0x3810;
	v0 =	vadd.s32 $0x27800, v0  }
.LBB2_6:
0x1c3: {  	s16 =	sadd.s32 $0x8, s16;
	[tilespmem:s0+$0x0] =	vst v0;
	s30 =	sadd.s32 $0x80, s30;
	s31 =	sadd.s32 $0x80, s31  }
0x1c4: {  	s0 =	smov.u32 s18;
	v0 =	vld [tilespmem:s30+$0xFFFFFF90];
	p1 =	slt.u32 s16, $0x16A;
	_ =	sdelay $0x1  }
0x1c5: {  	v1 =	vld [tilespmem:s31+$0xFFFFFF90];
	_ =	sdelay $0x2  }
0x1c6: {  	v0 =	vmul.u32 $0x2780, v0;
	_ =	sdelay $0x1  }
0x1c7: {  	v1 =	vadd.s32 v1, v0  }
0x1c8: {  	[tilespmem:s31+$0xFFFFFF90] =	vst v1  }
0x1c9: {  	v1 =	vld [tilespmem:s18+$0xFFFFFF90];
	_ =	sdelay $0x4  }
0x1ca: {  	v0 =	vadd.s32 v1, v0  }
0x1cb: {  	v0 =	vadd.s32 $0x27800, v0  }
0x1cc: {  	[tilespmem:s18+$0xFFFFFF90] =	vst v0  }
0x1cd: {  	v0 =	vld [tilespmem:s30+$0xFFFFFFA0];
	_ =	sdelay $0x1  }
0x1ce: {  	v1 =	vld [tilespmem:s31+$0xFFFFFFA0];
	_ =	sdelay $0x2  }
0x1cf: {  	v0 =	vmul.u32 $0x2780, v0;
	_ =	sdelay $0x1  }
0x1d0: {  	v1 =	vadd.s32 v1, v0  }
0x1d1: {  	[tilespmem:s31+$0xFFFFFFA0] =	vst v1  }
0x1d2: {  	v1 =	vld [tilespmem:s18+$0xFFFFFFA0];
	_ =	sdelay $0x4  }
0x1d3: {  	v0 =	vadd.s32 v1, v0  }
0x1d4: {  	v0 =	vadd.s32 $0x27800, v0  }
0x1d5: {  	[tilespmem:s18+$0xFFFFFFA0] =	vst v0  }
0x1d6: {  	v0 =	vld [tilespmem:s30+$0xFFFFFFB0];
	_ =	sdelay $0x1  }
0x1d7: {  	v1 =	vld [tilespmem:s31+$0xFFFFFFB0];
	_ =	sdelay $0x2  }
0x1d8: {  	v0 =	vmul.u32 $0x2780, v0;
	_ =	sdelay $0x1  }
0x1d9: {  	v1 =	vadd.s32 v1, v0  }
0x1da: {  	[tilespmem:s31+$0xFFFFFFB0] =	vst v1  }
0x1db: {  	v1 =	vld [tilespmem:s18+$0xFFFFFFB0];
	_ =	sdelay $0x4  }
0x1dc: {  	v0 =	vadd.s32 v1, v0  }
0x1dd: {  	v0 =	vadd.s32 $0x27800, v0  }
0x1de: {  	[tilespmem:s18+$0xFFFFFFB0] =	vst v0  }
0x1df: {  	v0 =	vld [tilespmem:s30+$0xFFFFFFC0];
	_ =	sdelay $0x1  }
0x1e0: {  	v1 =	vld [tilespmem:s31+$0xFFFFFFC0];
	_ =	sdelay $0x2  }
0x1e1: {  	v0 =	vmul.u32 $0x2780, v0;
	_ =	sdelay $0x1  }
0x1e2: {  	v1 =	vadd.s32 v1, v0  }
0x1e3: {  	[tilespmem:s31+$0xFFFFFFC0] =	vst v1  }
0x1e4: {  	v1 =	vld [tilespmem:s18+$0xFFFFFFC0];
	_ =	sdelay $0x4  }
0x1e5: {  	v0 =	vadd.s32 v1, v0  }
0x1e6: {  	v0 =	vadd.s32 $0x27800, v0  }
0x1e7: {  	[tilespmem:s18+$0xFFFFFFC0] =	vst v0  }
0x1e8: {  	v0 =	vld [tilespmem:s30+$0xFFFFFFD0];
	_ =	sdelay $0x1  }
0x1e9: {  	v1 =	vld [tilespmem:s31+$0xFFFFFFD0];
	_ =	sdelay $0x2  }
0x1ea: {  	v0 =	vmul.u32 $0x2780, v0;
	_ =	sdelay $0x1  }
0x1eb: {  	v1 =	vadd.s32 v1, v0  }
0x1ec: {  	[tilespmem:s31+$0xFFFFFFD0] =	vst v1  }
0x1ed: {  	v1 =	vld [tilespmem:s18+$0xFFFFFFD0];
	_ =	sdelay $0x4  }
0x1ee: {  	v0 =	vadd.s32 v1, v0  }
0x1ef: {  	v0 =	vadd.s32 $0x27800, v0  }
0x1f0: {  	[tilespmem:s18+$0xFFFFFFD0] =	vst v0  }
0x1f1: {  	v0 =	vld [tilespmem:s30+$0xFFFFFFE0];
	_ =	sdelay $0x1  }
0x1f2: {  	v1 =	vld [tilespmem:s31+$0xFFFFFFE0];
	_ =	sdelay $0x2  }
0x1f3: {  	v0 =	vmul.u32 $0x2780, v0;
	_ =	sdelay $0x1  }
0x1f4: {  	v1 =	vadd.s32 v1, v0  }
0x1f5: {  	[tilespmem:s31+$0xFFFFFFE0] =	vst v1  }
0x1f6: {  	v1 =	vld [tilespmem:s18+$0xFFFFFFE0];
	_ =	sdelay $0x4  }
0x1f7: {  	v0 =	vadd.s32 v1, v0  }
0x1f8: {  	v0 =	vadd.s32 $0x27800, v0  }
0x1f9: {  	[tilespmem:s18+$0xFFFFFFE0] =	vst v0  }
0x1fa: {  	v0 =	vld [tilespmem:s30+$0xFFFFFFF0]  }
0x1fb: {  	v1 =	vld [tilespmem:s31+$0xFFFFFFF0];
	_ =	sdelay $0x3  }
0x1fc: {  	v0 =	vmul.u32 $0x2780, v0;
	_ =	sdelay $0x1  }
0x1fd: {  	v1 =	vadd.s32 v1, v0  }
0x1fe: {  	[tilespmem:s31+$0xFFFFFFF0] =	vst v1  }
0x1ff: {  	v1 =	vld [tilespmem:s18+$0xFFFFFFF0];
	_ =	sdelay $0x4  }
0x200: {  	v0 =	vadd.s32 v1, v0  }
0x201: {  	v0 =	vadd.s32 $0x27800, v0  }
0x202: {  	[tilespmem:s18+$0xFFFFFFF0] =	vst v0  }
0x203: {  	v0 =	vld [tilespmem:s30+$0x0]  }
0x204: {  	v1 =	vld [tilespmem:s31+$0x0];
	_ =	sdelay $0x3  }
0x205: {  	v0 =	vmul.u32 $0x2780, v0;
	_ =	sdelay $0x1  }
0x206: {  	v1 =	vadd.s32 v1, v0  }
0x207: {  	[tilespmem:s31+$0x0] =	vst v1  }
0x208: {  	v1 =	vld [tilespmem:s18+$0x0];
	_ =	sdelay $0x1  }
.Ltmp2:
0x209: {  	(pc) =	sbr.rel @p1 .LBB2_6-.Ltmp2, $3  }
0x20a: {  	_ =	sdelay $0x1  }
0x20b: {  	v0 =	vadd.s32 v1, v0  }
0x20c: {  	s18 =	sadd.s32 $0x80, s18;
	v0 =	vadd.s32 $0x27800, v0  }
0x20d: {  	[tilespmem:s0+$0x0] =	vst v0  }
0x20e: {  	v0 =	vld [tilespmem:$0x6620]  }
0x20f: {  	v1 =	vld [tilespmem:$0x1720]  }
0x210: {  	v2 =	vld [tilespmem:$0x3EA0]  }
0x211: {  	v3 =	vld [tilespmem:$0x6630]  }
0x212: {  	v4 =	vld [tilespmem:$0x1730]  }
0x213: {  	v5 =	vld [tilespmem:$0x3EB0]  }
0x214: {  	v6 =	vld [tilespmem:$0x6640]  }
0x215: {  	v7 =	vld [tilespmem:$0x1740]  }
0x216: {  	v8 =	vld [tilespmem:$0x3EC0]  }
0x217: {  	v9 =	vld [tilespmem:$0x6650];
	v0 =	vmul.u32 $0x2780, v0  }
0x218: {  	v10 =	vld [tilespmem:$0x1750]  }
0x219: {  	v1 =	vadd.s32 v1, v0;
	v0 =	vadd.s32 v2, v0;
	v2 =	vmul.u32 $0x2780, v3;
	v3 =	vld [tilespmem:$0x3ED0]  }
0x21a: {  	[tilespmem:$0x1720] =	vst v1;
	v0 =	vadd.s32 $0x27800, v0;
	v1 =	vld [tilespmem:$0x6660]  }
0x21b: {  	v62 =	vld [tilespmem:$0x1760];
	v61 =	vmul.u32 $0x2780, v6;
	[tilespmem:$0x3EA0] =	vst v0;
	v0 =	vadd.s32 v4, v2;
	v2 =	vadd.s32 v5, v2  }
0x21c: {  	[tilespmem:$0x1730] =	vst v0;
	v0 =	vadd.s32 $0x27800, v2;
	v2 =	vld [tilespmem:$0x3EE0]  }
0x21d: {  	v63 =	vmul.u32 $0x2780, v9;
	v4 =	vadd.s32 v8, v61;
	[tilespmem:$0x3EB0] =	vst v0;
	v0 =	vadd.s32 v7, v61  }
0x21e: {  	[tilespmem:$0x1740] =	vst v0;
	v0 =	vadd.s32 $0x27800, v4  }
0x21f: {  	v3 =	vadd.s32 v3, v63;
	[tilespmem:$0x3EC0] =	vst v0;
	v0 =	vadd.s32 v10, v63;
	v1 =	vmul.u32 $0x2780, v1  }
0x220: {  	[tilespmem:$0x1750] =	vst v0;
	v0 =	vadd.s32 $0x27800, v3  }
0x221: {  	[tilespmem:$0x3ED0] =	vst v0;
	v0 =	vadd.s32 v62, v1;
	v1 =	vadd.s32 v2, v1  }
0x222: {  	[tilespmem:$0x1760] =	vst v0;
	v0 =	vadd.s32 $0x27800, v1  }
0x223: {  	s18 =	simm.s32 $0xFA0;
	s16 =	simm.s32 $0xADA0;
	[tilespmem:$0x3EE0] =	vst v0  }
0x224: {  	[tilespmem:s16], [sflag:$0x1] =	stream.indirect.gather [spmem:s1], $0x1, s18, s17, $0xb8;
	[tilespmem:$0x13C00] =	vst v63  }
0x225: {  	s30 =	simm.s32 $0x66E0;
	s16 =	simm.s32 $0x3720;
	s18 =	simm.s32 $0xD520  }
0x226: {  	[tilespmem:s18], [sflag:$0x2] =	stream.indirect.gather [spmem:s1], $0x1, s16, s17, $0xb8;
	[tilespmem:$0x13C00] =	vst v63  }
0x227: {  	v0 =	vld [tilespmem:s30+$0xFFFFFF90]  }
0x228: {  	s31 =	simm.s32 $0x17E0  }
0x229: {  	v1 =	vld [tilespmem:s31+$0xFFFFFF90];
	_ =	sdelay $0x2  }
0x22a: {  	v0 =	vmul.u32 $0x2780, v0;
	_ =	sdelay $0x1  }
0x22b: {  	v1 =	vadd.s32 v1, v0  }
0x22c: {  	s0 =	simm.s32 $0x3F60;
	[tilespmem:s31+$0xFFFFFF90] =	vst v1  }
0x22d: {  	v1 =	vld [tilespmem:s0+$0xFFFFFF90];
	_ =	sdelay $0x4  }
0x22e: {  	v0 =	vadd.s32 v1, v0  }
0x22f: {  	v0 =	vadd.s32 $0x27800, v0  }
0x230: {  	[tilespmem:s0+$0xFFFFFF90] =	vst v0  }
0x231: {  	v0 =	vld [tilespmem:s30+$0xFFFFFFA0];
	_ =	sdelay $0x1  }
0x232: {  	v1 =	vld [tilespmem:s31+$0xFFFFFFA0];
	_ =	sdelay $0x2  }
0x233: {  	v0 =	vmul.u32 $0x2780, v0;
	_ =	sdelay $0x1  }
0x234: {  	v1 =	vadd.s32 v1, v0  }
0x235: {  	[tilespmem:s31+$0xFFFFFFA0] =	vst v1  }
0x236: {  	v1 =	vld [tilespmem:s0+$0xFFFFFFA0];
	_ =	sdelay $0x4  }
0x237: {  	v0 =	vadd.s32 v1, v0  }
0x238: {  	v0 =	vadd.s32 $0x27800, v0  }
0x239: {  	[tilespmem:s0+$0xFFFFFFA0] =	vst v0  }
0x23a: {  	v0 =	vld [tilespmem:s30+$0xFFFFFFB0];
	_ =	sdelay $0x1  }
0x23b: {  	v1 =	vld [tilespmem:s31+$0xFFFFFFB0];
	_ =	sdelay $0x2  }
0x23c: {  	v0 =	vmul.u32 $0x2780, v0;
	_ =	sdelay $0x1  }
0x23d: {  	v1 =	vadd.s32 v1, v0  }
0x23e: {  	[tilespmem:s31+$0xFFFFFFB0] =	vst v1  }
0x23f: {  	v1 =	vld [tilespmem:s0+$0xFFFFFFB0];
	_ =	sdelay $0x4  }
0x240: {  	v0 =	vadd.s32 v1, v0  }
0x241: {  	v0 =	vadd.s32 $0x27800, v0  }
0x242: {  	[tilespmem:s0+$0xFFFFFFB0] =	vst v0  }
0x243: {  	v0 =	vld [tilespmem:s30+$0xFFFFFFC0];
	_ =	sdelay $0x1  }
0x244: {  	v1 =	vld [tilespmem:s31+$0xFFFFFFC0];
	_ =	sdelay $0x2  }
0x245: {  	v0 =	vmul.u32 $0x2780, v0;
	_ =	sdelay $0x1  }
0x246: {  	v1 =	vadd.s32 v1, v0  }
0x247: {  	[tilespmem:s31+$0xFFFFFFC0] =	vst v1  }
0x248: {  	v1 =	vld [tilespmem:s0+$0xFFFFFFC0];
	_ =	sdelay $0x4  }
0x249: {  	v0 =	vadd.s32 v1, v0  }
0x24a: {  	v0 =	vadd.s32 $0x27800, v0  }
0x24b: {  	[tilespmem:s0+$0xFFFFFFC0] =	vst v0  }
0x24c: {  	v0 =	vld [tilespmem:s30+$0xFFFFFFD0];
	_ =	sdelay $0x1  }
0x24d: {  	v1 =	vld [tilespmem:s31+$0xFFFFFFD0];
	_ =	sdelay $0x2  }
0x24e: {  	v0 =	vmul.u32 $0x2780, v0;
	_ =	sdelay $0x1  }
0x24f: {  	v1 =	vadd.s32 v1, v0  }
0x250: {  	[tilespmem:s31+$0xFFFFFFD0] =	vst v1  }
0x251: {  	v1 =	vld [tilespmem:s0+$0xFFFFFFD0];
	_ =	sdelay $0x4  }
0x252: {  	v0 =	vadd.s32 v1, v0  }
0x253: {  	v0 =	vadd.s32 $0x27800, v0  }
0x254: {  	[tilespmem:s0+$0xFFFFFFD0] =	vst v0  }
0x255: {  	v0 =	vld [tilespmem:s30+$0xFFFFFFE0];
	_ =	sdelay $0x1  }
0x256: {  	v1 =	vld [tilespmem:s31+$0xFFFFFFE0];
	_ =	sdelay $0x2  }
0x257: {  	v0 =	vmul.u32 $0x2780, v0;
	_ =	sdelay $0x1  }
0x258: {  	v1 =	vadd.s32 v1, v0  }
0x259: {  	[tilespmem:s31+$0xFFFFFFE0] =	vst v1  }
0x25a: {  	v1 =	vld [tilespmem:s0+$0xFFFFFFE0];
	_ =	sdelay $0x4  }
0x25b: {  	v0 =	vadd.s32 v1, v0  }
0x25c: {  	v0 =	vadd.s32 $0x27800, v0  }
0x25d: {  	[tilespmem:s0+$0xFFFFFFE0] =	vst v0  }
0x25e: {  	v0 =	vld [tilespmem:s30+$0xFFFFFFF0];
	_ =	sdelay $0x1  }
0x25f: {  	v1 =	vld [tilespmem:s31+$0xFFFFFFF0];
	_ =	sdelay $0x2  }
0x260: {  	v0 =	vmul.u32 $0x2780, v0;
	_ =	sdelay $0x1  }
0x261: {  	v1 =	vadd.s32 v1, v0  }
0x262: {  	[tilespmem:s31+$0xFFFFFFF0] =	vst v1  }
0x263: {  	v1 =	vld [tilespmem:s0+$0xFFFFFFF0];
	_ =	sdelay $0x4  }
0x264: {  	v0 =	vadd.s32 v1, v0  }
0x265: {  	v0 =	vadd.s32 $0x27800, v0  }
0x266: {  	[tilespmem:s0+$0xFFFFFFF0] =	vst v0  }
0x267: {  	v0 =	vld [tilespmem:s30+$0x0];
	_ =	sdelay $0x1  }
0x268: {  	v1 =	vld [tilespmem:s31+$0x0];
	_ =	sdelay $0x2  }
0x269: {  	v0 =	vmul.u32 $0x2780, v0;
	_ =	sdelay $0x1  }
0x26a: {  	v1 =	vadd.s32 v1, v0  }
0x26b: {  	[tilespmem:s31+$0x0] =	vst v1  }
0x26c: {  	v1 =	vld [tilespmem:s0+$0x0];
	_ =	sdelay $0x4  }
0x26d: {  	v0 =	vadd.s32 v1, v0  }
0x26e: {  	s16 =	simm.s32 $0x177;
	s18 =	simm.s32 $0x3FE0;
	v0 =	vadd.s32 $0x27800, v0  }
.LBB2_8:
0x26f: {  	s16 =	sadd.s32 $0x8, s16;
	[tilespmem:s0+$0x0] =	vst v0;
	s30 =	sadd.s32 $0x80, s30;
	s31 =	sadd.s32 $0x80, s31  }
0x270: {  	s0 =	smov.u32 s18;
	v0 =	vld [tilespmem:s30+$0xFFFFFF90];
	p1 =	slt.u32 s16, $0x1E7;
	_ =	sdelay $0x1  }
0x271: {  	v1 =	vld [tilespmem:s31+$0xFFFFFF90];
	_ =	sdelay $0x2  }
0x272: {  	v0 =	vmul.u32 $0x2780, v0;
	_ =	sdelay $0x1  }
0x273: {  	v1 =	vadd.s32 v1, v0  }
0x274: {  	[tilespmem:s31+$0xFFFFFF90] =	vst v1  }
0x275: {  	v1 =	vld [tilespmem:s18+$0xFFFFFF90];
	_ =	sdelay $0x4  }
0x276: {  	v0 =	vadd.s32 v1, v0  }
0x277: {  	v0 =	vadd.s32 $0x27800, v0  }
0x278: {  	[tilespmem:s18+$0xFFFFFF90] =	vst v0  }
0x279: {  	v0 =	vld [tilespmem:s30+$0xFFFFFFA0];
	_ =	sdelay $0x1  }
0x27a: {  	v1 =	vld [tilespmem:s31+$0xFFFFFFA0];
	_ =	sdelay $0x2  }
0x27b: {  	v0 =	vmul.u32 $0x2780, v0;
	_ =	sdelay $0x1  }
0x27c: {  	v1 =	vadd.s32 v1, v0  }
0x27d: {  	[tilespmem:s31+$0xFFFFFFA0] =	vst v1  }
0x27e: {  	v1 =	vld [tilespmem:s18+$0xFFFFFFA0];
	_ =	sdelay $0x4  }
0x27f: {  	v0 =	vadd.s32 v1, v0  }
0x280: {  	v0 =	vadd.s32 $0x27800, v0  }
0x281: {  	[tilespmem:s18+$0xFFFFFFA0] =	vst v0  }
0x282: {  	v0 =	vld [tilespmem:s30+$0xFFFFFFB0];
	_ =	sdelay $0x1  }
0x283: {  	v1 =	vld [tilespmem:s31+$0xFFFFFFB0];
	_ =	sdelay $0x2  }
0x284: {  	v0 =	vmul.u32 $0x2780, v0;
	_ =	sdelay $0x1  }
0x285: {  	v1 =	vadd.s32 v1, v0  }
0x286: {  	[tilespmem:s31+$0xFFFFFFB0] =	vst v1  }
0x287: {  	v1 =	vld [tilespmem:s18+$0xFFFFFFB0];
	_ =	sdelay $0x4  }
0x288: {  	v0 =	vadd.s32 v1, v0  }
0x289: {  	v0 =	vadd.s32 $0x27800, v0  }
0x28a: {  	[tilespmem:s18+$0xFFFFFFB0] =	vst v0  }
0x28b: {  	v0 =	vld [tilespmem:s30+$0xFFFFFFC0];
	_ =	sdelay $0x1  }
0x28c: {  	v1 =	vld [tilespmem:s31+$0xFFFFFFC0];
	_ =	sdelay $0x2  }
0x28d: {  	v0 =	vmul.u32 $0x2780, v0;
	_ =	sdelay $0x1  }
0x28e: {  	v1 =	vadd.s32 v1, v0  }
0x28f: {  	[tilespmem:s31+$0xFFFFFFC0] =	vst v1  }
0x290: {  	v1 =	vld [tilespmem:s18+$0xFFFFFFC0];
	_ =	sdelay $0x4  }
0x291: {  	v0 =	vadd.s32 v1, v0  }
0x292: {  	v0 =	vadd.s32 $0x27800, v0  }
0x293: {  	[tilespmem:s18+$0xFFFFFFC0] =	vst v0  }
0x294: {  	v0 =	vld [tilespmem:s30+$0xFFFFFFD0];
	_ =	sdelay $0x1  }
0x295: {  	v1 =	vld [tilespmem:s31+$0xFFFFFFD0];
	_ =	sdelay $0x2  }
0x296: {  	v0 =	vmul.u32 $0x2780, v0;
	_ =	sdelay $0x1  }
0x297: {  	v1 =	vadd.s32 v1, v0  }
0x298: {  	[tilespmem:s31+$0xFFFFFFD0] =	vst v1  }
0x299: {  	v1 =	vld [tilespmem:s18+$0xFFFFFFD0];
	_ =	sdelay $0x4  }
0x29a: {  	v0 =	vadd.s32 v1, v0  }
0x29b: {  	v0 =	vadd.s32 $0x27800, v0  }
0x29c: {  	[tilespmem:s18+$0xFFFFFFD0] =	vst v0  }
0x29d: {  	v0 =	vld [tilespmem:s30+$0xFFFFFFE0];
	_ =	sdelay $0x1  }
0x29e: {  	v1 =	vld [tilespmem:s31+$0xFFFFFFE0];
	_ =	sdelay $0x2  }
0x29f: {  	v0 =	vmul.u32 $0x2780, v0;
	_ =	sdelay $0x1  }
0x2a0: {  	v1 =	vadd.s32 v1, v0  }
0x2a1: {  	[tilespmem:s31+$0xFFFFFFE0] =	vst v1  }
0x2a2: {  	v1 =	vld [tilespmem:s18+$0xFFFFFFE0];
	_ =	sdelay $0x4  }
0x2a3: {  	v0 =	vadd.s32 v1, v0  }
0x2a4: {  	v0 =	vadd.s32 $0x27800, v0  }
0x2a5: {  	[tilespmem:s18+$0xFFFFFFE0] =	vst v0  }
0x2a6: {  	v0 =	vld [tilespmem:s30+$0xFFFFFFF0]  }
0x2a7: {  	v1 =	vld [tilespmem:s31+$0xFFFFFFF0];
	_ =	sdelay $0x3  }
0x2a8: {  	v0 =	vmul.u32 $0x2780, v0;
	_ =	sdelay $0x1  }
0x2a9: {  	v1 =	vadd.s32 v1, v0  }
0x2aa: {  	[tilespmem:s31+$0xFFFFFFF0] =	vst v1  }
0x2ab: {  	v1 =	vld [tilespmem:s18+$0xFFFFFFF0];
	_ =	sdelay $0x4  }
0x2ac: {  	v0 =	vadd.s32 v1, v0  }
0x2ad: {  	v0 =	vadd.s32 $0x27800, v0  }
0x2ae: {  	[tilespmem:s18+$0xFFFFFFF0] =	vst v0  }
0x2af: {  	v0 =	vld [tilespmem:s30+$0x0]  }
0x2b0: {  	v1 =	vld [tilespmem:s31+$0x0];
	_ =	sdelay $0x3  }
0x2b1: {  	v0 =	vmul.u32 $0x2780, v0;
	_ =	sdelay $0x1  }
0x2b2: {  	v1 =	vadd.s32 v1, v0  }
0x2b3: {  	[tilespmem:s31+$0x0] =	vst v1  }
0x2b4: {  	v1 =	vld [tilespmem:s18+$0x0];
	_ =	sdelay $0x1  }
.Ltmp3:
0x2b5: {  	(pc) =	sbr.rel @p1 .LBB2_8-.Ltmp3, $3  }
0x2b6: {  	_ =	sdelay $0x1  }
0x2b7: {  	v0 =	vadd.s32 v1, v0  }
0x2b8: {  	s18 =	sadd.s32 $0x80, s18;
	v0 =	vadd.s32 $0x27800, v0  }
0x2b9: {  	[tilespmem:s0+$0x0] =	vst v0  }
0x2ba: {  	v0 =	vld [tilespmem:$0x6DF0]  }
0x2bb: {  	v1 =	vld [tilespmem:$0x1EF0]  }
0x2bc: {  	v2 =	vld [tilespmem:$0x4670]  }
0x2bd: {  	v3 =	vld [tilespmem:$0x6E00]  }
0x2be: {  	v4 =	vld [tilespmem:$0x1F00]  }
0x2bf: {  	v5 =	vld [tilespmem:$0x4680]  }
0x2c0: {  	v6 =	vld [tilespmem:$0x6E10]  }
0x2c1: {  	v7 =	vld [tilespmem:$0x1F10]  }
0x2c2: {  	v8 =	vld [tilespmem:$0x4690]  }
0x2c3: {  	v9 =	vld [tilespmem:$0x6E20];
	v0 =	vmul.u32 $0x2780, v0  }
0x2c4: {  	v10 =	vld [tilespmem:$0x1F20]  }
0x2c5: {  	v1 =	vadd.s32 v1, v0;
	v0 =	vadd.s32 v2, v0;
	v2 =	vmul.u32 $0x2780, v3;
	v3 =	vld [tilespmem:$0x46A0]  }
0x2c6: {  	[tilespmem:$0x1EF0] =	vst v1;
	v0 =	vadd.s32 $0x27800, v0;
	v1 =	vld [tilespmem:$0x6E30]  }
0x2c7: {  	v62 =	vld [tilespmem:$0x1F30];
	v61 =	vmul.u32 $0x2780, v6;
	[tilespmem:$0x4670] =	vst v0;
	v0 =	vadd.s32 v4, v2;
	v2 =	vadd.s32 v5, v2  }
0x2c8: {  	[tilespmem:$0x1F00] =	vst v0;
	v0 =	vadd.s32 $0x27800, v2;
	v2 =	vld [tilespmem:$0x46B0]  }
0x2c9: {  	v63 =	vmul.u32 $0x2780, v9;
	v4 =	vadd.s32 v8, v61;
	[tilespmem:$0x4680] =	vst v0;
	v0 =	vadd.s32 v7, v61  }
0x2ca: {  	[tilespmem:$0x1F10] =	vst v0;
	v0 =	vadd.s32 $0x27800, v4  }
0x2cb: {  	v3 =	vadd.s32 v3, v63;
	[tilespmem:$0x4690] =	vst v0;
	v0 =	vadd.s32 v10, v63;
	v1 =	vmul.u32 $0x2780, v1  }
0x2cc: {  	[tilespmem:$0x1F20] =	vst v0;
	v0 =	vadd.s32 $0x27800, v3  }
0x2cd: {  	[tilespmem:$0x46A0] =	vst v0;
	v0 =	vadd.s32 v62, v1;
	v1 =	vadd.s32 v2, v1  }
0x2ce: {  	[tilespmem:$0x1F30] =	vst v0;
	v0 =	vadd.s32 $0x27800, v1  }
0x2cf: {  	s18 =	simm.s32 $0x1770;
	s16 =	simm.s32 $0xB570;
	[tilespmem:$0x46B0] =	vst v0  }
0x2d0: {  	[tilespmem:s16], [sflag:$0x1] =	stream.indirect.gather [spmem:s1], $0x1, s18, s17, $0xb8;
	[tilespmem:$0x13C00] =	vst v63  }
0x2d1: {  	s30 =	simm.s32 $0x6EB0;
	s16 =	simm.s32 $0x3EF0;
	s18 =	simm.s32 $0xDCF0  }
0x2d2: {  	[tilespmem:s18], [sflag:$0x2] =	stream.indirect.gather [spmem:s1], $0x1, s16, s17, $0xb8;
	[tilespmem:$0x13C00] =	vst v63  }
0x2d3: {  	v0 =	vld [tilespmem:s30+$0xFFFFFF90]  }
0x2d4: {  	s31 =	simm.s32 $0x1FB0  }
0x2d5: {  	v1 =	vld [tilespmem:s31+$0xFFFFFF90];
	_ =	sdelay $0x2  }
0x2d6: {  	v0 =	vmul.u32 $0x2780, v0;
	_ =	sdelay $0x1  }
0x2d7: {  	v1 =	vadd.s32 v1, v0  }
0x2d8: {  	s0 =	simm.s32 $0x4730;
	[tilespmem:s31+$0xFFFFFF90] =	vst v1  }
0x2d9: {  	v1 =	vld [tilespmem:s0+$0xFFFFFF90];
	_ =	sdelay $0x4  }
0x2da: {  	v0 =	vadd.s32 v1, v0  }
0x2db: {  	v0 =	vadd.s32 $0x27800, v0  }
0x2dc: {  	[tilespmem:s0+$0xFFFFFF90] =	vst v0  }
0x2dd: {  	v0 =	vld [tilespmem:s30+$0xFFFFFFA0];
	_ =	sdelay $0x1  }
0x2de: {  	v1 =	vld [tilespmem:s31+$0xFFFFFFA0];
	_ =	sdelay $0x2  }
0x2df: {  	v0 =	vmul.u32 $0x2780, v0;
	_ =	sdelay $0x1  }
0x2e0: {  	v1 =	vadd.s32 v1, v0  }
0x2e1: {  	[tilespmem:s31+$0xFFFFFFA0] =	vst v1  }
0x2e2: {  	v1 =	vld [tilespmem:s0+$0xFFFFFFA0];
	_ =	sdelay $0x4  }
0x2e3: {  	v0 =	vadd.s32 v1, v0  }
0x2e4: {  	v0 =	vadd.s32 $0x27800, v0  }
0x2e5: {  	[tilespmem:s0+$0xFFFFFFA0] =	vst v0  }
0x2e6: {  	v0 =	vld [tilespmem:s30+$0xFFFFFFB0];
	_ =	sdelay $0x1  }
0x2e7: {  	v1 =	vld [tilespmem:s31+$0xFFFFFFB0];
	_ =	sdelay $0x2  }
0x2e8: {  	v0 =	vmul.u32 $0x2780, v0;
	_ =	sdelay $0x1  }
0x2e9: {  	v1 =	vadd.s32 v1, v0  }
0x2ea: {  	[tilespmem:s31+$0xFFFFFFB0] =	vst v1  }
0x2eb: {  	v1 =	vld [tilespmem:s0+$0xFFFFFFB0];
	_ =	sdelay $0x4  }
0x2ec: {  	v0 =	vadd.s32 v1, v0  }
0x2ed: {  	v0 =	vadd.s32 $0x27800, v0  }
0x2ee: {  	[tilespmem:s0+$0xFFFFFFB0] =	vst v0  }
0x2ef: {  	v0 =	vld [tilespmem:s30+$0xFFFFFFC0];
	_ =	sdelay $0x1  }
0x2f0: {  	v1 =	vld [tilespmem:s31+$0xFFFFFFC0];
	_ =	sdelay $0x2  }
0x2f1: {  	v0 =	vmul.u32 $0x2780, v0;
	_ =	sdelay $0x1  }
0x2f2: {  	v1 =	vadd.s32 v1, v0  }
0x2f3: {  	[tilespmem:s31+$0xFFFFFFC0] =	vst v1  }
0x2f4: {  	v1 =	vld [tilespmem:s0+$0xFFFFFFC0];
	_ =	sdelay $0x4  }
0x2f5: {  	v0 =	vadd.s32 v1, v0  }
0x2f6: {  	v0 =	vadd.s32 $0x27800, v0  }
0x2f7: {  	[tilespmem:s0+$0xFFFFFFC0] =	vst v0  }
0x2f8: {  	v0 =	vld [tilespmem:s30+$0xFFFFFFD0];
	_ =	sdelay $0x1  }
0x2f9: {  	v1 =	vld [tilespmem:s31+$0xFFFFFFD0];
	_ =	sdelay $0x2  }
0x2fa: {  	v0 =	vmul.u32 $0x2780, v0;
	_ =	sdelay $0x1  }
0x2fb: {  	v1 =	vadd.s32 v1, v0  }
0x2fc: {  	[tilespmem:s31+$0xFFFFFFD0] =	vst v1  }
0x2fd: {  	v1 =	vld [tilespmem:s0+$0xFFFFFFD0];
	_ =	sdelay $0x4  }
0x2fe: {  	v0 =	vadd.s32 v1, v0  }
0x2ff: {  	v0 =	vadd.s32 $0x27800, v0  }
0x300: {  	[tilespmem:s0+$0xFFFFFFD0] =	vst v0  }
0x301: {  	v0 =	vld [tilespmem:s30+$0xFFFFFFE0];
	_ =	sdelay $0x1  }
0x302: {  	v1 =	vld [tilespmem:s31+$0xFFFFFFE0];
	_ =	sdelay $0x2  }
0x303: {  	v0 =	vmul.u32 $0x2780, v0;
	_ =	sdelay $0x1  }
0x304: {  	v1 =	vadd.s32 v1, v0  }
0x305: {  	[tilespmem:s31+$0xFFFFFFE0] =	vst v1  }
0x306: {  	v1 =	vld [tilespmem:s0+$0xFFFFFFE0];
	_ =	sdelay $0x4  }
0x307: {  	v0 =	vadd.s32 v1, v0  }
0x308: {  	v0 =	vadd.s32 $0x27800, v0  }
0x309: {  	[tilespmem:s0+$0xFFFFFFE0] =	vst v0  }
0x30a: {  	v0 =	vld [tilespmem:s30+$0xFFFFFFF0];
	_ =	sdelay $0x1  }
0x30b: {  	v1 =	vld [tilespmem:s31+$0xFFFFFFF0];
	_ =	sdelay $0x2  }
0x30c: {  	v0 =	vmul.u32 $0x2780, v0;
	_ =	sdelay $0x1  }
0x30d: {  	v1 =	vadd.s32 v1, v0  }
0x30e: {  	[tilespmem:s31+$0xFFFFFFF0] =	vst v1  }
0x30f: {  	v1 =	vld [tilespmem:s0+$0xFFFFFFF0];
	_ =	sdelay $0x4  }
0x310: {  	v0 =	vadd.s32 v1, v0  }
0x311: {  	v0 =	vadd.s32 $0x27800, v0  }
0x312: {  	[tilespmem:s0+$0xFFFFFFF0] =	vst v0  }
0x313: {  	v0 =	vld [tilespmem:s30+$0x0];
	_ =	sdelay $0x1  }
0x314: {  	v1 =	vld [tilespmem:s31+$0x0];
	_ =	sdelay $0x2  }
0x315: {  	v0 =	vmul.u32 $0x2780, v0;
	_ =	sdelay $0x1  }
0x316: {  	v1 =	vadd.s32 v1, v0  }
0x317: {  	[tilespmem:s31+$0x0] =	vst v1  }
0x318: {  	v1 =	vld [tilespmem:s0+$0x0];
	_ =	sdelay $0x4  }
0x319: {  	v0 =	vadd.s32 v1, v0  }
0x31a: {  	s16 =	simm.s32 $0x1F4;
	s18 =	simm.s32 $0x47B0;
	v0 =	vadd.s32 $0x27800, v0  }
.LBB2_10:
0x31b: {  	s16 =	sadd.s32 $0x8, s16;
	[tilespmem:s0+$0x0] =	vst v0;
	s30 =	sadd.s32 $0x80, s30;
	s31 =	sadd.s32 $0x80, s31  }
0x31c: {  	s0 =	smov.u32 s18;
	v0 =	vld [tilespmem:s30+$0xFFFFFF90];
	p1 =	slt.u32 s16, $0x264;
	_ =	sdelay $0x1  }
0x31d: {  	v1 =	vld [tilespmem:s31+$0xFFFFFF90];
	_ =	sdelay $0x2  }
0x31e: {  	v0 =	vmul.u32 $0x2780, v0;
	_ =	sdelay $0x1  }
0x31f: {  	v1 =	vadd.s32 v1, v0  }
0x320: {  	[tilespmem:s31+$0xFFFFFF90] =	vst v1  }
0x321: {  	v1 =	vld [tilespmem:s18+$0xFFFFFF90];
	_ =	sdelay $0x4  }
0x322: {  	v0 =	vadd.s32 v1, v0  }
0x323: {  	v0 =	vadd.s32 $0x27800, v0  }
0x324: {  	[tilespmem:s18+$0xFFFFFF90] =	vst v0  }
0x325: {  	v0 =	vld [tilespmem:s30+$0xFFFFFFA0];
	_ =	sdelay $0x1  }
0x326: {  	v1 =	vld [tilespmem:s31+$0xFFFFFFA0];
	_ =	sdelay $0x2  }
0x327: {  	v0 =	vmul.u32 $0x2780, v0;
	_ =	sdelay $0x1  }
0x328: {  	v1 =	vadd.s32 v1, v0  }
0x329: {  	[tilespmem:s31+$0xFFFFFFA0] =	vst v1  }
0x32a: {  	v1 =	vld [tilespmem:s18+$0xFFFFFFA0];
	_ =	sdelay $0x4  }
0x32b: {  	v0 =	vadd.s32 v1, v0  }
0x32c: {  	v0 =	vadd.s32 $0x27800, v0  }
0x32d: {  	[tilespmem:s18+$0xFFFFFFA0] =	vst v0  }
0x32e: {  	v0 =	vld [tilespmem:s30+$0xFFFFFFB0];
	_ =	sdelay $0x1  }
0x32f: {  	v1 =	vld [tilespmem:s31+$0xFFFFFFB0];
	_ =	sdelay $0x2  }
0x330: {  	v0 =	vmul.u32 $0x2780, v0;
	_ =	sdelay $0x1  }
0x331: {  	v1 =	vadd.s32 v1, v0  }
0x332: {  	[tilespmem:s31+$0xFFFFFFB0] =	vst v1  }
0x333: {  	v1 =	vld [tilespmem:s18+$0xFFFFFFB0];
	_ =	sdelay $0x4  }
0x334: {  	v0 =	vadd.s32 v1, v0  }
0x335: {  	v0 =	vadd.s32 $0x27800, v0  }
0x336: {  	[tilespmem:s18+$0xFFFFFFB0] =	vst v0  }
0x337: {  	v0 =	vld [tilespmem:s30+$0xFFFFFFC0];
	_ =	sdelay $0x1  }
0x338: {  	v1 =	vld [tilespmem:s31+$0xFFFFFFC0];
	_ =	sdelay $0x2  }
0x339: {  	v0 =	vmul.u32 $0x2780, v0;
	_ =	sdelay $0x1  }
0x33a: {  	v1 =	vadd.s32 v1, v0  }
0x33b: {  	[tilespmem:s31+$0xFFFFFFC0] =	vst v1  }
0x33c: {  	v1 =	vld [tilespmem:s18+$0xFFFFFFC0];
	_ =	sdelay $0x4  }
0x33d: {  	v0 =	vadd.s32 v1, v0  }
0x33e: {  	v0 =	vadd.s32 $0x27800, v0  }
0x33f: {  	[tilespmem:s18+$0xFFFFFFC0] =	vst v0  }
0x340: {  	v0 =	vld [tilespmem:s30+$0xFFFFFFD0];
	_ =	sdelay $0x1  }
0x341: {  	v1 =	vld [tilespmem:s31+$0xFFFFFFD0];
	_ =	sdelay $0x2  }
0x342: {  	v0 =	vmul.u32 $0x2780, v0;
	_ =	sdelay $0x1  }
0x343: {  	v1 =	vadd.s32 v1, v0  }
0x344: {  	[tilespmem:s31+$0xFFFFFFD0] =	vst v1  }
0x345: {  	v1 =	vld [tilespmem:s18+$0xFFFFFFD0];
	_ =	sdelay $0x4  }
0x346: {  	v0 =	vadd.s32 v1, v0  }
0x347: {  	v0 =	vadd.s32 $0x27800, v0  }
0x348: {  	[tilespmem:s18+$0xFFFFFFD0] =	vst v0  }
0x349: {  	v0 =	vld [tilespmem:s30+$0xFFFFFFE0];
	_ =	sdelay $0x1  }
0x34a: {  	v1 =	vld [tilespmem:s31+$0xFFFFFFE0];
	_ =	sdelay $0x2  }
0x34b: {  	v0 =	vmul.u32 $0x2780, v0;
	_ =	sdelay $0x1  }
0x34c: {  	v1 =	vadd.s32 v1, v0  }
0x34d: {  	[tilespmem:s31+$0xFFFFFFE0] =	vst v1  }
0x34e: {  	v1 =	vld [tilespmem:s18+$0xFFFFFFE0];
	_ =	sdelay $0x4  }
0x34f: {  	v0 =	vadd.s32 v1, v0  }
0x350: {  	v0 =	vadd.s32 $0x27800, v0  }
0x351: {  	[tilespmem:s18+$0xFFFFFFE0] =	vst v0  }
0x352: {  	v0 =	vld [tilespmem:s30+$0xFFFFFFF0]  }
0x353: {  	v1 =	vld [tilespmem:s31+$0xFFFFFFF0];
	_ =	sdelay $0x3  }
0x354: {  	v0 =	vmul.u32 $0x2780, v0;
	_ =	sdelay $0x1  }
0x355: {  	v1 =	vadd.s32 v1, v0  }
0x356: {  	[tilespmem:s31+$0xFFFFFFF0] =	vst v1  }
0x357: {  	v1 =	vld [tilespmem:s18+$0xFFFFFFF0];
	_ =	sdelay $0x4  }
0x358: {  	v0 =	vadd.s32 v1, v0  }
0x359: {  	v0 =	vadd.s32 $0x27800, v0  }
0x35a: {  	[tilespmem:s18+$0xFFFFFFF0] =	vst v0  }
0x35b: {  	v0 =	vld [tilespmem:s30+$0x0]  }
0x35c: {  	v1 =	vld [tilespmem:s31+$0x0];
	_ =	sdelay $0x3  }
0x35d: {  	v0 =	vmul.u32 $0x2780, v0;
	_ =	sdelay $0x1  }
0x35e: {  	v1 =	vadd.s32 v1, v0  }
0x35f: {  	[tilespmem:s31+$0x0] =	vst v1  }
0x360: {  	v1 =	vld [tilespmem:s18+$0x0];
	_ =	sdelay $0x1  }
.Ltmp4:
0x361: {  	(pc) =	sbr.rel @p1 .LBB2_10-.Ltmp4, $3  }
0x362: {  	_ =	sdelay $0x1  }
0x363: {  	v0 =	vadd.s32 v1, v0  }
0x364: {  	s18 =	sadd.s32 $0x80, s18;
	v0 =	vadd.s32 $0x27800, v0  }
0x365: {  	[tilespmem:s0+$0x0] =	vst v0  }
0x366: {  	v0 =	vld [tilespmem:$0x75C0]  }
0x367: {  	v1 =	vld [tilespmem:$0x26C0]  }
0x368: {  	v2 =	vld [tilespmem:$0x4E40]  }
0x369: {  	v3 =	vld [tilespmem:$0x75D0]  }
0x36a: {  	v4 =	vld [tilespmem:$0x26D0]  }
0x36b: {  	v5 =	vld [tilespmem:$0x4E50]  }
0x36c: {  	v6 =	vld [tilespmem:$0x75E0]  }
0x36d: {  	v9 =	vld [tilespmem:$0x75F0]  }
0x36e: {  	v7 =	vld [tilespmem:$0x26E0]  }
0x36f: {  	v10 =	vld [tilespmem:$0x26F0];
	v0 =	vmul.u32 $0x2780, v0  }
0x370: {  	v8 =	vld [tilespmem:$0x4E60];
	v49 =	vmul.u32 $0x2780, v3  }
0x371: {  	v50 =	vld [tilespmem:$0x4E70];
	v53 =	vmul.u32 $0x2780, v6;
	v1 =	vadd.s32 v1, v0  }
0x372: {  	v51 =	vld [tilespmem:$0x7600];
	v58 =	vmul.u32 $0x2780, v9;
	v52 =	vadd.s32 v4, v49;
	[tilespmem:$0x26C0] =	vst v1  }
0x373: {  	v54 =	vld [tilespmem:$0x2700];
	v57 =	vadd.s32 v7, v53;
	[tilespmem:$0x26D0] =	vst v52  }
0x374: {  	v56 =	vld [tilespmem:$0x4E80];
	v0 =	vadd.s32 v2, v0;
	v60 =	vadd.s32 v10, v58;
	[tilespmem:$0x26E0] =	vst v57  }
0x375: {  	v2 =	vadd.s32 v5, v49;
	v0 =	vadd.s32 $0x27800, v0;
	[tilespmem:$0x26F0] =	vst v60  }
0x376: {  	v4 =	vadd.s32 v8, v53;
	v55 =	vadd.s32 $0x27800, v2;
	[tilespmem:$0x4E40] =	vst v0  }
0x377: {  	v3 =	vadd.s32 v50, v58;
	v59 =	vadd.s32 $0x27800, v4;
	v1 =	vmul.u32 $0x2780, v51;
	[tilespmem:$0x4E50] =	vst v55  }
0x378: {  	v61 =	vadd.s32 $0x27800, v3;
	[tilespmem:$0x4E60] =	vst v59  }
0x379: {  	[tilespmem:$0x4E70] =	vst v61;
	v62 =	vadd.s32 v54, v1;
	v1 =	vadd.s32 v56, v1  }
0x37a: {  	[tilespmem:$0x2700] =	vst v62;
	v63 =	vadd.s32 $0x27800, v1  }
0x37b: {  	s18 =	simm.s32 $0x1F40;
	s16 =	simm.s32 $0xBD40;
	[tilespmem:$0x4E80] =	vst v63  }
0x37c: {  	[tilespmem:s16], [sflag:$0x1] =	stream.indirect.gather [spmem:s1], $0x1, s18, s17, $0xb8;
	[tilespmem:$0x13C00] =	vst v63  }
0x37d: {  	s31 =	simm.s32 $0x46C0  }
0x37e: {  	[tilespmem:s19], [sflag:$0x2] =	stream.indirect.gather [spmem:s1], $0x1, s31, s17, $0xb8;
	[tilespmem:$0x13C00] =	vst v63  }
0x37f: {  	_ =	swait.ge [sflag:s20], $0x7D0  }
0x380: {  	[sflag:s20] =	ssyncset.done $0x0  }
0x381: {  	[sflag:s20] =	ssyncadd.s32 $0xFFFFF830  }
0x382: {  	_ =	swait.ge [sflag:s21], $0x7D0  }
0x383: {  	s0 =	simm.s32 $0xFFFFFFF8;
	s30 =	simm.s32 $0x76C0;
	[sflag:s21] =	ssyncset.done $0x0  }
0x384: {  	s16 =	simm.s32 $0x9E40;
	s18 =	simm.s32 $0xC5C0;
	[sflag:s21] =	ssyncadd.s32 $0xFFFFF830  }
.LBB2_12:
0x385: {  	v0 =	vld [tilespmem:s16+$0xFFFFFFC0]  }
0x386: {  	v1 =	vld [tilespmem:s18+$0xFFFFFFC0];
	_ =	sdelay $0x4  }
0x387: {  	v0 =	vadd.f32 v1, v0;
	_ =	sdelay $0x1  }
0x388: {  	v0 =	vsub.f32 $0.0e+00, v0;
	_ =	sdelay $0x1  }
0x389: {  	v0 =	vmul.f32 $1.442695020e+00, v0;
	_ =	sdelay $0x1  }
0x38a: {  	(erf) = vpow2.f32 v0;
	_ =	sdelay $0x8  }
0x38b: {  	v0 =	vpop (erf)  }
0x38c: {  	v0 =	vadd.f32 $1.000000000e+00, v0;
	_ =	sdelay $0x1  }
0x38d: {  	(erf) = vrcp.f32 v0;
	_ =	sdelay $0x8  }
0x38e: {  	v0 =	vpop (erf)  }
0x38f: {  	v0 =	vmax.f32 v0, $9.999999740e-06  }
0x390: {  	v0 =	vmin.f32 v0, $9.999899860e-01  }
0x391: {  	[tilespmem:s30+$0xFFFFFFC0] =	vst v0  }
0x392: {  	v0 =	vld [tilespmem:s16+$0xFFFFFFD0]  }
0x393: {  	v57 =	vld [tilespmem:s18+$0xFFFFFFD0];
	_ =	sdelay $0x4  }
0x394: {  	v0 =	vadd.f32 v57, v0;
	_ =	sdelay $0x1  }
0x395: {  	v0 =	vsub.f32 $0.0e+00, v0;
	_ =	sdelay $0x1  }
0x396: {  	v0 =	vmul.f32 $1.442695020e+00, v0;
	_ =	sdelay $0x1  }
0x397: {  	(erf) = vpow2.f32 v0;
	_ =	sdelay $0x8  }
0x398: {  	v0 =	vpop (erf)  }
0x399: {  	v0 =	vadd.f32 $1.000000000e+00, v0;
	_ =	sdelay $0x1  }
0x39a: {  	(erf) = vrcp.f32 v0;
	_ =	sdelay $0x8  }
0x39b: {  	v0 =	vpop (erf)  }
0x39c: {  	v0 =	vmax.f32 v0, $9.999999740e-06  }
0x39d: {  	v0 =	vmin.f32 v0, $9.999899860e-01  }
0x39e: {  	[tilespmem:s30+$0xFFFFFFD0] =	vst v0  }
0x39f: {  	v0 =	vld [tilespmem:s16+$0xFFFFFFE0]  }
0x3a0: {  	v58 =	vld [tilespmem:s18+$0xFFFFFFE0];
	_ =	sdelay $0x4  }
0x3a1: {  	v0 =	vadd.f32 v58, v0;
	_ =	sdelay $0x1  }
0x3a2: {  	v0 =	vsub.f32 $0.0e+00, v0;
	_ =	sdelay $0x1  }
0x3a3: {  	v0 =	vmul.f32 $1.442695020e+00, v0;
	_ =	sdelay $0x1  }
0x3a4: {  	(erf) = vpow2.f32 v0;
	_ =	sdelay $0x8  }
0x3a5: {  	v0 =	vpop (erf)  }
0x3a6: {  	v0 =	vadd.f32 $1.000000000e+00, v0;
	_ =	sdelay $0x1  }
0x3a7: {  	(erf) = vrcp.f32 v0;
	_ =	sdelay $0x8  }
0x3a8: {  	v0 =	vpop (erf)  }
0x3a9: {  	v0 =	vmax.f32 v0, $9.999999740e-06  }
0x3aa: {  	v0 =	vmin.f32 v0, $9.999899860e-01  }
0x3ab: {  	[tilespmem:s30+$0xFFFFFFE0] =	vst v0  }
0x3ac: {  	v0 =	vld [tilespmem:s16+$0xFFFFFFF0]  }
0x3ad: {  	v59 =	vld [tilespmem:s18+$0xFFFFFFF0];
	_ =	sdelay $0x4  }
0x3ae: {  	v0 =	vadd.f32 v59, v0;
	_ =	sdelay $0x1  }
0x3af: {  	v0 =	vsub.f32 $0.0e+00, v0;
	_ =	sdelay $0x1  }
0x3b0: {  	v0 =	vmul.f32 $1.442695020e+00, v0;
	_ =	sdelay $0x1  }
0x3b1: {  	(erf) = vpow2.f32 v0;
	_ =	sdelay $0x8  }
0x3b2: {  	v0 =	vpop (erf)  }
0x3b3: {  	v0 =	vadd.f32 $1.000000000e+00, v0;
	_ =	sdelay $0x1  }
0x3b4: {  	(erf) = vrcp.f32 v0;
	_ =	sdelay $0x8  }
0x3b5: {  	v0 =	vpop (erf)  }
0x3b6: {  	v0 =	vmax.f32 v0, $9.999999740e-06  }
0x3b7: {  	v0 =	vmin.f32 v0, $9.999899860e-01  }
0x3b8: {  	[tilespmem:s30+$0xFFFFFFF0] =	vst v0  }
0x3b9: {  	v0 =	vld [tilespmem:s16+$0x0]  }
0x3ba: {  	v60 =	vld [tilespmem:s18+$0x0];
	_ =	sdelay $0x4  }
0x3bb: {  	v0 =	vadd.f32 v60, v0;
	_ =	sdelay $0x1  }
0x3bc: {  	v0 =	vsub.f32 $0.0e+00, v0;
	_ =	sdelay $0x1  }
0x3bd: {  	v0 =	vmul.f32 $1.442695020e+00, v0;
	_ =	sdelay $0x1  }
0x3be: {  	(erf) = vpow2.f32 v0;
	_ =	sdelay $0x8  }
0x3bf: {  	v0 =	vpop (erf)  }
0x3c0: {  	v0 =	vadd.f32 $1.000000000e+00, v0;
	_ =	sdelay $0x1  }
0x3c1: {  	(erf) = vrcp.f32 v0;
	_ =	sdelay $0x8  }
0x3c2: {  	v0 =	vpop (erf)  }
0x3c3: {  	v0 =	vmax.f32 v0, $9.999999740e-06  }
0x3c4: {  	v0 =	vmin.f32 v0, $9.999899860e-01  }
0x3c5: {  	[tilespmem:s30+$0x0] =	vst v0  }
0x3c6: {  	v0 =	vld [tilespmem:s16+$0x10]  }
0x3c7: {  	v61 =	vld [tilespmem:s18+$0x10];
	_ =	sdelay $0x4  }
0x3c8: {  	v0 =	vadd.f32 v61, v0;
	_ =	sdelay $0x1  }
0x3c9: {  	v0 =	vsub.f32 $0.0e+00, v0;
	_ =	sdelay $0x1  }
0x3ca: {  	v0 =	vmul.f32 $1.442695020e+00, v0;
	_ =	sdelay $0x1  }
0x3cb: {  	(erf) = vpow2.f32 v0;
	_ =	sdelay $0x8  }
0x3cc: {  	v0 =	vpop (erf)  }
0x3cd: {  	v0 =	vadd.f32 $1.000000000e+00, v0;
	_ =	sdelay $0x1  }
0x3ce: {  	(erf) = vrcp.f32 v0;
	_ =	sdelay $0x8  }
0x3cf: {  	v0 =	vpop (erf)  }
0x3d0: {  	v0 =	vmax.f32 v0, $9.999999740e-06  }
0x3d1: {  	v0 =	vmin.f32 v0, $9.999899860e-01  }
0x3d2: {  	[tilespmem:s30+$0x10] =	vst v0  }
0x3d3: {  	v0 =	vld [tilespmem:s16+$0x20]  }
0x3d4: {  	v62 =	vld [tilespmem:s18+$0x20];
	_ =	sdelay $0x4  }
0x3d5: {  	v0 =	vadd.f32 v62, v0;
	_ =	sdelay $0x1  }
0x3d6: {  	v0 =	vsub.f32 $0.0e+00, v0;
	_ =	sdelay $0x1  }
0x3d7: {  	v0 =	vmul.f32 $1.442695020e+00, v0;
	_ =	sdelay $0x1  }
0x3d8: {  	(erf) = vpow2.f32 v0;
	_ =	sdelay $0x8  }
0x3d9: {  	v0 =	vpop (erf)  }
0x3da: {  	v0 =	vadd.f32 $1.000000000e+00, v0;
	_ =	sdelay $0x1  }
0x3db: {  	(erf) = vrcp.f32 v0;
	_ =	sdelay $0x8  }
0x3dc: {  	v0 =	vpop (erf)  }
0x3dd: {  	v0 =	vmax.f32 v0, $9.999999740e-06  }
0x3de: {  	v0 =	vmin.f32 v0, $9.999899860e-01  }
0x3df: {  	[tilespmem:s30+$0x20] =	vst v0  }
0x3e0: {  	v0 =	vld [tilespmem:s16+$0x30]  }
0x3e1: {  	v63 =	vld [tilespmem:s18+$0x30];
	_ =	sdelay $0x4  }
0x3e2: {  	v0 =	vadd.f32 v63, v0;
	_ =	sdelay $0x1  }
0x3e3: {  	v0 =	vsub.f32 $0.0e+00, v0;
	_ =	sdelay $0x1  }
0x3e4: {  	v0 =	vmul.f32 $1.442695020e+00, v0;
	_ =	sdelay $0x1  }
0x3e5: {  	(erf) = vpow2.f32 v0;
	_ =	sdelay $0x8  }
0x3e6: {  	v0 =	vpop (erf)  }
0x3e7: {  	v0 =	vadd.f32 $1.000000000e+00, v0;
	_ =	sdelay $0x1  }
0x3e8: {  	(erf) = vrcp.f32 v0;
	_ =	sdelay $0x5  }
0x3e9: {  	s0 =	sadd.s32 $0x8, s0  }
0x3ea: {  	p1 =	slt.u32 s0, $0x70  }
.Ltmp5:
0x3eb: {  	_ = 	snop;
	(pc) =	sbr.rel @p1 .LBB2_12-.Ltmp5, $4  }
0x3ec: {  	v0 =	vpop (erf)  }
0x3ed: {  	v0 =	vmax.f32 v0, $9.999999740e-06  }
0x3ee: {  	v0 =	vmin.f32 v0, $9.999899860e-01  }
0x3ef: {  	s16 =	sadd.s32 $0x80, s16;
	s18 =	sadd.s32 $0x80, s18;
	[tilespmem:s30+$0x30] =	vst v0;
	s30 =	sadd.s32 $0x80, s30  }
0x3f0: {  	v0 =	vld [tilespmem:$0xA580]  }
0x3f1: {  	v1 =	vld [tilespmem:$0xCD00];
	_ =	sdelay $0x4  }
0x3f2: {  	v0 =	vadd.f32 v1, v0;
	_ =	sdelay $0x1  }
0x3f3: {  	v0 =	vsub.f32 $0.0e+00, v0;
	_ =	sdelay $0x1  }
0x3f4: {  	v0 =	vmul.f32 $1.442695020e+00, v0;
	_ =	sdelay $0x1  }
0x3f5: {  	(erf) = vpow2.f32 v0  }
0x3f6: {  	v44 =	vld [tilespmem:$0xA590]  }
0x3f7: {  	v45 =	vld [tilespmem:$0xCD10];
	_ =	sdelay $0x4  }
0x3f8: {  	v0 =	vadd.f32 v45, v44;
	_ =	sdelay $0x1  }
0x3f9: {  	v0 =	vsub.f32 $0.0e+00, v0;
	v46 =	vpop (erf)  }
0x3fa: {  	v1 =	vadd.f32 $1.000000000e+00, v46  }
0x3fb: {  	v0 =	vmul.f32 $1.442695020e+00, v0  }
0x3fc: {  	(erf) = vrcp.f32 v1  }
0x3fd: {  	(erf) = vpow2.f32 v0  }
0x3fe: {  	v47 =	vld [tilespmem:$0xA5A0]  }
0x3ff: {  	v48 =	vld [tilespmem:$0xCD20];
	_ =	sdelay $0x4  }
0x400: {  	v0 =	vadd.f32 v48, v47  }
0x401: {  	v49 =	vpop (erf)  }
0x402: {  	v0 =	vsub.f32 $0.0e+00, v0;
	v2 =	vpop (erf)  }
0x403: {  	v2 =	vadd.f32 $1.000000000e+00, v2  }
0x404: {  	v0 =	vmul.f32 $1.442695020e+00, v0  }
0x405: {  	(erf) = vrcp.f32 v2  }
0x406: {  	(erf) = vpow2.f32 v0  }
0x407: {  	v50 =	vld [tilespmem:$0xA5B0]  }
0x408: {  	v51 =	vld [tilespmem:$0xCD30];
	_ =	sdelay $0x4  }
0x409: {  	v0 =	vadd.f32 v51, v50  }
0x40a: {  	v52 =	vpop (erf)  }
0x40b: {  	v0 =	vsub.f32 $0.0e+00, v0;
	v3 =	vpop (erf)  }
0x40c: {  	v3 =	vadd.f32 $1.000000000e+00, v3  }
0x40d: {  	v0 =	vmul.f32 $1.442695020e+00, v0  }
0x40e: {  	(erf) = vrcp.f32 v3  }
0x40f: {  	(erf) = vpow2.f32 v0  }
0x410: {  	v53 =	vld [tilespmem:$0xA5C0]  }
0x411: {  	v54 =	vld [tilespmem:$0xCD40];
	_ =	sdelay $0x4  }
0x412: {  	v0 =	vadd.f32 v54, v53  }
0x413: {  	v55 =	vpop (erf)  }
0x414: {  	v0 =	vsub.f32 $0.0e+00, v0;
	v4 =	vpop (erf)  }
0x415: {  	v4 =	vadd.f32 $1.000000000e+00, v4  }
0x416: {  	v0 =	vmul.f32 $1.442695020e+00, v0  }
0x417: {  	(erf) = vrcp.f32 v4  }
0x418: {  	(erf) = vpow2.f32 v0;
	_ =	sdelay $0x7  }
0x419: {  	v56 =	vpop (erf)  }
0x41a: {  	v57 =	vpop (erf)  }
0x41b: {  	v4 =	vadd.f32 $1.000000000e+00, v57;
	_ =	sdelay $0x1  }
0x41c: {  	(erf) = vrcp.f32 v4;
	_ =	sdelay $0x5  }
0x41d: {  	v1 =	vmax.f32 v49, $9.999999740e-06  }
0x41e: {  	v1 =	vmin.f32 v1, $9.999899860e-01;
	v2 =	vmax.f32 v52, $9.999999740e-06  }
0x41f: {  	[tilespmem:$0x7E00] =	vst v1;
	v58 =	vmin.f32 v2, $9.999899860e-01;
	v59 =	vmax.f32 v55, $9.999999740e-06  }
0x420: {  	[tilespmem:$0x7E10] =	vst v58;
	v60 =	vmin.f32 v59, $9.999899860e-01;
	v0 =	vmax.f32 v56, $9.999999740e-06;
	v61 =	vpop (erf)  }
0x421: {  	[tilespmem:$0x7E20] =	vst v60;
	v0 =	vmin.f32 v0, $9.999899860e-01;
	v62 =	vmax.f32 v61, $9.999999740e-06  }
0x422: {  	[tilespmem:$0x7E30] =	vst v0;
	v63 =	vmin.f32 v62, $9.999899860e-01  }
0x423: {  	[tilespmem:$0x7E40] =	vst v63  }
0x424: {  	[hbm4b:s5+s2] =	stream.linear.scatter [tilespmem:s22], [sflag:$0x3], $0x7D0, $0x38;
	[tilespmem:$0x13C00] =	vst v63  }
0x425: {  	_ =	swait.ge [sflag:s20], $0x7D0  }
0x426: {  	[sflag:s20] =	ssyncset.done $0x0  }
0x427: {  	[sflag:s20] =	ssyncadd.s32 $0xFFFFF830  }
0x428: {  	_ =	swait.ge [sflag:s21], $0x7D0  }
0x429: {  	s0 =	simm.s32 $0x75;
	s16 =	simm.s32 $0xA640;
	[sflag:s21] =	ssyncset.done $0x0  }
0x42a: {  	s18 =	simm.s32 $0xCDC0;
	s30 =	simm.s32 $0x7EC0;
	[sflag:s21] =	ssyncadd.s32 $0xFFFFF830  }
.LBB2_14:
0x42b: {  	v0 =	vld [tilespmem:s16+$0xFFFFFF90]  }
0x42c: {  	v1 =	vld [tilespmem:s18+$0xFFFFFF90];
	_ =	sdelay $0x4  }
0x42d: {  	v0 =	vadd.f32 v1, v0;
	_ =	sdelay $0x1  }
0x42e: {  	v0 =	vsub.f32 $0.0e+00, v0;
	_ =	sdelay $0x1  }
0x42f: {  	v0 =	vmul.f32 $1.442695020e+00, v0;
	_ =	sdelay $0x1  }
0x430: {  	(erf) = vpow2.f32 v0;
	_ =	sdelay $0x8  }
0x431: {  	v0 =	vpop (erf)  }
0x432: {  	v0 =	vadd.f32 $1.000000000e+00, v0;
	_ =	sdelay $0x1  }
0x433: {  	(erf) = vrcp.f32 v0;
	_ =	sdelay $0x8  }
0x434: {  	v0 =	vpop (erf)  }
0x435: {  	v0 =	vmax.f32 v0, $9.999999740e-06  }
0x436: {  	v0 =	vmin.f32 v0, $9.999899860e-01  }
0x437: {  	[tilespmem:s30+$0xFFFFFF90] =	vst v0  }
0x438: {  	v0 =	vld [tilespmem:s16+$0xFFFFFFA0]  }
0x439: {  	v57 =	vld [tilespmem:s18+$0xFFFFFFA0];
	_ =	sdelay $0x4  }
0x43a: {  	v0 =	vadd.f32 v57, v0;
	_ =	sdelay $0x1  }
0x43b: {  	v0 =	vsub.f32 $0.0e+00, v0;
	_ =	sdelay $0x1  }
0x43c: {  	v0 =	vmul.f32 $1.442695020e+00, v0;
	_ =	sdelay $0x1  }
0x43d: {  	(erf) = vpow2.f32 v0;
	_ =	sdelay $0x8  }
0x43e: {  	v0 =	vpop (erf)  }
0x43f: {  	v0 =	vadd.f32 $1.000000000e+00, v0;
	_ =	sdelay $0x1  }
0x440: {  	(erf) = vrcp.f32 v0;
	_ =	sdelay $0x8  }
0x441: {  	v0 =	vpop (erf)  }
0x442: {  	v0 =	vmax.f32 v0, $9.999999740e-06  }
0x443: {  	v0 =	vmin.f32 v0, $9.999899860e-01  }
0x444: {  	[tilespmem:s30+$0xFFFFFFA0] =	vst v0  }
0x445: {  	v0 =	vld [tilespmem:s16+$0xFFFFFFB0]  }
0x446: {  	v58 =	vld [tilespmem:s18+$0xFFFFFFB0];
	_ =	sdelay $0x4  }
0x447: {  	v0 =	vadd.f32 v58, v0;
	_ =	sdelay $0x1  }
0x448: {  	v0 =	vsub.f32 $0.0e+00, v0;
	_ =	sdelay $0x1  }
0x449: {  	v0 =	vmul.f32 $1.442695020e+00, v0;
	_ =	sdelay $0x1  }
0x44a: {  	(erf) = vpow2.f32 v0;
	_ =	sdelay $0x8  }
0x44b: {  	v0 =	vpop (erf)  }
0x44c: {  	v0 =	vadd.f32 $1.000000000e+00, v0;
	_ =	sdelay $0x1  }
0x44d: {  	(erf) = vrcp.f32 v0;
	_ =	sdelay $0x8  }
0x44e: {  	v0 =	vpop (erf)  }
0x44f: {  	v0 =	vmax.f32 v0, $9.999999740e-06  }
0x450: {  	v0 =	vmin.f32 v0, $9.999899860e-01  }
0x451: {  	[tilespmem:s30+$0xFFFFFFB0] =	vst v0  }
0x452: {  	v0 =	vld [tilespmem:s16+$0xFFFFFFC0]  }
0x453: {  	v59 =	vld [tilespmem:s18+$0xFFFFFFC0];
	_ =	sdelay $0x4  }
0x454: {  	v0 =	vadd.f32 v59, v0;
	_ =	sdelay $0x1  }
0x455: {  	v0 =	vsub.f32 $0.0e+00, v0;
	_ =	sdelay $0x1  }
0x456: {  	v0 =	vmul.f32 $1.442695020e+00, v0;
	_ =	sdelay $0x1  }
0x457: {  	(erf) = vpow2.f32 v0;
	_ =	sdelay $0x8  }
0x458: {  	v0 =	vpop (erf)  }
0x459: {  	v0 =	vadd.f32 $1.000000000e+00, v0;
	_ =	sdelay $0x1  }
0x45a: {  	(erf) = vrcp.f32 v0;
	_ =	sdelay $0x8  }
0x45b: {  	v0 =	vpop (erf)  }
0x45c: {  	v0 =	vmax.f32 v0, $9.999999740e-06  }
0x45d: {  	v0 =	vmin.f32 v0, $9.999899860e-01  }
0x45e: {  	[tilespmem:s30+$0xFFFFFFC0] =	vst v0  }
0x45f: {  	v0 =	vld [tilespmem:s16+$0xFFFFFFD0]  }
0x460: {  	v60 =	vld [tilespmem:s18+$0xFFFFFFD0];
	_ =	sdelay $0x4  }
0x461: {  	v0 =	vadd.f32 v60, v0;
	_ =	sdelay $0x1  }
0x462: {  	v0 =	vsub.f32 $0.0e+00, v0;
	_ =	sdelay $0x1  }
0x463: {  	v0 =	vmul.f32 $1.442695020e+00, v0;
	_ =	sdelay $0x1  }
0x464: {  	(erf) = vpow2.f32 v0;
	_ =	sdelay $0x8  }
0x465: {  	v0 =	vpop (erf)  }
0x466: {  	v0 =	vadd.f32 $1.000000000e+00, v0;
	_ =	sdelay $0x1  }
0x467: {  	(erf) = vrcp.f32 v0;
	_ =	sdelay $0x8  }
0x468: {  	v0 =	vpop (erf)  }
0x469: {  	v0 =	vmax.f32 v0, $9.999999740e-06  }
0x46a: {  	v0 =	vmin.f32 v0, $9.999899860e-01  }
0x46b: {  	[tilespmem:s30+$0xFFFFFFD0] =	vst v0  }
0x46c: {  	v0 =	vld [tilespmem:s16+$0xFFFFFFE0]  }
0x46d: {  	v61 =	vld [tilespmem:s18+$0xFFFFFFE0];
	_ =	sdelay $0x4  }
0x46e: {  	v0 =	vadd.f32 v61, v0;
	_ =	sdelay $0x1  }
0x46f: {  	v0 =	vsub.f32 $0.0e+00, v0;
	_ =	sdelay $0x1  }
0x470: {  	v0 =	vmul.f32 $1.442695020e+00, v0;
	_ =	sdelay $0x1  }
0x471: {  	(erf) = vpow2.f32 v0;
	_ =	sdelay $0x8  }
0x472: {  	v0 =	vpop (erf)  }
0x473: {  	v0 =	vadd.f32 $1.000000000e+00, v0;
	_ =	sdelay $0x1  }
0x474: {  	(erf) = vrcp.f32 v0;
	_ =	sdelay $0x8  }
0x475: {  	v0 =	vpop (erf)  }
0x476: {  	v0 =	vmax.f32 v0, $9.999999740e-06  }
0x477: {  	v0 =	vmin.f32 v0, $9.999899860e-01  }
0x478: {  	[tilespmem:s30+$0xFFFFFFE0] =	vst v0  }
0x479: {  	v0 =	vld [tilespmem:s16+$0xFFFFFFF0]  }
0x47a: {  	v62 =	vld [tilespmem:s18+$0xFFFFFFF0];
	_ =	sdelay $0x4  }
0x47b: {  	v0 =	vadd.f32 v62, v0;
	_ =	sdelay $0x1  }
0x47c: {  	v0 =	vsub.f32 $0.0e+00, v0;
	_ =	sdelay $0x1  }
0x47d: {  	v0 =	vmul.f32 $1.442695020e+00, v0;
	_ =	sdelay $0x1  }
0x47e: {  	(erf) = vpow2.f32 v0;
	_ =	sdelay $0x8  }
0x47f: {  	v0 =	vpop (erf)  }
0x480: {  	v0 =	vadd.f32 $1.000000000e+00, v0;
	_ =	sdelay $0x1  }
0x481: {  	(erf) = vrcp.f32 v0;
	_ =	sdelay $0x8  }
0x482: {  	v0 =	vpop (erf)  }
0x483: {  	v0 =	vmax.f32 v0, $9.999999740e-06  }
0x484: {  	v0 =	vmin.f32 v0, $9.999899860e-01  }
0x485: {  	[tilespmem:s30+$0xFFFFFFF0] =	vst v0  }
0x486: {  	v0 =	vld [tilespmem:s16+$0x0]  }
0x487: {  	v63 =	vld [tilespmem:s18+$0x0];
	_ =	sdelay $0x4  }
0x488: {  	v0 =	vadd.f32 v63, v0;
	_ =	sdelay $0x1  }
0x489: {  	v0 =	vsub.f32 $0.0e+00, v0;
	_ =	sdelay $0x1  }
0x48a: {  	v0 =	vmul.f32 $1.442695020e+00, v0;
	_ =	sdelay $0x1  }
0x48b: {  	(erf) = vpow2.f32 v0;
	_ =	sdelay $0x8  }
0x48c: {  	v0 =	vpop (erf)  }
0x48d: {  	v0 =	vadd.f32 $1.000000000e+00, v0;
	_ =	sdelay $0x1  }
0x48e: {  	(erf) = vrcp.f32 v0;
	_ =	sdelay $0x5  }
0x48f: {  	s0 =	sadd.s32 $0x8, s0  }
0x490: {  	p1 =	slt.u32 s0, $0xED  }
.Ltmp6:
0x491: {  	_ = 	snop;
	(pc) =	sbr.rel @p1 .LBB2_14-.Ltmp6, $4  }
0x492: {  	v0 =	vpop (erf)  }
0x493: {  	v0 =	vmax.f32 v0, $9.999999740e-06  }
0x494: {  	v0 =	vmin.f32 v0, $9.999899860e-01  }
0x495: {  	s16 =	sadd.s32 $0x80, s16;
	s18 =	sadd.s32 $0x80, s18;
	[tilespmem:s30+$0x0] =	vst v0;
	s30 =	sadd.s32 $0x80, s30  }
0x496: {  	v0 =	vld [tilespmem:$0xAD50]  }
0x497: {  	v1 =	vld [tilespmem:$0xD4D0];
	_ =	sdelay $0x4  }
0x498: {  	v0 =	vadd.f32 v1, v0;
	_ =	sdelay $0x1  }
0x499: {  	v0 =	vsub.f32 $0.0e+00, v0;
	_ =	sdelay $0x1  }
0x49a: {  	v0 =	vmul.f32 $1.442695020e+00, v0;
	_ =	sdelay $0x1  }
0x49b: {  	(erf) = vpow2.f32 v0  }
0x49c: {  	v44 =	vld [tilespmem:$0xAD60]  }
0x49d: {  	v45 =	vld [tilespmem:$0xD4E0];
	_ =	sdelay $0x4  }
0x49e: {  	v0 =	vadd.f32 v45, v44;
	_ =	sdelay $0x1  }
0x49f: {  	v0 =	vsub.f32 $0.0e+00, v0;
	v46 =	vpop (erf)  }
0x4a0: {  	v1 =	vadd.f32 $1.000000000e+00, v46  }
0x4a1: {  	v0 =	vmul.f32 $1.442695020e+00, v0  }
0x4a2: {  	(erf) = vrcp.f32 v1  }
0x4a3: {  	(erf) = vpow2.f32 v0  }
0x4a4: {  	v47 =	vld [tilespmem:$0xAD70]  }
0x4a5: {  	v48 =	vld [tilespmem:$0xD4F0];
	_ =	sdelay $0x4  }
0x4a6: {  	v0 =	vadd.f32 v48, v47  }
0x4a7: {  	v49 =	vpop (erf)  }
0x4a8: {  	v0 =	vsub.f32 $0.0e+00, v0;
	v2 =	vpop (erf)  }
0x4a9: {  	v2 =	vadd.f32 $1.000000000e+00, v2  }
0x4aa: {  	v0 =	vmul.f32 $1.442695020e+00, v0  }
0x4ab: {  	(erf) = vrcp.f32 v2  }
0x4ac: {  	(erf) = vpow2.f32 v0  }
0x4ad: {  	v50 =	vld [tilespmem:$0xAD80]  }
0x4ae: {  	v51 =	vld [tilespmem:$0xD500];
	_ =	sdelay $0x4  }
0x4af: {  	v0 =	vadd.f32 v51, v50  }
0x4b0: {  	v52 =	vpop (erf)  }
0x4b1: {  	v0 =	vsub.f32 $0.0e+00, v0;
	v3 =	vpop (erf)  }
0x4b2: {  	v3 =	vadd.f32 $1.000000000e+00, v3  }
0x4b3: {  	v0 =	vmul.f32 $1.442695020e+00, v0  }
0x4b4: {  	(erf) = vrcp.f32 v3  }
0x4b5: {  	(erf) = vpow2.f32 v0  }
0x4b6: {  	v53 =	vld [tilespmem:$0xAD90]  }
0x4b7: {  	v54 =	vld [tilespmem:$0xD510];
	_ =	sdelay $0x4  }
0x4b8: {  	v0 =	vadd.f32 v54, v53  }
0x4b9: {  	v55 =	vpop (erf)  }
0x4ba: {  	v0 =	vsub.f32 $0.0e+00, v0;
	v4 =	vpop (erf)  }
0x4bb: {  	v4 =	vadd.f32 $1.000000000e+00, v4  }
0x4bc: {  	v0 =	vmul.f32 $1.442695020e+00, v0  }
0x4bd: {  	(erf) = vrcp.f32 v4  }
0x4be: {  	(erf) = vpow2.f32 v0;
	_ =	sdelay $0x7  }
0x4bf: {  	v56 =	vpop (erf)  }
0x4c0: {  	v57 =	vpop (erf)  }
0x4c1: {  	v4 =	vadd.f32 $1.000000000e+00, v57;
	_ =	sdelay $0x1  }
0x4c2: {  	(erf) = vrcp.f32 v4;
	_ =	sdelay $0x5  }
0x4c3: {  	v1 =	vmax.f32 v49, $9.999999740e-06  }
0x4c4: {  	v1 =	vmin.f32 v1, $9.999899860e-01;
	v2 =	vmax.f32 v52, $9.999999740e-06  }
0x4c5: {  	[tilespmem:$0x85D0] =	vst v1;
	v58 =	vmin.f32 v2, $9.999899860e-01;
	v59 =	vmax.f32 v55, $9.999999740e-06  }
0x4c6: {  	[tilespmem:$0x85E0] =	vst v58;
	v60 =	vmin.f32 v59, $9.999899860e-01;
	v0 =	vmax.f32 v56, $9.999999740e-06;
	v61 =	vpop (erf)  }
0x4c7: {  	[tilespmem:$0x85F0] =	vst v60;
	v0 =	vmin.f32 v0, $9.999899860e-01;
	v62 =	vmax.f32 v61, $9.999999740e-06  }
0x4c8: {  	[tilespmem:$0x8600] =	vst v0;
	v63 =	vmin.f32 v62, $9.999899860e-01  }
0x4c9: {  	[tilespmem:$0x8610] =	vst v63  }
0x4ca: {  	[hbm4b:s8+s2] =	stream.linear.scatter [tilespmem:s23], [sflag:$0x3], $0x7D0, $0x38;
	[tilespmem:$0x13C00] =	vst v63  }
0x4cb: {  	_ =	swait.ge [sflag:s20], $0x7D0  }
0x4cc: {  	[sflag:s20] =	ssyncset.done $0x0  }
0x4cd: {  	[sflag:s20] =	ssyncadd.s32 $0xFFFFF830  }
0x4ce: {  	_ =	swait.ge [sflag:s21], $0x7D0  }
0x4cf: {  	s0 =	simm.s32 $0xF2;
	s16 =	simm.s32 $0xAE10;
	[sflag:s21] =	ssyncset.done $0x0  }
0x4d0: {  	s18 =	simm.s32 $0xD590;
	s30 =	simm.s32 $0x8690;
	[sflag:s21] =	ssyncadd.s32 $0xFFFFF830  }
.LBB2_16:
0x4d1: {  	v0 =	vld [tilespmem:s16+$0xFFFFFF90]  }
0x4d2: {  	v1 =	vld [tilespmem:s18+$0xFFFFFF90];
	_ =	sdelay $0x4  }
0x4d3: {  	v0 =	vadd.f32 v1, v0;
	_ =	sdelay $0x1  }
0x4d4: {  	v0 =	vsub.f32 $0.0e+00, v0;
	_ =	sdelay $0x1  }
0x4d5: {  	v0 =	vmul.f32 $1.442695020e+00, v0;
	_ =	sdelay $0x1  }
0x4d6: {  	(erf) = vpow2.f32 v0;
	_ =	sdelay $0x8  }
0x4d7: {  	v0 =	vpop (erf)  }
0x4d8: {  	v0 =	vadd.f32 $1.000000000e+00, v0;
	_ =	sdelay $0x1  }
0x4d9: {  	(erf) = vrcp.f32 v0;
	_ =	sdelay $0x8  }
0x4da: {  	v0 =	vpop (erf)  }
0x4db: {  	v0 =	vmax.f32 v0, $9.999999740e-06  }
0x4dc: {  	v0 =	vmin.f32 v0, $9.999899860e-01  }
0x4dd: {  	[tilespmem:s30+$0xFFFFFF90] =	vst v0  }
0x4de: {  	v0 =	vld [tilespmem:s16+$0xFFFFFFA0]  }
0x4df: {  	v57 =	vld [tilespmem:s18+$0xFFFFFFA0];
	_ =	sdelay $0x4  }
0x4e0: {  	v0 =	vadd.f32 v57, v0;
	_ =	sdelay $0x1  }
0x4e1: {  	v0 =	vsub.f32 $0.0e+00, v0;
	_ =	sdelay $0x1  }
0x4e2: {  	v0 =	vmul.f32 $1.442695020e+00, v0;
	_ =	sdelay $0x1  }
0x4e3: {  	(erf) = vpow2.f32 v0;
	_ =	sdelay $0x8  }
0x4e4: {  	v0 =	vpop (erf)  }
0x4e5: {  	v0 =	vadd.f32 $1.000000000e+00, v0;
	_ =	sdelay $0x1  }
0x4e6: {  	(erf) = vrcp.f32 v0;
	_ =	sdelay $0x8  }
0x4e7: {  	v0 =	vpop (erf)  }
0x4e8: {  	v0 =	vmax.f32 v0, $9.999999740e-06  }
0x4e9: {  	v0 =	vmin.f32 v0, $9.999899860e-01  }
0x4ea: {  	[tilespmem:s30+$0xFFFFFFA0] =	vst v0  }
0x4eb: {  	v0 =	vld [tilespmem:s16+$0xFFFFFFB0]  }
0x4ec: {  	v58 =	vld [tilespmem:s18+$0xFFFFFFB0];
	_ =	sdelay $0x4  }
0x4ed: {  	v0 =	vadd.f32 v58, v0;
	_ =	sdelay $0x1  }
0x4ee: {  	v0 =	vsub.f32 $0.0e+00, v0;
	_ =	sdelay $0x1  }
0x4ef: {  	v0 =	vmul.f32 $1.442695020e+00, v0;
	_ =	sdelay $0x1  }
0x4f0: {  	(erf) = vpow2.f32 v0;
	_ =	sdelay $0x8  }
0x4f1: {  	v0 =	vpop (erf)  }
0x4f2: {  	v0 =	vadd.f32 $1.000000000e+00, v0;
	_ =	sdelay $0x1  }
0x4f3: {  	(erf) = vrcp.f32 v0;
	_ =	sdelay $0x8  }
0x4f4: {  	v0 =	vpop (erf)  }
0x4f5: {  	v0 =	vmax.f32 v0, $9.999999740e-06  }
0x4f6: {  	v0 =	vmin.f32 v0, $9.999899860e-01  }
0x4f7: {  	[tilespmem:s30+$0xFFFFFFB0] =	vst v0  }
0x4f8: {  	v0 =	vld [tilespmem:s16+$0xFFFFFFC0]  }
0x4f9: {  	v59 =	vld [tilespmem:s18+$0xFFFFFFC0];
	_ =	sdelay $0x4  }
0x4fa: {  	v0 =	vadd.f32 v59, v0;
	_ =	sdelay $0x1  }
0x4fb: {  	v0 =	vsub.f32 $0.0e+00, v0;
	_ =	sdelay $0x1  }
0x4fc: {  	v0 =	vmul.f32 $1.442695020e+00, v0;
	_ =	sdelay $0x1  }
0x4fd: {  	(erf) = vpow2.f32 v0;
	_ =	sdelay $0x8  }
0x4fe: {  	v0 =	vpop (erf)  }
0x4ff: {  	v0 =	vadd.f32 $1.000000000e+00, v0;
	_ =	sdelay $0x1  }
0x500: {  	(erf) = vrcp.f32 v0;
	_ =	sdelay $0x8  }
0x501: {  	v0 =	vpop (erf)  }
0x502: {  	v0 =	vmax.f32 v0, $9.999999740e-06  }
0x503: {  	v0 =	vmin.f32 v0, $9.999899860e-01  }
0x504: {  	[tilespmem:s30+$0xFFFFFFC0] =	vst v0  }
0x505: {  	v0 =	vld [tilespmem:s16+$0xFFFFFFD0]  }
0x506: {  	v60 =	vld [tilespmem:s18+$0xFFFFFFD0];
	_ =	sdelay $0x4  }
0x507: {  	v0 =	vadd.f32 v60, v0;
	_ =	sdelay $0x1  }
0x508: {  	v0 =	vsub.f32 $0.0e+00, v0;
	_ =	sdelay $0x1  }
0x509: {  	v0 =	vmul.f32 $1.442695020e+00, v0;
	_ =	sdelay $0x1  }
0x50a: {  	(erf) = vpow2.f32 v0;
	_ =	sdelay $0x8  }
0x50b: {  	v0 =	vpop (erf)  }
0x50c: {  	v0 =	vadd.f32 $1.000000000e+00, v0;
	_ =	sdelay $0x1  }
0x50d: {  	(erf) = vrcp.f32 v0;
	_ =	sdelay $0x8  }
0x50e: {  	v0 =	vpop (erf)  }
0x50f: {  	v0 =	vmax.f32 v0, $9.999999740e-06  }
0x510: {  	v0 =	vmin.f32 v0, $9.999899860e-01  }
0x511: {  	[tilespmem:s30+$0xFFFFFFD0] =	vst v0  }
0x512: {  	v0 =	vld [tilespmem:s16+$0xFFFFFFE0]  }
0x513: {  	v61 =	vld [tilespmem:s18+$0xFFFFFFE0];
	_ =	sdelay $0x4  }
0x514: {  	v0 =	vadd.f32 v61, v0;
	_ =	sdelay $0x1  }
0x515: {  	v0 =	vsub.f32 $0.0e+00, v0;
	_ =	sdelay $0x1  }
0x516: {  	v0 =	vmul.f32 $1.442695020e+00, v0;
	_ =	sdelay $0x1  }
0x517: {  	(erf) = vpow2.f32 v0;
	_ =	sdelay $0x8  }
0x518: {  	v0 =	vpop (erf)  }
0x519: {  	v0 =	vadd.f32 $1.000000000e+00, v0;
	_ =	sdelay $0x1  }
0x51a: {  	(erf) = vrcp.f32 v0;
	_ =	sdelay $0x8  }
0x51b: {  	v0 =	vpop (erf)  }
0x51c: {  	v0 =	vmax.f32 v0, $9.999999740e-06  }
0x51d: {  	v0 =	vmin.f32 v0, $9.999899860e-01  }
0x51e: {  	[tilespmem:s30+$0xFFFFFFE0] =	vst v0  }
0x51f: {  	v0 =	vld [tilespmem:s16+$0xFFFFFFF0]  }
0x520: {  	v62 =	vld [tilespmem:s18+$0xFFFFFFF0];
	_ =	sdelay $0x4  }
0x521: {  	v0 =	vadd.f32 v62, v0;
	_ =	sdelay $0x1  }
0x522: {  	v0 =	vsub.f32 $0.0e+00, v0;
	_ =	sdelay $0x1  }
0x523: {  	v0 =	vmul.f32 $1.442695020e+00, v0;
	_ =	sdelay $0x1  }
0x524: {  	(erf) = vpow2.f32 v0;
	_ =	sdelay $0x8  }
0x525: {  	v0 =	vpop (erf)  }
0x526: {  	v0 =	vadd.f32 $1.000000000e+00, v0;
	_ =	sdelay $0x1  }
0x527: {  	(erf) = vrcp.f32 v0;
	_ =	sdelay $0x8  }
0x528: {  	v0 =	vpop (erf)  }
0x529: {  	v0 =	vmax.f32 v0, $9.999999740e-06  }
0x52a: {  	v0 =	vmin.f32 v0, $9.999899860e-01  }
0x52b: {  	[tilespmem:s30+$0xFFFFFFF0] =	vst v0  }
0x52c: {  	v0 =	vld [tilespmem:s16+$0x0]  }
0x52d: {  	v63 =	vld [tilespmem:s18+$0x0];
	_ =	sdelay $0x4  }
0x52e: {  	v0 =	vadd.f32 v63, v0;
	_ =	sdelay $0x1  }
0x52f: {  	v0 =	vsub.f32 $0.0e+00, v0;
	_ =	sdelay $0x1  }
0x530: {  	v0 =	vmul.f32 $1.442695020e+00, v0;
	_ =	sdelay $0x1  }
0x531: {  	(erf) = vpow2.f32 v0;
	_ =	sdelay $0x8  }
0x532: {  	v0 =	vpop (erf)  }
0x533: {  	v0 =	vadd.f32 $1.000000000e+00, v0;
	_ =	sdelay $0x1  }
0x534: {  	(erf) = vrcp.f32 v0;
	_ =	sdelay $0x5  }
0x535: {  	s0 =	sadd.s32 $0x8, s0  }
0x536: {  	p1 =	slt.u32 s0, $0x16A  }
.Ltmp7:
0x537: {  	_ = 	snop;
	(pc) =	sbr.rel @p1 .LBB2_16-.Ltmp7, $4  }
0x538: {  	v0 =	vpop (erf)  }
0x539: {  	v0 =	vmax.f32 v0, $9.999999740e-06  }
0x53a: {  	v0 =	vmin.f32 v0, $9.999899860e-01  }
0x53b: {  	s16 =	sadd.s32 $0x80, s16;
	s18 =	sadd.s32 $0x80, s18;
	[tilespmem:s30+$0x0] =	vst v0;
	s30 =	sadd.s32 $0x80, s30  }
0x53c: {  	v0 =	vld [tilespmem:$0xB520]  }
0x53d: {  	v1 =	vld [tilespmem:$0xDCA0];
	_ =	sdelay $0x4  }
0x53e: {  	v0 =	vadd.f32 v1, v0;
	_ =	sdelay $0x1  }
0x53f: {  	v0 =	vsub.f32 $0.0e+00, v0;
	_ =	sdelay $0x1  }
0x540: {  	v0 =	vmul.f32 $1.442695020e+00, v0;
	_ =	sdelay $0x1  }
0x541: {  	(erf) = vpow2.f32 v0  }
0x542: {  	v44 =	vld [tilespmem:$0xB530]  }
0x543: {  	v45 =	vld [tilespmem:$0xDCB0];
	_ =	sdelay $0x4  }
0x544: {  	v0 =	vadd.f32 v45, v44;
	_ =	sdelay $0x1  }
0x545: {  	v0 =	vsub.f32 $0.0e+00, v0;
	v46 =	vpop (erf)  }
0x546: {  	v1 =	vadd.f32 $1.000000000e+00, v46  }
0x547: {  	v0 =	vmul.f32 $1.442695020e+00, v0  }
0x548: {  	(erf) = vrcp.f32 v1  }
0x549: {  	(erf) = vpow2.f32 v0  }
0x54a: {  	v47 =	vld [tilespmem:$0xB540]  }
0x54b: {  	v48 =	vld [tilespmem:$0xDCC0];
	_ =	sdelay $0x4  }
0x54c: {  	v0 =	vadd.f32 v48, v47  }
0x54d: {  	v49 =	vpop (erf)  }
0x54e: {  	v0 =	vsub.f32 $0.0e+00, v0;
	v2 =	vpop (erf)  }
0x54f: {  	v2 =	vadd.f32 $1.000000000e+00, v2  }
0x550: {  	v0 =	vmul.f32 $1.442695020e+00, v0  }
0x551: {  	(erf) = vrcp.f32 v2  }
0x552: {  	(erf) = vpow2.f32 v0  }
0x553: {  	v50 =	vld [tilespmem:$0xB550]  }
0x554: {  	v51 =	vld [tilespmem:$0xDCD0];
	_ =	sdelay $0x4  }
0x555: {  	v0 =	vadd.f32 v51, v50  }
0x556: {  	v52 =	vpop (erf)  }
0x557: {  	v0 =	vsub.f32 $0.0e+00, v0;
	v3 =	vpop (erf)  }
0x558: {  	v3 =	vadd.f32 $1.000000000e+00, v3  }
0x559: {  	v0 =	vmul.f32 $1.442695020e+00, v0  }
0x55a: {  	(erf) = vrcp.f32 v3  }
0x55b: {  	(erf) = vpow2.f32 v0  }
0x55c: {  	v53 =	vld [tilespmem:$0xB560]  }
0x55d: {  	v54 =	vld [tilespmem:$0xDCE0];
	_ =	sdelay $0x4  }
0x55e: {  	v0 =	vadd.f32 v54, v53  }
0x55f: {  	v55 =	vpop (erf)  }
0x560: {  	v0 =	vsub.f32 $0.0e+00, v0;
	v4 =	vpop (erf)  }
0x561: {  	v4 =	vadd.f32 $1.000000000e+00, v4  }
0x562: {  	v0 =	vmul.f32 $1.442695020e+00, v0  }
0x563: {  	(erf) = vrcp.f32 v4  }
0x564: {  	(erf) = vpow2.f32 v0;
	_ =	sdelay $0x7  }
0x565: {  	v56 =	vpop (erf)  }
0x566: {  	v57 =	vpop (erf)  }
0x567: {  	v4 =	vadd.f32 $1.000000000e+00, v57;
	_ =	sdelay $0x1  }
0x568: {  	(erf) = vrcp.f32 v4;
	_ =	sdelay $0x5  }
0x569: {  	v1 =	vmax.f32 v49, $9.999999740e-06  }
0x56a: {  	v1 =	vmin.f32 v1, $9.999899860e-01;
	v2 =	vmax.f32 v52, $9.999999740e-06  }
0x56b: {  	[tilespmem:$0x8DA0] =	vst v1;
	v58 =	vmin.f32 v2, $9.999899860e-01;
	v59 =	vmax.f32 v55, $9.999999740e-06  }
0x56c: {  	[tilespmem:$0x8DB0] =	vst v58;
	v60 =	vmin.f32 v59, $9.999899860e-01;
	v0 =	vmax.f32 v56, $9.999999740e-06;
	v61 =	vpop (erf)  }
0x56d: {  	[tilespmem:$0x8DC0] =	vst v60;
	v0 =	vmin.f32 v0, $9.999899860e-01;
	v62 =	vmax.f32 v61, $9.999999740e-06  }
0x56e: {  	[tilespmem:$0x8DD0] =	vst v0;
	v63 =	vmin.f32 v62, $9.999899860e-01  }
0x56f: {  	[tilespmem:$0x8DE0] =	vst v63  }
0x570: {  	[hbm4b:s9+s2] =	stream.linear.scatter [tilespmem:s24], [sflag:$0x3], $0x7D0, $0x38;
	[tilespmem:$0x13C00] =	vst v63  }
0x571: {  	_ =	swait.ge [sflag:s20], $0x7D0  }
0x572: {  	[sflag:s20] =	ssyncset.done $0x0  }
0x573: {  	[sflag:s20] =	ssyncadd.s32 $0xFFFFF830  }
0x574: {  	_ =	swait.ge [sflag:s21], $0x7D0  }
0x575: {  	s0 =	simm.s32 $0x16F;
	s16 =	simm.s32 $0xB5E0;
	[sflag:s21] =	ssyncset.done $0x0  }
0x576: {  	s18 =	simm.s32 $0xDD60;
	s30 =	simm.s32 $0x8E60;
	[sflag:s21] =	ssyncadd.s32 $0xFFFFF830  }
.LBB2_18:
0x577: {  	v0 =	vld [tilespmem:s16+$0xFFFFFF90]  }
0x578: {  	v1 =	vld [tilespmem:s18+$0xFFFFFF90];
	_ =	sdelay $0x4  }
0x579: {  	v0 =	vadd.f32 v1, v0;
	_ =	sdelay $0x1  }
0x57a: {  	v0 =	vsub.f32 $0.0e+00, v0;
	_ =	sdelay $0x1  }
0x57b: {  	v0 =	vmul.f32 $1.442695020e+00, v0;
	_ =	sdelay $0x1  }
0x57c: {  	(erf) = vpow2.f32 v0;
	_ =	sdelay $0x8  }
0x57d: {  	v0 =	vpop (erf)  }
0x57e: {  	v0 =	vadd.f32 $1.000000000e+00, v0;
	_ =	sdelay $0x1  }
0x57f: {  	(erf) = vrcp.f32 v0;
	_ =	sdelay $0x8  }
0x580: {  	v0 =	vpop (erf)  }
0x581: {  	v0 =	vmax.f32 v0, $9.999999740e-06  }
0x582: {  	v0 =	vmin.f32 v0, $9.999899860e-01  }
0x583: {  	[tilespmem:s30+$0xFFFFFF90] =	vst v0  }
0x584: {  	v0 =	vld [tilespmem:s16+$0xFFFFFFA0]  }
0x585: {  	v57 =	vld [tilespmem:s18+$0xFFFFFFA0];
	_ =	sdelay $0x4  }
0x586: {  	v0 =	vadd.f32 v57, v0;
	_ =	sdelay $0x1  }
0x587: {  	v0 =	vsub.f32 $0.0e+00, v0;
	_ =	sdelay $0x1  }
0x588: {  	v0 =	vmul.f32 $1.442695020e+00, v0;
	_ =	sdelay $0x1  }
0x589: {  	(erf) = vpow2.f32 v0;
	_ =	sdelay $0x8  }
0x58a: {  	v0 =	vpop (erf)  }
0x58b: {  	v0 =	vadd.f32 $1.000000000e+00, v0;
	_ =	sdelay $0x1  }
0x58c: {  	(erf) = vrcp.f32 v0;
	_ =	sdelay $0x8  }
0x58d: {  	v0 =	vpop (erf)  }
0x58e: {  	v0 =	vmax.f32 v0, $9.999999740e-06  }
0x58f: {  	v0 =	vmin.f32 v0, $9.999899860e-01  }
0x590: {  	[tilespmem:s30+$0xFFFFFFA0] =	vst v0  }
0x591: {  	v0 =	vld [tilespmem:s16+$0xFFFFFFB0]  }
0x592: {  	v58 =	vld [tilespmem:s18+$0xFFFFFFB0];
	_ =	sdelay $0x4  }
0x593: {  	v0 =	vadd.f32 v58, v0;
	_ =	sdelay $0x1  }
0x594: {  	v0 =	vsub.f32 $0.0e+00, v0;
	_ =	sdelay $0x1  }
0x595: {  	v0 =	vmul.f32 $1.442695020e+00, v0;
	_ =	sdelay $0x1  }
0x596: {  	(erf) = vpow2.f32 v0;
	_ =	sdelay $0x8  }
0x597: {  	v0 =	vpop (erf)  }
0x598: {  	v0 =	vadd.f32 $1.000000000e+00, v0;
	_ =	sdelay $0x1  }
0x599: {  	(erf) = vrcp.f32 v0;
	_ =	sdelay $0x8  }
0x59a: {  	v0 =	vpop (erf)  }
0x59b: {  	v0 =	vmax.f32 v0, $9.999999740e-06  }
0x59c: {  	v0 =	vmin.f32 v0, $9.999899860e-01  }
0x59d: {  	[tilespmem:s30+$0xFFFFFFB0] =	vst v0  }
0x59e: {  	v0 =	vld [tilespmem:s16+$0xFFFFFFC0]  }
0x59f: {  	v59 =	vld [tilespmem:s18+$0xFFFFFFC0];
	_ =	sdelay $0x4  }
0x5a0: {  	v0 =	vadd.f32 v59, v0;
	_ =	sdelay $0x1  }
0x5a1: {  	v0 =	vsub.f32 $0.0e+00, v0;
	_ =	sdelay $0x1  }
0x5a2: {  	v0 =	vmul.f32 $1.442695020e+00, v0;
	_ =	sdelay $0x1  }
0x5a3: {  	(erf) = vpow2.f32 v0;
	_ =	sdelay $0x8  }
0x5a4: {  	v0 =	vpop (erf)  }
0x5a5: {  	v0 =	vadd.f32 $1.000000000e+00, v0;
	_ =	sdelay $0x1  }
0x5a6: {  	(erf) = vrcp.f32 v0;
	_ =	sdelay $0x8  }
0x5a7: {  	v0 =	vpop (erf)  }
0x5a8: {  	v0 =	vmax.f32 v0, $9.999999740e-06  }
0x5a9: {  	v0 =	vmin.f32 v0, $9.999899860e-01  }
0x5aa: {  	[tilespmem:s30+$0xFFFFFFC0] =	vst v0  }
0x5ab: {  	v0 =	vld [tilespmem:s16+$0xFFFFFFD0]  }
0x5ac: {  	v60 =	vld [tilespmem:s18+$0xFFFFFFD0];
	_ =	sdelay $0x4  }
0x5ad: {  	v0 =	vadd.f32 v60, v0;
	_ =	sdelay $0x1  }
0x5ae: {  	v0 =	vsub.f32 $0.0e+00, v0;
	_ =	sdelay $0x1  }
0x5af: {  	v0 =	vmul.f32 $1.442695020e+00, v0;
	_ =	sdelay $0x1  }
0x5b0: {  	(erf) = vpow2.f32 v0;
	_ =	sdelay $0x8  }
0x5b1: {  	v0 =	vpop (erf)  }
0x5b2: {  	v0 =	vadd.f32 $1.000000000e+00, v0;
	_ =	sdelay $0x1  }
0x5b3: {  	(erf) = vrcp.f32 v0;
	_ =	sdelay $0x8  }
0x5b4: {  	v0 =	vpop (erf)  }
0x5b5: {  	v0 =	vmax.f32 v0, $9.999999740e-06  }
0x5b6: {  	v0 =	vmin.f32 v0, $9.999899860e-01  }
0x5b7: {  	[tilespmem:s30+$0xFFFFFFD0] =	vst v0  }
0x5b8: {  	v0 =	vld [tilespmem:s16+$0xFFFFFFE0]  }
0x5b9: {  	v61 =	vld [tilespmem:s18+$0xFFFFFFE0];
	_ =	sdelay $0x4  }
0x5ba: {  	v0 =	vadd.f32 v61, v0;
	_ =	sdelay $0x1  }
0x5bb: {  	v0 =	vsub.f32 $0.0e+00, v0;
	_ =	sdelay $0x1  }
0x5bc: {  	v0 =	vmul.f32 $1.442695020e+00, v0;
	_ =	sdelay $0x1  }
0x5bd: {  	(erf) = vpow2.f32 v0;
	_ =	sdelay $0x8  }
0x5be: {  	v0 =	vpop (erf)  }
0x5bf: {  	v0 =	vadd.f32 $1.000000000e+00, v0;
	_ =	sdelay $0x1  }
0x5c0: {  	(erf) = vrcp.f32 v0;
	_ =	sdelay $0x8  }
0x5c1: {  	v0 =	vpop (erf)  }
0x5c2: {  	v0 =	vmax.f32 v0, $9.999999740e-06  }
0x5c3: {  	v0 =	vmin.f32 v0, $9.999899860e-01  }
0x5c4: {  	[tilespmem:s30+$0xFFFFFFE0] =	vst v0  }
0x5c5: {  	v0 =	vld [tilespmem:s16+$0xFFFFFFF0]  }
0x5c6: {  	v62 =	vld [tilespmem:s18+$0xFFFFFFF0];
	_ =	sdelay $0x4  }
0x5c7: {  	v0 =	vadd.f32 v62, v0;
	_ =	sdelay $0x1  }
0x5c8: {  	v0 =	vsub.f32 $0.0e+00, v0;
	_ =	sdelay $0x1  }
0x5c9: {  	v0 =	vmul.f32 $1.442695020e+00, v0;
	_ =	sdelay $0x1  }
0x5ca: {  	(erf) = vpow2.f32 v0;
	_ =	sdelay $0x8  }
0x5cb: {  	v0 =	vpop (erf)  }
0x5cc: {  	v0 =	vadd.f32 $1.000000000e+00, v0;
	_ =	sdelay $0x1  }
0x5cd: {  	(erf) = vrcp.f32 v0;
	_ =	sdelay $0x8  }
0x5ce: {  	v0 =	vpop (erf)  }
0x5cf: {  	v0 =	vmax.f32 v0, $9.999999740e-06  }
0x5d0: {  	v0 =	vmin.f32 v0, $9.999899860e-01  }
0x5d1: {  	[tilespmem:s30+$0xFFFFFFF0] =	vst v0  }
0x5d2: {  	v0 =	vld [tilespmem:s16+$0x0]  }
0x5d3: {  	v63 =	vld [tilespmem:s18+$0x0];
	_ =	sdelay $0x4  }
0x5d4: {  	v0 =	vadd.f32 v63, v0;
	_ =	sdelay $0x1  }
0x5d5: {  	v0 =	vsub.f32 $0.0e+00, v0;
	_ =	sdelay $0x1  }
0x5d6: {  	v0 =	vmul.f32 $1.442695020e+00, v0;
	_ =	sdelay $0x1  }
0x5d7: {  	(erf) = vpow2.f32 v0;
	_ =	sdelay $0x8  }
0x5d8: {  	v0 =	vpop (erf)  }
0x5d9: {  	v0 =	vadd.f32 $1.000000000e+00, v0;
	_ =	sdelay $0x1  }
0x5da: {  	(erf) = vrcp.f32 v0;
	_ =	sdelay $0x5  }
0x5db: {  	s0 =	sadd.s32 $0x8, s0  }
0x5dc: {  	p1 =	slt.u32 s0, $0x1E7  }
.Ltmp8:
0x5dd: {  	_ = 	snop;
	(pc) =	sbr.rel @p1 .LBB2_18-.Ltmp8, $4  }
0x5de: {  	v0 =	vpop (erf)  }
0x5df: {  	v0 =	vmax.f32 v0, $9.999999740e-06  }
0x5e0: {  	v0 =	vmin.f32 v0, $9.999899860e-01  }
0x5e1: {  	s16 =	sadd.s32 $0x80, s16;
	s18 =	sadd.s32 $0x80, s18;
	[tilespmem:s30+$0x0] =	vst v0;
	s30 =	sadd.s32 $0x80, s30  }
0x5e2: {  	v0 =	vld [tilespmem:$0xBCF0]  }
0x5e3: {  	v1 =	vld [tilespmem:$0xE470];
	_ =	sdelay $0x4  }
0x5e4: {  	v0 =	vadd.f32 v1, v0;
	_ =	sdelay $0x1  }
0x5e5: {  	v0 =	vsub.f32 $0.0e+00, v0;
	_ =	sdelay $0x1  }
0x5e6: {  	v0 =	vmul.f32 $1.442695020e+00, v0;
	_ =	sdelay $0x1  }
0x5e7: {  	(erf) = vpow2.f32 v0  }
0x5e8: {  	v44 =	vld [tilespmem:$0xBD00]  }
0x5e9: {  	v45 =	vld [tilespmem:$0xE480];
	_ =	sdelay $0x4  }
0x5ea: {  	v0 =	vadd.f32 v45, v44;
	_ =	sdelay $0x1  }
0x5eb: {  	v0 =	vsub.f32 $0.0e+00, v0;
	v46 =	vpop (erf)  }
0x5ec: {  	v1 =	vadd.f32 $1.000000000e+00, v46  }
0x5ed: {  	v0 =	vmul.f32 $1.442695020e+00, v0  }
0x5ee: {  	(erf) = vrcp.f32 v1  }
0x5ef: {  	(erf) = vpow2.f32 v0  }
0x5f0: {  	v47 =	vld [tilespmem:$0xBD10]  }
0x5f1: {  	v48 =	vld [tilespmem:$0xE490];
	_ =	sdelay $0x4  }
0x5f2: {  	v0 =	vadd.f32 v48, v47  }
0x5f3: {  	v49 =	vpop (erf)  }
0x5f4: {  	v0 =	vsub.f32 $0.0e+00, v0;
	v2 =	vpop (erf)  }
0x5f5: {  	v2 =	vadd.f32 $1.000000000e+00, v2  }
0x5f6: {  	v0 =	vmul.f32 $1.442695020e+00, v0  }
0x5f7: {  	(erf) = vrcp.f32 v2  }
0x5f8: {  	(erf) = vpow2.f32 v0  }
0x5f9: {  	v50 =	vld [tilespmem:$0xBD20]  }
0x5fa: {  	v51 =	vld [tilespmem:$0xE4A0];
	_ =	sdelay $0x4  }
0x5fb: {  	v0 =	vadd.f32 v51, v50  }
0x5fc: {  	v52 =	vpop (erf)  }
0x5fd: {  	v0 =	vsub.f32 $0.0e+00, v0;
	v3 =	vpop (erf)  }
0x5fe: {  	v3 =	vadd.f32 $1.000000000e+00, v3  }
0x5ff: {  	v0 =	vmul.f32 $1.442695020e+00, v0  }
0x600: {  	(erf) = vrcp.f32 v3  }
0x601: {  	(erf) = vpow2.f32 v0  }
0x602: {  	v53 =	vld [tilespmem:$0xBD30]  }
0x603: {  	v54 =	vld [tilespmem:$0xE4B0];
	_ =	sdelay $0x4  }
0x604: {  	v0 =	vadd.f32 v54, v53  }
0x605: {  	v55 =	vpop (erf)  }
0x606: {  	v0 =	vsub.f32 $0.0e+00, v0;
	v4 =	vpop (erf)  }
0x607: {  	v4 =	vadd.f32 $1.000000000e+00, v4  }
0x608: {  	v0 =	vmul.f32 $1.442695020e+00, v0  }
0x609: {  	(erf) = vrcp.f32 v4  }
0x60a: {  	(erf) = vpow2.f32 v0;
	_ =	sdelay $0x7  }
0x60b: {  	v56 =	vpop (erf)  }
0x60c: {  	v57 =	vpop (erf)  }
0x60d: {  	v4 =	vadd.f32 $1.000000000e+00, v57;
	_ =	sdelay $0x1  }
0x60e: {  	(erf) = vrcp.f32 v4;
	_ =	sdelay $0x5  }
0x60f: {  	v1 =	vmax.f32 v49, $9.999999740e-06  }
0x610: {  	v1 =	vmin.f32 v1, $9.999899860e-01;
	v2 =	vmax.f32 v52, $9.999999740e-06  }
0x611: {  	[tilespmem:$0x9570] =	vst v1;
	v58 =	vmin.f32 v2, $9.999899860e-01;
	v59 =	vmax.f32 v55, $9.999999740e-06  }
0x612: {  	[tilespmem:$0x9580] =	vst v58;
	v60 =	vmin.f32 v59, $9.999899860e-01;
	v0 =	vmax.f32 v56, $9.999999740e-06;
	v61 =	vpop (erf)  }
0x613: {  	[tilespmem:$0x9590] =	vst v60;
	v0 =	vmin.f32 v0, $9.999899860e-01;
	v62 =	vmax.f32 v61, $9.999999740e-06  }
0x614: {  	[tilespmem:$0x95A0] =	vst v0;
	v63 =	vmin.f32 v62, $9.999899860e-01  }
0x615: {  	[tilespmem:$0x95B0] =	vst v63  }
0x616: {  	[hbm4b:s10+s2] =	stream.linear.scatter [tilespmem:s25], [sflag:$0x3], $0x7D0, $0x38;
	[tilespmem:$0x13C00] =	vst v63  }
0x617: {  	_ =	swait.ge [sflag:s20], $0x7D0  }
0x618: {  	[sflag:s20] =	ssyncset.done $0x0  }
0x619: {  	[sflag:s20] =	ssyncadd.s32 $0xFFFFF830  }
0x61a: {  	_ =	swait.ge [sflag:s21], $0x7D0  }
0x61b: {  	s0 =	simm.s32 $0x1EC;
	s16 =	simm.s32 $0xBDB0;
	[sflag:s21] =	ssyncset.done $0x0  }
0x61c: {  	s18 =	simm.s32 $0xE530;
	s30 =	simm.s32 $0x9630;
	[sflag:s21] =	ssyncadd.s32 $0xFFFFF830  }
.LBB2_20:
0x61d: {  	v0 =	vld [tilespmem:s16+$0xFFFFFF90]  }
0x61e: {  	v1 =	vld [tilespmem:s18+$0xFFFFFF90];
	_ =	sdelay $0x4  }
0x61f: {  	v0 =	vadd.f32 v1, v0;
	_ =	sdelay $0x1  }
0x620: {  	v0 =	vsub.f32 $0.0e+00, v0;
	_ =	sdelay $0x1  }
0x621: {  	v0 =	vmul.f32 $1.442695020e+00, v0;
	_ =	sdelay $0x1  }
0x622: {  	(erf) = vpow2.f32 v0;
	_ =	sdelay $0x8  }
0x623: {  	v0 =	vpop (erf)  }
0x624: {  	v0 =	vadd.f32 $1.000000000e+00, v0;
	_ =	sdelay $0x1  }
0x625: {  	(erf) = vrcp.f32 v0;
	_ =	sdelay $0x8  }
0x626: {  	v0 =	vpop (erf)  }
0x627: {  	v0 =	vmax.f32 v0, $9.999999740e-06  }
0x628: {  	v0 =	vmin.f32 v0, $9.999899860e-01  }
0x629: {  	[tilespmem:s30+$0xFFFFFF90] =	vst v0  }
0x62a: {  	v0 =	vld [tilespmem:s16+$0xFFFFFFA0]  }
0x62b: {  	v57 =	vld [tilespmem:s18+$0xFFFFFFA0];
	_ =	sdelay $0x4  }
0x62c: {  	v0 =	vadd.f32 v57, v0;
	_ =	sdelay $0x1  }
0x62d: {  	v0 =	vsub.f32 $0.0e+00, v0;
	_ =	sdelay $0x1  }
0x62e: {  	v0 =	vmul.f32 $1.442695020e+00, v0;
	_ =	sdelay $0x1  }
0x62f: {  	(erf) = vpow2.f32 v0;
	_ =	sdelay $0x8  }
0x630: {  	v0 =	vpop (erf)  }
0x631: {  	v0 =	vadd.f32 $1.000000000e+00, v0;
	_ =	sdelay $0x1  }
0x632: {  	(erf) = vrcp.f32 v0;
	_ =	sdelay $0x8  }
0x633: {  	v0 =	vpop (erf)  }
0x634: {  	v0 =	vmax.f32 v0, $9.999999740e-06  }
0x635: {  	v0 =	vmin.f32 v0, $9.999899860e-01  }
0x636: {  	[tilespmem:s30+$0xFFFFFFA0] =	vst v0  }
0x637: {  	v0 =	vld [tilespmem:s16+$0xFFFFFFB0]  }
0x638: {  	v58 =	vld [tilespmem:s18+$0xFFFFFFB0];
	_ =	sdelay $0x4  }
0x639: {  	v0 =	vadd.f32 v58, v0;
	_ =	sdelay $0x1  }
0x63a: {  	v0 =	vsub.f32 $0.0e+00, v0;
	_ =	sdelay $0x1  }
0x63b: {  	v0 =	vmul.f32 $1.442695020e+00, v0;
	_ =	sdelay $0x1  }
0x63c: {  	(erf) = vpow2.f32 v0;
	_ =	sdelay $0x8  }
0x63d: {  	v0 =	vpop (erf)  }
0x63e: {  	v0 =	vadd.f32 $1.000000000e+00, v0;
	_ =	sdelay $0x1  }
0x63f: {  	(erf) = vrcp.f32 v0;
	_ =	sdelay $0x8  }
0x640: {  	v0 =	vpop (erf)  }
0x641: {  	v0 =	vmax.f32 v0, $9.999999740e-06  }
0x642: {  	v0 =	vmin.f32 v0, $9.999899860e-01  }
0x643: {  	[tilespmem:s30+$0xFFFFFFB0] =	vst v0  }
0x644: {  	v0 =	vld [tilespmem:s16+$0xFFFFFFC0]  }
0x645: {  	v59 =	vld [tilespmem:s18+$0xFFFFFFC0];
	_ =	sdelay $0x4  }
0x646: {  	v0 =	vadd.f32 v59, v0;
	_ =	sdelay $0x1  }
0x647: {  	v0 =	vsub.f32 $0.0e+00, v0;
	_ =	sdelay $0x1  }
0x648: {  	v0 =	vmul.f32 $1.442695020e+00, v0;
	_ =	sdelay $0x1  }
0x649: {  	(erf) = vpow2.f32 v0;
	_ =	sdelay $0x8  }
0x64a: {  	v0 =	vpop (erf)  }
0x64b: {  	v0 =	vadd.f32 $1.000000000e+00, v0;
	_ =	sdelay $0x1  }
0x64c: {  	(erf) = vrcp.f32 v0;
	_ =	sdelay $0x8  }
0x64d: {  	v0 =	vpop (erf)  }
0x64e: {  	v0 =	vmax.f32 v0, $9.999999740e-06  }
0x64f: {  	v0 =	vmin.f32 v0, $9.999899860e-01  }
0x650: {  	[tilespmem:s30+$0xFFFFFFC0] =	vst v0  }
0x651: {  	v0 =	vld [tilespmem:s16+$0xFFFFFFD0]  }
0x652: {  	v60 =	vld [tilespmem:s18+$0xFFFFFFD0];
	_ =	sdelay $0x4  }
0x653: {  	v0 =	vadd.f32 v60, v0;
	_ =	sdelay $0x1  }
0x654: {  	v0 =	vsub.f32 $0.0e+00, v0;
	_ =	sdelay $0x1  }
0x655: {  	v0 =	vmul.f32 $1.442695020e+00, v0;
	_ =	sdelay $0x1  }
0x656: {  	(erf) = vpow2.f32 v0;
	_ =	sdelay $0x8  }
0x657: {  	v0 =	vpop (erf)  }
0x658: {  	v0 =	vadd.f32 $1.000000000e+00, v0;
	_ =	sdelay $0x1  }
0x659: {  	(erf) = vrcp.f32 v0;
	_ =	sdelay $0x8  }
0x65a: {  	v0 =	vpop (erf)  }
0x65b: {  	v0 =	vmax.f32 v0, $9.999999740e-06  }
0x65c: {  	v0 =	vmin.f32 v0, $9.999899860e-01  }
0x65d: {  	[tilespmem:s30+$0xFFFFFFD0] =	vst v0  }
0x65e: {  	v0 =	vld [tilespmem:s16+$0xFFFFFFE0]  }
0x65f: {  	v61 =	vld [tilespmem:s18+$0xFFFFFFE0];
	_ =	sdelay $0x4  }
0x660: {  	v0 =	vadd.f32 v61, v0;
	_ =	sdelay $0x1  }
0x661: {  	v0 =	vsub.f32 $0.0e+00, v0;
	_ =	sdelay $0x1  }
0x662: {  	v0 =	vmul.f32 $1.442695020e+00, v0;
	_ =	sdelay $0x1  }
0x663: {  	(erf) = vpow2.f32 v0;
	_ =	sdelay $0x8  }
0x664: {  	v0 =	vpop (erf)  }
0x665: {  	v0 =	vadd.f32 $1.000000000e+00, v0;
	_ =	sdelay $0x1  }
0x666: {  	(erf) = vrcp.f32 v0;
	_ =	sdelay $0x8  }
0x667: {  	v0 =	vpop (erf)  }
0x668: {  	v0 =	vmax.f32 v0, $9.999999740e-06  }
0x669: {  	v0 =	vmin.f32 v0, $9.999899860e-01  }
0x66a: {  	[tilespmem:s30+$0xFFFFFFE0] =	vst v0  }
0x66b: {  	v0 =	vld [tilespmem:s16+$0xFFFFFFF0]  }
0x66c: {  	v62 =	vld [tilespmem:s18+$0xFFFFFFF0];
	_ =	sdelay $0x4  }
0x66d: {  	v0 =	vadd.f32 v62, v0;
	_ =	sdelay $0x1  }
0x66e: {  	v0 =	vsub.f32 $0.0e+00, v0;
	_ =	sdelay $0x1  }
0x66f: {  	v0 =	vmul.f32 $1.442695020e+00, v0;
	_ =	sdelay $0x1  }
0x670: {  	(erf) = vpow2.f32 v0;
	_ =	sdelay $0x8  }
0x671: {  	v0 =	vpop (erf)  }
0x672: {  	v0 =	vadd.f32 $1.000000000e+00, v0;
	_ =	sdelay $0x1  }
0x673: {  	(erf) = vrcp.f32 v0;
	_ =	sdelay $0x8  }
0x674: {  	v0 =	vpop (erf)  }
0x675: {  	v0 =	vmax.f32 v0, $9.999999740e-06  }
0x676: {  	v0 =	vmin.f32 v0, $9.999899860e-01  }
0x677: {  	[tilespmem:s30+$0xFFFFFFF0] =	vst v0  }
0x678: {  	v0 =	vld [tilespmem:s16+$0x0]  }
0x679: {  	v63 =	vld [tilespmem:s18+$0x0];
	_ =	sdelay $0x4  }
0x67a: {  	v0 =	vadd.f32 v63, v0;
	_ =	sdelay $0x1  }
0x67b: {  	v0 =	vsub.f32 $0.0e+00, v0;
	_ =	sdelay $0x1  }
0x67c: {  	v0 =	vmul.f32 $1.442695020e+00, v0;
	_ =	sdelay $0x1  }
0x67d: {  	(erf) = vpow2.f32 v0;
	_ =	sdelay $0x8  }
0x67e: {  	v0 =	vpop (erf)  }
0x67f: {  	v0 =	vadd.f32 $1.000000000e+00, v0;
	_ =	sdelay $0x1  }
0x680: {  	(erf) = vrcp.f32 v0;
	_ =	sdelay $0x5  }
0x681: {  	s0 =	sadd.s32 $0x8, s0  }
0x682: {  	p1 =	slt.u32 s0, $0x264  }
.Ltmp9:
0x683: {  	_ = 	snop;
	(pc) =	sbr.rel @p1 .LBB2_20-.Ltmp9, $4  }
0x684: {  	v0 =	vpop (erf)  }
0x685: {  	v0 =	vmax.f32 v0, $9.999999740e-06  }
0x686: {  	v0 =	vmin.f32 v0, $9.999899860e-01  }
0x687: {  	s16 =	sadd.s32 $0x80, s16;
	s18 =	sadd.s32 $0x80, s18;
	[tilespmem:s30+$0x0] =	vst v0;
	s30 =	sadd.s32 $0x80, s30  }
0x688: {  	v0 =	vld [tilespmem:$0xC4C0]  }
0x689: {  	v1 =	vld [tilespmem:$0xEC40];
	_ =	sdelay $0x4  }
0x68a: {  	v0 =	vadd.f32 v1, v0;
	_ =	sdelay $0x1  }
0x68b: {  	v0 =	vsub.f32 $0.0e+00, v0;
	_ =	sdelay $0x1  }
0x68c: {  	v0 =	vmul.f32 $1.442695020e+00, v0;
	_ =	sdelay $0x1  }
0x68d: {  	(erf) = vpow2.f32 v0  }
0x68e: {  	v44 =	vld [tilespmem:$0xC4D0]  }
0x68f: {  	v45 =	vld [tilespmem:$0xEC50];
	_ =	sdelay $0x4  }
0x690: {  	v0 =	vadd.f32 v45, v44;
	_ =	sdelay $0x1  }
0x691: {  	v0 =	vsub.f32 $0.0e+00, v0;
	v46 =	vpop (erf)  }
0x692: {  	v1 =	vadd.f32 $1.000000000e+00, v46  }
0x693: {  	v0 =	vmul.f32 $1.442695020e+00, v0  }
0x694: {  	(erf) = vrcp.f32 v1  }
0x695: {  	(erf) = vpow2.f32 v0  }
0x696: {  	v47 =	vld [tilespmem:$0xC4E0]  }
0x697: {  	v48 =	vld [tilespmem:$0xEC60];
	_ =	sdelay $0x4  }
0x698: {  	v0 =	vadd.f32 v48, v47  }
0x699: {  	v49 =	vpop (erf)  }
0x69a: {  	v0 =	vsub.f32 $0.0e+00, v0;
	v2 =	vpop (erf)  }
0x69b: {  	v2 =	vadd.f32 $1.000000000e+00, v2  }
0x69c: {  	v0 =	vmul.f32 $1.442695020e+00, v0  }
0x69d: {  	(erf) = vrcp.f32 v2  }
0x69e: {  	(erf) = vpow2.f32 v0  }
0x69f: {  	v50 =	vld [tilespmem:$0xC4F0]  }
0x6a0: {  	v51 =	vld [tilespmem:$0xEC70];
	_ =	sdelay $0x4  }
0x6a1: {  	v0 =	vadd.f32 v51, v50  }
0x6a2: {  	v52 =	vpop (erf)  }
0x6a3: {  	v0 =	vsub.f32 $0.0e+00, v0;
	v3 =	vpop (erf)  }
0x6a4: {  	v3 =	vadd.f32 $1.000000000e+00, v3  }
0x6a5: {  	v0 =	vmul.f32 $1.442695020e+00, v0  }
0x6a6: {  	(erf) = vrcp.f32 v3  }
0x6a7: {  	(erf) = vpow2.f32 v0  }
0x6a8: {  	v53 =	vld [tilespmem:$0xC500]  }
0x6a9: {  	v54 =	vld [tilespmem:$0xEC80];
	_ =	sdelay $0x4  }
0x6aa: {  	v0 =	vadd.f32 v54, v53  }
0x6ab: {  	v55 =	vpop (erf)  }
0x6ac: {  	v0 =	vsub.f32 $0.0e+00, v0;
	v4 =	vpop (erf)  }
0x6ad: {  	v4 =	vadd.f32 $1.000000000e+00, v4  }
0x6ae: {  	v0 =	vmul.f32 $1.442695020e+00, v0  }
0x6af: {  	(erf) = vrcp.f32 v4  }
0x6b0: {  	(erf) = vpow2.f32 v0;
	_ =	sdelay $0x7  }
0x6b1: {  	v56 =	vpop (erf)  }
0x6b2: {  	v57 =	vpop (erf)  }
0x6b3: {  	v4 =	vadd.f32 $1.000000000e+00, v57;
	_ =	sdelay $0x1  }
0x6b4: {  	(erf) = vrcp.f32 v4;
	_ =	sdelay $0x5  }
0x6b5: {  	v1 =	vmax.f32 v49, $9.999999740e-06  }
0x6b6: {  	v1 =	vmin.f32 v1, $9.999899860e-01;
	v2 =	vmax.f32 v52, $9.999999740e-06  }
0x6b7: {  	[tilespmem:$0x9D40] =	vst v1;
	v58 =	vmin.f32 v2, $9.999899860e-01;
	v59 =	vmax.f32 v55, $9.999999740e-06  }
0x6b8: {  	[tilespmem:$0x9D50] =	vst v58;
	v60 =	vmin.f32 v59, $9.999899860e-01;
	v0 =	vmax.f32 v56, $9.999999740e-06;
	v61 =	vpop (erf)  }
0x6b9: {  	[tilespmem:$0x9D60] =	vst v60;
	v0 =	vmin.f32 v0, $9.999899860e-01;
	v62 =	vmax.f32 v61, $9.999999740e-06  }
0x6ba: {  	[tilespmem:$0x9D70] =	vst v0;
	v63 =	vmin.f32 v62, $9.999899860e-01  }
0x6bb: {  	[tilespmem:$0x9D80] =	vst v63  }
0x6bc: {  	[hbm4b:s11+s2] =	stream.linear.scatter [tilespmem:s26], [sflag:$0x3], $0x7D0, $0x38;
	[tilespmem:$0x13C00] =	vst v63  }
0x6bd: {  	_ =	swait.ge [sflag:s28], $0x7D0  }
0x6be: {  	[sflag:s28] =	ssyncset.done $0x0  }
0x6bf: {  	[sflag:s28] =	ssyncadd.s32 $0xFFFFF830  }
0x6c0: {  	_ =	swait.ge [sflag:s28], $0x7D0  }
0x6c1: {  	[sflag:s28] =	ssyncset.done $0x0  }
0x6c2: {  	[sflag:s28] =	ssyncadd.s32 $0xFFFFF830  }
0x6c3: {  	_ =	swait.ge [sflag:s28], $0x7D0  }
0x6c4: {  	[sflag:s28] =	ssyncset.done $0x0  }
0x6c5: {  	s29 =	sadd.s32 $0x1, s29;
	[sflag:s28] =	ssyncadd.s32 $0xFFFFF830  }
0x6c6: {  	p1 =	sne.s32 s29, s12;
	_ =	swait.ge [sflag:s28], $0x7D0  }
.Ltmp10:
0x6c7: {  	[sflag:s28] =	ssyncset.done $0x0;
	(pc) =	sbr.rel @p1 .LBB2_1-.Ltmp10, $4  }
0x6c8: {  	[sflag:s28] =	ssyncadd.s32 $0xFFFFF830  }
0x6c9: {  	_ =	swait.ge [sflag:s28], $0x7D0  }
0x6ca: {  	[sflag:s28] =	ssyncset.done $0x0  }
0x6cb: {  	[sflag:s28] =	ssyncadd.s32 $0xFFFFF830  }
0x6cc: {  	_ =	sfence.sel $0x180000  }
0x6cd: {  	[bflag:$0x0] =	sbarrier.arrive $0xFFFF  }
0x6ce: {  	_ =	strace $0x90000047  }
0x6cf: {  	[bflag:$0x2] =	sbarrier.arrive $0xFFFF  }
0x6d0: {  	s0 =	rddreg [dreg:$0x4]  }
0x6d1: {  	s0 =	sadd.s32 @!p0 $0x100000, s0  }
0x6d2: {  	[sflag:s0] =	ssyncadd.tile.s32 @!p0 $0x1;
	_ =	shalt  }
.Lfunc_end2:
_tile_overlayer_lowered:
.L_overlay_start_2:
0x6d3: {  	(tag) =	ssettag $0x2  }
0x6d4: {  	s0 =	rddreg [dreg:$0x0];
	s2 =	stileid.u32  }
0x6d5: {  	s1 =	rddreg [dreg:$0x1];
	p0 =	sne.s32 s2, $0x0  }
0x6d6: {  	s3 =	rddreg [dreg:$0x2];
	[bflag:$0x3] =	sbarrier.arrive $0xFFFF;
	s2 =	simm.s32 @!p0 $0x1C04  }
0x6d7: {  	[timem:s3], [sflag:s2] =	dma.local @!p0 [hbm:s0], s1  }
0x6d8: {  	s0 =	simm.s32 @!p0 $0x4  }
0x6d9: {  	_ =	swait.ge @!p0 [sflag:s0], s1  }
0x6da: {  	s1 =	ssub.s32 @!p0 $0x0, s1;
	[sflag:s0] =	ssyncset.done @!p0 $0x0  }
0x6db: {  	[sflag:s0] =	ssyncadd.s32 @!p0 s1  }
0x6dc: {  	[bflag:$0x3] =	sbarrier.arrive $0xFFFF  }
0x6dd: {  	_ =	shalt  }

</sc_bundles>
